<compile_context>
chip_gen: v7x
topology: tpu7x:2x2x1
jax: 0.10.2.dev20260603
libtpu: 0.0.44.dev20260713+nightly
codegen_flags: <defaults>
</compile_context>

<pallas_src>
import jax
import jax.numpy as jnp
from jax import lax
from jax.experimental import pallas as pl
from jax.experimental.pallas import tpu as pltpu
from jax.experimental.pallas import tpu_sc as plsc

_N = 8192
_NW = 32
_QPW = _N // _NW
_WSCALE = 1e4
_WPAD = 4e4
_BIG = 3.4e38


def _first_geq(w_r, thresh):
    def step(_, lohi):
        lo, hi = lohi
        mid = lax.div(lo + hi, jnp.int32(2))
        v = w_r[pl.ds(mid, 16)][0]
        lt = v < thresh
        return (jnp.where(lt, mid + 1, lo), jnp.where(lt, hi, mid))

    lo, _ = lax.fori_loop(0, 14, step, (jnp.int32(0), jnp.int32(_N)))
    return lo


def _tree_min(vs):
    while len(vs) > 1:
        vs = [jnp.minimum(vs[i], vs[i + 1]) for i in range(0, len(vs) - 1, 2)] \
             + ([vs[-1]] if len(vs) % 2 else [])
    return vs[0]


def _sc_min_body(ax_h, ay_h, az_h, aw_h, bx_h, by_h, bz_h, bw_h,
                 oq_h, od_h,
                 ax, ay, az, aw, bx, by, bz, bw, an2, dm, oq_v):
    wid = lax.axis_index("s") * 2 + lax.axis_index("c")
    qbase = wid * _QPW

    pltpu.sync_copy(ax_h, ax.at[pl.ds(0, _N)])
    pltpu.sync_copy(ay_h, ay.at[pl.ds(0, _N)])
    pltpu.sync_copy(az_h, az.at[pl.ds(0, _N)])
    pltpu.sync_copy(aw_h, aw.at[pl.ds(0, _N)])
    pltpu.sync_copy(bx_h, bx)
    pltpu.sync_copy(by_h, by)
    pltpu.sync_copy(bz_h, bz)
    pltpu.sync_copy(bw_h, bw.at[pl.ds(0, _N)])
    pad = jnp.full((16,), _WPAD, dtype=jnp.float32)
    aw[pl.ds(_N, 16)] = pad
    bw[pl.ds(_N, 16)] = pad

    s1 = _first_geq(aw, 0.5 * _WSCALE)
    s2 = _first_geq(aw, 1.5 * _WSCALE)
    s3 = _first_geq(aw, 2.5 * _WSCALE)

    big = jnp.full((16,), _BIG, dtype=jnp.float32)

    def prep(c, carry):
        off = c * 16
        vx = ax[pl.ds(off, 16)]
        vy = ay[pl.ds(off, 16)]
        vz = az[pl.ds(off, 16)]
        an2[pl.ds(off, 16)] = vx * vx + vy * vy + vz * vz
        dm[pl.ds(off, 16)] = big
        return carry

    lax.fori_loop(0, _N // 16, prep, 0)

    QU = 8

    def qgroup(t, carry):
        qoff = t * 16
        qxv = bx[pl.ds(qbase + qoff, 16)]
        qyv = by[pl.ds(qbase + qoff, 16)]
        qzv = bz[pl.ds(qbase + qoff, 16)]
        qwv = bw[pl.ds(qbase + qoff, 16)]

        wf, wl = qwv[0], qwv[15]
        lo = jnp.where(wf > 2.5 * _WSCALE, s3,
                       jnp.where(wf > 1.5 * _WSCALE, s2,
                                 jnp.where(wf > 0.5 * _WSCALE, s1,
                                           jnp.int32(0))))
        hi = jnp.where(wl > 2.5 * _WSCALE, jnp.int32(_N),
                       jnp.where(wl > 1.5 * _WSCALE, s3,
                                 jnp.where(wl > 0.5 * _WSCALE, s2, s1)))
        c0 = lax.shift_right_logical(lo, 4)
        c1 = lax.shift_right_logical(hi + 15, 4)
        ce = jnp.maximum(c1 - 1, c0)
        ci0 = c0 + 1
        ci1 = jnp.maximum(c1 - 1, ci0)
        same = wf == wl

        for j0 in range(0, 16, QU):
            qs = [(qxv[j0 + u], qyv[j0 + u], qzv[j0 + u], qwv[j0 + u])
                  for u in range(QU)]
            qd = [(-2.0 * sx, -2.0 * sy, -2.0 * sz,
                   sx * sx + sy * sy + sz * sz)
                  for sx, sy, sz, _ in qs]

            def load_vecs(off, masked):
                return (ax[pl.ds(off, 16)], ay[pl.ds(off, 16)],
                        az[pl.ds(off, 16)], an2[pl.ds(off, 16)],
                        aw[pl.ds(off, 16)] if masked else None)

            def compute(off, vecs, accs, masked):
                vx, vy, vz, vn2, vw = vecs
                out, d2s = [], []
                for u in range(QU):
                    mx, my, mz, q2 = qd[u]
                    if masked:
                        dw = qs[u][3] - vw
                        d2 = (mx * vx + my * vy + mz * vz
                              + (vn2 + dw * dw) + q2)
                    else:
                        d2 = mx * vx + my * vy + mz * vz + (vn2 + q2)
                    d2s.append(d2)
                    out.append(jnp.minimum(accs[u], d2))
                dmv = dm[pl.ds(off, 16)]
                dm[pl.ds(off, 16)] = jnp.minimum(dmv, _tree_min(d2s))
                return tuple(out)

            def chunk(c, accs, masked):
                return compute(c * 16, load_vecs(c * 16, masked), accs,
                               masked)

            def sweep(use_w):
                def run(_):
                    acc0 = jnp.full((16,), _BIG, dtype=jnp.float32)
                    accs = chunk(c0, (acc0,) * QU, True)
                    accs = chunk(ce, accs, True)

                    def body(c, st):
                        accs, vecs = st
                        nvecs = load_vecs(c * 16 + 16, use_w)
                        return (compute(c * 16, vecs, accs, use_w), nvecs)

                    pre = load_vecs(ci0 * 16, use_w)
                    accs, _ = plsc.parallel_loop(ci0, ci1, unroll=4,
                                                 carry=(accs, pre))(body)
                    for u in range(QU):
                        oq_v[pl.ds((qoff + j0 + u) * 16, 16)] = accs[u]
                    return jnp.int32(0)
                return run

            lax.cond(same, sweep(False), sweep(True), jnp.int32(0))
        return carry

    lax.fori_loop(0, _QPW // 16, qgroup, 0)

    pltpu.sync_copy(oq_v, oq_h.at[pl.ds(qbase * 16, _QPW * 16)])
    pltpu.sync_copy(dm.at[pl.ds(0, _N)], od_h.at[pl.ds(wid * _N, _N)])


_sc_min = pl.kernel(
    _sc_min_body,
    out_type=(jax.ShapeDtypeStruct((_N * 16,), jnp.float32),
              jax.ShapeDtypeStruct((_NW * _N,), jnp.float32)),
    mesh=plsc.VectorSubcoreMesh(core_axis_name="c", subcore_axis_name="s"),
    scratch_types=[pltpu.VMEM((_N + 16,), jnp.float32)] * 4
                  + [pltpu.VMEM((_N,), jnp.float32)] * 3
                  + [pltpu.VMEM((_N + 16,), jnp.float32)]
                  + [pltpu.VMEM((_N + 16,), jnp.float32)]
                  + [pltpu.VMEM((_N + 16,), jnp.float32)]
                  + [pltpu.VMEM((_QPW * 16,), jnp.float32)],
)


def _tc_reduce_body(q_ref, d_ref, o_ref):
    sq = jnp.sum(jnp.sqrt(jnp.maximum(jnp.min(q_ref[...], axis=1), 0.0)))
    sd = jnp.sum(jnp.sqrt(jnp.maximum(jnp.min(d_ref[...], axis=0), 0.0)))
    o_ref[0, 0] = (sq + sd) * (0.5 / _N)


_tc_reduce = pl.pallas_call(
    _tc_reduce_body,
    out_shape=jax.ShapeDtypeStruct((1, 1), jnp.float32),
    out_specs=pl.BlockSpec(memory_space=pltpu.SMEM),
)


def kernel(xyz, xyz_gt, batch_xyz, batch_xyz_gt):
    aw = batch_xyz.astype(jnp.float32) * _WSCALE
    bw = batch_xyz_gt.astype(jnp.float32) * _WSCALE
    min_q, min_d = _sc_min(xyz[:, 0], xyz[:, 1], xyz[:, 2], aw,
                           xyz_gt[:, 0], xyz_gt[:, 1], xyz_gt[:, 2], bw)
    loss = _tc_reduce(min_q.reshape(_N, 16), min_d.reshape(_NW, _N))
    return loss[0, 0]

# --- scband reference (transcript-rebuilt; emitter-appended) ---
"""Pipeline reference for scband-partial-chamfer-loss-4492535791982 (READ-ONLY COPY).

The authoritative reference and input builder live on the scoring server;
editing this copy changes nothing except your own understanding.
"""

import jax, jax.numpy as jnp
import numpy as np

N = 8192
M = 8192
B = 4


def setup_inputs(seed: int = 0) -> dict:
    key = jax.random.key(seed)
    k1, k2, k3, k4 = jax.random.split(key, 4)
    xyz = jax.random.normal(k1, (N, 3), dtype=jnp.float32)
    xyz_gt = jax.random.normal(k2, (M, 3), dtype=jnp.float32)
    batch_xyz = jnp.sort(jax.random.randint(k3, (N,), 0, B)).astype(jnp.int32)
    batch_xyz_gt = jnp.sort(jax.random.randint(k4, (M,), 0, B)).astype(jnp.int32)
    return {"xyz": xyz, "xyz_gt": xyz_gt, "batch_xyz": batch_xyz, "batch_xyz_gt": batch_xyz_gt}


def _knn1(x, y, batch_x, batch_y):
    # For each query point in y, find nearest neighbor in x restricted to same batch.
    # Mirrors torch_cluster.knn(x, y, k=1, batch_x, batch_y) -> (row=idx into y, col=idx into x)
    d2 = jnp.sum((y[:, None, :] - x[None, :, :]) ** 2, axis=-1)  # [M, N]
    cross = batch_y[:, None] != batch_x[None, :]
    d2 = jnp.where(cross, jnp.inf, d2)
    col = jnp.argmin(d2, axis=1)
    row = jnp.arange(y.shape[0])
    return row, col


def reference(xyz, xyz_gt, batch_xyz, batch_xyz_gt):
    # ind: queries = xyz_gt, database = xyz
    row, col = _knn1(xyz, xyz_gt, batch_xyz, batch_xyz_gt)
    loss = jnp.linalg.norm(xyz[col] - xyz_gt[row], axis=1).mean()
    # ind_: queries = xyz, database = xyz_gt
    row_, col_ = _knn1(xyz_gt, xyz, batch_xyz_gt, batch_xyz)
    loss_ = jnp.linalg.norm(xyz[row_] - xyz_gt[col_], axis=1).mean()
    return 0.5 * (loss + loss_)

if __name__ == "__main__":
    import jax
    _d = setup_inputs()
    print(jax.jit(kernel)(*tuple(_d.values())))

</pallas_src>

<mosaic_0001>
#map = affine_map<(d0, d1) -> (0)>
module attributes {stable_mosaic.version = 14 : i64} {
  func.func @_sc_min_body(%arg0: i32, %arg1: i32, %arg2: memref<8192xf32, #tpu.memory_space<hbm>>, %arg3: memref<8192xf32, #tpu.memory_space<hbm>>, %arg4: memref<8192xf32, #tpu.memory_space<hbm>>, %arg5: memref<8192xf32, #tpu.memory_space<hbm>>, %arg6: memref<8192xf32, #tpu.memory_space<hbm>>, %arg7: memref<8192xf32, #tpu.memory_space<hbm>>, %arg8: memref<8192xf32, #tpu.memory_space<hbm>>, %arg9: memref<8192xf32, #tpu.memory_space<hbm>>, %arg10: memref<131072xf32, #tpu.memory_space<hbm>>, %arg11: memref<262144xf32, #tpu.memory_space<hbm>>, %arg12: memref<8208xf32, #tpu.memory_space<vmem>>, %arg13: memref<8208xf32, #tpu.memory_space<vmem>>, %arg14: memref<8208xf32, #tpu.memory_space<vmem>>, %arg15: memref<8208xf32, #tpu.memory_space<vmem>>, %arg16: memref<8192xf32, #tpu.memory_space<vmem>>, %arg17: memref<8192xf32, #tpu.memory_space<vmem>>, %arg18: memref<8192xf32, #tpu.memory_space<vmem>>, %arg19: memref<8208xf32, #tpu.memory_space<vmem>>, %arg20: memref<8208xf32, #tpu.memory_space<vmem>>, %arg21: memref<8208xf32, #tpu.memory_space<vmem>>, %arg22: memref<4096xf32, #tpu.memory_space<vmem>>) attributes {dimension_semantics = [#tpu.dimension_semantics<core_parallel>, #tpu.dimension_semantics<subcore_parallel>], iteration_bounds = array<i64: 2, 16>, scalar_prefetch = 0 : i64, scratch_operands = 11 : i64, tpu.core_type = #tpu.core_type<sc_vector_subcore>, window_params = [{transform_indices = #map}, {transform_indices = #map}, {transform_indices = #map}, {transform_indices = #map}, {transform_indices = #map}, {transform_indices = #map}, {transform_indices = #map}, {transform_indices = #map}, {transform_indices = #map}, {transform_indices = #map}]} {
    %mul3A = arith.constant 2 : i32
    %mul3A_0 = arith.muli %arg1, %mul3A : i32
    %add3A = arith.addi %mul3A_0, %arg0 : i32
    %mul3A_1 = arith.constant 256 : i32
    %mul3A_2 = arith.muli %add3A, %mul3A_1 : i32
    "tpu.region"() ({
      %run_scoped3A = tpu.sem_alloc : memref<!tpu.dma_semaphore, #tpu.memory_space<semaphore_mem>>
      %dma_start3A = arith.constant 0 : i32
      %dma_start3A_52 = tpu.memref_slice %arg12[%dma_start3A] : memref<8208xf32, #tpu.memory_space<vmem>> -> memref<8192xf32, #tpu.memory_space<vmem>>
      %dma_start3A_53 = arith.constant 0 : i32
      %dma_start3A_54 = tpu.memref_slice %arg12[%dma_start3A_53] : memref<8208xf32, #tpu.memory_space<vmem>> -> memref<8192xf32, #tpu.memory_space<vmem>>
      tpu.enqueue_dma source(%arg2 : memref<8192xf32, #tpu.memory_space<hbm>>) target(%dma_start3A_54 : memref<8192xf32, #tpu.memory_space<vmem>>) target_semaphore(%run_scoped3A : memref<!tpu.dma_semaphore, #tpu.memory_space<semaphore_mem>>)
      %dma_wait3A = arith.constant 0 : i32
      %dma_wait3A_55 = tpu.memref_slice %arg12[%dma_wait3A] : memref<8208xf32, #tpu.memory_space<vmem>> -> memref<8192xf32, #tpu.memory_space<vmem>>
      %dma_wait3A_56 = arith.constant 0 : i32
      %dma_wait3A_57 = tpu.memref_slice %arg12[%dma_wait3A_56] : memref<8208xf32, #tpu.memory_space<vmem>> -> memref<8192xf32, #tpu.memory_space<vmem>>
      tpu.wait_dma2 semaphore(%run_scoped3A : memref<!tpu.dma_semaphore, #tpu.memory_space<semaphore_mem>>) src(%arg2 : memref<8192xf32, #tpu.memory_space<hbm>>) dst(%dma_wait3A_57 : memref<8192xf32, #tpu.memory_space<vmem>>)
      tpu.yield
    }) : () -> ()
    "tpu.region"() ({
      %run_scoped3A = tpu.sem_alloc : memref<!tpu.dma_semaphore, #tpu.memory_space<semaphore_mem>>
      %dma_start3A = arith.constant 0 : i32
      %dma_start3A_52 = tpu.memref_slice %arg13[%dma_start3A] : memref<8208xf32, #tpu.memory_space<vmem>> -> memref<8192xf32, #tpu.memory_space<vmem>>
      %dma_start3A_53 = arith.constant 0 : i32
      %dma_start3A_54 = tpu.memref_slice %arg13[%dma_start3A_53] : memref<8208xf32, #tpu.memory_space<vmem>> -> memref<8192xf32, #tpu.memory_space<vmem>>
      tpu.enqueue_dma source(%arg3 : memref<8192xf32, #tpu.memory_space<hbm>>) target(%dma_start3A_54 : memref<8192xf32, #tpu.memory_space<vmem>>) target_semaphore(%run_scoped3A : memref<!tpu.dma_semaphore, #tpu.memory_space<semaphore_mem>>)
      %dma_wait3A = arith.constant 0 : i32
      %dma_wait3A_55 = tpu.memref_slice %arg13[%dma_wait3A] : memref<8208xf32, #tpu.memory_space<vmem>> -> memref<8192xf32, #tpu.memory_space<vmem>>
      %dma_wait3A_56 = arith.constant 0 : i32
      %dma_wait3A_57 = tpu.memref_slice %arg13[%dma_wait3A_56] : memref<8208xf32, #tpu.memory_space<vmem>> -> memref<8192xf32, #tpu.memory_space<vmem>>
      tpu.wait_dma2 semaphore(%run_scoped3A : memref<!tpu.dma_semaphore, #tpu.memory_space<semaphore_mem>>) src(%arg3 : memref<8192xf32, #tpu.memory_space<hbm>>) dst(%dma_wait3A_57 : memref<8192xf32, #tpu.memory_space<vmem>>)
      tpu.yield
    }) : () -> ()
    "tpu.region"() ({
      %run_scoped3A = tpu.sem_alloc : memref<!tpu.dma_semaphore, #tpu.memory_space<semaphore_mem>>
      %dma_start3A = arith.constant 0 : i32
      %dma_start3A_52 = tpu.memref_slice %arg14[%dma_start3A] : memref<8208xf32, #tpu.memory_space<vmem>> -> memref<8192xf32, #tpu.memory_space<vmem>>
      %dma_start3A_53 = arith.constant 0 : i32
      %dma_start3A_54 = tpu.memref_slice %arg14[%dma_start3A_53] : memref<8208xf32, #tpu.memory_space<vmem>> -> memref<8192xf32, #tpu.memory_space<vmem>>
      tpu.enqueue_dma source(%arg4 : memref<8192xf32, #tpu.memory_space<hbm>>) target(%dma_start3A_54 : memref<8192xf32, #tpu.memory_space<vmem>>) target_semaphore(%run_scoped3A : memref<!tpu.dma_semaphore, #tpu.memory_space<semaphore_mem>>)
      %dma_wait3A = arith.constant 0 : i32
      %dma_wait3A_55 = tpu.memref_slice %arg14[%dma_wait3A] : memref<8208xf32, #tpu.memory_space<vmem>> -> memref<8192xf32, #tpu.memory_space<vmem>>
      %dma_wait3A_56 = arith.constant 0 : i32
      %dma_wait3A_57 = tpu.memref_slice %arg14[%dma_wait3A_56] : memref<8208xf32, #tpu.memory_space<vmem>> -> memref<8192xf32, #tpu.memory_space<vmem>>
      tpu.wait_dma2 semaphore(%run_scoped3A : memref<!tpu.dma_semaphore, #tpu.memory_space<semaphore_mem>>) src(%arg4 : memref<8192xf32, #tpu.memory_space<hbm>>) dst(%dma_wait3A_57 : memref<8192xf32, #tpu.memory_space<vmem>>)
      tpu.yield
    }) : () -> ()
    "tpu.region"() ({
      %run_scoped3A = tpu.sem_alloc : memref<!tpu.dma_semaphore, #tpu.memory_space<semaphore_mem>>
      %dma_start3A = arith.constant 0 : i32
      %dma_start3A_52 = tpu.memref_slice %arg15[%dma_start3A] : memref<8208xf32, #tpu.memory_space<vmem>> -> memref<8192xf32, #tpu.memory_space<vmem>>
      %dma_start3A_53 = arith.constant 0 : i32
      %dma_start3A_54 = tpu.memref_slice %arg15[%dma_start3A_53] : memref<8208xf32, #tpu.memory_space<vmem>> -> memref<8192xf32, #tpu.memory_space<vmem>>
      tpu.enqueue_dma source(%arg5 : memref<8192xf32, #tpu.memory_space<hbm>>) target(%dma_start3A_54 : memref<8192xf32, #tpu.memory_space<vmem>>) target_semaphore(%run_scoped3A : memref<!tpu.dma_semaphore, #tpu.memory_space<semaphore_mem>>)
      %dma_wait3A = arith.constant 0 : i32
      %dma_wait3A_55 = tpu.memref_slice %arg15[%dma_wait3A] : memref<8208xf32, #tpu.memory_space<vmem>> -> memref<8192xf32, #tpu.memory_space<vmem>>
      %dma_wait3A_56 = arith.constant 0 : i32
      %dma_wait3A_57 = tpu.memref_slice %arg15[%dma_wait3A_56] : memref<8208xf32, #tpu.memory_space<vmem>> -> memref<8192xf32, #tpu.memory_space<vmem>>
      tpu.wait_dma2 semaphore(%run_scoped3A : memref<!tpu.dma_semaphore, #tpu.memory_space<semaphore_mem>>) src(%arg5 : memref<8192xf32, #tpu.memory_space<hbm>>) dst(%dma_wait3A_57 : memref<8192xf32, #tpu.memory_space<vmem>>)
      tpu.yield
    }) : () -> ()
    "tpu.region"() ({
      %run_scoped3A = tpu.sem_alloc : memref<!tpu.dma_semaphore, #tpu.memory_space<semaphore_mem>>
      tpu.enqueue_dma source(%arg6 : memref<8192xf32, #tpu.memory_space<hbm>>) target(%arg16 : memref<8192xf32, #tpu.memory_space<vmem>>) target_semaphore(%run_scoped3A : memref<!tpu.dma_semaphore, #tpu.memory_space<semaphore_mem>>)
      tpu.wait_dma2 semaphore(%run_scoped3A : memref<!tpu.dma_semaphore, #tpu.memory_space<semaphore_mem>>) src(%arg6 : memref<8192xf32, #tpu.memory_space<hbm>>) dst(%arg16 : memref<8192xf32, #tpu.memory_space<vmem>>)
      tpu.yield
    }) : () -> ()
    "tpu.region"() ({
      %run_scoped3A = tpu.sem_alloc : memref<!tpu.dma_semaphore, #tpu.memory_space<semaphore_mem>>
      tpu.enqueue_dma source(%arg7 : memref<8192xf32, #tpu.memory_space<hbm>>) target(%arg17 : memref<8192xf32, #tpu.memory_space<vmem>>) target_semaphore(%run_scoped3A : memref<!tpu.dma_semaphore, #tpu.memory_space<semaphore_mem>>)
      tpu.wait_dma2 semaphore(%run_scoped3A : memref<!tpu.dma_semaphore, #tpu.memory_space<semaphore_mem>>) src(%arg7 : memref<8192xf32, #tpu.memory_space<hbm>>) dst(%arg17 : memref<8192xf32, #tpu.memory_space<vmem>>)
      tpu.yield
    }) : () -> ()
    "tpu.region"() ({
      %run_scoped3A = tpu.sem_alloc : memref<!tpu.dma_semaphore, #tpu.memory_space<semaphore_mem>>
      tpu.enqueue_dma source(%arg8 : memref<8192xf32, #tpu.memory_space<hbm>>) target(%arg18 : memref<8192xf32, #tpu.memory_space<vmem>>) target_semaphore(%run_scoped3A : memref<!tpu.dma_semaphore, #tpu.memory_space<semaphore_mem>>)
      tpu.wait_dma2 semaphore(%run_scoped3A : memref<!tpu.dma_semaphore, #tpu.memory_space<semaphore_mem>>) src(%arg8 : memref<8192xf32, #tpu.memory_space<hbm>>) dst(%arg18 : memref<8192xf32, #tpu.memory_space<vmem>>)
      tpu.yield
    }) : () -> ()
    "tpu.region"() ({
      %run_scoped3A = tpu.sem_alloc : memref<!tpu.dma_semaphore, #tpu.memory_space<semaphore_mem>>
      %dma_start3A = arith.constant 0 : i32
      %dma_start3A_52 = tpu.memref_slice %arg19[%dma_start3A] : memref<8208xf32, #tpu.memory_space<vmem>> -> memref<8192xf32, #tpu.memory_space<vmem>>
      %dma_start3A_53 = arith.constant 0 : i32
      %dma_start3A_54 = tpu.memref_slice %arg19[%dma_start3A_53] : memref<8208xf32, #tpu.memory_space<vmem>> -> memref<8192xf32, #tpu.memory_space<vmem>>
      tpu.enqueue_dma source(%arg9 : memref<8192xf32, #tpu.memory_space<hbm>>) target(%dma_start3A_54 : memref<8192xf32, #tpu.memory_space<vmem>>) target_semaphore(%run_scoped3A : memref<!tpu.dma_semaphore, #tpu.memory_space<semaphore_mem>>)
      %dma_wait3A = arith.constant 0 : i32
      %dma_wait3A_55 = tpu.memref_slice %arg19[%dma_wait3A] : memref<8208xf32, #tpu.memory_space<vmem>> -> memref<8192xf32, #tpu.memory_space<vmem>>
      %dma_wait3A_56 = arith.constant 0 : i32
      %dma_wait3A_57 = tpu.memref_slice %arg19[%dma_wait3A_56] : memref<8208xf32, #tpu.memory_space<vmem>> -> memref<8192xf32, #tpu.memory_space<vmem>>
      tpu.wait_dma2 semaphore(%run_scoped3A : memref<!tpu.dma_semaphore, #tpu.memory_space<semaphore_mem>>) src(%arg9 : memref<8192xf32, #tpu.memory_space<hbm>>) dst(%dma_wait3A_57 : memref<8192xf32, #tpu.memory_space<vmem>>)
      tpu.yield
    }) : () -> ()
    %broadcast_in_dim3A = arith.constant 4.000000e+04 : f32
    %broadcast_in_dim3A_3 = vector.broadcast %broadcast_in_dim3A : f32 to vector<16xf32>
    %swap3A = arith.constant 8192 : index
    %swap3A_4 = tpu.vector_load %arg15[%swap3A] {strides = array<i32>} : memref<8208xf32, #tpu.memory_space<vmem>>, vector<16xf32>,
    %swap3A_5 = vector.shape_cast %swap3A_4 : vector<16xf32> to vector<16xf32>
    %swap3A_6 = vector.shape_cast %broadcast_in_dim3A_3 : vector<16xf32> to vector<16xf32>
    tpu.vector_store %arg15[%swap3A], %swap3A_6 {strides = array<i32>} : memref<8208xf32, #tpu.memory_space<vmem>>, vector<16xf32>,
    %swap3A_7 = arith.constant 8192 : index
    %swap3A_8 = tpu.vector_load %arg19[%swap3A_7] {strides = array<i32>} : memref<8208xf32, #tpu.memory_space<vmem>>, vector<16xf32>,
    %swap3A_9 = vector.shape_cast %swap3A_8 : vector<16xf32> to vector<16xf32>
    %swap3A_10 = vector.shape_cast %broadcast_in_dim3A_3 : vector<16xf32> to vector<16xf32>
    tpu.vector_store %arg19[%swap3A_7], %swap3A_10 {strides = array<i32>} : memref<8208xf32, #tpu.memory_space<vmem>>, vector<16xf32>,
    %scan3A = arith.constant 0 : i32
    %scan3A_11 = arith.constant 8192 : i32
    %scan3A_12 = arith.constant 0 : i32
    %scan3A_13 = arith.constant 14 : i32
    %scan3A_14 = arith.addi %scan3A_12, %scan3A_13 : i32
    %scan3A_15 = arith.constant 1 : i32
    %scan3A_16:2 = scf.for %scan3A_52 = %scan3A_12 to %scan3A_14 step %scan3A_15 iter_args(%scan3A_53 = %scan3A, %scan3A_54 = %scan3A_11) -> (i32, i32)  : i32 {
      %add3A_55 = arith.addi %scan3A_53, %scan3A_54 : i32
      %div3A = arith.constant 2 : i32
      %div3A_56 = arith.divsi %add3A_55, %div3A : i32
      %get3A = arith.index_cast %div3A_56 : i32 to index
      %get3A_57 = tpu.vector_load %arg15[%get3A] {strides = array<i32>} : memref<8208xf32, #tpu.memory_space<vmem>>, vector<16xf32>,
      %get3A_58 = vector.shape_cast %get3A_57 : vector<16xf32> to vector<16xf32>
      %slice3A = vector.extract_strided_slice %get3A_58 {offsets = [0], sizes = [1], strides = [1]} : vector<16xf32> to vector<1xf32>
      %squeeze3A = vector.extract %slice3A[0] : f32 from vector<1xf32>
      %lt3A = arith.constant 5.000000e+03 : f32
      %lt3A_59 = arith.cmpf olt, %squeeze3A, %lt3A : f32
      %add3A_60 = arith.constant 1 : i32
      %add3A_61 = arith.addi %div3A_56, %add3A_60 : i32
      %select_n3A = arith.select %lt3A_59, %add3A_61, %scan3A_53 : i32
      %select_n3A_62 = arith.select %lt3A_59, %scan3A_54, %div3A_56 : i32
      scf.yield %select_n3A, %select_n3A_62 : i32, i32
    }
    %scan3A_17 = arith.constant 14 : i32
    %scan3A_18 = arith.constant 0 : i32
    %scan3A_19 = arith.constant 8192 : i32
    %scan3A_20 = arith.constant 0 : i32
    %scan3A_21 = arith.constant 14 : i32
    %scan3A_22 = arith.addi %scan3A_20, %scan3A_21 : i32
    %scan3A_23 = arith.constant 1 : i32
    %scan3A_24:2 = scf.for %scan3A_52 = %scan3A_20 to %scan3A_22 step %scan3A_23 iter_args(%scan3A_53 = %scan3A_18, %scan3A_54 = %scan3A_19) -> (i32, i32)  : i32 {
      %add3A_55 = arith.addi %scan3A_53, %scan3A_54 : i32
      %div3A = arith.constant 2 : i32
      %div3A_56 = arith.divsi %add3A_55, %div3A : i32
      %get3A = arith.index_cast %div3A_56 : i32 to index
      %get3A_57 = tpu.vector_load %arg15[%get3A] {strides = array<i32>} : memref<8208xf32, #tpu.memory_space<vmem>>, vector<16xf32>,
      %get3A_58 = vector.shape_cast %get3A_57 : vector<16xf32> to vector<16xf32>
      %slice3A = vector.extract_strided_slice %get3A_58 {offsets = [0], sizes = [1], strides = [1]} : vector<16xf32> to vector<1xf32>
      %squeeze3A = vector.extract %slice3A[0] : f32 from vector<1xf32>
      %lt3A = arith.constant 1.500000e+04 : f32
      %lt3A_59 = arith.cmpf olt, %squeeze3A, %lt3A : f32
      %add3A_60 = arith.constant 1 : i32
      %add3A_61 = arith.addi %div3A_56, %add3A_60 : i32
      %select_n3A = arith.select %lt3A_59, %add3A_61, %scan3A_53 : i32
      %select_n3A_62 = arith.select %lt3A_59, %scan3A_54, %div3A_56 : i32
      scf.yield %select_n3A, %select_n3A_62 : i32, i32
    }
    %scan3A_25 = arith.constant 14 : i32
    %scan3A_26 = arith.constant 0 : i32
    %scan3A_27 = arith.constant 8192 : i32
    %scan3A_28 = arith.constant 0 : i32
    %scan3A_29 = arith.constant 14 : i32
    %scan3A_30 = arith.addi %scan3A_28, %scan3A_29 : i32
    %scan3A_31 = arith.constant 1 : i32
    %scan3A_32:2 = scf.for %scan3A_52 = %scan3A_28 to %scan3A_30 step %scan3A_31 iter_args(%scan3A_53 = %scan3A_26, %scan3A_54 = %scan3A_27) -> (i32, i32)  : i32 {
      %add3A_55 = arith.addi %scan3A_53, %scan3A_54 : i32
      %div3A = arith.constant 2 : i32
      %div3A_56 = arith.divsi %add3A_55, %div3A : i32
      %get3A = arith.index_cast %div3A_56 : i32 to index
      %get3A_57 = tpu.vector_load %arg15[%get3A] {strides = array<i32>} : memref<8208xf32, #tpu.memory_space<vmem>>, vector<16xf32>,
      %get3A_58 = vector.shape_cast %get3A_57 : vector<16xf32> to vector<16xf32>
      %slice3A = vector.extract_strided_slice %get3A_58 {offsets = [0], sizes = [1], strides = [1]} : vector<16xf32> to vector<1xf32>
      %squeeze3A = vector.extract %slice3A[0] : f32 from vector<1xf32>
      %lt3A = arith.constant 2.500000e+04 : f32
      %lt3A_59 = arith.cmpf olt, %squeeze3A, %lt3A : f32
      %add3A_60 = arith.constant 1 : i32
      %add3A_61 = arith.addi %div3A_56, %add3A_60 : i32
      %select_n3A = arith.select %lt3A_59, %add3A_61, %scan3A_53 : i32
      %select_n3A_62 = arith.select %lt3A_59, %scan3A_54, %div3A_56 : i32
      scf.yield %select_n3A, %select_n3A_62 : i32, i32
    }
    %scan3A_33 = arith.constant 14 : i32
    %broadcast_in_dim3A_34 = arith.constant 3.400000e+38 : f32
    %broadcast_in_dim3A_35 = vector.broadcast %broadcast_in_dim3A_34 : f32 to vector<16xf32>
    %scan3A_36 = arith.constant 0 : i32
    %scan3A_37 = arith.constant 0 : i32
    %scan3A_38 = arith.constant 512 : i32
    %scan3A_39 = arith.addi %scan3A_37, %scan3A_38 : i32
    %scan3A_40 = arith.constant 1 : i32
    scf.for %scan3A_52 = %scan3A_37 to %scan3A_39 step %scan3A_40  : i32 {
      %mul3A_53 = arith.constant 16 : i32
      %mul3A_54 = arith.muli %scan3A_52, %mul3A_53 : i32
      %get3A = arith.index_cast %mul3A_54 : i32 to index
      %get3A_55 = tpu.vector_load %arg12[%get3A] {strides = array<i32>} : memref<8208xf32, #tpu.memory_space<vmem>>, vector<16xf32>,
      %get3A_56 = vector.shape_cast %get3A_55 : vector<16xf32> to vector<16xf32>
      %get3A_57 = arith.index_cast %mul3A_54 : i32 to index
      %get3A_58 = tpu.vector_load %arg13[%get3A_57] {strides = array<i32>} : memref<8208xf32, #tpu.memory_space<vmem>>, vector<16xf32>,
      %get3A_59 = vector.shape_cast %get3A_58 : vector<16xf32> to vector<16xf32>
      %get3A_60 = arith.index_cast %mul3A_54 : i32 to index
      %get3A_61 = tpu.vector_load %arg14[%get3A_60] {strides = array<i32>} : memref<8208xf32, #tpu.memory_space<vmem>>, vector<16xf32>,
      %get3A_62 = vector.shape_cast %get3A_61 : vector<16xf32> to vector<16xf32>
      %mul3A_63 = arith.mulf %get3A_56, %get3A_56 : vector<16xf32>
      %mul3A_64 = arith.mulf %get3A_59, %get3A_59 : vector<16xf32>
      %add3A_65 = arith.addf %mul3A_63, %mul3A_64 : vector<16xf32>
      %mul3A_66 = arith.mulf %get3A_62, %get3A_62 : vector<16xf32>
      %add3A_67 = arith.addf %add3A_65, %mul3A_66 : vector<16xf32>
      %swap3A_68 = arith.index_cast %mul3A_54 : i32 to index
      %swap3A_69 = tpu.vector_load %arg20[%swap3A_68] {strides = array<i32>} : memref<8208xf32, #tpu.memory_space<vmem>>, vector<16xf32>,
      %swap3A_70 = vector.shape_cast %swap3A_69 : vector<16xf32> to vector<16xf32>
      %swap3A_71 = vector.shape_cast %add3A_67 : vector<16xf32> to vector<16xf32>
      tpu.vector_store %arg20[%swap3A_68], %swap3A_71 {strides = array<i32>} : memref<8208xf32, #tpu.memory_space<vmem>>, vector<16xf32>,
      %swap3A_72 = arith.index_cast %mul3A_54 : i32 to index
      %swap3A_73 = tpu.vector_load %arg21[%swap3A_72] {strides = array<i32>} : memref<8208xf32, #tpu.memory_space<vmem>>, vector<16xf32>,
      %swap3A_74 = vector.shape_cast %swap3A_73 : vector<16xf32> to vector<16xf32>
      %swap3A_75 = vector.shape_cast %broadcast_in_dim3A_35 : vector<16xf32> to vector<16xf32>
      tpu.vector_store %arg21[%swap3A_72], %swap3A_75 {strides = array<i32>} : memref<8208xf32, #tpu.memory_space<vmem>>, vector<16xf32>,
    }
    %scan3A_41 = arith.constant 512 : i32
    %scan3A_42 = arith.constant 0 : i32
    %scan3A_43 = arith.constant 0 : i32
    %scan3A_44 = arith.constant 16 : i32
    %scan3A_45 = arith.addi %scan3A_43, %scan3A_44 : i32
    %scan3A_46 = arith.constant 1 : i32
    scf.for %scan3A_52 = %scan3A_43 to %scan3A_45 step %scan3A_46  : i32 {
      %mul3A_53 = arith.constant 16 : i32
      %mul3A_54 = arith.muli %scan3A_52, %mul3A_53 : i32
      %add3A_55 = arith.addi %mul3A_2, %mul3A_54 : i32
      %get3A = arith.index_cast %add3A_55 : i32 to index
      %get3A_56 = tpu.vector_load %arg16[%get3A] {strides = array<i32>} : memref<8192xf32, #tpu.memory_space<vmem>>, vector<16xf32>,
      %get3A_57 = vector.shape_cast %get3A_56 : vector<16xf32> to vector<16xf32>
      %add3A_58 = arith.addi %mul3A_2, %mul3A_54 : i32
      %get3A_59 = arith.index_cast %add3A_58 : i32 to index
      %get3A_60 = tpu.vector_load %arg17[%get3A_59] {strides = array<i32>} : memref<8192xf32, #tpu.memory_space<vmem>>, vector<16xf32>,
      %get3A_61 = vector.shape_cast %get3A_60 : vector<16xf32> to vector<16xf32>
      %add3A_62 = arith.addi %mul3A_2, %mul3A_54 : i32
      %get3A_63 = arith.index_cast %add3A_62 : i32 to index
      %get3A_64 = tpu.vector_load %arg18[%get3A_63] {strides = array<i32>} : memref<8192xf32, #tpu.memory_space<vmem>>, vector<16xf32>,
      %get3A_65 = vector.shape_cast %get3A_64 : vector<16xf32> to vector<16xf32>
      %add3A_66 = arith.addi %mul3A_2, %mul3A_54 : i32
      %get3A_67 = arith.index_cast %add3A_66 : i32 to index
      %get3A_68 = tpu.vector_load %arg19[%get3A_67] {strides = array<i32>} : memref<8208xf32, #tpu.memory_space<vmem>>, vector<16xf32>,
      %get3A_69 = vector.shape_cast %get3A_68 : vector<16xf32> to vector<16xf32>
      %slice3A = vector.extract_strided_slice %get3A_69 {offsets = [0], sizes = [1], strides = [1]} : vector<16xf32> to vector<1xf32>
      %squeeze3A = vector.extract %slice3A[0] : f32 from vector<1xf32>
      %slice3A_70 = vector.extract_strided_slice %get3A_69 {offsets = [15], sizes = [1], strides = [1]} : vector<16xf32> to vector<1xf32>
      %squeeze3A_71 = vector.extract %slice3A_70[0] : f32 from vector<1xf32>
      %gt3A = arith.constant 2.500000e+04 : f32
      %gt3A_72 = arith.cmpf ogt, %squeeze3A, %gt3A : f32
      %gt3A_73 = arith.constant 1.500000e+04 : f32
      %gt3A_74 = arith.cmpf ogt, %squeeze3A, %gt3A_73 : f32
      %gt3A_75 = arith.constant 5.000000e+03 : f32
      %gt3A_76 = arith.cmpf ogt, %squeeze3A, %gt3A_75 : f32
      %jit3A = arith.constant 0 : i32
      %select_n3A = arith.select %gt3A_76, %scan3A_16#0, %jit3A : i32
      %select_n3A_77 = arith.select %gt3A_74, %scan3A_24#0, %select_n3A : i32
      %select_n3A_78 = arith.select %gt3A_72, %scan3A_32#0, %select_n3A_77 : i32
      %gt3A_79 = arith.constant 2.500000e+04 : f32
      %gt3A_80 = arith.cmpf ogt, %squeeze3A_71, %gt3A_79 : f32
      %gt3A_81 = arith.constant 1.500000e+04 : f32
      %gt3A_82 = arith.cmpf ogt, %squeeze3A_71, %gt3A_81 : f32
      %gt3A_83 = arith.constant 5.000000e+03 : f32
      %gt3A_84 = arith.cmpf ogt, %squeeze3A_71, %gt3A_83 : f32
      %select_n3A_85 = arith.select %gt3A_84, %scan3A_24#0, %scan3A_16#0 : i32
      %select_n3A_86 = arith.select %gt3A_82, %scan3A_32#0, %select_n3A_85 : i32
      %jit3A_87 = arith.constant 8192 : i32
      %select_n3A_88 = arith.select %gt3A_80, %jit3A_87, %select_n3A_86 : i32
      %shift_right_logical3A = arith.constant 4 : i32
      %shift_right_logical3A_89 = arith.shrui %select_n3A_78, %shift_right_logical3A : i32
      %add3A_90 = arith.constant 15 : i32
      %add3A_91 = arith.addi %select_n3A_88, %add3A_90 : i32
      %shift_right_logical3A_92 = arith.constant 4 : i32
      %shift_right_logical3A_93 = arith.shrui %add3A_91, %shift_right_logical3A_92 : i32
      %sub3A = arith.constant 1 : i32
      %sub3A_94 = arith.subi %shift_right_logical3A_93, %sub3A : i32
      %max3A = arith.maxsi %sub3A_94, %shift_right_logical3A_89 : i32
      %add3A_95 = arith.constant 1 : i32
      %add3A_96 = arith.addi %shift_right_logical3A_89, %add3A_95 : i32
      %sub3A_97 = arith.constant 1 : i32
      %sub3A_98 = arith.subi %shift_right_logical3A_93, %sub3A_97 : i32
      %max3A_99 = arith.maxsi %sub3A_98, %add3A_96 : i32
      %eq3A = arith.cmpf oeq, %squeeze3A, %squeeze3A_71 : f32
      %slice3A_100 = vector.extract_strided_slice %get3A_57 {offsets = [0], sizes = [1], strides = [1]} : vector<16xf32> to vector<1xf32>
      %squeeze3A_101 = vector.extract %slice3A_100[0] : f32 from vector<1xf32>
      %slice3A_102 = vector.extract_strided_slice %get3A_61 {offsets = [0], sizes = [1], strides = [1]} : vector<16xf32> to vector<1xf32>
      %squeeze3A_103 = vector.extract %slice3A_102[0] : f32 from vector<1xf32>
      %slice3A_104 = vector.extract_strided_slice %get3A_65 {offsets = [0], sizes = [1], strides = [1]} : vector<16xf32> to vector<1xf32>
      %squeeze3A_105 = vector.extract %slice3A_104[0] : f32 from vector<1xf32>
      %slice3A_106 = vector.extract_strided_slice %get3A_69 {offsets = [0], sizes = [1], strides = [1]} : vector<16xf32> to vector<1xf32>
      %squeeze3A_107 = vector.extract %slice3A_106[0] : f32 from vector<1xf32>
      %slice3A_108 = vector.extract_strided_slice %get3A_57 {offsets = [1], sizes = [1], strides = [1]} : vector<16xf32> to vector<1xf32>
      %squeeze3A_109 = vector.extract %slice3A_108[0] : f32 from vector<1xf32>
      %slice3A_110 = vector.extract_strided_slice %get3A_61 {offsets = [1], sizes = [1], strides = [1]} : vector<16xf32> to vector<1xf32>
      %squeeze3A_111 = vector.extract %slice3A_110[0] : f32 from vector<1xf32>
      %slice3A_112 = vector.extract_strided_slice %get3A_65 {offsets = [1], sizes = [1], strides = [1]} : vector<16xf32> to vector<1xf32>
      %squeeze3A_113 = vector.extract %slice3A_112[0] : f32 from vector<1xf32>
      %slice3A_114 = vector.extract_strided_slice %get3A_69 {offsets = [1], sizes = [1], strides = [1]} : vector<16xf32> to vector<1xf32>
      %squeeze3A_115 = vector.extract %slice3A_114[0] : f32 from vector<1xf32>
      %slice3A_116 = vector.extract_strided_slice %get3A_57 {offsets = [2], sizes = [1], strides = [1]} : vector<16xf32> to vector<1xf32>
      %squeeze3A_117 = vector.extract %slice3A_116[0] : f32 from vector<1xf32>
      %slice3A_118 = vector.extract_strided_slice %get3A_61 {offsets = [2], sizes = [1], strides = [1]} : vector<16xf32> to vector<1xf32>
      %squeeze3A_119 = vector.extract %slice3A_118[0] : f32 from vector<1xf32>
      %slice3A_120 = vector.extract_strided_slice %get3A_65 {offsets = [2], sizes = [1], strides = [1]} : vector<16xf32> to vector<1xf32>
      %squeeze3A_121 = vector.extract %slice3A_120[0] : f32 from vector<1xf32>
      %slice3A_122 = vector.extract_strided_slice %get3A_69 {offsets = [2], sizes = [1], strides = [1]} : vector<16xf32> to vector<1xf32>
      %squeeze3A_123 = vector.extract %slice3A_122[0] : f32 from vector<1xf32>
      %slice3A_124 = vector.extract_strided_slice %get3A_57 {offsets = [3], sizes = [1], strides = [1]} : vector<16xf32> to vector<1xf32>
      %squeeze3A_125 = vector.extract %slice3A_124[0] : f32 from vector<1xf32>
      %slice3A_126 = vector.extract_strided_slice %get3A_61 {offsets = [3], sizes = [1], strides = [1]} : vector<16xf32> to vector<1xf32>
      %squeeze3A_127 = vector.extract %slice3A_126[0] : f32 from vector<1xf32>
      %slice3A_128 = vector.extract_strided_slice %get3A_65 {offsets = [3], sizes = [1], strides = [1]} : vector<16xf32> to vector<1xf32>
      %squeeze3A_129 = vector.extract %slice3A_128[0] : f32 from vector<1xf32>
      %slice3A_130 = vector.extract_strided_slice %get3A_69 {offsets = [3], sizes = [1], strides = [1]} : vector<16xf32> to vector<1xf32>
      %squeeze3A_131 = vector.extract %slice3A_130[0] : f32 from vector<1xf32>
      %slice3A_132 = vector.extract_strided_slice %get3A_57 {offsets = [4], sizes = [1], strides = [1]} : vector<16xf32> to vector<1xf32>
      %squeeze3A_133 = vector.extract %slice3A_132[0] : f32 from vector<1xf32>
      %slice3A_134 = vector.extract_strided_slice %get3A_61 {offsets = [4], sizes = [1], strides = [1]} : vector<16xf32> to vector<1xf32>
      %squeeze3A_135 = vector.extract %slice3A_134[0] : f32 from vector<1xf32>
      %slice3A_136 = vector.extract_strided_slice %get3A_65 {offsets = [4], sizes = [1], strides = [1]} : vector<16xf32> to vector<1xf32>
      %squeeze3A_137 = vector.extract %slice3A_136[0] : f32 from vector<1xf32>
      %slice3A_138 = vector.extract_strided_slice %get3A_69 {offsets = [4], sizes = [1], strides = [1]} : vector<16xf32> to vector<1xf32>
      %squeeze3A_139 = vector.extract %slice3A_138[0] : f32 from vector<1xf32>
      %slice3A_140 = vector.extract_strided_slice %get3A_57 {offsets = [5], sizes = [1], strides = [1]} : vector<16xf32> to vector<1xf32>
      %squeeze3A_141 = vector.extract %slice3A_140[0] : f32 from vector<1xf32>
      %slice3A_142 = vector.extract_strided_slice %get3A_61 {offsets = [5], sizes = [1], strides = [1]} : vector<16xf32> to vector<1xf32>
      %squeeze3A_143 = vector.extract %slice3A_142[0] : f32 from vector<1xf32>
      %slice3A_144 = vector.extract_strided_slice %get3A_65 {offsets = [5], sizes = [1], strides = [1]} : vector<16xf32> to vector<1xf32>
      %squeeze3A_145 = vector.extract %slice3A_144[0] : f32 from vector<1xf32>
      %slice3A_146 = vector.extract_strided_slice %get3A_69 {offsets = [5], sizes = [1], strides = [1]} : vector<16xf32> to vector<1xf32>
      %squeeze3A_147 = vector.extract %slice3A_146[0] : f32 from vector<1xf32>
      %slice3A_148 = vector.extract_strided_slice %get3A_57 {offsets = [6], sizes = [1], strides = [1]} : vector<16xf32> to vector<1xf32>
      %squeeze3A_149 = vector.extract %slice3A_148[0] : f32 from vector<1xf32>
      %slice3A_150 = vector.extract_strided_slice %get3A_61 {offsets = [6], sizes = [1], strides = [1]} : vector<16xf32> to vector<1xf32>
      %squeeze3A_151 = vector.extract %slice3A_150[0] : f32 from vector<1xf32>
      %slice3A_152 = vector.extract_strided_slice %get3A_65 {offsets = [6], sizes = [1], strides = [1]} : vector<16xf32> to vector<1xf32>
      %squeeze3A_153 = vector.extract %slice3A_152[0] : f32 from vector<1xf32>
      %slice3A_154 = vector.extract_strided_slice %get3A_69 {offsets = [6], sizes = [1], strides = [1]} : vector<16xf32> to vector<1xf32>
      %squeeze3A_155 = vector.extract %slice3A_154[0] : f32 from vector<1xf32>
      %slice3A_156 = vector.extract_strided_slice %get3A_57 {offsets = [7], sizes = [1], strides = [1]} : vector<16xf32> to vector<1xf32>
      %squeeze3A_157 = vector.extract %slice3A_156[0] : f32 from vector<1xf32>
      %slice3A_158 = vector.extract_strided_slice %get3A_61 {offsets = [7], sizes = [1], strides = [1]} : vector<16xf32> to vector<1xf32>
      %squeeze3A_159 = vector.extract %slice3A_158[0] : f32 from vector<1xf32>
      %slice3A_160 = vector.extract_strided_slice %get3A_65 {offsets = [7], sizes = [1], strides = [1]} : vector<16xf32> to vector<1xf32>
      %squeeze3A_161 = vector.extract %slice3A_160[0] : f32 from vector<1xf32>
      %slice3A_162 = vector.extract_strided_slice %get3A_69 {offsets = [7], sizes = [1], strides = [1]} : vector<16xf32> to vector<1xf32>
      %squeeze3A_163 = vector.extract %slice3A_162[0] : f32 from vector<1xf32>
      %mul3A_164 = arith.constant -2.000000e+00 : f32
      %mul3A_165 = arith.mulf %mul3A_164, %squeeze3A_101 : f32
      %mul3A_166 = arith.constant -2.000000e+00 : f32
      %mul3A_167 = arith.mulf %mul3A_166, %squeeze3A_103 : f32
      %mul3A_168 = arith.constant -2.000000e+00 : f32
      %mul3A_169 = arith.mulf %mul3A_168, %squeeze3A_105 : f32
      %mul3A_170 = arith.mulf %squeeze3A_101, %squeeze3A_101 : f32
      %mul3A_171 = arith.mulf %squeeze3A_103, %squeeze3A_103 : f32
      %add3A_172 = arith.addf %mul3A_170, %mul3A_171 : f32
      %mul3A_173 = arith.mulf %squeeze3A_105, %squeeze3A_105 : f32
      %add3A_174 = arith.addf %add3A_172, %mul3A_173 : f32
      %mul3A_175 = arith.constant -2.000000e+00 : f32
      %mul3A_176 = arith.mulf %mul3A_175, %squeeze3A_109 : f32
      %mul3A_177 = arith.constant -2.000000e+00 : f32
      %mul3A_178 = arith.mulf %mul3A_177, %squeeze3A_111 : f32
      %mul3A_179 = arith.constant -2.000000e+00 : f32
      %mul3A_180 = arith.mulf %mul3A_179, %squeeze3A_113 : f32
      %mul3A_181 = arith.mulf %squeeze3A_109, %squeeze3A_109 : f32
      %mul3A_182 = arith.mulf %squeeze3A_111, %squeeze3A_111 : f32
      %add3A_183 = arith.addf %mul3A_181, %mul3A_182 : f32
      %mul3A_184 = arith.mulf %squeeze3A_113, %squeeze3A_113 : f32
      %add3A_185 = arith.addf %add3A_183, %mul3A_184 : f32
      %mul3A_186 = arith.constant -2.000000e+00 : f32
      %mul3A_187 = arith.mulf %mul3A_186, %squeeze3A_117 : f32
      %mul3A_188 = arith.constant -2.000000e+00 : f32
      %mul3A_189 = arith.mulf %mul3A_188, %squeeze3A_119 : f32
      %mul3A_190 = arith.constant -2.000000e+00 : f32
      %mul3A_191 = arith.mulf %mul3A_190, %squeeze3A_121 : f32
      %mul3A_192 = arith.mulf %squeeze3A_117, %squeeze3A_117 : f32
      %mul3A_193 = arith.mulf %squeeze3A_119, %squeeze3A_119 : f32
      %add3A_194 = arith.addf %mul3A_192, %mul3A_193 : f32
      %mul3A_195 = arith.mulf %squeeze3A_121, %squeeze3A_121 : f32
      %add3A_196 = arith.addf %add3A_194, %mul3A_195 : f32
      %mul3A_197 = arith.constant -2.000000e+00 : f32
      %mul3A_198 = arith.mulf %mul3A_197, %squeeze3A_125 : f32
      %mul3A_199 = arith.constant -2.000000e+00 : f32
      %mul3A_200 = arith.mulf %mul3A_199, %squeeze3A_127 : f32
      %mul3A_201 = arith.constant -2.000000e+00 : f32
      %mul3A_202 = arith.mulf %mul3A_201, %squeeze3A_129 : f32
      %mul3A_203 = arith.mulf %squeeze3A_125, %squeeze3A_125 : f32
      %mul3A_204 = arith.mulf %squeeze3A_127, %squeeze3A_127 : f32
      %add3A_205 = arith.addf %mul3A_203, %mul3A_204 : f32
      %mul3A_206 = arith.mulf %squeeze3A_129, %squeeze3A_129 : f32
      %add3A_207 = arith.addf %add3A_205, %mul3A_206 : f32
      %mul3A_208 = arith.constant -2.000000e+00 : f32
      %mul3A_209 = arith.mulf %mul3A_208, %squeeze3A_133 : f32
      %mul3A_210 = arith.constant -2.000000e+00 : f32
      %mul3A_211 = arith.mulf %mul3A_210, %squeeze3A_135 : f32
      %mul3A_212 = arith.constant -2.000000e+00 : f32
      %mul3A_213 = arith.mulf %mul3A_212, %squeeze3A_137 : f32
      %mul3A_214 = arith.mulf %squeeze3A_133, %squeeze3A_133 : f32
      %mul3A_215 = arith.mulf %squeeze3A_135, %squeeze3A_135 : f32
      %add3A_216 = arith.addf %mul3A_214, %mul3A_215 : f32
      %mul3A_217 = arith.mulf %squeeze3A_137, %squeeze3A_137 : f32
      %add3A_218 = arith.addf %add3A_216, %mul3A_217 : f32
      %mul3A_219 = arith.constant -2.000000e+00 : f32
      %mul3A_220 = arith.mulf %mul3A_219, %squeeze3A_141 : f32
      %mul3A_221 = arith.constant -2.000000e+00 : f32
      %mul3A_222 = arith.mulf %mul3A_221, %squeeze3A_143 : f32
      %mul3A_223 = arith.constant -2.000000e+00 : f32
      %mul3A_224 = arith.mulf %mul3A_223, %squeeze3A_145 : f32
      %mul3A_225 = arith.mulf %squeeze3A_141, %squeeze3A_141 : f32
      %mul3A_226 = arith.mulf %squeeze3A_143, %squeeze3A_143 : f32
      %add3A_227 = arith.addf %mul3A_225, %mul3A_226 : f32
      %mul3A_228 = arith.mulf %squeeze3A_145, %squeeze3A_145 : f32
      %add3A_229 = arith.addf %add3A_227, %mul3A_228 : f32
      %mul3A_230 = arith.constant -2.000000e+00 : f32
      %mul3A_231 = arith.mulf %mul3A_230, %squeeze3A_149 : f32
      %mul3A_232 = arith.constant -2.000000e+00 : f32
      %mul3A_233 = arith.mulf %mul3A_232, %squeeze3A_151 : f32
      %mul3A_234 = arith.constant -2.000000e+00 : f32
      %mul3A_235 = arith.mulf %mul3A_234, %squeeze3A_153 : f32
      %mul3A_236 = arith.mulf %squeeze3A_149, %squeeze3A_149 : f32
      %mul3A_237 = arith.mulf %squeeze3A_151, %squeeze3A_151 : f32
      %add3A_238 = arith.addf %mul3A_236, %mul3A_237 : f32
      %mul3A_239 = arith.mulf %squeeze3A_153, %squeeze3A_153 : f32
      %add3A_240 = arith.addf %add3A_238, %mul3A_239 : f32
      %mul3A_241 = arith.constant -2.000000e+00 : f32
      %mul3A_242 = arith.mulf %mul3A_241, %squeeze3A_157 : f32
      %mul3A_243 = arith.constant -2.000000e+00 : f32
      %mul3A_244 = arith.mulf %mul3A_243, %squeeze3A_159 : f32
      %mul3A_245 = arith.constant -2.000000e+00 : f32
      %mul3A_246 = arith.mulf %mul3A_245, %squeeze3A_161 : f32
      %mul3A_247 = arith.mulf %squeeze3A_157, %squeeze3A_157 : f32
      %mul3A_248 = arith.mulf %squeeze3A_159, %squeeze3A_159 : f32
      %add3A_249 = arith.addf %mul3A_247, %mul3A_248 : f32
      %mul3A_250 = arith.mulf %squeeze3A_161, %squeeze3A_161 : f32
      %add3A_251 = arith.addf %add3A_249, %mul3A_250 : f32
      %convert_element_type3A = arith.extui %eq3A : i1 to i32
      %cond3A = arith.constant 0 : i32
      %cond3A_252 = arith.constant 0 : i32
      %cond3A_253 = arith.cmpi ne, %convert_element_type3A, %cond3A_252 : i32
      %cond3A_254 = scf.if %cond3A_253 -> (i32) {
        %broadcast_in_dim3A_412 = arith.constant 3.400000e+38 : f32
        %broadcast_in_dim3A_413 = vector.broadcast %broadcast_in_dim3A_412 : f32 to vector<16xf32>
        %mul3A_414 = arith.constant 16 : i32
        %mul3A_415 = arith.muli %shift_right_logical3A_89, %mul3A_414 : i32
        %mul3A_416 = arith.constant 16 : i32
        %mul3A_417 = arith.muli %shift_right_logical3A_89, %mul3A_416 : i32
        %get3A_418 = arith.index_cast %mul3A_417 : i32 to index
        %get3A_419 = tpu.vector_load %arg12[%get3A_418] {strides = array<i32>} : memref<8208xf32, #tpu.memory_space<vmem>>, vector<16xf32>,
        %get3A_420 = vector.shape_cast %get3A_419 : vector<16xf32> to vector<16xf32>
        %get3A_421 = arith.index_cast %mul3A_417 : i32 to index
        %get3A_422 = tpu.vector_load %arg13[%get3A_421] {strides = array<i32>} : memref<8208xf32, #tpu.memory_space<vmem>>, vector<16xf32>,
        %get3A_423 = vector.shape_cast %get3A_422 : vector<16xf32> to vector<16xf32>
        %get3A_424 = arith.index_cast %mul3A_417 : i32 to index
        %get3A_425 = tpu.vector_load %arg14[%get3A_424] {strides = array<i32>} : memref<8208xf32, #tpu.memory_space<vmem>>, vector<16xf32>,
        %get3A_426 = vector.shape_cast %get3A_425 : vector<16xf32> to vector<16xf32>
        %get3A_427 = arith.index_cast %mul3A_417 : i32 to index
        %get3A_428 = tpu.vector_load %arg20[%get3A_427] {strides = array<i32>} : memref<8208xf32, #tpu.memory_space<vmem>>, vector<16xf32>,
        %get3A_429 = vector.shape_cast %get3A_428 : vector<16xf32> to vector<16xf32>
        %get3A_430 = arith.index_cast %mul3A_417 : i32 to index
        %get3A_431 = tpu.vector_load %arg15[%get3A_430] {strides = array<i32>} : memref<8208xf32, #tpu.memory_space<vmem>>, vector<16xf32>,
        %get3A_432 = vector.shape_cast %get3A_431 : vector<16xf32> to vector<16xf32>
        %sub3A_433 = vector.broadcast %squeeze3A_107 : f32 to vector<16xf32>
        %sub3A_434 = arith.subf %sub3A_433, %get3A_432 : vector<16xf32>
        %mul3A_435 = vector.broadcast %mul3A_165 : f32 to vector<16xf32>
        %mul3A_436 = arith.mulf %mul3A_435, %get3A_420 : vector<16xf32>
        %mul3A_437 = vector.broadcast %mul3A_167 : f32 to vector<16xf32>
        %mul3A_438 = arith.mulf %mul3A_437, %get3A_423 : vector<16xf32>
        %add3A_439 = arith.addf %mul3A_436, %mul3A_438 : vector<16xf32>
        %mul3A_440 = vector.broadcast %mul3A_169 : f32 to vector<16xf32>
        %mul3A_441 = arith.mulf %mul3A_440, %get3A_426 : vector<16xf32>
        %add3A_442 = arith.addf %add3A_439, %mul3A_441 : vector<16xf32>
        %mul3A_443 = arith.mulf %sub3A_434, %sub3A_434 : vector<16xf32>
        %add3A_444 = arith.addf %get3A_429, %mul3A_443 : vector<16xf32>
        %add3A_445 = arith.addf %add3A_442, %add3A_444 : vector<16xf32>
        %add3A_446 = vector.broadcast %add3A_174 : f32 to vector<16xf32>
        %add3A_447 = arith.addf %add3A_445, %add3A_446 : vector<16xf32>
        %min3A = arith.minimumf %broadcast_in_dim3A_413, %add3A_447 : vector<16xf32>
        %sub3A_448 = vector.broadcast %squeeze3A_115 : f32 to vector<16xf32>
        %sub3A_449 = arith.subf %sub3A_448, %get3A_432 : vector<16xf32>
        %mul3A_450 = vector.broadcast %mul3A_176 : f32 to vector<16xf32>
        %mul3A_451 = arith.mulf %mul3A_450, %get3A_420 : vector<16xf32>
        %mul3A_452 = vector.broadcast %mul3A_178 : f32 to vector<16xf32>
        %mul3A_453 = arith.mulf %mul3A_452, %get3A_423 : vector<16xf32>
        %add3A_454 = arith.addf %mul3A_451, %mul3A_453 : vector<16xf32>
        %mul3A_455 = vector.broadcast %mul3A_180 : f32 to vector<16xf32>
        %mul3A_456 = arith.mulf %mul3A_455, %get3A_426 : vector<16xf32>
        %add3A_457 = arith.addf %add3A_454, %mul3A_456 : vector<16xf32>
        %mul3A_458 = arith.mulf %sub3A_449, %sub3A_449 : vector<16xf32>
        %add3A_459 = arith.addf %get3A_429, %mul3A_458 : vector<16xf32>
        %add3A_460 = arith.addf %add3A_457, %add3A_459 : vector<16xf32>
        %add3A_461 = vector.broadcast %add3A_185 : f32 to vector<16xf32>
        %add3A_462 = arith.addf %add3A_460, %add3A_461 : vector<16xf32>
        %min3A_463 = arith.minimumf %broadcast_in_dim3A_413, %add3A_462 : vector<16xf32>
        %sub3A_464 = vector.broadcast %squeeze3A_123 : f32 to vector<16xf32>
        %sub3A_465 = arith.subf %sub3A_464, %get3A_432 : vector<16xf32>
        %mul3A_466 = vector.broadcast %mul3A_187 : f32 to vector<16xf32>
        %mul3A_467 = arith.mulf %mul3A_466, %get3A_420 : vector<16xf32>
        %mul3A_468 = vector.broadcast %mul3A_189 : f32 to vector<16xf32>
        %mul3A_469 = arith.mulf %mul3A_468, %get3A_423 : vector<16xf32>
        %add3A_470 = arith.addf %mul3A_467, %mul3A_469 : vector<16xf32>
        %mul3A_471 = vector.broadcast %mul3A_191 : f32 to vector<16xf32>
        %mul3A_472 = arith.mulf %mul3A_471, %get3A_426 : vector<16xf32>
        %add3A_473 = arith.addf %add3A_470, %mul3A_472 : vector<16xf32>
        %mul3A_474 = arith.mulf %sub3A_465, %sub3A_465 : vector<16xf32>
        %add3A_475 = arith.addf %get3A_429, %mul3A_474 : vector<16xf32>
        %add3A_476 = arith.addf %add3A_473, %add3A_475 : vector<16xf32>
        %add3A_477 = vector.broadcast %add3A_196 : f32 to vector<16xf32>
        %add3A_478 = arith.addf %add3A_476, %add3A_477 : vector<16xf32>
        %min3A_479 = arith.minimumf %broadcast_in_dim3A_413, %add3A_478 : vector<16xf32>
        %sub3A_480 = vector.broadcast %squeeze3A_131 : f32 to vector<16xf32>
        %sub3A_481 = arith.subf %sub3A_480, %get3A_432 : vector<16xf32>
        %mul3A_482 = vector.broadcast %mul3A_198 : f32 to vector<16xf32>
        %mul3A_483 = arith.mulf %mul3A_482, %get3A_420 : vector<16xf32>
        %mul3A_484 = vector.broadcast %mul3A_200 : f32 to vector<16xf32>
        %mul3A_485 = arith.mulf %mul3A_484, %get3A_423 : vector<16xf32>
        %add3A_486 = arith.addf %mul3A_483, %mul3A_485 : vector<16xf32>
        %mul3A_487 = vector.broadcast %mul3A_202 : f32 to vector<16xf32>
        %mul3A_488 = arith.mulf %mul3A_487, %get3A_426 : vector<16xf32>
        %add3A_489 = arith.addf %add3A_486, %mul3A_488 : vector<16xf32>
        %mul3A_490 = arith.mulf %sub3A_481, %sub3A_481 : vector<16xf32>
        %add3A_491 = arith.addf %get3A_429, %mul3A_490 : vector<16xf32>
        %add3A_492 = arith.addf %add3A_489, %add3A_491 : vector<16xf32>
        %add3A_493 = vector.broadcast %add3A_207 : f32 to vector<16xf32>
        %add3A_494 = arith.addf %add3A_492, %add3A_493 : vector<16xf32>
        %min3A_495 = arith.minimumf %broadcast_in_dim3A_413, %add3A_494 : vector<16xf32>
        %sub3A_496 = vector.broadcast %squeeze3A_139 : f32 to vector<16xf32>
        %sub3A_497 = arith.subf %sub3A_496, %get3A_432 : vector<16xf32>
        %mul3A_498 = vector.broadcast %mul3A_209 : f32 to vector<16xf32>
        %mul3A_499 = arith.mulf %mul3A_498, %get3A_420 : vector<16xf32>
        %mul3A_500 = vector.broadcast %mul3A_211 : f32 to vector<16xf32>
        %mul3A_501 = arith.mulf %mul3A_500, %get3A_423 : vector<16xf32>
        %add3A_502 = arith.addf %mul3A_499, %mul3A_501 : vector<16xf32>
        %mul3A_503 = vector.broadcast %mul3A_213 : f32 to vector<16xf32>
        %mul3A_504 = arith.mulf %mul3A_503, %get3A_426 : vector<16xf32>
        %add3A_505 = arith.addf %add3A_502, %mul3A_504 : vector<16xf32>
        %mul3A_506 = arith.mulf %sub3A_497, %sub3A_497 : vector<16xf32>
        %add3A_507 = arith.addf %get3A_429, %mul3A_506 : vector<16xf32>
        %add3A_508 = arith.addf %add3A_505, %add3A_507 : vector<16xf32>
        %add3A_509 = vector.broadcast %add3A_218 : f32 to vector<16xf32>
        %add3A_510 = arith.addf %add3A_508, %add3A_509 : vector<16xf32>
        %min3A_511 = arith.minimumf %broadcast_in_dim3A_413, %add3A_510 : vector<16xf32>
        %sub3A_512 = vector.broadcast %squeeze3A_147 : f32 to vector<16xf32>
        %sub3A_513 = arith.subf %sub3A_512, %get3A_432 : vector<16xf32>
        %mul3A_514 = vector.broadcast %mul3A_220 : f32 to vector<16xf32>
        %mul3A_515 = arith.mulf %mul3A_514, %get3A_420 : vector<16xf32>
        %mul3A_516 = vector.broadcast %mul3A_222 : f32 to vector<16xf32>
        %mul3A_517 = arith.mulf %mul3A_516, %get3A_423 : vector<16xf32>
        %add3A_518 = arith.addf %mul3A_515, %mul3A_517 : vector<16xf32>
        %mul3A_519 = vector.broadcast %mul3A_224 : f32 to vector<16xf32>
        %mul3A_520 = arith.mulf %mul3A_519, %get3A_426 : vector<16xf32>
        %add3A_521 = arith.addf %add3A_518, %mul3A_520 : vector<16xf32>
        %mul3A_522 = arith.mulf %sub3A_513, %sub3A_513 : vector<16xf32>
        %add3A_523 = arith.addf %get3A_429, %mul3A_522 : vector<16xf32>
        %add3A_524 = arith.addf %add3A_521, %add3A_523 : vector<16xf32>
        %add3A_525 = vector.broadcast %add3A_229 : f32 to vector<16xf32>
        %add3A_526 = arith.addf %add3A_524, %add3A_525 : vector<16xf32>
        %min3A_527 = arith.minimumf %broadcast_in_dim3A_413, %add3A_526 : vector<16xf32>
        %sub3A_528 = vector.broadcast %squeeze3A_155 : f32 to vector<16xf32>
        %sub3A_529 = arith.subf %sub3A_528, %get3A_432 : vector<16xf32>
        %mul3A_530 = vector.broadcast %mul3A_231 : f32 to vector<16xf32>
        %mul3A_531 = arith.mulf %mul3A_530, %get3A_420 : vector<16xf32>
        %mul3A_532 = vector.broadcast %mul3A_233 : f32 to vector<16xf32>
        %mul3A_533 = arith.mulf %mul3A_532, %get3A_423 : vector<16xf32>
        %add3A_534 = arith.addf %mul3A_531, %mul3A_533 : vector<16xf32>
        %mul3A_535 = vector.broadcast %mul3A_235 : f32 to vector<16xf32>
        %mul3A_536 = arith.mulf %mul3A_535, %get3A_426 : vector<16xf32>
        %add3A_537 = arith.addf %add3A_534, %mul3A_536 : vector<16xf32>
        %mul3A_538 = arith.mulf %sub3A_529, %sub3A_529 : vector<16xf32>
        %add3A_539 = arith.addf %get3A_429, %mul3A_538 : vector<16xf32>
        %add3A_540 = arith.addf %add3A_537, %add3A_539 : vector<16xf32>
        %add3A_541 = vector.broadcast %add3A_240 : f32 to vector<16xf32>
        %add3A_542 = arith.addf %add3A_540, %add3A_541 : vector<16xf32>
        %min3A_543 = arith.minimumf %broadcast_in_dim3A_413, %add3A_542 : vector<16xf32>
        %sub3A_544 = vector.broadcast %squeeze3A_163 : f32 to vector<16xf32>
        %sub3A_545 = arith.subf %sub3A_544, %get3A_432 : vector<16xf32>
        %mul3A_546 = vector.broadcast %mul3A_242 : f32 to vector<16xf32>
        %mul3A_547 = arith.mulf %mul3A_546, %get3A_420 : vector<16xf32>
        %mul3A_548 = vector.broadcast %mul3A_244 : f32 to vector<16xf32>
        %mul3A_549 = arith.mulf %mul3A_548, %get3A_423 : vector<16xf32>
        %add3A_550 = arith.addf %mul3A_547, %mul3A_549 : vector<16xf32>
        %mul3A_551 = vector.broadcast %mul3A_246 : f32 to vector<16xf32>
        %mul3A_552 = arith.mulf %mul3A_551, %get3A_426 : vector<16xf32>
        %add3A_553 = arith.addf %add3A_550, %mul3A_552 : vector<16xf32>
        %mul3A_554 = arith.mulf %sub3A_545, %sub3A_545 : vector<16xf32>
        %add3A_555 = arith.addf %get3A_429, %mul3A_554 : vector<16xf32>
        %add3A_556 = arith.addf %add3A_553, %add3A_555 : vector<16xf32>
        %add3A_557 = vector.broadcast %add3A_251 : f32 to vector<16xf32>
        %add3A_558 = arith.addf %add3A_556, %add3A_557 : vector<16xf32>
        %min3A_559 = arith.minimumf %broadcast_in_dim3A_413, %add3A_558 : vector<16xf32>
        %get3A_560 = arith.index_cast %mul3A_415 : i32 to index
        %get3A_561 = tpu.vector_load %arg21[%get3A_560] {strides = array<i32>} : memref<8208xf32, #tpu.memory_space<vmem>>, vector<16xf32>,
        %get3A_562 = vector.shape_cast %get3A_561 : vector<16xf32> to vector<16xf32>
        %min3A_563 = arith.minimumf %add3A_447, %add3A_462 : vector<16xf32>
        %min3A_564 = arith.minimumf %add3A_478, %add3A_494 : vector<16xf32>
        %min3A_565 = arith.minimumf %add3A_510, %add3A_526 : vector<16xf32>
        %min3A_566 = arith.minimumf %add3A_542, %add3A_558 : vector<16xf32>
        %min3A_567 = arith.minimumf %min3A_563, %min3A_564 : vector<16xf32>
        %min3A_568 = arith.minimumf %min3A_565, %min3A_566 : vector<16xf32>
        %min3A_569 = arith.minimumf %min3A_567, %min3A_568 : vector<16xf32>
        %min3A_570 = arith.minimumf %get3A_562, %min3A_569 : vector<16xf32>
        %swap3A_571 = arith.index_cast %mul3A_415 : i32 to index
        %swap3A_572 = tpu.vector_load %arg21[%swap3A_571] {strides = array<i32>} : memref<8208xf32, #tpu.memory_space<vmem>>, vector<16xf32>,
        %swap3A_573 = vector.shape_cast %swap3A_572 : vector<16xf32> to vector<16xf32>
        %swap3A_574 = vector.shape_cast %min3A_570 : vector<16xf32> to vector<16xf32>
        tpu.vector_store %arg21[%swap3A_571], %swap3A_574 {strides = array<i32>} : memref<8208xf32, #tpu.memory_space<vmem>>, vector<16xf32>,
        %mul3A_575 = arith.constant 16 : i32
        %mul3A_576 = arith.muli %max3A, %mul3A_575 : i32
        %mul3A_577 = arith.constant 16 : i32
        %mul3A_578 = arith.muli %max3A, %mul3A_577 : i32
        %get3A_579 = arith.index_cast %mul3A_578 : i32 to index
        %get3A_580 = tpu.vector_load %arg12[%get3A_579] {strides = array<i32>} : memref<8208xf32, #tpu.memory_space<vmem>>, vector<16xf32>,
        %get3A_581 = vector.shape_cast %get3A_580 : vector<16xf32> to vector<16xf32>
        %get3A_582 = arith.index_cast %mul3A_578 : i32 to index
        %get3A_583 = tpu.vector_load %arg13[%get3A_582] {strides = array<i32>} : memref<8208xf32, #tpu.memory_space<vmem>>, vector<16xf32>,
        %get3A_584 = vector.shape_cast %get3A_583 : vector<16xf32> to vector<16xf32>
        %get3A_585 = arith.index_cast %mul3A_578 : i32 to index
        %get3A_586 = tpu.vector_load %arg14[%get3A_585] {strides = array<i32>} : memref<8208xf32, #tpu.memory_space<vmem>>, vector<16xf32>,
        %get3A_587 = vector.shape_cast %get3A_586 : vector<16xf32> to vector<16xf32>
        %get3A_588 = arith.index_cast %mul3A_578 : i32 to index
        %get3A_589 = tpu.vector_load %arg20[%get3A_588] {strides = array<i32>} : memref<8208xf32, #tpu.memory_space<vmem>>, vector<16xf32>,
        %get3A_590 = vector.shape_cast %get3A_589 : vector<16xf32> to vector<16xf32>
        %get3A_591 = arith.index_cast %mul3A_578 : i32 to index
        %get3A_592 = tpu.vector_load %arg15[%get3A_591] {strides = array<i32>} : memref<8208xf32, #tpu.memory_space<vmem>>, vector<16xf32>,
        %get3A_593 = vector.shape_cast %get3A_592 : vector<16xf32> to vector<16xf32>
        %sub3A_594 = vector.broadcast %squeeze3A_107 : f32 to vector<16xf32>
        %sub3A_595 = arith.subf %sub3A_594, %get3A_593 : vector<16xf32>
        %mul3A_596 = vector.broadcast %mul3A_165 : f32 to vector<16xf32>
        %mul3A_597 = arith.mulf %mul3A_596, %get3A_581 : vector<16xf32>
        %mul3A_598 = vector.broadcast %mul3A_167 : f32 to vector<16xf32>
        %mul3A_599 = arith.mulf %mul3A_598, %get3A_584 : vector<16xf32>
        %add3A_600 = arith.addf %mul3A_597, %mul3A_599 : vector<16xf32>
        %mul3A_601 = vector.broadcast %mul3A_169 : f32 to vector<16xf32>
        %mul3A_602 = arith.mulf %mul3A_601, %get3A_587 : vector<16xf32>
        %add3A_603 = arith.addf %add3A_600, %mul3A_602 : vector<16xf32>
        %mul3A_604 = arith.mulf %sub3A_595, %sub3A_595 : vector<16xf32>
        %add3A_605 = arith.addf %get3A_590, %mul3A_604 : vector<16xf32>
        %add3A_606 = arith.addf %add3A_603, %add3A_605 : vector<16xf32>
        %add3A_607 = vector.broadcast %add3A_174 : f32 to vector<16xf32>
        %add3A_608 = arith.addf %add3A_606, %add3A_607 : vector<16xf32>
        %min3A_609 = arith.minimumf %min3A, %add3A_608 : vector<16xf32>
        %sub3A_610 = vector.broadcast %squeeze3A_115 : f32 to vector<16xf32>
        %sub3A_611 = arith.subf %sub3A_610, %get3A_593 : vector<16xf32>
        %mul3A_612 = vector.broadcast %mul3A_176 : f32 to vector<16xf32>
        %mul3A_613 = arith.mulf %mul3A_612, %get3A_581 : vector<16xf32>
        %mul3A_614 = vector.broadcast %mul3A_178 : f32 to vector<16xf32>
        %mul3A_615 = arith.mulf %mul3A_614, %get3A_584 : vector<16xf32>
        %add3A_616 = arith.addf %mul3A_613, %mul3A_615 : vector<16xf32>
        %mul3A_617 = vector.broadcast %mul3A_180 : f32 to vector<16xf32>
        %mul3A_618 = arith.mulf %mul3A_617, %get3A_587 : vector<16xf32>
        %add3A_619 = arith.addf %add3A_616, %mul3A_618 : vector<16xf32>
        %mul3A_620 = arith.mulf %sub3A_611, %sub3A_611 : vector<16xf32>
        %add3A_621 = arith.addf %get3A_590, %mul3A_620 : vector<16xf32>
        %add3A_622 = arith.addf %add3A_619, %add3A_621 : vector<16xf32>
        %add3A_623 = vector.broadcast %add3A_185 : f32 to vector<16xf32>
        %add3A_624 = arith.addf %add3A_622, %add3A_623 : vector<16xf32>
        %min3A_625 = arith.minimumf %min3A_463, %add3A_624 : vector<16xf32>
        %sub3A_626 = vector.broadcast %squeeze3A_123 : f32 to vector<16xf32>
        %sub3A_627 = arith.subf %sub3A_626, %get3A_593 : vector<16xf32>
        %mul3A_628 = vector.broadcast %mul3A_187 : f32 to vector<16xf32>
        %mul3A_629 = arith.mulf %mul3A_628, %get3A_581 : vector<16xf32>
        %mul3A_630 = vector.broadcast %mul3A_189 : f32 to vector<16xf32>
        %mul3A_631 = arith.mulf %mul3A_630, %get3A_584 : vector<16xf32>
        %add3A_632 = arith.addf %mul3A_629, %mul3A_631 : vector<16xf32>
        %mul3A_633 = vector.broadcast %mul3A_191 : f32 to vector<16xf32>
        %mul3A_634 = arith.mulf %mul3A_633, %get3A_587 : vector<16xf32>
        %add3A_635 = arith.addf %add3A_632, %mul3A_634 : vector<16xf32>
        %mul3A_636 = arith.mulf %sub3A_627, %sub3A_627 : vector<16xf32>
        %add3A_637 = arith.addf %get3A_590, %mul3A_636 : vector<16xf32>
        %add3A_638 = arith.addf %add3A_635, %add3A_637 : vector<16xf32>
        %add3A_639 = vector.broadcast %add3A_196 : f32 to vector<16xf32>
        %add3A_640 = arith.addf %add3A_638, %add3A_639 : vector<16xf32>
        %min3A_641 = arith.minimumf %min3A_479, %add3A_640 : vector<16xf32>
        %sub3A_642 = vector.broadcast %squeeze3A_131 : f32 to vector<16xf32>
        %sub3A_643 = arith.subf %sub3A_642, %get3A_593 : vector<16xf32>
        %mul3A_644 = vector.broadcast %mul3A_198 : f32 to vector<16xf32>
        %mul3A_645 = arith.mulf %mul3A_644, %get3A_581 : vector<16xf32>
        %mul3A_646 = vector.broadcast %mul3A_200 : f32 to vector<16xf32>
        %mul3A_647 = arith.mulf %mul3A_646, %get3A_584 : vector<16xf32>
        %add3A_648 = arith.addf %mul3A_645, %mul3A_647 : vector<16xf32>
        %mul3A_649 = vector.broadcast %mul3A_202 : f32 to vector<16xf32>
        %mul3A_650 = arith.mulf %mul3A_649, %get3A_587 : vector<16xf32>
        %add3A_651 = arith.addf %add3A_648, %mul3A_650 : vector<16xf32>
        %mul3A_652 = arith.mulf %sub3A_643, %sub3A_643 : vector<16xf32>
        %add3A_653 = arith.addf %get3A_590, %mul3A_652 : vector<16xf32>
        %add3A_654 = arith.addf %add3A_651, %add3A_653 : vector<16xf32>
        %add3A_655 = vector.broadcast %add3A_207 : f32 to vector<16xf32>
        %add3A_656 = arith.addf %add3A_654, %add3A_655 : vector<16xf32>
        %min3A_657 = arith.minimumf %min3A_495, %add3A_656 : vector<16xf32>
        %sub3A_658 = vector.broadcast %squeeze3A_139 : f32 to vector<16xf32>
        %sub3A_659 = arith.subf %sub3A_658, %get3A_593 : vector<16xf32>
        %mul3A_660 = vector.broadcast %mul3A_209 : f32 to vector<16xf32>
        %mul3A_661 = arith.mulf %mul3A_660, %get3A_581 : vector<16xf32>
        %mul3A_662 = vector.broadcast %mul3A_211 : f32 to vector<16xf32>
        %mul3A_663 = arith.mulf %mul3A_662, %get3A_584 : vector<16xf32>
        %add3A_664 = arith.addf %mul3A_661, %mul3A_663 : vector<16xf32>
        %mul3A_665 = vector.broadcast %mul3A_213 : f32 to vector<16xf32>
        %mul3A_666 = arith.mulf %mul3A_665, %get3A_587 : vector<16xf32>
        %add3A_667 = arith.addf %add3A_664, %mul3A_666 : vector<16xf32>
        %mul3A_668 = arith.mulf %sub3A_659, %sub3A_659 : vector<16xf32>
        %add3A_669 = arith.addf %get3A_590, %mul3A_668 : vector<16xf32>
        %add3A_670 = arith.addf %add3A_667, %add3A_669 : vector<16xf32>
        %add3A_671 = vector.broadcast %add3A_218 : f32 to vector<16xf32>
        %add3A_672 = arith.addf %add3A_670, %add3A_671 : vector<16xf32>
        %min3A_673 = arith.minimumf %min3A_511, %add3A_672 : vector<16xf32>
        %sub3A_674 = vector.broadcast %squeeze3A_147 : f32 to vector<16xf32>
        %sub3A_675 = arith.subf %sub3A_674, %get3A_593 : vector<16xf32>
        %mul3A_676 = vector.broadcast %mul3A_220 : f32 to vector<16xf32>
        %mul3A_677 = arith.mulf %mul3A_676, %get3A_581 : vector<16xf32>
        %mul3A_678 = vector.broadcast %mul3A_222 : f32 to vector<16xf32>
        %mul3A_679 = arith.mulf %mul3A_678, %get3A_584 : vector<16xf32>
        %add3A_680 = arith.addf %mul3A_677, %mul3A_679 : vector<16xf32>
        %mul3A_681 = vector.broadcast %mul3A_224 : f32 to vector<16xf32>
        %mul3A_682 = arith.mulf %mul3A_681, %get3A_587 : vector<16xf32>
        %add3A_683 = arith.addf %add3A_680, %mul3A_682 : vector<16xf32>
        %mul3A_684 = arith.mulf %sub3A_675, %sub3A_675 : vector<16xf32>
        %add3A_685 = arith.addf %get3A_590, %mul3A_684 : vector<16xf32>
        %add3A_686 = arith.addf %add3A_683, %add3A_685 : vector<16xf32>
        %add3A_687 = vector.broadcast %add3A_229 : f32 to vector<16xf32>
        %add3A_688 = arith.addf %add3A_686, %add3A_687 : vector<16xf32>
        %min3A_689 = arith.minimumf %min3A_527, %add3A_688 : vector<16xf32>
        %sub3A_690 = vector.broadcast %squeeze3A_155 : f32 to vector<16xf32>
        %sub3A_691 = arith.subf %sub3A_690, %get3A_593 : vector<16xf32>
        %mul3A_692 = vector.broadcast %mul3A_231 : f32 to vector<16xf32>
        %mul3A_693 = arith.mulf %mul3A_692, %get3A_581 : vector<16xf32>
        %mul3A_694 = vector.broadcast %mul3A_233 : f32 to vector<16xf32>
        %mul3A_695 = arith.mulf %mul3A_694, %get3A_584 : vector<16xf32>
        %add3A_696 = arith.addf %mul3A_693, %mul3A_695 : vector<16xf32>
        %mul3A_697 = vector.broadcast %mul3A_235 : f32 to vector<16xf32>
        %mul3A_698 = arith.mulf %mul3A_697, %get3A_587 : vector<16xf32>
        %add3A_699 = arith.addf %add3A_696, %mul3A_698 : vector<16xf32>
        %mul3A_700 = arith.mulf %sub3A_691, %sub3A_691 : vector<16xf32>
        %add3A_701 = arith.addf %get3A_590, %mul3A_700 : vector<16xf32>
        %add3A_702 = arith.addf %add3A_699, %add3A_701 : vector<16xf32>
        %add3A_703 = vector.broadcast %add3A_240 : f32 to vector<16xf32>
        %add3A_704 = arith.addf %add3A_702, %add3A_703 : vector<16xf32>
        %min3A_705 = arith.minimumf %min3A_543, %add3A_704 : vector<16xf32>
        %sub3A_706 = vector.broadcast %squeeze3A_163 : f32 to vector<16xf32>
        %sub3A_707 = arith.subf %sub3A_706, %get3A_593 : vector<16xf32>
        %mul3A_708 = vector.broadcast %mul3A_242 : f32 to vector<16xf32>
        %mul3A_709 = arith.mulf %mul3A_708, %get3A_581 : vector<16xf32>
        %mul3A_710 = vector.broadcast %mul3A_244 : f32 to vector<16xf32>
        %mul3A_711 = arith.mulf %mul3A_710, %get3A_584 : vector<16xf32>
        %add3A_712 = arith.addf %mul3A_709, %mul3A_711 : vector<16xf32>
        %mul3A_713 = vector.broadcast %mul3A_246 : f32 to vector<16xf32>
        %mul3A_714 = arith.mulf %mul3A_713, %get3A_587 : vector<16xf32>
        %add3A_715 = arith.addf %add3A_712, %mul3A_714 : vector<16xf32>
        %mul3A_716 = arith.mulf %sub3A_707, %sub3A_707 : vector<16xf32>
        %add3A_717 = arith.addf %get3A_590, %mul3A_716 : vector<16xf32>
        %add3A_718 = arith.addf %add3A_715, %add3A_717 : vector<16xf32>
        %add3A_719 = vector.broadcast %add3A_251 : f32 to vector<16xf32>
        %add3A_720 = arith.addf %add3A_718, %add3A_719 : vector<16xf32>
        %min3A_721 = arith.minimumf %min3A_559, %add3A_720 : vector<16xf32>
        %get3A_722 = arith.index_cast %mul3A_576 : i32 to index
        %get3A_723 = tpu.vector_load %arg21[%get3A_722] {strides = array<i32>} : memref<8208xf32, #tpu.memory_space<vmem>>, vector<16xf32>,
        %get3A_724 = vector.shape_cast %get3A_723 : vector<16xf32> to vector<16xf32>
        %min3A_725 = arith.minimumf %add3A_608, %add3A_624 : vector<16xf32>
        %min3A_726 = arith.minimumf %add3A_640, %add3A_656 : vector<16xf32>
        %min3A_727 = arith.minimumf %add3A_672, %add3A_688 : vector<16xf32>
        %min3A_728 = arith.minimumf %add3A_704, %add3A_720 : vector<16xf32>
        %min3A_729 = arith.minimumf %min3A_725, %min3A_726 : vector<16xf32>
        %min3A_730 = arith.minimumf %min3A_727, %min3A_728 : vector<16xf32>
        %min3A_731 = arith.minimumf %min3A_729, %min3A_730 : vector<16xf32>
        %min3A_732 = arith.minimumf %get3A_724, %min3A_731 : vector<16xf32>
        %swap3A_733 = arith.index_cast %mul3A_576 : i32 to index
        %swap3A_734 = tpu.vector_load %arg21[%swap3A_733] {strides = array<i32>} : memref<8208xf32, #tpu.memory_space<vmem>>, vector<16xf32>,
        %swap3A_735 = vector.shape_cast %swap3A_734 : vector<16xf32> to vector<16xf32>
        %swap3A_736 = vector.shape_cast %min3A_732 : vector<16xf32> to vector<16xf32>
        tpu.vector_store %arg21[%swap3A_733], %swap3A_736 {strides = array<i32>} : memref<8208xf32, #tpu.memory_space<vmem>>, vector<16xf32>,
        %mul3A_737 = arith.constant 16 : i32
        %mul3A_738 = arith.muli %add3A_96, %mul3A_737 : i32
        %get3A_739 = arith.index_cast %mul3A_738 : i32 to index
        %get3A_740 = tpu.vector_load %arg12[%get3A_739] {strides = array<i32>} : memref<8208xf32, #tpu.memory_space<vmem>>, vector<16xf32>,
        %get3A_741 = vector.shape_cast %get3A_740 : vector<16xf32> to vector<16xf32>
        %get3A_742 = arith.index_cast %mul3A_738 : i32 to index
        %get3A_743 = tpu.vector_load %arg13[%get3A_742] {strides = array<i32>} : memref<8208xf32, #tpu.memory_space<vmem>>, vector<16xf32>,
        %get3A_744 = vector.shape_cast %get3A_743 : vector<16xf32> to vector<16xf32>
        %get3A_745 = arith.index_cast %mul3A_738 : i32 to index
        %get3A_746 = tpu.vector_load %arg14[%get3A_745] {strides = array<i32>} : memref<8208xf32, #tpu.memory_space<vmem>>, vector<16xf32>,
        %get3A_747 = vector.shape_cast %get3A_746 : vector<16xf32> to vector<16xf32>
        %get3A_748 = arith.index_cast %mul3A_738 : i32 to index
        %get3A_749 = tpu.vector_load %arg20[%get3A_748] {strides = array<i32>} : memref<8208xf32, #tpu.memory_space<vmem>>, vector<16xf32>,
        %get3A_750 = vector.shape_cast %get3A_749 : vector<16xf32> to vector<16xf32>
        %parallel_loop3A = arith.constant 1 : i32
        %parallel_loop3A_751:12 = scf.for %parallel_loop3A_833 = %add3A_96 to %max3A_99 step %parallel_loop3A iter_args(%parallel_loop3A_834 = %min3A_609, %parallel_loop3A_835 = %min3A_625, %parallel_loop3A_836 = %min3A_641, %parallel_loop3A_837 = %min3A_657, %parallel_loop3A_838 = %min3A_673, %parallel_loop3A_839 = %min3A_689, %parallel_loop3A_840 = %min3A_705, %parallel_loop3A_841 = %min3A_721, %parallel_loop3A_842 = %get3A_741, %parallel_loop3A_843 = %get3A_744, %parallel_loop3A_844 = %get3A_747, %parallel_loop3A_845 = %get3A_750) -> (vector<16xf32>, vector<16xf32>, vector<16xf32>, vector<16xf32>, vector<16xf32>, vector<16xf32>, vector<16xf32>, vector<16xf32>, vector<16xf32>, vector<16xf32>, vector<16xf32>, vector<16xf32>)  : i32 {
          %parallel_loop3A_846 = arith.constant 16 : i32
          %parallel_loop3A_847 = arith.muli %parallel_loop3A_833, %parallel_loop3A_846 : i32
          %parallel_loop3A_848 = arith.constant 16 : i32
          %parallel_loop3A_849 = arith.addi %parallel_loop3A_847, %parallel_loop3A_848 : i32
          %parallel_loop3A_850 = arith.index_cast %parallel_loop3A_849 : i32 to index
          %parallel_loop3A_851 = tpu.vector_load %arg12[%parallel_loop3A_850] {strides = array<i32>} : memref<8208xf32, #tpu.memory_space<vmem>>, vector<16xf32>,
          %parallel_loop3A_852 = vector.shape_cast %parallel_loop3A_851 : vector<16xf32> to vector<16xf32>
          %parallel_loop3A_853 = arith.index_cast %parallel_loop3A_849 : i32 to index
          %parallel_loop3A_854 = tpu.vector_load %arg13[%parallel_loop3A_853] {strides = array<i32>} : memref<8208xf32, #tpu.memory_space<vmem>>, vector<16xf32>,
          %parallel_loop3A_855 = vector.shape_cast %parallel_loop3A_854 : vector<16xf32> to vector<16xf32>
          %parallel_loop3A_856 = arith.index_cast %parallel_loop3A_849 : i32 to index
          %parallel_loop3A_857 = tpu.vector_load %arg14[%parallel_loop3A_856] {strides = array<i32>} : memref<8208xf32, #tpu.memory_space<vmem>>, vector<16xf32>,
          %parallel_loop3A_858 = vector.shape_cast %parallel_loop3A_857 : vector<16xf32> to vector<16xf32>
          %parallel_loop3A_859 = arith.index_cast %parallel_loop3A_849 : i32 to index
          %parallel_loop3A_860 = tpu.vector_load %arg20[%parallel_loop3A_859] {strides = array<i32>} : memref<8208xf32, #tpu.memory_space<vmem>>, vector<16xf32>,
          %parallel_loop3A_861 = vector.shape_cast %parallel_loop3A_860 : vector<16xf32> to vector<16xf32>
          %parallel_loop3A_862 = arith.constant 16 : i32
          %parallel_loop3A_863 = arith.muli %parallel_loop3A_833, %parallel_loop3A_862 : i32
          %parallel_loop3A_864 = vector.broadcast %mul3A_165 : f32 to vector<16xf32>
          %parallel_loop3A_865 = arith.mulf %parallel_loop3A_864, %parallel_loop3A_842 : vector<16xf32>
          %parallel_loop3A_866 = vector.broadcast %mul3A_167 : f32 to vector<16xf32>
          %parallel_loop3A_867 = arith.mulf %parallel_loop3A_866, %parallel_loop3A_843 : vector<16xf32>
          %parallel_loop3A_868 = arith.addf %parallel_loop3A_865, %parallel_loop3A_867 : vector<16xf32>
          %parallel_loop3A_869 = vector.broadcast %mul3A_169 : f32 to vector<16xf32>
          %parallel_loop3A_870 = arith.mulf %parallel_loop3A_869, %parallel_loop3A_844 : vector<16xf32>
          %parallel_loop3A_871 = arith.addf %parallel_loop3A_868, %parallel_loop3A_870 : vector<16xf32>
          %parallel_loop3A_872 = vector.broadcast %add3A_174 : f32 to vector<16xf32>
          %parallel_loop3A_873 = arith.addf %parallel_loop3A_845, %parallel_loop3A_872 : vector<16xf32>
          %parallel_loop3A_874 = arith.addf %parallel_loop3A_871, %parallel_loop3A_873 : vector<16xf32>
          %parallel_loop3A_875 = arith.minimumf %parallel_loop3A_834, %parallel_loop3A_874 : vector<16xf32>
          %parallel_loop3A_876 = vector.broadcast %mul3A_176 : f32 to vector<16xf32>
          %parallel_loop3A_877 = arith.mulf %parallel_loop3A_876, %parallel_loop3A_842 : vector<16xf32>
          %parallel_loop3A_878 = vector.broadcast %mul3A_178 : f32 to vector<16xf32>
          %parallel_loop3A_879 = arith.mulf %parallel_loop3A_878, %parallel_loop3A_843 : vector<16xf32>
          %parallel_loop3A_880 = arith.addf %parallel_loop3A_877, %parallel_loop3A_879 : vector<16xf32>
          %parallel_loop3A_881 = vector.broadcast %mul3A_180 : f32 to vector<16xf32>
          %parallel_loop3A_882 = arith.mulf %parallel_loop3A_881, %parallel_loop3A_844 : vector<16xf32>
          %parallel_loop3A_883 = arith.addf %parallel_loop3A_880, %parallel_loop3A_882 : vector<16xf32>
          %parallel_loop3A_884 = vector.broadcast %add3A_185 : f32 to vector<16xf32>
          %parallel_loop3A_885 = arith.addf %parallel_loop3A_845, %parallel_loop3A_884 : vector<16xf32>
          %parallel_loop3A_886 = arith.addf %parallel_loop3A_883, %parallel_loop3A_885 : vector<16xf32>
          %parallel_loop3A_887 = arith.minimumf %parallel_loop3A_835, %parallel_loop3A_886 : vector<16xf32>
          %parallel_loop3A_888 = vector.broadcast %mul3A_187 : f32 to vector<16xf32>
          %parallel_loop3A_889 = arith.mulf %parallel_loop3A_888, %parallel_loop3A_842 : vector<16xf32>
          %parallel_loop3A_890 = vector.broadcast %mul3A_189 : f32 to vector<16xf32>
          %parallel_loop3A_891 = arith.mulf %parallel_loop3A_890, %parallel_loop3A_843 : vector<16xf32>
          %parallel_loop3A_892 = arith.addf %parallel_loop3A_889, %parallel_loop3A_891 : vector<16xf32>
          %parallel_loop3A_893 = vector.broadcast %mul3A_191 : f32 to vector<16xf32>
          %parallel_loop3A_894 = arith.mulf %parallel_loop3A_893, %parallel_loop3A_844 : vector<16xf32>
          %parallel_loop3A_895 = arith.addf %parallel_loop3A_892, %parallel_loop3A_894 : vector<16xf32>
          %parallel_loop3A_896 = vector.broadcast %add3A_196 : f32 to vector<16xf32>
          %parallel_loop3A_897 = arith.addf %parallel_loop3A_845, %parallel_loop3A_896 : vector<16xf32>
          %parallel_loop3A_898 = arith.addf %parallel_loop3A_895, %parallel_loop3A_897 : vector<16xf32>
          %parallel_loop3A_899 = arith.minimumf %parallel_loop3A_836, %parallel_loop3A_898 : vector<16xf32>
          %parallel_loop3A_900 = vector.broadcast %mul3A_198 : f32 to vector<16xf32>
          %parallel_loop3A_901 = arith.mulf %parallel_loop3A_900, %parallel_loop3A_842 : vector<16xf32>
          %parallel_loop3A_902 = vector.broadcast %mul3A_200 : f32 to vector<16xf32>
          %parallel_loop3A_903 = arith.mulf %parallel_loop3A_902, %parallel_loop3A_843 : vector<16xf32>
          %parallel_loop3A_904 = arith.addf %parallel_loop3A_901, %parallel_loop3A_903 : vector<16xf32>
          %parallel_loop3A_905 = vector.broadcast %mul3A_202 : f32 to vector<16xf32>
          %parallel_loop3A_906 = arith.mulf %parallel_loop3A_905, %parallel_loop3A_844 : vector<16xf32>
          %parallel_loop3A_907 = arith.addf %parallel_loop3A_904, %parallel_loop3A_906 : vector<16xf32>
          %parallel_loop3A_908 = vector.broadcast %add3A_207 : f32 to vector<16xf32>
          %parallel_loop3A_909 = arith.addf %parallel_loop3A_845, %parallel_loop3A_908 : vector<16xf32>
          %parallel_loop3A_910 = arith.addf %parallel_loop3A_907, %parallel_loop3A_909 : vector<16xf32>
          %parallel_loop3A_911 = arith.minimumf %parallel_loop3A_837, %parallel_loop3A_910 : vector<16xf32>
          %parallel_loop3A_912 = vector.broadcast %mul3A_209 : f32 to vector<16xf32>
          %parallel_loop3A_913 = arith.mulf %parallel_loop3A_912, %parallel_loop3A_842 : vector<16xf32>
          %parallel_loop3A_914 = vector.broadcast %mul3A_211 : f32 to vector<16xf32>
          %parallel_loop3A_915 = arith.mulf %parallel_loop3A_914, %parallel_loop3A_843 : vector<16xf32>
          %parallel_loop3A_916 = arith.addf %parallel_loop3A_913, %parallel_loop3A_915 : vector<16xf32>
          %parallel_loop3A_917 = vector.broadcast %mul3A_213 : f32 to vector<16xf32>
          %parallel_loop3A_918 = arith.mulf %parallel_loop3A_917, %parallel_loop3A_844 : vector<16xf32>
          %parallel_loop3A_919 = arith.addf %parallel_loop3A_916, %parallel_loop3A_918 : vector<16xf32>
          %parallel_loop3A_920 = vector.broadcast %add3A_218 : f32 to vector<16xf32>
          %parallel_loop3A_921 = arith.addf %parallel_loop3A_845, %parallel_loop3A_920 : vector<16xf32>
          %parallel_loop3A_922 = arith.addf %parallel_loop3A_919, %parallel_loop3A_921 : vector<16xf32>
          %parallel_loop3A_923 = arith.minimumf %parallel_loop3A_838, %parallel_loop3A_922 : vector<16xf32>
          %parallel_loop3A_924 = vector.broadcast %mul3A_220 : f32 to vector<16xf32>
          %parallel_loop3A_925 = arith.mulf %parallel_loop3A_924, %parallel_loop3A_842 : vector<16xf32>
          %parallel_loop3A_926 = vector.broadcast %mul3A_222 : f32 to vector<16xf32>
          %parallel_loop3A_927 = arith.mulf %parallel_loop3A_926, %parallel_loop3A_843 : vector<16xf32>
          %parallel_loop3A_928 = arith.addf %parallel_loop3A_925, %parallel_loop3A_927 : vector<16xf32>
          %parallel_loop3A_929 = vector.broadcast %mul3A_224 : f32 to vector<16xf32>
          %parallel_loop3A_930 = arith.mulf %parallel_loop3A_929, %parallel_loop3A_844 : vector<16xf32>
          %parallel_loop3A_931 = arith.addf %parallel_loop3A_928, %parallel_loop3A_930 : vector<16xf32>
          %parallel_loop3A_932 = vector.broadcast %add3A_229 : f32 to vector<16xf32>
          %parallel_loop3A_933 = arith.addf %parallel_loop3A_845, %parallel_loop3A_932 : vector<16xf32>
          %parallel_loop3A_934 = arith.addf %parallel_loop3A_931, %parallel_loop3A_933 : vector<16xf32>
          %parallel_loop3A_935 = arith.minimumf %parallel_loop3A_839, %parallel_loop3A_934 : vector<16xf32>
          %parallel_loop3A_936 = vector.broadcast %mul3A_231 : f32 to vector<16xf32>
          %parallel_loop3A_937 = arith.mulf %parallel_loop3A_936, %parallel_loop3A_842 : vector<16xf32>
          %parallel_loop3A_938 = vector.broadcast %mul3A_233 : f32 to vector<16xf32>
          %parallel_loop3A_939 = arith.mulf %parallel_loop3A_938, %parallel_loop3A_843 : vector<16xf32>
          %parallel_loop3A_940 = arith.addf %parallel_loop3A_937, %parallel_loop3A_939 : vector<16xf32>
          %parallel_loop3A_941 = vector.broadcast %mul3A_235 : f32 to vector<16xf32>
          %parallel_loop3A_942 = arith.mulf %parallel_loop3A_941, %parallel_loop3A_844 : vector<16xf32>
          %parallel_loop3A_943 = arith.addf %parallel_loop3A_940, %parallel_loop3A_942 : vector<16xf32>
          %parallel_loop3A_944 = vector.broadcast %add3A_240 : f32 to vector<16xf32>
          %parallel_loop3A_945 = arith.addf %parallel_loop3A_845, %parallel_loop3A_944 : vector<16xf32>
          %parallel_loop3A_946 = arith.addf %parallel_loop3A_943, %parallel_loop3A_945 : vector<16xf32>
          %parallel_loop3A_947 = arith.minimumf %parallel_loop3A_840, %parallel_loop3A_946 : vector<16xf32>
          %parallel_loop3A_948 = vector.broadcast %mul3A_242 : f32 to vector<16xf32>
          %parallel_loop3A_949 = arith.mulf %parallel_loop3A_948, %parallel_loop3A_842 : vector<16xf32>
          %parallel_loop3A_950 = vector.broadcast %mul3A_244 : f32 to vector<16xf32>
          %parallel_loop3A_951 = arith.mulf %parallel_loop3A_950, %parallel_loop3A_843 : vector<16xf32>
          %parallel_loop3A_952 = arith.addf %parallel_loop3A_949, %parallel_loop3A_951 : vector<16xf32>
          %parallel_loop3A_953 = vector.broadcast %mul3A_246 : f32 to vector<16xf32>
          %parallel_loop3A_954 = arith.mulf %parallel_loop3A_953, %parallel_loop3A_844 : vector<16xf32>
          %parallel_loop3A_955 = arith.addf %parallel_loop3A_952, %parallel_loop3A_954 : vector<16xf32>
          %parallel_loop3A_956 = vector.broadcast %add3A_251 : f32 to vector<16xf32>
          %parallel_loop3A_957 = arith.addf %parallel_loop3A_845, %parallel_loop3A_956 : vector<16xf32>
          %parallel_loop3A_958 = arith.addf %parallel_loop3A_955, %parallel_loop3A_957 : vector<16xf32>
          %parallel_loop3A_959 = arith.minimumf %parallel_loop3A_841, %parallel_loop3A_958 : vector<16xf32>
          %parallel_loop3A_960 = arith.index_cast %parallel_loop3A_863 : i32 to index
          %parallel_loop3A_961 = tpu.vector_load %arg21[%parallel_loop3A_960] {strides = array<i32>} : memref<8208xf32, #tpu.memory_space<vmem>>, vector<16xf32>,
          %parallel_loop3A_962 = vector.shape_cast %parallel_loop3A_961 : vector<16xf32> to vector<16xf32>
          %parallel_loop3A_963 = arith.minimumf %parallel_loop3A_874, %parallel_loop3A_886 : vector<16xf32>
          %parallel_loop3A_964 = arith.minimumf %parallel_loop3A_898, %parallel_loop3A_910 : vector<16xf32>
          %parallel_loop3A_965 = arith.minimumf %parallel_loop3A_922, %parallel_loop3A_934 : vector<16xf32>
          %parallel_loop3A_966 = arith.minimumf %parallel_loop3A_946, %parallel_loop3A_958 : vector<16xf32>
          %parallel_loop3A_967 = arith.minimumf %parallel_loop3A_963, %parallel_loop3A_964 : vector<16xf32>
          %parallel_loop3A_968 = arith.minimumf %parallel_loop3A_965, %parallel_loop3A_966 : vector<16xf32>
          %parallel_loop3A_969 = arith.minimumf %parallel_loop3A_967, %parallel_loop3A_968 : vector<16xf32>
          %parallel_loop3A_970 = arith.minimumf %parallel_loop3A_962, %parallel_loop3A_969 : vector<16xf32>
          %parallel_loop3A_971 = arith.index_cast %parallel_loop3A_863 : i32 to index
          %parallel_loop3A_972 = tpu.vector_load %arg21[%parallel_loop3A_971] {strides = array<i32>} : memref<8208xf32, #tpu.memory_space<vmem>>, vector<16xf32>,
          %parallel_loop3A_973 = vector.shape_cast %parallel_loop3A_972 : vector<16xf32> to vector<16xf32>
          %parallel_loop3A_974 = vector.shape_cast %parallel_loop3A_970 : vector<16xf32> to vector<16xf32>
          tpu.vector_store %arg21[%parallel_loop3A_971], %parallel_loop3A_974 {strides = array<i32>} : memref<8208xf32, #tpu.memory_space<vmem>>, vector<16xf32>,
          scf.yield %parallel_loop3A_875, %parallel_loop3A_887, %parallel_loop3A_899, %parallel_loop3A_911, %parallel_loop3A_923, %parallel_loop3A_935, %parallel_loop3A_947, %parallel_loop3A_959, %parallel_loop3A_852, %parallel_loop3A_855, %parallel_loop3A_858, %parallel_loop3A_861 : vector<16xf32>, vector<16xf32>, vector<16xf32>, vector<16xf32>, vector<16xf32>, vector<16xf32>, vector<16xf32>, vector<16xf32>, vector<16xf32>, vector<16xf32>, vector<16xf32>, vector<16xf32>
        } {sc.loop_unroll_factor = 4 : i64, sc.parallel_access}
        %add3A_752 = arith.constant 0 : i32
        %add3A_753 = arith.addi %mul3A_54, %add3A_752 : i32
        %add3A_754 = arith.constant 0 : i32
        %add3A_755 = arith.addi %add3A_753, %add3A_754 : i32
        %mul3A_756 = arith.constant 16 : i32
        %mul3A_757 = arith.muli %add3A_755, %mul3A_756 : i32
        %swap3A_758 = arith.index_cast %mul3A_757 : i32 to index
        %swap3A_759 = tpu.vector_load %arg22[%swap3A_758] {strides = array<i32>} : memref<4096xf32, #tpu.memory_space<vmem>>, vector<16xf32>,
        %swap3A_760 = vector.shape_cast %swap3A_759 : vector<16xf32> to vector<16xf32>
        %swap3A_761 = vector.shape_cast %parallel_loop3A_751#0 : vector<16xf32> to vector<16xf32>
        tpu.vector_store %arg22[%swap3A_758], %swap3A_761 {strides = array<i32>} : memref<4096xf32, #tpu.memory_space<vmem>>, vector<16xf32>,
        %add3A_762 = arith.constant 0 : i32
        %add3A_763 = arith.addi %mul3A_54, %add3A_762 : i32
        %add3A_764 = arith.constant 1 : i32
        %add3A_765 = arith.addi %add3A_763, %add3A_764 : i32
        %mul3A_766 = arith.constant 16 : i32
        %mul3A_767 = arith.muli %add3A_765, %mul3A_766 : i32
        %swap3A_768 = arith.index_cast %mul3A_767 : i32 to index
        %swap3A_769 = tpu.vector_load %arg22[%swap3A_768] {strides = array<i32>} : memref<4096xf32, #tpu.memory_space<vmem>>, vector<16xf32>,
        %swap3A_770 = vector.shape_cast %swap3A_769 : vector<16xf32> to vector<16xf32>
        %swap3A_771 = vector.shape_cast %parallel_loop3A_751#1 : vector<16xf32> to vector<16xf32>
        tpu.vector_store %arg22[%swap3A_768], %swap3A_771 {strides = array<i32>} : memref<4096xf32, #tpu.memory_space<vmem>>, vector<16xf32>,
        %add3A_772 = arith.constant 0 : i32
        %add3A_773 = arith.addi %mul3A_54, %add3A_772 : i32
        %add3A_774 = arith.constant 2 : i32
        %add3A_775 = arith.addi %add3A_773, %add3A_774 : i32
        %mul3A_776 = arith.constant 16 : i32
        %mul3A_777 = arith.muli %add3A_775, %mul3A_776 : i32
        %swap3A_778 = arith.index_cast %mul3A_777 : i32 to index
        %swap3A_779 = tpu.vector_load %arg22[%swap3A_778] {strides = array<i32>} : memref<4096xf32, #tpu.memory_space<vmem>>, vector<16xf32>,
        %swap3A_780 = vector.shape_cast %swap3A_779 : vector<16xf32> to vector<16xf32>
        %swap3A_781 = vector.shape_cast %parallel_loop3A_751#2 : vector<16xf32> to vector<16xf32>
        tpu.vector_store %arg22[%swap3A_778], %swap3A_781 {strides = array<i32>} : memref<4096xf32, #tpu.memory_space<vmem>>, vector<16xf32>,
        %add3A_782 = arith.constant 0 : i32
        %add3A_783 = arith.addi %mul3A_54, %add3A_782 : i32
        %add3A_784 = arith.constant 3 : i32
        %add3A_785 = arith.addi %add3A_783, %add3A_784 : i32
        %mul3A_786 = arith.constant 16 : i32
        %mul3A_787 = arith.muli %add3A_785, %mul3A_786 : i32
        %swap3A_788 = arith.index_cast %mul3A_787 : i32 to index
        %swap3A_789 = tpu.vector_load %arg22[%swap3A_788] {strides = array<i32>} : memref<4096xf32, #tpu.memory_space<vmem>>, vector<16xf32>,
        %swap3A_790 = vector.shape_cast %swap3A_789 : vector<16xf32> to vector<16xf32>
        %swap3A_791 = vector.shape_cast %parallel_loop3A_751#3 : vector<16xf32> to vector<16xf32>
        tpu.vector_store %arg22[%swap3A_788], %swap3A_791 {strides = array<i32>} : memref<4096xf32, #tpu.memory_space<vmem>>, vector<16xf32>,
        %add3A_792 = arith.constant 0 : i32
        %add3A_793 = arith.addi %mul3A_54, %add3A_792 : i32
        %add3A_794 = arith.constant 4 : i32
        %add3A_795 = arith.addi %add3A_793, %add3A_794 : i32
        %mul3A_796 = arith.constant 16 : i32
        %mul3A_797 = arith.muli %add3A_795, %mul3A_796 : i32
        %swap3A_798 = arith.index_cast %mul3A_797 : i32 to index
        %swap3A_799 = tpu.vector_load %arg22[%swap3A_798] {strides = array<i32>} : memref<4096xf32, #tpu.memory_space<vmem>>, vector<16xf32>,
        %swap3A_800 = vector.shape_cast %swap3A_799 : vector<16xf32> to vector<16xf32>
        %swap3A_801 = vector.shape_cast %parallel_loop3A_751#4 : vector<16xf32> to vector<16xf32>
        tpu.vector_store %arg22[%swap3A_798], %swap3A_801 {strides = array<i32>} : memref<4096xf32, #tpu.memory_space<vmem>>, vector<16xf32>,
        %add3A_802 = arith.constant 0 : i32
        %add3A_803 = arith.addi %mul3A_54, %add3A_802 : i32
        %add3A_804 = arith.constant 5 : i32
        %add3A_805 = arith.addi %add3A_803, %add3A_804 : i32
        %mul3A_806 = arith.constant 16 : i32
        %mul3A_807 = arith.muli %add3A_805, %mul3A_806 : i32
        %swap3A_808 = arith.index_cast %mul3A_807 : i32 to index
        %swap3A_809 = tpu.vector_load %arg22[%swap3A_808] {strides = array<i32>} : memref<4096xf32, #tpu.memory_space<vmem>>, vector<16xf32>,
        %swap3A_810 = vector.shape_cast %swap3A_809 : vector<16xf32> to vector<16xf32>
        %swap3A_811 = vector.shape_cast %parallel_loop3A_751#5 : vector<16xf32> to vector<16xf32>
        tpu.vector_store %arg22[%swap3A_808], %swap3A_811 {strides = array<i32>} : memref<4096xf32, #tpu.memory_space<vmem>>, vector<16xf32>,
        %add3A_812 = arith.constant 0 : i32
        %add3A_813 = arith.addi %mul3A_54, %add3A_812 : i32
        %add3A_814 = arith.constant 6 : i32
        %add3A_815 = arith.addi %add3A_813, %add3A_814 : i32
        %mul3A_816 = arith.constant 16 : i32
        %mul3A_817 = arith.muli %add3A_815, %mul3A_816 : i32
        %swap3A_818 = arith.index_cast %mul3A_817 : i32 to index
        %swap3A_819 = tpu.vector_load %arg22[%swap3A_818] {strides = array<i32>} : memref<4096xf32, #tpu.memory_space<vmem>>, vector<16xf32>,
        %swap3A_820 = vector.shape_cast %swap3A_819 : vector<16xf32> to vector<16xf32>
        %swap3A_821 = vector.shape_cast %parallel_loop3A_751#6 : vector<16xf32> to vector<16xf32>
        tpu.vector_store %arg22[%swap3A_818], %swap3A_821 {strides = array<i32>} : memref<4096xf32, #tpu.memory_space<vmem>>, vector<16xf32>,
        %add3A_822 = arith.constant 0 : i32
        %add3A_823 = arith.addi %mul3A_54, %add3A_822 : i32
        %add3A_824 = arith.constant 7 : i32
        %add3A_825 = arith.addi %add3A_823, %add3A_824 : i32
        %mul3A_826 = arith.constant 16 : i32
        %mul3A_827 = arith.muli %add3A_825, %mul3A_826 : i32
        %swap3A_828 = arith.index_cast %mul3A_827 : i32 to index
        %swap3A_829 = tpu.vector_load %arg22[%swap3A_828] {strides = array<i32>} : memref<4096xf32, #tpu.memory_space<vmem>>, vector<16xf32>,
        %swap3A_830 = vector.shape_cast %swap3A_829 : vector<16xf32> to vector<16xf32>
        %swap3A_831 = vector.shape_cast %parallel_loop3A_751#7 : vector<16xf32> to vector<16xf32>
        tpu.vector_store %arg22[%swap3A_828], %swap3A_831 {strides = array<i32>} : memref<4096xf32, #tpu.memory_space<vmem>>, vector<16xf32>,
        %cond3A_832 = arith.constant 0 : i32
        scf.yield %cond3A_832 : i32
      } else {
        %broadcast_in_dim3A_412 = arith.constant 3.400000e+38 : f32
        %broadcast_in_dim3A_413 = vector.broadcast %broadcast_in_dim3A_412 : f32 to vector<16xf32>
        %mul3A_414 = arith.constant 16 : i32
        %mul3A_415 = arith.muli %shift_right_logical3A_89, %mul3A_414 : i32
        %mul3A_416 = arith.constant 16 : i32
        %mul3A_417 = arith.muli %shift_right_logical3A_89, %mul3A_416 : i32
        %get3A_418 = arith.index_cast %mul3A_417 : i32 to index
        %get3A_419 = tpu.vector_load %arg12[%get3A_418] {strides = array<i32>} : memref<8208xf32, #tpu.memory_space<vmem>>, vector<16xf32>,
        %get3A_420 = vector.shape_cast %get3A_419 : vector<16xf32> to vector<16xf32>
        %get3A_421 = arith.index_cast %mul3A_417 : i32 to index
        %get3A_422 = tpu.vector_load %arg13[%get3A_421] {strides = array<i32>} : memref<8208xf32, #tpu.memory_space<vmem>>, vector<16xf32>,
        %get3A_423 = vector.shape_cast %get3A_422 : vector<16xf32> to vector<16xf32>
        %get3A_424 = arith.index_cast %mul3A_417 : i32 to index
        %get3A_425 = tpu.vector_load %arg14[%get3A_424] {strides = array<i32>} : memref<8208xf32, #tpu.memory_space<vmem>>, vector<16xf32>,
        %get3A_426 = vector.shape_cast %get3A_425 : vector<16xf32> to vector<16xf32>
        %get3A_427 = arith.index_cast %mul3A_417 : i32 to index
        %get3A_428 = tpu.vector_load %arg20[%get3A_427] {strides = array<i32>} : memref<8208xf32, #tpu.memory_space<vmem>>, vector<16xf32>,
        %get3A_429 = vector.shape_cast %get3A_428 : vector<16xf32> to vector<16xf32>
        %get3A_430 = arith.index_cast %mul3A_417 : i32 to index
        %get3A_431 = tpu.vector_load %arg15[%get3A_430] {strides = array<i32>} : memref<8208xf32, #tpu.memory_space<vmem>>, vector<16xf32>,
        %get3A_432 = vector.shape_cast %get3A_431 : vector<16xf32> to vector<16xf32>
        %sub3A_433 = vector.broadcast %squeeze3A_107 : f32 to vector<16xf32>
        %sub3A_434 = arith.subf %sub3A_433, %get3A_432 : vector<16xf32>
        %mul3A_435 = vector.broadcast %mul3A_165 : f32 to vector<16xf32>
        %mul3A_436 = arith.mulf %mul3A_435, %get3A_420 : vector<16xf32>
        %mul3A_437 = vector.broadcast %mul3A_167 : f32 to vector<16xf32>
        %mul3A_438 = arith.mulf %mul3A_437, %get3A_423 : vector<16xf32>
        %add3A_439 = arith.addf %mul3A_436, %mul3A_438 : vector<16xf32>
        %mul3A_440 = vector.broadcast %mul3A_169 : f32 to vector<16xf32>
        %mul3A_441 = arith.mulf %mul3A_440, %get3A_426 : vector<16xf32>
        %add3A_442 = arith.addf %add3A_439, %mul3A_441 : vector<16xf32>
        %mul3A_443 = arith.mulf %sub3A_434, %sub3A_434 : vector<16xf32>
        %add3A_444 = arith.addf %get3A_429, %mul3A_443 : vector<16xf32>
        %add3A_445 = arith.addf %add3A_442, %add3A_444 : vector<16xf32>
        %add3A_446 = vector.broadcast %add3A_174 : f32 to vector<16xf32>
        %add3A_447 = arith.addf %add3A_445, %add3A_446 : vector<16xf32>
        %min3A = arith.minimumf %broadcast_in_dim3A_413, %add3A_447 : vector<16xf32>
        %sub3A_448 = vector.broadcast %squeeze3A_115 : f32 to vector<16xf32>
        %sub3A_449 = arith.subf %sub3A_448, %get3A_432 : vector<16xf32>
        %mul3A_450 = vector.broadcast %mul3A_176 : f32 to vector<16xf32>
        %mul3A_451 = arith.mulf %mul3A_450, %get3A_420 : vector<16xf32>
        %mul3A_452 = vector.broadcast %mul3A_178 : f32 to vector<16xf32>
        %mul3A_453 = arith.mulf %mul3A_452, %get3A_423 : vector<16xf32>
        %add3A_454 = arith.addf %mul3A_451, %mul3A_453 : vector<16xf32>
        %mul3A_455 = vector.broadcast %mul3A_180 : f32 to vector<16xf32>
        %mul3A_456 = arith.mulf %mul3A_455, %get3A_426 : vector<16xf32>
        %add3A_457 = arith.addf %add3A_454, %mul3A_456 : vector<16xf32>
        %mul3A_458 = arith.mulf %sub3A_449, %sub3A_449 : vector<16xf32>
        %add3A_459 = arith.addf %get3A_429, %mul3A_458 : vector<16xf32>
        %add3A_460 = arith.addf %add3A_457, %add3A_459 : vector<16xf32>
        %add3A_461 = vector.broadcast %add3A_185 : f32 to vector<16xf32>
        %add3A_462 = arith.addf %add3A_460, %add3A_461 : vector<16xf32>
        %min3A_463 = arith.minimumf %broadcast_in_dim3A_413, %add3A_462 : vector<16xf32>
        %sub3A_464 = vector.broadcast %squeeze3A_123 : f32 to vector<16xf32>
        %sub3A_465 = arith.subf %sub3A_464, %get3A_432 : vector<16xf32>
        %mul3A_466 = vector.broadcast %mul3A_187 : f32 to vector<16xf32>
        %mul3A_467 = arith.mulf %mul3A_466, %get3A_420 : vector<16xf32>
        %mul3A_468 = vector.broadcast %mul3A_189 : f32 to vector<16xf32>
        %mul3A_469 = arith.mulf %mul3A_468, %get3A_423 : vector<16xf32>
        %add3A_470 = arith.addf %mul3A_467, %mul3A_469 : vector<16xf32>
        %mul3A_471 = vector.broadcast %mul3A_191 : f32 to vector<16xf32>
        %mul3A_472 = arith.mulf %mul3A_471, %get3A_426 : vector<16xf32>
        %add3A_473 = arith.addf %add3A_470, %mul3A_472 : vector<16xf32>
        %mul3A_474 = arith.mulf %sub3A_465, %sub3A_465 : vector<16xf32>
        %add3A_475 = arith.addf %get3A_429, %mul3A_474 : vector<16xf32>
        %add3A_476 = arith.addf %add3A_473, %add3A_475 : vector<16xf32>
        %add3A_477 = vector.broadcast %add3A_196 : f32 to vector<16xf32>
        %add3A_478 = arith.addf %add3A_476, %add3A_477 : vector<16xf32>
        %min3A_479 = arith.minimumf %broadcast_in_dim3A_413, %add3A_478 : vector<16xf32>
        %sub3A_480 = vector.broadcast %squeeze3A_131 : f32 to vector<16xf32>
        %sub3A_481 = arith.subf %sub3A_480, %get3A_432 : vector<16xf32>
        %mul3A_482 = vector.broadcast %mul3A_198 : f32 to vector<16xf32>
        %mul3A_483 = arith.mulf %mul3A_482, %get3A_420 : vector<16xf32>
        %mul3A_484 = vector.broadcast %mul3A_200 : f32 to vector<16xf32>
        %mul3A_485 = arith.mulf %mul3A_484, %get3A_423 : vector<16xf32>
        %add3A_486 = arith.addf %mul3A_483, %mul3A_485 : vector<16xf32>
        %mul3A_487 = vector.broadcast %mul3A_202 : f32 to vector<16xf32>
        %mul3A_488 = arith.mulf %mul3A_487, %get3A_426 : vector<16xf32>
        %add3A_489 = arith.addf %add3A_486, %mul3A_488 : vector<16xf32>
        %mul3A_490 = arith.mulf %sub3A_481, %sub3A_481 : vector<16xf32>
        %add3A_491 = arith.addf %get3A_429, %mul3A_490 : vector<16xf32>
        %add3A_492 = arith.addf %add3A_489, %add3A_491 : vector<16xf32>
        %add3A_493 = vector.broadcast %add3A_207 : f32 to vector<16xf32>
        %add3A_494 = arith.addf %add3A_492, %add3A_493 : vector<16xf32>
        %min3A_495 = arith.minimumf %broadcast_in_dim3A_413, %add3A_494 : vector<16xf32>
        %sub3A_496 = vector.broadcast %squeeze3A_139 : f32 to vector<16xf32>
        %sub3A_497 = arith.subf %sub3A_496, %get3A_432 : vector<16xf32>
        %mul3A_498 = vector.broadcast %mul3A_209 : f32 to vector<16xf32>
        %mul3A_499 = arith.mulf %mul3A_498, %get3A_420 : vector<16xf32>
        %mul3A_500 = vector.broadcast %mul3A_211 : f32 to vector<16xf32>
        %mul3A_501 = arith.mulf %mul3A_500, %get3A_423 : vector<16xf32>
        %add3A_502 = arith.addf %mul3A_499, %mul3A_501 : vector<16xf32>
        %mul3A_503 = vector.broadcast %mul3A_213 : f32 to vector<16xf32>
        %mul3A_504 = arith.mulf %mul3A_503, %get3A_426 : vector<16xf32>
        %add3A_505 = arith.addf %add3A_502, %mul3A_504 : vector<16xf32>
        %mul3A_506 = arith.mulf %sub3A_497, %sub3A_497 : vector<16xf32>
        %add3A_507 = arith.addf %get3A_429, %mul3A_506 : vector<16xf32>
        %add3A_508 = arith.addf %add3A_505, %add3A_507 : vector<16xf32>
        %add3A_509 = vector.broadcast %add3A_218 : f32 to vector<16xf32>
        %add3A_510 = arith.addf %add3A_508, %add3A_509 : vector<16xf32>
        %min3A_511 = arith.minimumf %broadcast_in_dim3A_413, %add3A_510 : vector<16xf32>
        %sub3A_512 = vector.broadcast %squeeze3A_147 : f32 to vector<16xf32>
        %sub3A_513 = arith.subf %sub3A_512, %get3A_432 : vector<16xf32>
        %mul3A_514 = vector.broadcast %mul3A_220 : f32 to vector<16xf32>
        %mul3A_515 = arith.mulf %mul3A_514, %get3A_420 : vector<16xf32>
        %mul3A_516 = vector.broadcast %mul3A_222 : f32 to vector<16xf32>
        %mul3A_517 = arith.mulf %mul3A_516, %get3A_423 : vector<16xf32>
        %add3A_518 = arith.addf %mul3A_515, %mul3A_517 : vector<16xf32>
        %mul3A_519 = vector.broadcast %mul3A_224 : f32 to vector<16xf32>
        %mul3A_520 = arith.mulf %mul3A_519, %get3A_426 : vector<16xf32>
        %add3A_521 = arith.addf %add3A_518, %mul3A_520 : vector<16xf32>
        %mul3A_522 = arith.mulf %sub3A_513, %sub3A_513 : vector<16xf32>
        %add3A_523 = arith.addf %get3A_429, %mul3A_522 : vector<16xf32>
        %add3A_524 = arith.addf %add3A_521, %add3A_523 : vector<16xf32>
        %add3A_525 = vector.broadcast %add3A_229 : f32 to vector<16xf32>
        %add3A_526 = arith.addf %add3A_524, %add3A_525 : vector<16xf32>
        %min3A_527 = arith.minimumf %broadcast_in_dim3A_413, %add3A_526 : vector<16xf32>
        %sub3A_528 = vector.broadcast %squeeze3A_155 : f32 to vector<16xf32>
        %sub3A_529 = arith.subf %sub3A_528, %get3A_432 : vector<16xf32>
        %mul3A_530 = vector.broadcast %mul3A_231 : f32 to vector<16xf32>
        %mul3A_531 = arith.mulf %mul3A_530, %get3A_420 : vector<16xf32>
        %mul3A_532 = vector.broadcast %mul3A_233 : f32 to vector<16xf32>
        %mul3A_533 = arith.mulf %mul3A_532, %get3A_423 : vector<16xf32>
        %add3A_534 = arith.addf %mul3A_531, %mul3A_533 : vector<16xf32>
        %mul3A_535 = vector.broadcast %mul3A_235 : f32 to vector<16xf32>
        %mul3A_536 = arith.mulf %mul3A_535, %get3A_426 : vector<16xf32>
        %add3A_537 = arith.addf %add3A_534, %mul3A_536 : vector<16xf32>
        %mul3A_538 = arith.mulf %sub3A_529, %sub3A_529 : vector<16xf32>
        %add3A_539 = arith.addf %get3A_429, %mul3A_538 : vector<16xf32>
        %add3A_540 = arith.addf %add3A_537, %add3A_539 : vector<16xf32>
        %add3A_541 = vector.broadcast %add3A_240 : f32 to vector<16xf32>
        %add3A_542 = arith.addf %add3A_540, %add3A_541 : vector<16xf32>
        %min3A_543 = arith.minimumf %broadcast_in_dim3A_413, %add3A_542 : vector<16xf32>
        %sub3A_544 = vector.broadcast %squeeze3A_163 : f32 to vector<16xf32>
        %sub3A_545 = arith.subf %sub3A_544, %get3A_432 : vector<16xf32>
        %mul3A_546 = vector.broadcast %mul3A_242 : f32 to vector<16xf32>
        %mul3A_547 = arith.mulf %mul3A_546, %get3A_420 : vector<16xf32>
        %mul3A_548 = vector.broadcast %mul3A_244 : f32 to vector<16xf32>
        %mul3A_549 = arith.mulf %mul3A_548, %get3A_423 : vector<16xf32>
        %add3A_550 = arith.addf %mul3A_547, %mul3A_549 : vector<16xf32>
        %mul3A_551 = vector.broadcast %mul3A_246 : f32 to vector<16xf32>
        %mul3A_552 = arith.mulf %mul3A_551, %get3A_426 : vector<16xf32>
        %add3A_553 = arith.addf %add3A_550, %mul3A_552 : vector<16xf32>
        %mul3A_554 = arith.mulf %sub3A_545, %sub3A_545 : vector<16xf32>
        %add3A_555 = arith.addf %get3A_429, %mul3A_554 : vector<16xf32>
        %add3A_556 = arith.addf %add3A_553, %add3A_555 : vector<16xf32>
        %add3A_557 = vector.broadcast %add3A_251 : f32 to vector<16xf32>
        %add3A_558 = arith.addf %add3A_556, %add3A_557 : vector<16xf32>
        %min3A_559 = arith.minimumf %broadcast_in_dim3A_413, %add3A_558 : vector<16xf32>
        %get3A_560 = arith.index_cast %mul3A_415 : i32 to index
        %get3A_561 = tpu.vector_load %arg21[%get3A_560] {strides = array<i32>} : memref<8208xf32, #tpu.memory_space<vmem>>, vector<16xf32>,
        %get3A_562 = vector.shape_cast %get3A_561 : vector<16xf32> to vector<16xf32>
        %min3A_563 = arith.minimumf %add3A_447, %add3A_462 : vector<16xf32>
        %min3A_564 = arith.minimumf %add3A_478, %add3A_494 : vector<16xf32>
        %min3A_565 = arith.minimumf %add3A_510, %add3A_526 : vector<16xf32>
        %min3A_566 = arith.minimumf %add3A_542, %add3A_558 : vector<16xf32>
        %min3A_567 = arith.minimumf %min3A_563, %min3A_564 : vector<16xf32>
        %min3A_568 = arith.minimumf %min3A_565, %min3A_566 : vector<16xf32>
        %min3A_569 = arith.minimumf %min3A_567, %min3A_568 : vector<16xf32>
        %min3A_570 = arith.minimumf %get3A_562, %min3A_569 : vector<16xf32>
        %swap3A_571 = arith.index_cast %mul3A_415 : i32 to index
        %swap3A_572 = tpu.vector_load %arg21[%swap3A_571] {strides = array<i32>} : memref<8208xf32, #tpu.memory_space<vmem>>, vector<16xf32>,
        %swap3A_573 = vector.shape_cast %swap3A_572 : vector<16xf32> to vector<16xf32>
        %swap3A_574 = vector.shape_cast %min3A_570 : vector<16xf32> to vector<16xf32>
        tpu.vector_store %arg21[%swap3A_571], %swap3A_574 {strides = array<i32>} : memref<8208xf32, #tpu.memory_space<vmem>>, vector<16xf32>,
        %mul3A_575 = arith.constant 16 : i32
        %mul3A_576 = arith.muli %max3A, %mul3A_575 : i32
        %mul3A_577 = arith.constant 16 : i32
        %mul3A_578 = arith.muli %max3A, %mul3A_577 : i32
        %get3A_579 = arith.index_cast %mul3A_578 : i32 to index
        %get3A_580 = tpu.vector_load %arg12[%get3A_579] {strides = array<i32>} : memref<8208xf32, #tpu.memory_space<vmem>>, vector<16xf32>,
        %get3A_581 = vector.shape_cast %get3A_580 : vector<16xf32> to vector<16xf32>
        %get3A_582 = arith.index_cast %mul3A_578 : i32 to index
        %get3A_583 = tpu.vector_load %arg13[%get3A_582] {strides = array<i32>} : memref<8208xf32, #tpu.memory_space<vmem>>, vector<16xf32>,
        %get3A_584 = vector.shape_cast %get3A_583 : vector<16xf32> to vector<16xf32>
        %get3A_585 = arith.index_cast %mul3A_578 : i32 to index
        %get3A_586 = tpu.vector_load %arg14[%get3A_585] {strides = array<i32>} : memref<8208xf32, #tpu.memory_space<vmem>>, vector<16xf32>,
        %get3A_587 = vector.shape_cast %get3A_586 : vector<16xf32> to vector<16xf32>
        %get3A_588 = arith.index_cast %mul3A_578 : i32 to index
        %get3A_589 = tpu.vector_load %arg20[%get3A_588] {strides = array<i32>} : memref<8208xf32, #tpu.memory_space<vmem>>, vector<16xf32>,
        %get3A_590 = vector.shape_cast %get3A_589 : vector<16xf32> to vector<16xf32>
        %get3A_591 = arith.index_cast %mul3A_578 : i32 to index
        %get3A_592 = tpu.vector_load %arg15[%get3A_591] {strides = array<i32>} : memref<8208xf32, #tpu.memory_space<vmem>>, vector<16xf32>,
        %get3A_593 = vector.shape_cast %get3A_592 : vector<16xf32> to vector<16xf32>
        %sub3A_594 = vector.broadcast %squeeze3A_107 : f32 to vector<16xf32>
        %sub3A_595 = arith.subf %sub3A_594, %get3A_593 : vector<16xf32>
        %mul3A_596 = vector.broadcast %mul3A_165 : f32 to vector<16xf32>
        %mul3A_597 = arith.mulf %mul3A_596, %get3A_581 : vector<16xf32>
        %mul3A_598 = vector.broadcast %mul3A_167 : f32 to vector<16xf32>
        %mul3A_599 = arith.mulf %mul3A_598, %get3A_584 : vector<16xf32>
        %add3A_600 = arith.addf %mul3A_597, %mul3A_599 : vector<16xf32>
        %mul3A_601 = vector.broadcast %mul3A_169 : f32 to vector<16xf32>
        %mul3A_602 = arith.mulf %mul3A_601, %get3A_587 : vector<16xf32>
        %add3A_603 = arith.addf %add3A_600, %mul3A_602 : vector<16xf32>
        %mul3A_604 = arith.mulf %sub3A_595, %sub3A_595 : vector<16xf32>
        %add3A_605 = arith.addf %get3A_590, %mul3A_604 : vector<16xf32>
        %add3A_606 = arith.addf %add3A_603, %add3A_605 : vector<16xf32>
        %add3A_607 = vector.broadcast %add3A_174 : f32 to vector<16xf32>
        %add3A_608 = arith.addf %add3A_606, %add3A_607 : vector<16xf32>
        %min3A_609 = arith.minimumf %min3A, %add3A_608 : vector<16xf32>
        %sub3A_610 = vector.broadcast %squeeze3A_115 : f32 to vector<16xf32>
        %sub3A_611 = arith.subf %sub3A_610, %get3A_593 : vector<16xf32>
        %mul3A_612 = vector.broadcast %mul3A_176 : f32 to vector<16xf32>
        %mul3A_613 = arith.mulf %mul3A_612, %get3A_581 : vector<16xf32>
        %mul3A_614 = vector.broadcast %mul3A_178 : f32 to vector<16xf32>
        %mul3A_615 = arith.mulf %mul3A_614, %get3A_584 : vector<16xf32>
        %add3A_616 = arith.addf %mul3A_613, %mul3A_615 : vector<16xf32>
        %mul3A_617 = vector.broadcast %mul3A_180 : f32 to vector<16xf32>
        %mul3A_618 = arith.mulf %mul3A_617, %get3A_587 : vector<16xf32>
        %add3A_619 = arith.addf %add3A_616, %mul3A_618 : vector<16xf32>
        %mul3A_620 = arith.mulf %sub3A_611, %sub3A_611 : vector<16xf32>
        %add3A_621 = arith.addf %get3A_590, %mul3A_620 : vector<16xf32>
        %add3A_622 = arith.addf %add3A_619, %add3A_621 : vector<16xf32>
        %add3A_623 = vector.broadcast %add3A_185 : f32 to vector<16xf32>
        %add3A_624 = arith.addf %add3A_622, %add3A_623 : vector<16xf32>
        %min3A_625 = arith.minimumf %min3A_463, %add3A_624 : vector<16xf32>
        %sub3A_626 = vector.broadcast %squeeze3A_123 : f32 to vector<16xf32>
        %sub3A_627 = arith.subf %sub3A_626, %get3A_593 : vector<16xf32>
        %mul3A_628 = vector.broadcast %mul3A_187 : f32 to vector<16xf32>
        %mul3A_629 = arith.mulf %mul3A_628, %get3A_581 : vector<16xf32>
        %mul3A_630 = vector.broadcast %mul3A_189 : f32 to vector<16xf32>
        %mul3A_631 = arith.mulf %mul3A_630, %get3A_584 : vector<16xf32>
        %add3A_632 = arith.addf %mul3A_629, %mul3A_631 : vector<16xf32>
        %mul3A_633 = vector.broadcast %mul3A_191 : f32 to vector<16xf32>
        %mul3A_634 = arith.mulf %mul3A_633, %get3A_587 : vector<16xf32>
        %add3A_635 = arith.addf %add3A_632, %mul3A_634 : vector<16xf32>
        %mul3A_636 = arith.mulf %sub3A_627, %sub3A_627 : vector<16xf32>
        %add3A_637 = arith.addf %get3A_590, %mul3A_636 : vector<16xf32>
        %add3A_638 = arith.addf %add3A_635, %add3A_637 : vector<16xf32>
        %add3A_639 = vector.broadcast %add3A_196 : f32 to vector<16xf32>
        %add3A_640 = arith.addf %add3A_638, %add3A_639 : vector<16xf32>
        %min3A_641 = arith.minimumf %min3A_479, %add3A_640 : vector<16xf32>
        %sub3A_642 = vector.broadcast %squeeze3A_131 : f32 to vector<16xf32>
        %sub3A_643 = arith.subf %sub3A_642, %get3A_593 : vector<16xf32>
        %mul3A_644 = vector.broadcast %mul3A_198 : f32 to vector<16xf32>
        %mul3A_645 = arith.mulf %mul3A_644, %get3A_581 : vector<16xf32>
        %mul3A_646 = vector.broadcast %mul3A_200 : f32 to vector<16xf32>
        %mul3A_647 = arith.mulf %mul3A_646, %get3A_584 : vector<16xf32>
        %add3A_648 = arith.addf %mul3A_645, %mul3A_647 : vector<16xf32>
        %mul3A_649 = vector.broadcast %mul3A_202 : f32 to vector<16xf32>
        %mul3A_650 = arith.mulf %mul3A_649, %get3A_587 : vector<16xf32>
        %add3A_651 = arith.addf %add3A_648, %mul3A_650 : vector<16xf32>
        %mul3A_652 = arith.mulf %sub3A_643, %sub3A_643 : vector<16xf32>
        %add3A_653 = arith.addf %get3A_590, %mul3A_652 : vector<16xf32>
        %add3A_654 = arith.addf %add3A_651, %add3A_653 : vector<16xf32>
        %add3A_655 = vector.broadcast %add3A_207 : f32 to vector<16xf32>
        %add3A_656 = arith.addf %add3A_654, %add3A_655 : vector<16xf32>
        %min3A_657 = arith.minimumf %min3A_495, %add3A_656 : vector<16xf32>
        %sub3A_658 = vector.broadcast %squeeze3A_139 : f32 to vector<16xf32>
        %sub3A_659 = arith.subf %sub3A_658, %get3A_593 : vector<16xf32>
        %mul3A_660 = vector.broadcast %mul3A_209 : f32 to vector<16xf32>
        %mul3A_661 = arith.mulf %mul3A_660, %get3A_581 : vector<16xf32>
        %mul3A_662 = vector.broadcast %mul3A_211 : f32 to vector<16xf32>
        %mul3A_663 = arith.mulf %mul3A_662, %get3A_584 : vector<16xf32>
        %add3A_664 = arith.addf %mul3A_661, %mul3A_663 : vector<16xf32>
        %mul3A_665 = vector.broadcast %mul3A_213 : f32 to vector<16xf32>
        %mul3A_666 = arith.mulf %mul3A_665, %get3A_587 : vector<16xf32>
        %add3A_667 = arith.addf %add3A_664, %mul3A_666 : vector<16xf32>
        %mul3A_668 = arith.mulf %sub3A_659, %sub3A_659 : vector<16xf32>
        %add3A_669 = arith.addf %get3A_590, %mul3A_668 : vector<16xf32>
        %add3A_670 = arith.addf %add3A_667, %add3A_669 : vector<16xf32>
        %add3A_671 = vector.broadcast %add3A_218 : f32 to vector<16xf32>
        %add3A_672 = arith.addf %add3A_670, %add3A_671 : vector<16xf32>
        %min3A_673 = arith.minimumf %min3A_511, %add3A_672 : vector<16xf32>
        %sub3A_674 = vector.broadcast %squeeze3A_147 : f32 to vector<16xf32>
        %sub3A_675 = arith.subf %sub3A_674, %get3A_593 : vector<16xf32>
        %mul3A_676 = vector.broadcast %mul3A_220 : f32 to vector<16xf32>
        %mul3A_677 = arith.mulf %mul3A_676, %get3A_581 : vector<16xf32>
        %mul3A_678 = vector.broadcast %mul3A_222 : f32 to vector<16xf32>
        %mul3A_679 = arith.mulf %mul3A_678, %get3A_584 : vector<16xf32>
        %add3A_680 = arith.addf %mul3A_677, %mul3A_679 : vector<16xf32>
        %mul3A_681 = vector.broadcast %mul3A_224 : f32 to vector<16xf32>
        %mul3A_682 = arith.mulf %mul3A_681, %get3A_587 : vector<16xf32>
        %add3A_683 = arith.addf %add3A_680, %mul3A_682 : vector<16xf32>
        %mul3A_684 = arith.mulf %sub3A_675, %sub3A_675 : vector<16xf32>
        %add3A_685 = arith.addf %get3A_590, %mul3A_684 : vector<16xf32>
        %add3A_686 = arith.addf %add3A_683, %add3A_685 : vector<16xf32>
        %add3A_687 = vector.broadcast %add3A_229 : f32 to vector<16xf32>
        %add3A_688 = arith.addf %add3A_686, %add3A_687 : vector<16xf32>
        %min3A_689 = arith.minimumf %min3A_527, %add3A_688 : vector<16xf32>
        %sub3A_690 = vector.broadcast %squeeze3A_155 : f32 to vector<16xf32>
        %sub3A_691 = arith.subf %sub3A_690, %get3A_593 : vector<16xf32>
        %mul3A_692 = vector.broadcast %mul3A_231 : f32 to vector<16xf32>
        %mul3A_693 = arith.mulf %mul3A_692, %get3A_581 : vector<16xf32>
        %mul3A_694 = vector.broadcast %mul3A_233 : f32 to vector<16xf32>
        %mul3A_695 = arith.mulf %mul3A_694, %get3A_584 : vector<16xf32>
        %add3A_696 = arith.addf %mul3A_693, %mul3A_695 : vector<16xf32>
        %mul3A_697 = vector.broadcast %mul3A_235 : f32 to vector<16xf32>
        %mul3A_698 = arith.mulf %mul3A_697, %get3A_587 : vector<16xf32>
        %add3A_699 = arith.addf %add3A_696, %mul3A_698 : vector<16xf32>
        %mul3A_700 = arith.mulf %sub3A_691, %sub3A_691 : vector<16xf32>
        %add3A_701 = arith.addf %get3A_590, %mul3A_700 : vector<16xf32>
        %add3A_702 = arith.addf %add3A_699, %add3A_701 : vector<16xf32>
        %add3A_703 = vector.broadcast %add3A_240 : f32 to vector<16xf32>
        %add3A_704 = arith.addf %add3A_702, %add3A_703 : vector<16xf32>
        %min3A_705 = arith.minimumf %min3A_543, %add3A_704 : vector<16xf32>
        %sub3A_706 = vector.broadcast %squeeze3A_163 : f32 to vector<16xf32>
        %sub3A_707 = arith.subf %sub3A_706, %get3A_593 : vector<16xf32>
        %mul3A_708 = vector.broadcast %mul3A_242 : f32 to vector<16xf32>
        %mul3A_709 = arith.mulf %mul3A_708, %get3A_581 : vector<16xf32>
        %mul3A_710 = vector.broadcast %mul3A_244 : f32 to vector<16xf32>
        %mul3A_711 = arith.mulf %mul3A_710, %get3A_584 : vector<16xf32>
        %add3A_712 = arith.addf %mul3A_709, %mul3A_711 : vector<16xf32>
        %mul3A_713 = vector.broadcast %mul3A_246 : f32 to vector<16xf32>
        %mul3A_714 = arith.mulf %mul3A_713, %get3A_587 : vector<16xf32>
        %add3A_715 = arith.addf %add3A_712, %mul3A_714 : vector<16xf32>
        %mul3A_716 = arith.mulf %sub3A_707, %sub3A_707 : vector<16xf32>
        %add3A_717 = arith.addf %get3A_590, %mul3A_716 : vector<16xf32>
        %add3A_718 = arith.addf %add3A_715, %add3A_717 : vector<16xf32>
        %add3A_719 = vector.broadcast %add3A_251 : f32 to vector<16xf32>
        %add3A_720 = arith.addf %add3A_718, %add3A_719 : vector<16xf32>
        %min3A_721 = arith.minimumf %min3A_559, %add3A_720 : vector<16xf32>
        %get3A_722 = arith.index_cast %mul3A_576 : i32 to index
        %get3A_723 = tpu.vector_load %arg21[%get3A_722] {strides = array<i32>} : memref<8208xf32, #tpu.memory_space<vmem>>, vector<16xf32>,
        %get3A_724 = vector.shape_cast %get3A_723 : vector<16xf32> to vector<16xf32>
        %min3A_725 = arith.minimumf %add3A_608, %add3A_624 : vector<16xf32>
        %min3A_726 = arith.minimumf %add3A_640, %add3A_656 : vector<16xf32>
        %min3A_727 = arith.minimumf %add3A_672, %add3A_688 : vector<16xf32>
        %min3A_728 = arith.minimumf %add3A_704, %add3A_720 : vector<16xf32>
        %min3A_729 = arith.minimumf %min3A_725, %min3A_726 : vector<16xf32>
        %min3A_730 = arith.minimumf %min3A_727, %min3A_728 : vector<16xf32>
        %min3A_731 = arith.minimumf %min3A_729, %min3A_730 : vector<16xf32>
        %min3A_732 = arith.minimumf %get3A_724, %min3A_731 : vector<16xf32>
        %swap3A_733 = arith.index_cast %mul3A_576 : i32 to index
        %swap3A_734 = tpu.vector_load %arg21[%swap3A_733] {strides = array<i32>} : memref<8208xf32, #tpu.memory_space<vmem>>, vector<16xf32>,
        %swap3A_735 = vector.shape_cast %swap3A_734 : vector<16xf32> to vector<16xf32>
        %swap3A_736 = vector.shape_cast %min3A_732 : vector<16xf32> to vector<16xf32>
        tpu.vector_store %arg21[%swap3A_733], %swap3A_736 {strides = array<i32>} : memref<8208xf32, #tpu.memory_space<vmem>>, vector<16xf32>,
        %mul3A_737 = arith.constant 16 : i32
        %mul3A_738 = arith.muli %add3A_96, %mul3A_737 : i32
        %get3A_739 = arith.index_cast %mul3A_738 : i32 to index
        %get3A_740 = tpu.vector_load %arg12[%get3A_739] {strides = array<i32>} : memref<8208xf32, #tpu.memory_space<vmem>>, vector<16xf32>,
        %get3A_741 = vector.shape_cast %get3A_740 : vector<16xf32> to vector<16xf32>
        %get3A_742 = arith.index_cast %mul3A_738 : i32 to index
        %get3A_743 = tpu.vector_load %arg13[%get3A_742] {strides = array<i32>} : memref<8208xf32, #tpu.memory_space<vmem>>, vector<16xf32>,
        %get3A_744 = vector.shape_cast %get3A_743 : vector<16xf32> to vector<16xf32>
        %get3A_745 = arith.index_cast %mul3A_738 : i32 to index
        %get3A_746 = tpu.vector_load %arg14[%get3A_745] {strides = array<i32>} : memref<8208xf32, #tpu.memory_space<vmem>>, vector<16xf32>,
        %get3A_747 = vector.shape_cast %get3A_746 : vector<16xf32> to vector<16xf32>
        %get3A_748 = arith.index_cast %mul3A_738 : i32 to index
        %get3A_749 = tpu.vector_load %arg20[%get3A_748] {strides = array<i32>} : memref<8208xf32, #tpu.memory_space<vmem>>, vector<16xf32>,
        %get3A_750 = vector.shape_cast %get3A_749 : vector<16xf32> to vector<16xf32>
        %get3A_751 = arith.index_cast %mul3A_738 : i32 to index
        %get3A_752 = tpu.vector_load %arg15[%get3A_751] {strides = array<i32>} : memref<8208xf32, #tpu.memory_space<vmem>>, vector<16xf32>,
        %get3A_753 = vector.shape_cast %get3A_752 : vector<16xf32> to vector<16xf32>
        %parallel_loop3A = arith.constant 1 : i32
        %parallel_loop3A_754:13 = scf.for %parallel_loop3A_836 = %add3A_96 to %max3A_99 step %parallel_loop3A iter_args(%parallel_loop3A_837 = %min3A_609, %parallel_loop3A_838 = %min3A_625, %parallel_loop3A_839 = %min3A_641, %parallel_loop3A_840 = %min3A_657, %parallel_loop3A_841 = %min3A_673, %parallel_loop3A_842 = %min3A_689, %parallel_loop3A_843 = %min3A_705, %parallel_loop3A_844 = %min3A_721, %parallel_loop3A_845 = %get3A_741, %parallel_loop3A_846 = %get3A_744, %parallel_loop3A_847 = %get3A_747, %parallel_loop3A_848 = %get3A_750, %parallel_loop3A_849 = %get3A_753) -> (vector<16xf32>, vector<16xf32>, vector<16xf32>, vector<16xf32>, vector<16xf32>, vector<16xf32>, vector<16xf32>, vector<16xf32>, vector<16xf32>, vector<16xf32>, vector<16xf32>, vector<16xf32>, vector<16xf32>)  : i32 {
          %parallel_loop3A_850 = arith.constant 16 : i32
          %parallel_loop3A_851 = arith.muli %parallel_loop3A_836, %parallel_loop3A_850 : i32
          %parallel_loop3A_852 = arith.constant 16 : i32
          %parallel_loop3A_853 = arith.addi %parallel_loop3A_851, %parallel_loop3A_852 : i32
          %parallel_loop3A_854 = arith.index_cast %parallel_loop3A_853 : i32 to index
          %parallel_loop3A_855 = tpu.vector_load %arg12[%parallel_loop3A_854] {strides = array<i32>} : memref<8208xf32, #tpu.memory_space<vmem>>, vector<16xf32>,
          %parallel_loop3A_856 = vector.shape_cast %parallel_loop3A_855 : vector<16xf32> to vector<16xf32>
          %parallel_loop3A_857 = arith.index_cast %parallel_loop3A_853 : i32 to index
          %parallel_loop3A_858 = tpu.vector_load %arg13[%parallel_loop3A_857] {strides = array<i32>} : memref<8208xf32, #tpu.memory_space<vmem>>, vector<16xf32>,
          %parallel_loop3A_859 = vector.shape_cast %parallel_loop3A_858 : vector<16xf32> to vector<16xf32>
          %parallel_loop3A_860 = arith.index_cast %parallel_loop3A_853 : i32 to index
          %parallel_loop3A_861 = tpu.vector_load %arg14[%parallel_loop3A_860] {strides = array<i32>} : memref<8208xf32, #tpu.memory_space<vmem>>, vector<16xf32>,
          %parallel_loop3A_862 = vector.shape_cast %parallel_loop3A_861 : vector<16xf32> to vector<16xf32>
          %parallel_loop3A_863 = arith.index_cast %parallel_loop3A_853 : i32 to index
          %parallel_loop3A_864 = tpu.vector_load %arg20[%parallel_loop3A_863] {strides = array<i32>} : memref<8208xf32, #tpu.memory_space<vmem>>, vector<16xf32>,
          %parallel_loop3A_865 = vector.shape_cast %parallel_loop3A_864 : vector<16xf32> to vector<16xf32>
          %parallel_loop3A_866 = arith.index_cast %parallel_loop3A_853 : i32 to index
          %parallel_loop3A_867 = tpu.vector_load %arg15[%parallel_loop3A_866] {strides = array<i32>} : memref<8208xf32, #tpu.memory_space<vmem>>, vector<16xf32>,
          %parallel_loop3A_868 = vector.shape_cast %parallel_loop3A_867 : vector<16xf32> to vector<16xf32>
          %parallel_loop3A_869 = arith.constant 16 : i32
          %parallel_loop3A_870 = arith.muli %parallel_loop3A_836, %parallel_loop3A_869 : i32
          %parallel_loop3A_871 = vector.broadcast %squeeze3A_107 : f32 to vector<16xf32>
          %parallel_loop3A_872 = arith.subf %parallel_loop3A_871, %parallel_loop3A_849 : vector<16xf32>
          %parallel_loop3A_873 = vector.broadcast %mul3A_165 : f32 to vector<16xf32>
          %parallel_loop3A_874 = arith.mulf %parallel_loop3A_873, %parallel_loop3A_845 : vector<16xf32>
          %parallel_loop3A_875 = vector.broadcast %mul3A_167 : f32 to vector<16xf32>
          %parallel_loop3A_876 = arith.mulf %parallel_loop3A_875, %parallel_loop3A_846 : vector<16xf32>
          %parallel_loop3A_877 = arith.addf %parallel_loop3A_874, %parallel_loop3A_876 : vector<16xf32>
          %parallel_loop3A_878 = vector.broadcast %mul3A_169 : f32 to vector<16xf32>
          %parallel_loop3A_879 = arith.mulf %parallel_loop3A_878, %parallel_loop3A_847 : vector<16xf32>
          %parallel_loop3A_880 = arith.addf %parallel_loop3A_877, %parallel_loop3A_879 : vector<16xf32>
          %parallel_loop3A_881 = arith.mulf %parallel_loop3A_872, %parallel_loop3A_872 : vector<16xf32>
          %parallel_loop3A_882 = arith.addf %parallel_loop3A_848, %parallel_loop3A_881 : vector<16xf32>
          %parallel_loop3A_883 = arith.addf %parallel_loop3A_880, %parallel_loop3A_882 : vector<16xf32>
          %parallel_loop3A_884 = vector.broadcast %add3A_174 : f32 to vector<16xf32>
          %parallel_loop3A_885 = arith.addf %parallel_loop3A_883, %parallel_loop3A_884 : vector<16xf32>
          %parallel_loop3A_886 = arith.minimumf %parallel_loop3A_837, %parallel_loop3A_885 : vector<16xf32>
          %parallel_loop3A_887 = vector.broadcast %squeeze3A_115 : f32 to vector<16xf32>
          %parallel_loop3A_888 = arith.subf %parallel_loop3A_887, %parallel_loop3A_849 : vector<16xf32>
          %parallel_loop3A_889 = vector.broadcast %mul3A_176 : f32 to vector<16xf32>
          %parallel_loop3A_890 = arith.mulf %parallel_loop3A_889, %parallel_loop3A_845 : vector<16xf32>
          %parallel_loop3A_891 = vector.broadcast %mul3A_178 : f32 to vector<16xf32>
          %parallel_loop3A_892 = arith.mulf %parallel_loop3A_891, %parallel_loop3A_846 : vector<16xf32>
          %parallel_loop3A_893 = arith.addf %parallel_loop3A_890, %parallel_loop3A_892 : vector<16xf32>
          %parallel_loop3A_894 = vector.broadcast %mul3A_180 : f32 to vector<16xf32>
          %parallel_loop3A_895 = arith.mulf %parallel_loop3A_894, %parallel_loop3A_847 : vector<16xf32>
          %parallel_loop3A_896 = arith.addf %parallel_loop3A_893, %parallel_loop3A_895 : vector<16xf32>
          %parallel_loop3A_897 = arith.mulf %parallel_loop3A_888, %parallel_loop3A_888 : vector<16xf32>
          %parallel_loop3A_898 = arith.addf %parallel_loop3A_848, %parallel_loop3A_897 : vector<16xf32>
          %parallel_loop3A_899 = arith.addf %parallel_loop3A_896, %parallel_loop3A_898 : vector<16xf32>
          %parallel_loop3A_900 = vector.broadcast %add3A_185 : f32 to vector<16xf32>
          %parallel_loop3A_901 = arith.addf %parallel_loop3A_899, %parallel_loop3A_900 : vector<16xf32>
          %parallel_loop3A_902 = arith.minimumf %parallel_loop3A_838, %parallel_loop3A_901 : vector<16xf32>
          %parallel_loop3A_903 = vector.broadcast %squeeze3A_123 : f32 to vector<16xf32>
          %parallel_loop3A_904 = arith.subf %parallel_loop3A_903, %parallel_loop3A_849 : vector<16xf32>
          %parallel_loop3A_905 = vector.broadcast %mul3A_187 : f32 to vector<16xf32>
          %parallel_loop3A_906 = arith.mulf %parallel_loop3A_905, %parallel_loop3A_845 : vector<16xf32>
          %parallel_loop3A_907 = vector.broadcast %mul3A_189 : f32 to vector<16xf32>
          %parallel_loop3A_908 = arith.mulf %parallel_loop3A_907, %parallel_loop3A_846 : vector<16xf32>
          %parallel_loop3A_909 = arith.addf %parallel_loop3A_906, %parallel_loop3A_908 : vector<16xf32>
          %parallel_loop3A_910 = vector.broadcast %mul3A_191 : f32 to vector<16xf32>
          %parallel_loop3A_911 = arith.mulf %parallel_loop3A_910, %parallel_loop3A_847 : vector<16xf32>
          %parallel_loop3A_912 = arith.addf %parallel_loop3A_909, %parallel_loop3A_911 : vector<16xf32>
          %parallel_loop3A_913 = arith.mulf %parallel_loop3A_904, %parallel_loop3A_904 : vector<16xf32>
          %parallel_loop3A_914 = arith.addf %parallel_loop3A_848, %parallel_loop3A_913 : vector<16xf32>
          %parallel_loop3A_915 = arith.addf %parallel_loop3A_912, %parallel_loop3A_914 : vector<16xf32>
          %parallel_loop3A_916 = vector.broadcast %add3A_196 : f32 to vector<16xf32>
          %parallel_loop3A_917 = arith.addf %parallel_loop3A_915, %parallel_loop3A_916 : vector<16xf32>
          %parallel_loop3A_918 = arith.minimumf %parallel_loop3A_839, %parallel_loop3A_917 : vector<16xf32>
          %parallel_loop3A_919 = vector.broadcast %squeeze3A_131 : f32 to vector<16xf32>
          %parallel_loop3A_920 = arith.subf %parallel_loop3A_919, %parallel_loop3A_849 : vector<16xf32>
          %parallel_loop3A_921 = vector.broadcast %mul3A_198 : f32 to vector<16xf32>
          %parallel_loop3A_922 = arith.mulf %parallel_loop3A_921, %parallel_loop3A_845 : vector<16xf32>
          %parallel_loop3A_923 = vector.broadcast %mul3A_200 : f32 to vector<16xf32>
          %parallel_loop3A_924 = arith.mulf %parallel_loop3A_923, %parallel_loop3A_846 : vector<16xf32>
          %parallel_loop3A_925 = arith.addf %parallel_loop3A_922, %parallel_loop3A_924 : vector<16xf32>
          %parallel_loop3A_926 = vector.broadcast %mul3A_202 : f32 to vector<16xf32>
          %parallel_loop3A_927 = arith.mulf %parallel_loop3A_926, %parallel_loop3A_847 : vector<16xf32>
          %parallel_loop3A_928 = arith.addf %parallel_loop3A_925, %parallel_loop3A_927 : vector<16xf32>
          %parallel_loop3A_929 = arith.mulf %parallel_loop3A_920, %parallel_loop3A_920 : vector<16xf32>
          %parallel_loop3A_930 = arith.addf %parallel_loop3A_848, %parallel_loop3A_929 : vector<16xf32>
          %parallel_loop3A_931 = arith.addf %parallel_loop3A_928, %parallel_loop3A_930 : vector<16xf32>
          %parallel_loop3A_932 = vector.broadcast %add3A_207 : f32 to vector<16xf32>
          %parallel_loop3A_933 = arith.addf %parallel_loop3A_931, %parallel_loop3A_932 : vector<16xf32>
          %parallel_loop3A_934 = arith.minimumf %parallel_loop3A_840, %parallel_loop3A_933 : vector<16xf32>
          %parallel_loop3A_935 = vector.broadcast %squeeze3A_139 : f32 to vector<16xf32>
          %parallel_loop3A_936 = arith.subf %parallel_loop3A_935, %parallel_loop3A_849 : vector<16xf32>
          %parallel_loop3A_937 = vector.broadcast %mul3A_209 : f32 to vector<16xf32>
          %parallel_loop3A_938 = arith.mulf %parallel_loop3A_937, %parallel_loop3A_845 : vector<16xf32>
          %parallel_loop3A_939 = vector.broadcast %mul3A_211 : f32 to vector<16xf32>
          %parallel_loop3A_940 = arith.mulf %parallel_loop3A_939, %parallel_loop3A_846 : vector<16xf32>
          %parallel_loop3A_941 = arith.addf %parallel_loop3A_938, %parallel_loop3A_940 : vector<16xf32>
          %parallel_loop3A_942 = vector.broadcast %mul3A_213 : f32 to vector<16xf32>
          %parallel_loop3A_943 = arith.mulf %parallel_loop3A_942, %parallel_loop3A_847 : vector<16xf32>
          %parallel_loop3A_944 = arith.addf %parallel_loop3A_941, %parallel_loop3A_943 : vector<16xf32>
          %parallel_loop3A_945 = arith.mulf %parallel_loop3A_936, %parallel_loop3A_936 : vector<16xf32>
          %parallel_loop3A_946 = arith.addf %parallel_loop3A_848, %parallel_loop3A_945 : vector<16xf32>
          %parallel_loop3A_947 = arith.addf %parallel_loop3A_944, %parallel_loop3A_946 : vector<16xf32>
          %parallel_loop3A_948 = vector.broadcast %add3A_218 : f32 to vector<16xf32>
          %parallel_loop3A_949 = arith.addf %parallel_loop3A_947, %parallel_loop3A_948 : vector<16xf32>
          %parallel_loop3A_950 = arith.minimumf %parallel_loop3A_841, %parallel_loop3A_949 : vector<16xf32>
          %parallel_loop3A_951 = vector.broadcast %squeeze3A_147 : f32 to vector<16xf32>
          %parallel_loop3A_952 = arith.subf %parallel_loop3A_951, %parallel_loop3A_849 : vector<16xf32>
          %parallel_loop3A_953 = vector.broadcast %mul3A_220 : f32 to vector<16xf32>
          %parallel_loop3A_954 = arith.mulf %parallel_loop3A_953, %parallel_loop3A_845 : vector<16xf32>
          %parallel_loop3A_955 = vector.broadcast %mul3A_222 : f32 to vector<16xf32>
          %parallel_loop3A_956 = arith.mulf %parallel_loop3A_955, %parallel_loop3A_846 : vector<16xf32>
          %parallel_loop3A_957 = arith.addf %parallel_loop3A_954, %parallel_loop3A_956 : vector<16xf32>
          %parallel_loop3A_958 = vector.broadcast %mul3A_224 : f32 to vector<16xf32>
          %parallel_loop3A_959 = arith.mulf %parallel_loop3A_958, %parallel_loop3A_847 : vector<16xf32>
          %parallel_loop3A_960 = arith.addf %parallel_loop3A_957, %parallel_loop3A_959 : vector<16xf32>
          %parallel_loop3A_961 = arith.mulf %parallel_loop3A_952, %parallel_loop3A_952 : vector<16xf32>
          %parallel_loop3A_962 = arith.addf %parallel_loop3A_848, %parallel_loop3A_961 : vector<16xf32>
          %parallel_loop3A_963 = arith.addf %parallel_loop3A_960, %parallel_loop3A_962 : vector<16xf32>
          %parallel_loop3A_964 = vector.broadcast %add3A_229 : f32 to vector<16xf32>
          %parallel_loop3A_965 = arith.addf %parallel_loop3A_963, %parallel_loop3A_964 : vector<16xf32>
          %parallel_loop3A_966 = arith.minimumf %parallel_loop3A_842, %parallel_loop3A_965 : vector<16xf32>
          %parallel_loop3A_967 = vector.broadcast %squeeze3A_155 : f32 to vector<16xf32>
          %parallel_loop3A_968 = arith.subf %parallel_loop3A_967, %parallel_loop3A_849 : vector<16xf32>
          %parallel_loop3A_969 = vector.broadcast %mul3A_231 : f32 to vector<16xf32>
          %parallel_loop3A_970 = arith.mulf %parallel_loop3A_969, %parallel_loop3A_845 : vector<16xf32>
          %parallel_loop3A_971 = vector.broadcast %mul3A_233 : f32 to vector<16xf32>
          %parallel_loop3A_972 = arith.mulf %parallel_loop3A_971, %parallel_loop3A_846 : vector<16xf32>
          %parallel_loop3A_973 = arith.addf %parallel_loop3A_970, %parallel_loop3A_972 : vector<16xf32>
          %parallel_loop3A_974 = vector.broadcast %mul3A_235 : f32 to vector<16xf32>
          %parallel_loop3A_975 = arith.mulf %parallel_loop3A_974, %parallel_loop3A_847 : vector<16xf32>
          %parallel_loop3A_976 = arith.addf %parallel_loop3A_973, %parallel_loop3A_975 : vector<16xf32>
          %parallel_loop3A_977 = arith.mulf %parallel_loop3A_968, %parallel_loop3A_968 : vector<16xf32>
          %parallel_loop3A_978 = arith.addf %parallel_loop3A_848, %parallel_loop3A_977 : vector<16xf32>
          %parallel_loop3A_979 = arith.addf %parallel_loop3A_976, %parallel_loop3A_978 : vector<16xf32>
          %parallel_loop3A_980 = vector.broadcast %add3A_240 : f32 to vector<16xf32>
          %parallel_loop3A_981 = arith.addf %parallel_loop3A_979, %parallel_loop3A_980 : vector<16xf32>
          %parallel_loop3A_982 = arith.minimumf %parallel_loop3A_843, %parallel_loop3A_981 : vector<16xf32>
          %parallel_loop3A_983 = vector.broadcast %squeeze3A_163 : f32 to vector<16xf32>
          %parallel_loop3A_984 = arith.subf %parallel_loop3A_983, %parallel_loop3A_849 : vector<16xf32>
          %parallel_loop3A_985 = vector.broadcast %mul3A_242 : f32 to vector<16xf32>
          %parallel_loop3A_986 = arith.mulf %parallel_loop3A_985, %parallel_loop3A_845 : vector<16xf32>
          %parallel_loop3A_987 = vector.broadcast %mul3A_244 : f32 to vector<16xf32>
          %parallel_loop3A_988 = arith.mulf %parallel_loop3A_987, %parallel_loop3A_846 : vector<16xf32>
          %parallel_loop3A_989 = arith.addf %parallel_loop3A_986, %parallel_loop3A_988 : vector<16xf32>
          %parallel_loop3A_990 = vector.broadcast %mul3A_246 : f32 to vector<16xf32>
          %parallel_loop3A_991 = arith.mulf %parallel_loop3A_990, %parallel_loop3A_847 : vector<16xf32>
          %parallel_loop3A_992 = arith.addf %parallel_loop3A_989, %parallel_loop3A_991 : vector<16xf32>
          %parallel_loop3A_993 = arith.mulf %parallel_loop3A_984, %parallel_loop3A_984 : vector<16xf32>
          %parallel_loop3A_994 = arith.addf %parallel_loop3A_848, %parallel_loop3A_993 : vector<16xf32>
          %parallel_loop3A_995 = arith.addf %parallel_loop3A_992, %parallel_loop3A_994 : vector<16xf32>
          %parallel_loop3A_996 = vector.broadcast %add3A_251 : f32 to vector<16xf32>
          %parallel_loop3A_997 = arith.addf %parallel_loop3A_995, %parallel_loop3A_996 : vector<16xf32>
          %parallel_loop3A_998 = arith.minimumf %parallel_loop3A_844, %parallel_loop3A_997 : vector<16xf32>
          %parallel_loop3A_999 = arith.index_cast %parallel_loop3A_870 : i32 to index
          %parallel_loop3A_1000 = tpu.vector_load %arg21[%parallel_loop3A_999] {strides = array<i32>} : memref<8208xf32, #tpu.memory_space<vmem>>, vector<16xf32>,
          %parallel_loop3A_1001 = vector.shape_cast %parallel_loop3A_1000 : vector<16xf32> to vector<16xf32>
          %parallel_loop3A_1002 = arith.minimumf %parallel_loop3A_885, %parallel_loop3A_901 : vector<16xf32>
          %parallel_loop3A_1003 = arith.minimumf %parallel_loop3A_917, %parallel_loop3A_933 : vector<16xf32>
          %parallel_loop3A_1004 = arith.minimumf %parallel_loop3A_949, %parallel_loop3A_965 : vector<16xf32>
          %parallel_loop3A_1005 = arith.minimumf %parallel_loop3A_981, %parallel_loop3A_997 : vector<16xf32>
          %parallel_loop3A_1006 = arith.minimumf %parallel_loop3A_1002, %parallel_loop3A_1003 : vector<16xf32>
          %parallel_loop3A_1007 = arith.minimumf %parallel_loop3A_1004, %parallel_loop3A_1005 : vector<16xf32>
          %parallel_loop3A_1008 = arith.minimumf %parallel_loop3A_1006, %parallel_loop3A_1007 : vector<16xf32>
          %parallel_loop3A_1009 = arith.minimumf %parallel_loop3A_1001, %parallel_loop3A_1008 : vector<16xf32>
          %parallel_loop3A_1010 = arith.index_cast %parallel_loop3A_870 : i32 to index
          %parallel_loop3A_1011 = tpu.vector_load %arg21[%parallel_loop3A_1010] {strides = array<i32>} : memref<8208xf32, #tpu.memory_space<vmem>>, vector<16xf32>,
          %parallel_loop3A_1012 = vector.shape_cast %parallel_loop3A_1011 : vector<16xf32> to vector<16xf32>
          %parallel_loop3A_1013 = vector.shape_cast %parallel_loop3A_1009 : vector<16xf32> to vector<16xf32>
          tpu.vector_store %arg21[%parallel_loop3A_1010], %parallel_loop3A_1013 {strides = array<i32>} : memref<8208xf32, #tpu.memory_space<vmem>>, vector<16xf32>,
          scf.yield %parallel_loop3A_886, %parallel_loop3A_902, %parallel_loop3A_918, %parallel_loop3A_934, %parallel_loop3A_950, %parallel_loop3A_966, %parallel_loop3A_982, %parallel_loop3A_998, %parallel_loop3A_856, %parallel_loop3A_859, %parallel_loop3A_862, %parallel_loop3A_865, %parallel_loop3A_868 : vector<16xf32>, vector<16xf32>, vector<16xf32>, vector<16xf32>, vector<16xf32>, vector<16xf32>, vector<16xf32>, vector<16xf32>, vector<16xf32>, vector<16xf32>, vector<16xf32>, vector<16xf32>, vector<16xf32>
        } {sc.loop_unroll_factor = 4 : i64, sc.parallel_access}
        %add3A_755 = arith.constant 0 : i32
        %add3A_756 = arith.addi %mul3A_54, %add3A_755 : i32
        %add3A_757 = arith.constant 0 : i32
        %add3A_758 = arith.addi %add3A_756, %add3A_757 : i32
        %mul3A_759 = arith.constant 16 : i32
        %mul3A_760 = arith.muli %add3A_758, %mul3A_759 : i32
        %swap3A_761 = arith.index_cast %mul3A_760 : i32 to index
        %swap3A_762 = tpu.vector_load %arg22[%swap3A_761] {strides = array<i32>} : memref<4096xf32, #tpu.memory_space<vmem>>, vector<16xf32>,
        %swap3A_763 = vector.shape_cast %swap3A_762 : vector<16xf32> to vector<16xf32>
        %swap3A_764 = vector.shape_cast %parallel_loop3A_754#0 : vector<16xf32> to vector<16xf32>
        tpu.vector_store %arg22[%swap3A_761], %swap3A_764 {strides = array<i32>} : memref<4096xf32, #tpu.memory_space<vmem>>, vector<16xf32>,
        %add3A_765 = arith.constant 0 : i32
        %add3A_766 = arith.addi %mul3A_54, %add3A_765 : i32
        %add3A_767 = arith.constant 1 : i32
        %add3A_768 = arith.addi %add3A_766, %add3A_767 : i32
        %mul3A_769 = arith.constant 16 : i32
        %mul3A_770 = arith.muli %add3A_768, %mul3A_769 : i32
        %swap3A_771 = arith.index_cast %mul3A_770 : i32 to index
        %swap3A_772 = tpu.vector_load %arg22[%swap3A_771] {strides = array<i32>} : memref<4096xf32, #tpu.memory_space<vmem>>, vector<16xf32>,
        %swap3A_773 = vector.shape_cast %swap3A_772 : vector<16xf32> to vector<16xf32>
        %swap3A_774 = vector.shape_cast %parallel_loop3A_754#1 : vector<16xf32> to vector<16xf32>
        tpu.vector_store %arg22[%swap3A_771], %swap3A_774 {strides = array<i32>} : memref<4096xf32, #tpu.memory_space<vmem>>, vector<16xf32>,
        %add3A_775 = arith.constant 0 : i32
        %add3A_776 = arith.addi %mul3A_54, %add3A_775 : i32
        %add3A_777 = arith.constant 2 : i32
        %add3A_778 = arith.addi %add3A_776, %add3A_777 : i32
        %mul3A_779 = arith.constant 16 : i32
        %mul3A_780 = arith.muli %add3A_778, %mul3A_779 : i32
        %swap3A_781 = arith.index_cast %mul3A_780 : i32 to index
        %swap3A_782 = tpu.vector_load %arg22[%swap3A_781] {strides = array<i32>} : memref<4096xf32, #tpu.memory_space<vmem>>, vector<16xf32>,
        %swap3A_783 = vector.shape_cast %swap3A_782 : vector<16xf32> to vector<16xf32>
        %swap3A_784 = vector.shape_cast %parallel_loop3A_754#2 : vector<16xf32> to vector<16xf32>
        tpu.vector_store %arg22[%swap3A_781], %swap3A_784 {strides = array<i32>} : memref<4096xf32, #tpu.memory_space<vmem>>, vector<16xf32>,
        %add3A_785 = arith.constant 0 : i32
        %add3A_786 = arith.addi %mul3A_54, %add3A_785 : i32
        %add3A_787 = arith.constant 3 : i32
        %add3A_788 = arith.addi %add3A_786, %add3A_787 : i32
        %mul3A_789 = arith.constant 16 : i32
        %mul3A_790 = arith.muli %add3A_788, %mul3A_789 : i32
        %swap3A_791 = arith.index_cast %mul3A_790 : i32 to index
        %swap3A_792 = tpu.vector_load %arg22[%swap3A_791] {strides = array<i32>} : memref<4096xf32, #tpu.memory_space<vmem>>, vector<16xf32>,
        %swap3A_793 = vector.shape_cast %swap3A_792 : vector<16xf32> to vector<16xf32>
        %swap3A_794 = vector.shape_cast %parallel_loop3A_754#3 : vector<16xf32> to vector<16xf32>
        tpu.vector_store %arg22[%swap3A_791], %swap3A_794 {strides = array<i32>} : memref<4096xf32, #tpu.memory_space<vmem>>, vector<16xf32>,
        %add3A_795 = arith.constant 0 : i32
        %add3A_796 = arith.addi %mul3A_54, %add3A_795 : i32
        %add3A_797 = arith.constant 4 : i32
        %add3A_798 = arith.addi %add3A_796, %add3A_797 : i32
        %mul3A_799 = arith.constant 16 : i32
        %mul3A_800 = arith.muli %add3A_798, %mul3A_799 : i32
        %swap3A_801 = arith.index_cast %mul3A_800 : i32 to index
        %swap3A_802 = tpu.vector_load %arg22[%swap3A_801] {strides = array<i32>} : memref<4096xf32, #tpu.memory_space<vmem>>, vector<16xf32>,
        %swap3A_803 = vector.shape_cast %swap3A_802 : vector<16xf32> to vector<16xf32>
        %swap3A_804 = vector.shape_cast %parallel_loop3A_754#4 : vector<16xf32> to vector<16xf32>
        tpu.vector_store %arg22[%swap3A_801], %swap3A_804 {strides = array<i32>} : memref<4096xf32, #tpu.memory_space<vmem>>, vector<16xf32>,
        %add3A_805 = arith.constant 0 : i32
        %add3A_806 = arith.addi %mul3A_54, %add3A_805 : i32
        %add3A_807 = arith.constant 5 : i32
        %add3A_808 = arith.addi %add3A_806, %add3A_807 : i32
        %mul3A_809 = arith.constant 16 : i32
        %mul3A_810 = arith.muli %add3A_808, %mul3A_809 : i32
        %swap3A_811 = arith.index_cast %mul3A_810 : i32 to index
        %swap3A_812 = tpu.vector_load %arg22[%swap3A_811] {strides = array<i32>} : memref<4096xf32, #tpu.memory_space<vmem>>, vector<16xf32>,
        %swap3A_813 = vector.shape_cast %swap3A_812 : vector<16xf32> to vector<16xf32>
        %swap3A_814 = vector.shape_cast %parallel_loop3A_754#5 : vector<16xf32> to vector<16xf32>
        tpu.vector_store %arg22[%swap3A_811], %swap3A_814 {strides = array<i32>} : memref<4096xf32, #tpu.memory_space<vmem>>, vector<16xf32>,
        %add3A_815 = arith.constant 0 : i32
        %add3A_816 = arith.addi %mul3A_54, %add3A_815 : i32
        %add3A_817 = arith.constant 6 : i32
        %add3A_818 = arith.addi %add3A_816, %add3A_817 : i32
        %mul3A_819 = arith.constant 16 : i32
        %mul3A_820 = arith.muli %add3A_818, %mul3A_819 : i32
        %swap3A_821 = arith.index_cast %mul3A_820 : i32 to index
        %swap3A_822 = tpu.vector_load %arg22[%swap3A_821] {strides = array<i32>} : memref<4096xf32, #tpu.memory_space<vmem>>, vector<16xf32>,
        %swap3A_823 = vector.shape_cast %swap3A_822 : vector<16xf32> to vector<16xf32>
        %swap3A_824 = vector.shape_cast %parallel_loop3A_754#6 : vector<16xf32> to vector<16xf32>
        tpu.vector_store %arg22[%swap3A_821], %swap3A_824 {strides = array<i32>} : memref<4096xf32, #tpu.memory_space<vmem>>, vector<16xf32>,
        %add3A_825 = arith.constant 0 : i32
        %add3A_826 = arith.addi %mul3A_54, %add3A_825 : i32
        %add3A_827 = arith.constant 7 : i32
        %add3A_828 = arith.addi %add3A_826, %add3A_827 : i32
        %mul3A_829 = arith.constant 16 : i32
        %mul3A_830 = arith.muli %add3A_828, %mul3A_829 : i32
        %swap3A_831 = arith.index_cast %mul3A_830 : i32 to index
        %swap3A_832 = tpu.vector_load %arg22[%swap3A_831] {strides = array<i32>} : memref<4096xf32, #tpu.memory_space<vmem>>, vector<16xf32>,
        %swap3A_833 = vector.shape_cast %swap3A_832 : vector<16xf32> to vector<16xf32>
        %swap3A_834 = vector.shape_cast %parallel_loop3A_754#7 : vector<16xf32> to vector<16xf32>
        tpu.vector_store %arg22[%swap3A_831], %swap3A_834 {strides = array<i32>} : memref<4096xf32, #tpu.memory_space<vmem>>, vector<16xf32>,
        %cond3A_835 = arith.constant 0 : i32
        scf.yield %cond3A_835 : i32
      }
      %slice3A_255 = vector.extract_strided_slice %get3A_57 {offsets = [8], sizes = [1], strides = [1]} : vector<16xf32> to vector<1xf32>
      %squeeze3A_256 = vector.extract %slice3A_255[0] : f32 from vector<1xf32>
      %slice3A_257 = vector.extract_strided_slice %get3A_61 {offsets = [8], sizes = [1], strides = [1]} : vector<16xf32> to vector<1xf32>
      %squeeze3A_258 = vector.extract %slice3A_257[0] : f32 from vector<1xf32>
      %slice3A_259 = vector.extract_strided_slice %get3A_65 {offsets = [8], sizes = [1], strides = [1]} : vector<16xf32> to vector<1xf32>
      %squeeze3A_260 = vector.extract %slice3A_259[0] : f32 from vector<1xf32>
      %slice3A_261 = vector.extract_strided_slice %get3A_69 {offsets = [8], sizes = [1], strides = [1]} : vector<16xf32> to vector<1xf32>
      %squeeze3A_262 = vector.extract %slice3A_261[0] : f32 from vector<1xf32>
      %slice3A_263 = vector.extract_strided_slice %get3A_57 {offsets = [9], sizes = [1], strides = [1]} : vector<16xf32> to vector<1xf32>
      %squeeze3A_264 = vector.extract %slice3A_263[0] : f32 from vector<1xf32>
      %slice3A_265 = vector.extract_strided_slice %get3A_61 {offsets = [9], sizes = [1], strides = [1]} : vector<16xf32> to vector<1xf32>
      %squeeze3A_266 = vector.extract %slice3A_265[0] : f32 from vector<1xf32>
      %slice3A_267 = vector.extract_strided_slice %get3A_65 {offsets = [9], sizes = [1], strides = [1]} : vector<16xf32> to vector<1xf32>
      %squeeze3A_268 = vector.extract %slice3A_267[0] : f32 from vector<1xf32>
      %slice3A_269 = vector.extract_strided_slice %get3A_69 {offsets = [9], sizes = [1], strides = [1]} : vector<16xf32> to vector<1xf32>
      %squeeze3A_270 = vector.extract %slice3A_269[0] : f32 from vector<1xf32>
      %slice3A_271 = vector.extract_strided_slice %get3A_57 {offsets = [10], sizes = [1], strides = [1]} : vector<16xf32> to vector<1xf32>
      %squeeze3A_272 = vector.extract %slice3A_271[0] : f32 from vector<1xf32>
      %slice3A_273 = vector.extract_strided_slice %get3A_61 {offsets = [10], sizes = [1], strides = [1]} : vector<16xf32> to vector<1xf32>
      %squeeze3A_274 = vector.extract %slice3A_273[0] : f32 from vector<1xf32>
      %slice3A_275 = vector.extract_strided_slice %get3A_65 {offsets = [10], sizes = [1], strides = [1]} : vector<16xf32> to vector<1xf32>
      %squeeze3A_276 = vector.extract %slice3A_275[0] : f32 from vector<1xf32>
      %slice3A_277 = vector.extract_strided_slice %get3A_69 {offsets = [10], sizes = [1], strides = [1]} : vector<16xf32> to vector<1xf32>
      %squeeze3A_278 = vector.extract %slice3A_277[0] : f32 from vector<1xf32>
      %slice3A_279 = vector.extract_strided_slice %get3A_57 {offsets = [11], sizes = [1], strides = [1]} : vector<16xf32> to vector<1xf32>
      %squeeze3A_280 = vector.extract %slice3A_279[0] : f32 from vector<1xf32>
      %slice3A_281 = vector.extract_strided_slice %get3A_61 {offsets = [11], sizes = [1], strides = [1]} : vector<16xf32> to vector<1xf32>
      %squeeze3A_282 = vector.extract %slice3A_281[0] : f32 from vector<1xf32>
      %slice3A_283 = vector.extract_strided_slice %get3A_65 {offsets = [11], sizes = [1], strides = [1]} : vector<16xf32> to vector<1xf32>
      %squeeze3A_284 = vector.extract %slice3A_283[0] : f32 from vector<1xf32>
      %slice3A_285 = vector.extract_strided_slice %get3A_69 {offsets = [11], sizes = [1], strides = [1]} : vector<16xf32> to vector<1xf32>
      %squeeze3A_286 = vector.extract %slice3A_285[0] : f32 from vector<1xf32>
      %slice3A_287 = vector.extract_strided_slice %get3A_57 {offsets = [12], sizes = [1], strides = [1]} : vector<16xf32> to vector<1xf32>
      %squeeze3A_288 = vector.extract %slice3A_287[0] : f32 from vector<1xf32>
      %slice3A_289 = vector.extract_strided_slice %get3A_61 {offsets = [12], sizes = [1], strides = [1]} : vector<16xf32> to vector<1xf32>
      %squeeze3A_290 = vector.extract %slice3A_289[0] : f32 from vector<1xf32>
      %slice3A_291 = vector.extract_strided_slice %get3A_65 {offsets = [12], sizes = [1], strides = [1]} : vector<16xf32> to vector<1xf32>
      %squeeze3A_292 = vector.extract %slice3A_291[0] : f32 from vector<1xf32>
      %slice3A_293 = vector.extract_strided_slice %get3A_69 {offsets = [12], sizes = [1], strides = [1]} : vector<16xf32> to vector<1xf32>
      %squeeze3A_294 = vector.extract %slice3A_293[0] : f32 from vector<1xf32>
      %slice3A_295 = vector.extract_strided_slice %get3A_57 {offsets = [13], sizes = [1], strides = [1]} : vector<16xf32> to vector<1xf32>
      %squeeze3A_296 = vector.extract %slice3A_295[0] : f32 from vector<1xf32>
      %slice3A_297 = vector.extract_strided_slice %get3A_61 {offsets = [13], sizes = [1], strides = [1]} : vector<16xf32> to vector<1xf32>
      %squeeze3A_298 = vector.extract %slice3A_297[0] : f32 from vector<1xf32>
      %slice3A_299 = vector.extract_strided_slice %get3A_65 {offsets = [13], sizes = [1], strides = [1]} : vector<16xf32> to vector<1xf32>
      %squeeze3A_300 = vector.extract %slice3A_299[0] : f32 from vector<1xf32>
      %slice3A_301 = vector.extract_strided_slice %get3A_69 {offsets = [13], sizes = [1], strides = [1]} : vector<16xf32> to vector<1xf32>
      %squeeze3A_302 = vector.extract %slice3A_301[0] : f32 from vector<1xf32>
      %slice3A_303 = vector.extract_strided_slice %get3A_57 {offsets = [14], sizes = [1], strides = [1]} : vector<16xf32> to vector<1xf32>
      %squeeze3A_304 = vector.extract %slice3A_303[0] : f32 from vector<1xf32>
      %slice3A_305 = vector.extract_strided_slice %get3A_61 {offsets = [14], sizes = [1], strides = [1]} : vector<16xf32> to vector<1xf32>
      %squeeze3A_306 = vector.extract %slice3A_305[0] : f32 from vector<1xf32>
      %slice3A_307 = vector.extract_strided_slice %get3A_65 {offsets = [14], sizes = [1], strides = [1]} : vector<16xf32> to vector<1xf32>
      %squeeze3A_308 = vector.extract %slice3A_307[0] : f32 from vector<1xf32>
      %slice3A_309 = vector.extract_strided_slice %get3A_69 {offsets = [14], sizes = [1], strides = [1]} : vector<16xf32> to vector<1xf32>
      %squeeze3A_310 = vector.extract %slice3A_309[0] : f32 from vector<1xf32>
      %slice3A_311 = vector.extract_strided_slice %get3A_57 {offsets = [15], sizes = [1], strides = [1]} : vector<16xf32> to vector<1xf32>
      %squeeze3A_312 = vector.extract %slice3A_311[0] : f32 from vector<1xf32>
      %slice3A_313 = vector.extract_strided_slice %get3A_61 {offsets = [15], sizes = [1], strides = [1]} : vector<16xf32> to vector<1xf32>
      %squeeze3A_314 = vector.extract %slice3A_313[0] : f32 from vector<1xf32>
      %slice3A_315 = vector.extract_strided_slice %get3A_65 {offsets = [15], sizes = [1], strides = [1]} : vector<16xf32> to vector<1xf32>
      %squeeze3A_316 = vector.extract %slice3A_315[0] : f32 from vector<1xf32>
      %slice3A_317 = vector.extract_strided_slice %get3A_69 {offsets = [15], sizes = [1], strides = [1]} : vector<16xf32> to vector<1xf32>
      %squeeze3A_318 = vector.extract %slice3A_317[0] : f32 from vector<1xf32>
      %mul3A_319 = arith.constant -2.000000e+00 : f32
      %mul3A_320 = arith.mulf %mul3A_319, %squeeze3A_256 : f32
      %mul3A_321 = arith.constant -2.000000e+00 : f32
      %mul3A_322 = arith.mulf %mul3A_321, %squeeze3A_258 : f32
      %mul3A_323 = arith.constant -2.000000e+00 : f32
      %mul3A_324 = arith.mulf %mul3A_323, %squeeze3A_260 : f32
      %mul3A_325 = arith.mulf %squeeze3A_256, %squeeze3A_256 : f32
      %mul3A_326 = arith.mulf %squeeze3A_258, %squeeze3A_258 : f32
      %add3A_327 = arith.addf %mul3A_325, %mul3A_326 : f32
      %mul3A_328 = arith.mulf %squeeze3A_260, %squeeze3A_260 : f32
      %add3A_329 = arith.addf %add3A_327, %mul3A_328 : f32
      %mul3A_330 = arith.constant -2.000000e+00 : f32
      %mul3A_331 = arith.mulf %mul3A_330, %squeeze3A_264 : f32
      %mul3A_332 = arith.constant -2.000000e+00 : f32
      %mul3A_333 = arith.mulf %mul3A_332, %squeeze3A_266 : f32
      %mul3A_334 = arith.constant -2.000000e+00 : f32
      %mul3A_335 = arith.mulf %mul3A_334, %squeeze3A_268 : f32
      %mul3A_336 = arith.mulf %squeeze3A_264, %squeeze3A_264 : f32
      %mul3A_337 = arith.mulf %squeeze3A_266, %squeeze3A_266 : f32
      %add3A_338 = arith.addf %mul3A_336, %mul3A_337 : f32
      %mul3A_339 = arith.mulf %squeeze3A_268, %squeeze3A_268 : f32
      %add3A_340 = arith.addf %add3A_338, %mul3A_339 : f32
      %mul3A_341 = arith.constant -2.000000e+00 : f32
      %mul3A_342 = arith.mulf %mul3A_341, %squeeze3A_272 : f32
      %mul3A_343 = arith.constant -2.000000e+00 : f32
      %mul3A_344 = arith.mulf %mul3A_343, %squeeze3A_274 : f32
      %mul3A_345 = arith.constant -2.000000e+00 : f32
      %mul3A_346 = arith.mulf %mul3A_345, %squeeze3A_276 : f32
      %mul3A_347 = arith.mulf %squeeze3A_272, %squeeze3A_272 : f32
      %mul3A_348 = arith.mulf %squeeze3A_274, %squeeze3A_274 : f32
      %add3A_349 = arith.addf %mul3A_347, %mul3A_348 : f32
      %mul3A_350 = arith.mulf %squeeze3A_276, %squeeze3A_276 : f32
      %add3A_351 = arith.addf %add3A_349, %mul3A_350 : f32
      %mul3A_352 = arith.constant -2.000000e+00 : f32
      %mul3A_353 = arith.mulf %mul3A_352, %squeeze3A_280 : f32
      %mul3A_354 = arith.constant -2.000000e+00 : f32
      %mul3A_355 = arith.mulf %mul3A_354, %squeeze3A_282 : f32
      %mul3A_356 = arith.constant -2.000000e+00 : f32
      %mul3A_357 = arith.mulf %mul3A_356, %squeeze3A_284 : f32
      %mul3A_358 = arith.mulf %squeeze3A_280, %squeeze3A_280 : f32
      %mul3A_359 = arith.mulf %squeeze3A_282, %squeeze3A_282 : f32
      %add3A_360 = arith.addf %mul3A_358, %mul3A_359 : f32
      %mul3A_361 = arith.mulf %squeeze3A_284, %squeeze3A_284 : f32
      %add3A_362 = arith.addf %add3A_360, %mul3A_361 : f32
      %mul3A_363 = arith.constant -2.000000e+00 : f32
      %mul3A_364 = arith.mulf %mul3A_363, %squeeze3A_288 : f32
      %mul3A_365 = arith.constant -2.000000e+00 : f32
      %mul3A_366 = arith.mulf %mul3A_365, %squeeze3A_290 : f32
      %mul3A_367 = arith.constant -2.000000e+00 : f32
      %mul3A_368 = arith.mulf %mul3A_367, %squeeze3A_292 : f32
      %mul3A_369 = arith.mulf %squeeze3A_288, %squeeze3A_288 : f32
      %mul3A_370 = arith.mulf %squeeze3A_290, %squeeze3A_290 : f32
      %add3A_371 = arith.addf %mul3A_369, %mul3A_370 : f32
      %mul3A_372 = arith.mulf %squeeze3A_292, %squeeze3A_292 : f32
      %add3A_373 = arith.addf %add3A_371, %mul3A_372 : f32
      %mul3A_374 = arith.constant -2.000000e+00 : f32
      %mul3A_375 = arith.mulf %mul3A_374, %squeeze3A_296 : f32
      %mul3A_376 = arith.constant -2.000000e+00 : f32
      %mul3A_377 = arith.mulf %mul3A_376, %squeeze3A_298 : f32
      %mul3A_378 = arith.constant -2.000000e+00 : f32
      %mul3A_379 = arith.mulf %mul3A_378, %squeeze3A_300 : f32
      %mul3A_380 = arith.mulf %squeeze3A_296, %squeeze3A_296 : f32
      %mul3A_381 = arith.mulf %squeeze3A_298, %squeeze3A_298 : f32
      %add3A_382 = arith.addf %mul3A_380, %mul3A_381 : f32
      %mul3A_383 = arith.mulf %squeeze3A_300, %squeeze3A_300 : f32
      %add3A_384 = arith.addf %add3A_382, %mul3A_383 : f32
      %mul3A_385 = arith.constant -2.000000e+00 : f32
      %mul3A_386 = arith.mulf %mul3A_385, %squeeze3A_304 : f32
      %mul3A_387 = arith.constant -2.000000e+00 : f32
      %mul3A_388 = arith.mulf %mul3A_387, %squeeze3A_306 : f32
      %mul3A_389 = arith.constant -2.000000e+00 : f32
      %mul3A_390 = arith.mulf %mul3A_389, %squeeze3A_308 : f32
      %mul3A_391 = arith.mulf %squeeze3A_304, %squeeze3A_304 : f32
      %mul3A_392 = arith.mulf %squeeze3A_306, %squeeze3A_306 : f32
      %add3A_393 = arith.addf %mul3A_391, %mul3A_392 : f32
      %mul3A_394 = arith.mulf %squeeze3A_308, %squeeze3A_308 : f32
      %add3A_395 = arith.addf %add3A_393, %mul3A_394 : f32
      %mul3A_396 = arith.constant -2.000000e+00 : f32
      %mul3A_397 = arith.mulf %mul3A_396, %squeeze3A_312 : f32
      %mul3A_398 = arith.constant -2.000000e+00 : f32
      %mul3A_399 = arith.mulf %mul3A_398, %squeeze3A_314 : f32
      %mul3A_400 = arith.constant -2.000000e+00 : f32
      %mul3A_401 = arith.mulf %mul3A_400, %squeeze3A_316 : f32
      %mul3A_402 = arith.mulf %squeeze3A_312, %squeeze3A_312 : f32
      %mul3A_403 = arith.mulf %squeeze3A_314, %squeeze3A_314 : f32
      %add3A_404 = arith.addf %mul3A_402, %mul3A_403 : f32
      %mul3A_405 = arith.mulf %squeeze3A_316, %squeeze3A_316 : f32
      %add3A_406 = arith.addf %add3A_404, %mul3A_405 : f32
      %convert_element_type3A_407 = arith.extui %eq3A : i1 to i32
      %cond3A_408 = arith.constant 0 : i32
      %cond3A_409 = arith.constant 0 : i32
      %cond3A_410 = arith.cmpi ne, %convert_element_type3A_407, %cond3A_409 : i32
      %cond3A_411 = scf.if %cond3A_410 -> (i32) {
        %broadcast_in_dim3A_412 = arith.constant 3.400000e+38 : f32
        %broadcast_in_dim3A_413 = vector.broadcast %broadcast_in_dim3A_412 : f32 to vector<16xf32>
        %mul3A_414 = arith.constant 16 : i32
        %mul3A_415 = arith.muli %shift_right_logical3A_89, %mul3A_414 : i32
        %mul3A_416 = arith.constant 16 : i32
        %mul3A_417 = arith.muli %shift_right_logical3A_89, %mul3A_416 : i32
        %get3A_418 = arith.index_cast %mul3A_417 : i32 to index
        %get3A_419 = tpu.vector_load %arg12[%get3A_418] {strides = array<i32>} : memref<8208xf32, #tpu.memory_space<vmem>>, vector<16xf32>,
        %get3A_420 = vector.shape_cast %get3A_419 : vector<16xf32> to vector<16xf32>
        %get3A_421 = arith.index_cast %mul3A_417 : i32 to index
        %get3A_422 = tpu.vector_load %arg13[%get3A_421] {strides = array<i32>} : memref<8208xf32, #tpu.memory_space<vmem>>, vector<16xf32>,
        %get3A_423 = vector.shape_cast %get3A_422 : vector<16xf32> to vector<16xf32>
        %get3A_424 = arith.index_cast %mul3A_417 : i32 to index
        %get3A_425 = tpu.vector_load %arg14[%get3A_424] {strides = array<i32>} : memref<8208xf32, #tpu.memory_space<vmem>>, vector<16xf32>,
        %get3A_426 = vector.shape_cast %get3A_425 : vector<16xf32> to vector<16xf32>
        %get3A_427 = arith.index_cast %mul3A_417 : i32 to index
        %get3A_428 = tpu.vector_load %arg20[%get3A_427] {strides = array<i32>} : memref<8208xf32, #tpu.memory_space<vmem>>, vector<16xf32>,
        %get3A_429 = vector.shape_cast %get3A_428 : vector<16xf32> to vector<16xf32>
        %get3A_430 = arith.index_cast %mul3A_417 : i32 to index
        %get3A_431 = tpu.vector_load %arg15[%get3A_430] {strides = array<i32>} : memref<8208xf32, #tpu.memory_space<vmem>>, vector<16xf32>,
        %get3A_432 = vector.shape_cast %get3A_431 : vector<16xf32> to vector<16xf32>
        %sub3A_433 = vector.broadcast %squeeze3A_262 : f32 to vector<16xf32>
        %sub3A_434 = arith.subf %sub3A_433, %get3A_432 : vector<16xf32>
        %mul3A_435 = vector.broadcast %mul3A_320 : f32 to vector<16xf32>
        %mul3A_436 = arith.mulf %mul3A_435, %get3A_420 : vector<16xf32>
        %mul3A_437 = vector.broadcast %mul3A_322 : f32 to vector<16xf32>
        %mul3A_438 = arith.mulf %mul3A_437, %get3A_423 : vector<16xf32>
        %add3A_439 = arith.addf %mul3A_436, %mul3A_438 : vector<16xf32>
        %mul3A_440 = vector.broadcast %mul3A_324 : f32 to vector<16xf32>
        %mul3A_441 = arith.mulf %mul3A_440, %get3A_426 : vector<16xf32>
        %add3A_442 = arith.addf %add3A_439, %mul3A_441 : vector<16xf32>
        %mul3A_443 = arith.mulf %sub3A_434, %sub3A_434 : vector<16xf32>
        %add3A_444 = arith.addf %get3A_429, %mul3A_443 : vector<16xf32>
        %add3A_445 = arith.addf %add3A_442, %add3A_444 : vector<16xf32>
        %add3A_446 = vector.broadcast %add3A_329 : f32 to vector<16xf32>
        %add3A_447 = arith.addf %add3A_445, %add3A_446 : vector<16xf32>
        %min3A = arith.minimumf %broadcast_in_dim3A_413, %add3A_447 : vector<16xf32>
        %sub3A_448 = vector.broadcast %squeeze3A_270 : f32 to vector<16xf32>
        %sub3A_449 = arith.subf %sub3A_448, %get3A_432 : vector<16xf32>
        %mul3A_450 = vector.broadcast %mul3A_331 : f32 to vector<16xf32>
        %mul3A_451 = arith.mulf %mul3A_450, %get3A_420 : vector<16xf32>
        %mul3A_452 = vector.broadcast %mul3A_333 : f32 to vector<16xf32>
        %mul3A_453 = arith.mulf %mul3A_452, %get3A_423 : vector<16xf32>
        %add3A_454 = arith.addf %mul3A_451, %mul3A_453 : vector<16xf32>
        %mul3A_455 = vector.broadcast %mul3A_335 : f32 to vector<16xf32>
        %mul3A_456 = arith.mulf %mul3A_455, %get3A_426 : vector<16xf32>
        %add3A_457 = arith.addf %add3A_454, %mul3A_456 : vector<16xf32>
        %mul3A_458 = arith.mulf %sub3A_449, %sub3A_449 : vector<16xf32>
        %add3A_459 = arith.addf %get3A_429, %mul3A_458 : vector<16xf32>
        %add3A_460 = arith.addf %add3A_457, %add3A_459 : vector<16xf32>
        %add3A_461 = vector.broadcast %add3A_340 : f32 to vector<16xf32>
        %add3A_462 = arith.addf %add3A_460, %add3A_461 : vector<16xf32>
        %min3A_463 = arith.minimumf %broadcast_in_dim3A_413, %add3A_462 : vector<16xf32>
        %sub3A_464 = vector.broadcast %squeeze3A_278 : f32 to vector<16xf32>
        %sub3A_465 = arith.subf %sub3A_464, %get3A_432 : vector<16xf32>
        %mul3A_466 = vector.broadcast %mul3A_342 : f32 to vector<16xf32>
        %mul3A_467 = arith.mulf %mul3A_466, %get3A_420 : vector<16xf32>
        %mul3A_468 = vector.broadcast %mul3A_344 : f32 to vector<16xf32>
        %mul3A_469 = arith.mulf %mul3A_468, %get3A_423 : vector<16xf32>
        %add3A_470 = arith.addf %mul3A_467, %mul3A_469 : vector<16xf32>
        %mul3A_471 = vector.broadcast %mul3A_346 : f32 to vector<16xf32>
        %mul3A_472 = arith.mulf %mul3A_471, %get3A_426 : vector<16xf32>
        %add3A_473 = arith.addf %add3A_470, %mul3A_472 : vector<16xf32>
        %mul3A_474 = arith.mulf %sub3A_465, %sub3A_465 : vector<16xf32>
        %add3A_475 = arith.addf %get3A_429, %mul3A_474 : vector<16xf32>
        %add3A_476 = arith.addf %add3A_473, %add3A_475 : vector<16xf32>
        %add3A_477 = vector.broadcast %add3A_351 : f32 to vector<16xf32>
        %add3A_478 = arith.addf %add3A_476, %add3A_477 : vector<16xf32>
        %min3A_479 = arith.minimumf %broadcast_in_dim3A_413, %add3A_478 : vector<16xf32>
        %sub3A_480 = vector.broadcast %squeeze3A_286 : f32 to vector<16xf32>
        %sub3A_481 = arith.subf %sub3A_480, %get3A_432 : vector<16xf32>
        %mul3A_482 = vector.broadcast %mul3A_353 : f32 to vector<16xf32>
        %mul3A_483 = arith.mulf %mul3A_482, %get3A_420 : vector<16xf32>
        %mul3A_484 = vector.broadcast %mul3A_355 : f32 to vector<16xf32>
        %mul3A_485 = arith.mulf %mul3A_484, %get3A_423 : vector<16xf32>
        %add3A_486 = arith.addf %mul3A_483, %mul3A_485 : vector<16xf32>
        %mul3A_487 = vector.broadcast %mul3A_357 : f32 to vector<16xf32>
        %mul3A_488 = arith.mulf %mul3A_487, %get3A_426 : vector<16xf32>
        %add3A_489 = arith.addf %add3A_486, %mul3A_488 : vector<16xf32>
        %mul3A_490 = arith.mulf %sub3A_481, %sub3A_481 : vector<16xf32>
        %add3A_491 = arith.addf %get3A_429, %mul3A_490 : vector<16xf32>
        %add3A_492 = arith.addf %add3A_489, %add3A_491 : vector<16xf32>
        %add3A_493 = vector.broadcast %add3A_362 : f32 to vector<16xf32>
        %add3A_494 = arith.addf %add3A_492, %add3A_493 : vector<16xf32>
        %min3A_495 = arith.minimumf %broadcast_in_dim3A_413, %add3A_494 : vector<16xf32>
        %sub3A_496 = vector.broadcast %squeeze3A_294 : f32 to vector<16xf32>
        %sub3A_497 = arith.subf %sub3A_496, %get3A_432 : vector<16xf32>
        %mul3A_498 = vector.broadcast %mul3A_364 : f32 to vector<16xf32>
        %mul3A_499 = arith.mulf %mul3A_498, %get3A_420 : vector<16xf32>
        %mul3A_500 = vector.broadcast %mul3A_366 : f32 to vector<16xf32>
        %mul3A_501 = arith.mulf %mul3A_500, %get3A_423 : vector<16xf32>
        %add3A_502 = arith.addf %mul3A_499, %mul3A_501 : vector<16xf32>
        %mul3A_503 = vector.broadcast %mul3A_368 : f32 to vector<16xf32>
        %mul3A_504 = arith.mulf %mul3A_503, %get3A_426 : vector<16xf32>
        %add3A_505 = arith.addf %add3A_502, %mul3A_504 : vector<16xf32>
        %mul3A_506 = arith.mulf %sub3A_497, %sub3A_497 : vector<16xf32>
        %add3A_507 = arith.addf %get3A_429, %mul3A_506 : vector<16xf32>
        %add3A_508 = arith.addf %add3A_505, %add3A_507 : vector<16xf32>
        %add3A_509 = vector.broadcast %add3A_373 : f32 to vector<16xf32>
        %add3A_510 = arith.addf %add3A_508, %add3A_509 : vector<16xf32>
        %min3A_511 = arith.minimumf %broadcast_in_dim3A_413, %add3A_510 : vector<16xf32>
        %sub3A_512 = vector.broadcast %squeeze3A_302 : f32 to vector<16xf32>
        %sub3A_513 = arith.subf %sub3A_512, %get3A_432 : vector<16xf32>
        %mul3A_514 = vector.broadcast %mul3A_375 : f32 to vector<16xf32>
        %mul3A_515 = arith.mulf %mul3A_514, %get3A_420 : vector<16xf32>
        %mul3A_516 = vector.broadcast %mul3A_377 : f32 to vector<16xf32>
        %mul3A_517 = arith.mulf %mul3A_516, %get3A_423 : vector<16xf32>
        %add3A_518 = arith.addf %mul3A_515, %mul3A_517 : vector<16xf32>
        %mul3A_519 = vector.broadcast %mul3A_379 : f32 to vector<16xf32>
        %mul3A_520 = arith.mulf %mul3A_519, %get3A_426 : vector<16xf32>
        %add3A_521 = arith.addf %add3A_518, %mul3A_520 : vector<16xf32>
        %mul3A_522 = arith.mulf %sub3A_513, %sub3A_513 : vector<16xf32>
        %add3A_523 = arith.addf %get3A_429, %mul3A_522 : vector<16xf32>
        %add3A_524 = arith.addf %add3A_521, %add3A_523 : vector<16xf32>
        %add3A_525 = vector.broadcast %add3A_384 : f32 to vector<16xf32>
        %add3A_526 = arith.addf %add3A_524, %add3A_525 : vector<16xf32>
        %min3A_527 = arith.minimumf %broadcast_in_dim3A_413, %add3A_526 : vector<16xf32>
        %sub3A_528 = vector.broadcast %squeeze3A_310 : f32 to vector<16xf32>
        %sub3A_529 = arith.subf %sub3A_528, %get3A_432 : vector<16xf32>
        %mul3A_530 = vector.broadcast %mul3A_386 : f32 to vector<16xf32>
        %mul3A_531 = arith.mulf %mul3A_530, %get3A_420 : vector<16xf32>
        %mul3A_532 = vector.broadcast %mul3A_388 : f32 to vector<16xf32>
        %mul3A_533 = arith.mulf %mul3A_532, %get3A_423 : vector<16xf32>
        %add3A_534 = arith.addf %mul3A_531, %mul3A_533 : vector<16xf32>
        %mul3A_535 = vector.broadcast %mul3A_390 : f32 to vector<16xf32>
        %mul3A_536 = arith.mulf %mul3A_535, %get3A_426 : vector<16xf32>
        %add3A_537 = arith.addf %add3A_534, %mul3A_536 : vector<16xf32>
        %mul3A_538 = arith.mulf %sub3A_529, %sub3A_529 : vector<16xf32>
        %add3A_539 = arith.addf %get3A_429, %mul3A_538 : vector<16xf32>
        %add3A_540 = arith.addf %add3A_537, %add3A_539 : vector<16xf32>
        %add3A_541 = vector.broadcast %add3A_395 : f32 to vector<16xf32>
        %add3A_542 = arith.addf %add3A_540, %add3A_541 : vector<16xf32>
        %min3A_543 = arith.minimumf %broadcast_in_dim3A_413, %add3A_542 : vector<16xf32>
        %sub3A_544 = vector.broadcast %squeeze3A_318 : f32 to vector<16xf32>
        %sub3A_545 = arith.subf %sub3A_544, %get3A_432 : vector<16xf32>
        %mul3A_546 = vector.broadcast %mul3A_397 : f32 to vector<16xf32>
        %mul3A_547 = arith.mulf %mul3A_546, %get3A_420 : vector<16xf32>
        %mul3A_548 = vector.broadcast %mul3A_399 : f32 to vector<16xf32>
        %mul3A_549 = arith.mulf %mul3A_548, %get3A_423 : vector<16xf32>
        %add3A_550 = arith.addf %mul3A_547, %mul3A_549 : vector<16xf32>
        %mul3A_551 = vector.broadcast %mul3A_401 : f32 to vector<16xf32>
        %mul3A_552 = arith.mulf %mul3A_551, %get3A_426 : vector<16xf32>
        %add3A_553 = arith.addf %add3A_550, %mul3A_552 : vector<16xf32>
        %mul3A_554 = arith.mulf %sub3A_545, %sub3A_545 : vector<16xf32>
        %add3A_555 = arith.addf %get3A_429, %mul3A_554 : vector<16xf32>
        %add3A_556 = arith.addf %add3A_553, %add3A_555 : vector<16xf32>
        %add3A_557 = vector.broadcast %add3A_406 : f32 to vector<16xf32>
        %add3A_558 = arith.addf %add3A_556, %add3A_557 : vector<16xf32>
        %min3A_559 = arith.minimumf %broadcast_in_dim3A_413, %add3A_558 : vector<16xf32>
        %get3A_560 = arith.index_cast %mul3A_415 : i32 to index
        %get3A_561 = tpu.vector_load %arg21[%get3A_560] {strides = array<i32>} : memref<8208xf32, #tpu.memory_space<vmem>>, vector<16xf32>,
        %get3A_562 = vector.shape_cast %get3A_561 : vector<16xf32> to vector<16xf32>
        %min3A_563 = arith.minimumf %add3A_447, %add3A_462 : vector<16xf32>
        %min3A_564 = arith.minimumf %add3A_478, %add3A_494 : vector<16xf32>
        %min3A_565 = arith.minimumf %add3A_510, %add3A_526 : vector<16xf32>
        %min3A_566 = arith.minimumf %add3A_542, %add3A_558 : vector<16xf32>
        %min3A_567 = arith.minimumf %min3A_563, %min3A_564 : vector<16xf32>
        %min3A_568 = arith.minimumf %min3A_565, %min3A_566 : vector<16xf32>
        %min3A_569 = arith.minimumf %min3A_567, %min3A_568 : vector<16xf32>
        %min3A_570 = arith.minimumf %get3A_562, %min3A_569 : vector<16xf32>
        %swap3A_571 = arith.index_cast %mul3A_415 : i32 to index
        %swap3A_572 = tpu.vector_load %arg21[%swap3A_571] {strides = array<i32>} : memref<8208xf32, #tpu.memory_space<vmem>>, vector<16xf32>,
        %swap3A_573 = vector.shape_cast %swap3A_572 : vector<16xf32> to vector<16xf32>
        %swap3A_574 = vector.shape_cast %min3A_570 : vector<16xf32> to vector<16xf32>
        tpu.vector_store %arg21[%swap3A_571], %swap3A_574 {strides = array<i32>} : memref<8208xf32, #tpu.memory_space<vmem>>, vector<16xf32>,
        %mul3A_575 = arith.constant 16 : i32
        %mul3A_576 = arith.muli %max3A, %mul3A_575 : i32
        %mul3A_577 = arith.constant 16 : i32
        %mul3A_578 = arith.muli %max3A, %mul3A_577 : i32
        %get3A_579 = arith.index_cast %mul3A_578 : i32 to index
        %get3A_580 = tpu.vector_load %arg12[%get3A_579] {strides = array<i32>} : memref<8208xf32, #tpu.memory_space<vmem>>, vector<16xf32>,
        %get3A_581 = vector.shape_cast %get3A_580 : vector<16xf32> to vector<16xf32>
        %get3A_582 = arith.index_cast %mul3A_578 : i32 to index
        %get3A_583 = tpu.vector_load %arg13[%get3A_582] {strides = array<i32>} : memref<8208xf32, #tpu.memory_space<vmem>>, vector<16xf32>,
        %get3A_584 = vector.shape_cast %get3A_583 : vector<16xf32> to vector<16xf32>
        %get3A_585 = arith.index_cast %mul3A_578 : i32 to index
        %get3A_586 = tpu.vector_load %arg14[%get3A_585] {strides = array<i32>} : memref<8208xf32, #tpu.memory_space<vmem>>, vector<16xf32>,
        %get3A_587 = vector.shape_cast %get3A_586 : vector<16xf32> to vector<16xf32>
        %get3A_588 = arith.index_cast %mul3A_578 : i32 to index
        %get3A_589 = tpu.vector_load %arg20[%get3A_588] {strides = array<i32>} : memref<8208xf32, #tpu.memory_space<vmem>>, vector<16xf32>,
        %get3A_590 = vector.shape_cast %get3A_589 : vector<16xf32> to vector<16xf32>
        %get3A_591 = arith.index_cast %mul3A_578 : i32 to index
        %get3A_592 = tpu.vector_load %arg15[%get3A_591] {strides = array<i32>} : memref<8208xf32, #tpu.memory_space<vmem>>, vector<16xf32>,
        %get3A_593 = vector.shape_cast %get3A_592 : vector<16xf32> to vector<16xf32>
        %sub3A_594 = vector.broadcast %squeeze3A_262 : f32 to vector<16xf32>
        %sub3A_595 = arith.subf %sub3A_594, %get3A_593 : vector<16xf32>
        %mul3A_596 = vector.broadcast %mul3A_320 : f32 to vector<16xf32>
        %mul3A_597 = arith.mulf %mul3A_596, %get3A_581 : vector<16xf32>
        %mul3A_598 = vector.broadcast %mul3A_322 : f32 to vector<16xf32>
        %mul3A_599 = arith.mulf %mul3A_598, %get3A_584 : vector<16xf32>
        %add3A_600 = arith.addf %mul3A_597, %mul3A_599 : vector<16xf32>
        %mul3A_601 = vector.broadcast %mul3A_324 : f32 to vector<16xf32>
        %mul3A_602 = arith.mulf %mul3A_601, %get3A_587 : vector<16xf32>
        %add3A_603 = arith.addf %add3A_600, %mul3A_602 : vector<16xf32>
        %mul3A_604 = arith.mulf %sub3A_595, %sub3A_595 : vector<16xf32>
        %add3A_605 = arith.addf %get3A_590, %mul3A_604 : vector<16xf32>
        %add3A_606 = arith.addf %add3A_603, %add3A_605 : vector<16xf32>
        %add3A_607 = vector.broadcast %add3A_329 : f32 to vector<16xf32>
        %add3A_608 = arith.addf %add3A_606, %add3A_607 : vector<16xf32>
        %min3A_609 = arith.minimumf %min3A, %add3A_608 : vector<16xf32>
        %sub3A_610 = vector.broadcast %squeeze3A_270 : f32 to vector<16xf32>
        %sub3A_611 = arith.subf %sub3A_610, %get3A_593 : vector<16xf32>
        %mul3A_612 = vector.broadcast %mul3A_331 : f32 to vector<16xf32>
        %mul3A_613 = arith.mulf %mul3A_612, %get3A_581 : vector<16xf32>
        %mul3A_614 = vector.broadcast %mul3A_333 : f32 to vector<16xf32>
        %mul3A_615 = arith.mulf %mul3A_614, %get3A_584 : vector<16xf32>
        %add3A_616 = arith.addf %mul3A_613, %mul3A_615 : vector<16xf32>
        %mul3A_617 = vector.broadcast %mul3A_335 : f32 to vector<16xf32>
        %mul3A_618 = arith.mulf %mul3A_617, %get3A_587 : vector<16xf32>
        %add3A_619 = arith.addf %add3A_616, %mul3A_618 : vector<16xf32>
        %mul3A_620 = arith.mulf %sub3A_611, %sub3A_611 : vector<16xf32>
        %add3A_621 = arith.addf %get3A_590, %mul3A_620 : vector<16xf32>
        %add3A_622 = arith.addf %add3A_619, %add3A_621 : vector<16xf32>
        %add3A_623 = vector.broadcast %add3A_340 : f32 to vector<16xf32>
        %add3A_624 = arith.addf %add3A_622, %add3A_623 : vector<16xf32>
        %min3A_625 = arith.minimumf %min3A_463, %add3A_624 : vector<16xf32>
        %sub3A_626 = vector.broadcast %squeeze3A_278 : f32 to vector<16xf32>
        %sub3A_627 = arith.subf %sub3A_626, %get3A_593 : vector<16xf32>
        %mul3A_628 = vector.broadcast %mul3A_342 : f32 to vector<16xf32>
        %mul3A_629 = arith.mulf %mul3A_628, %get3A_581 : vector<16xf32>
        %mul3A_630 = vector.broadcast %mul3A_344 : f32 to vector<16xf32>
        %mul3A_631 = arith.mulf %mul3A_630, %get3A_584 : vector<16xf32>
        %add3A_632 = arith.addf %mul3A_629, %mul3A_631 : vector<16xf32>
        %mul3A_633 = vector.broadcast %mul3A_346 : f32 to vector<16xf32>
        %mul3A_634 = arith.mulf %mul3A_633, %get3A_587 : vector<16xf32>
        %add3A_635 = arith.addf %add3A_632, %mul3A_634 : vector<16xf32>
        %mul3A_636 = arith.mulf %sub3A_627, %sub3A_627 : vector<16xf32>
        %add3A_637 = arith.addf %get3A_590, %mul3A_636 : vector<16xf32>
        %add3A_638 = arith.addf %add3A_635, %add3A_637 : vector<16xf32>
        %add3A_639 = vector.broadcast %add3A_351 : f32 to vector<16xf32>
        %add3A_640 = arith.addf %add3A_638, %add3A_639 : vector<16xf32>
        %min3A_641 = arith.minimumf %min3A_479, %add3A_640 : vector<16xf32>
        %sub3A_642 = vector.broadcast %squeeze3A_286 : f32 to vector<16xf32>
        %sub3A_643 = arith.subf %sub3A_642, %get3A_593 : vector<16xf32>
        %mul3A_644 = vector.broadcast %mul3A_353 : f32 to vector<16xf32>
        %mul3A_645 = arith.mulf %mul3A_644, %get3A_581 : vector<16xf32>
        %mul3A_646 = vector.broadcast %mul3A_355 : f32 to vector<16xf32>
        %mul3A_647 = arith.mulf %mul3A_646, %get3A_584 : vector<16xf32>
        %add3A_648 = arith.addf %mul3A_645, %mul3A_647 : vector<16xf32>
        %mul3A_649 = vector.broadcast %mul3A_357 : f32 to vector<16xf32>
        %mul3A_650 = arith.mulf %mul3A_649, %get3A_587 : vector<16xf32>
        %add3A_651 = arith.addf %add3A_648, %mul3A_650 : vector<16xf32>
        %mul3A_652 = arith.mulf %sub3A_643, %sub3A_643 : vector<16xf32>
        %add3A_653 = arith.addf %get3A_590, %mul3A_652 : vector<16xf32>
        %add3A_654 = arith.addf %add3A_651, %add3A_653 : vector<16xf32>
        %add3A_655 = vector.broadcast %add3A_362 : f32 to vector<16xf32>
        %add3A_656 = arith.addf %add3A_654, %add3A_655 : vector<16xf32>
        %min3A_657 = arith.minimumf %min3A_495, %add3A_656 : vector<16xf32>
        %sub3A_658 = vector.broadcast %squeeze3A_294 : f32 to vector<16xf32>
        %sub3A_659 = arith.subf %sub3A_658, %get3A_593 : vector<16xf32>
        %mul3A_660 = vector.broadcast %mul3A_364 : f32 to vector<16xf32>
        %mul3A_661 = arith.mulf %mul3A_660, %get3A_581 : vector<16xf32>
        %mul3A_662 = vector.broadcast %mul3A_366 : f32 to vector<16xf32>
        %mul3A_663 = arith.mulf %mul3A_662, %get3A_584 : vector<16xf32>
        %add3A_664 = arith.addf %mul3A_661, %mul3A_663 : vector<16xf32>
        %mul3A_665 = vector.broadcast %mul3A_368 : f32 to vector<16xf32>
        %mul3A_666 = arith.mulf %mul3A_665, %get3A_587 : vector<16xf32>
        %add3A_667 = arith.addf %add3A_664, %mul3A_666 : vector<16xf32>
        %mul3A_668 = arith.mulf %sub3A_659, %sub3A_659 : vector<16xf32>
        %add3A_669 = arith.addf %get3A_590, %mul3A_668 : vector<16xf32>
        %add3A_670 = arith.addf %add3A_667, %add3A_669 : vector<16xf32>
        %add3A_671 = vector.broadcast %add3A_373 : f32 to vector<16xf32>
        %add3A_672 = arith.addf %add3A_670, %add3A_671 : vector<16xf32>
        %min3A_673 = arith.minimumf %min3A_511, %add3A_672 : vector<16xf32>
        %sub3A_674 = vector.broadcast %squeeze3A_302 : f32 to vector<16xf32>
        %sub3A_675 = arith.subf %sub3A_674, %get3A_593 : vector<16xf32>
        %mul3A_676 = vector.broadcast %mul3A_375 : f32 to vector<16xf32>
        %mul3A_677 = arith.mulf %mul3A_676, %get3A_581 : vector<16xf32>
        %mul3A_678 = vector.broadcast %mul3A_377 : f32 to vector<16xf32>
        %mul3A_679 = arith.mulf %mul3A_678, %get3A_584 : vector<16xf32>
        %add3A_680 = arith.addf %mul3A_677, %mul3A_679 : vector<16xf32>
        %mul3A_681 = vector.broadcast %mul3A_379 : f32 to vector<16xf32>
        %mul3A_682 = arith.mulf %mul3A_681, %get3A_587 : vector<16xf32>
        %add3A_683 = arith.addf %add3A_680, %mul3A_682 : vector<16xf32>
        %mul3A_684 = arith.mulf %sub3A_675, %sub3A_675 : vector<16xf32>
        %add3A_685 = arith.addf %get3A_590, %mul3A_684 : vector<16xf32>
        %add3A_686 = arith.addf %add3A_683, %add3A_685 : vector<16xf32>
        %add3A_687 = vector.broadcast %add3A_384 : f32 to vector<16xf32>
        %add3A_688 = arith.addf %add3A_686, %add3A_687 : vector<16xf32>
        %min3A_689 = arith.minimumf %min3A_527, %add3A_688 : vector<16xf32>
        %sub3A_690 = vector.broadcast %squeeze3A_310 : f32 to vector<16xf32>
        %sub3A_691 = arith.subf %sub3A_690, %get3A_593 : vector<16xf32>
        %mul3A_692 = vector.broadcast %mul3A_386 : f32 to vector<16xf32>
        %mul3A_693 = arith.mulf %mul3A_692, %get3A_581 : vector<16xf32>
        %mul3A_694 = vector.broadcast %mul3A_388 : f32 to vector<16xf32>
        %mul3A_695 = arith.mulf %mul3A_694, %get3A_584 : vector<16xf32>
        %add3A_696 = arith.addf %mul3A_693, %mul3A_695 : vector<16xf32>
        %mul3A_697 = vector.broadcast %mul3A_390 : f32 to vector<16xf32>
        %mul3A_698 = arith.mulf %mul3A_697, %get3A_587 : vector<16xf32>
        %add3A_699 = arith.addf %add3A_696, %mul3A_698 : vector<16xf32>
        %mul3A_700 = arith.mulf %sub3A_691, %sub3A_691 : vector<16xf32>
        %add3A_701 = arith.addf %get3A_590, %mul3A_700 : vector<16xf32>
        %add3A_702 = arith.addf %add3A_699, %add3A_701 : vector<16xf32>
        %add3A_703 = vector.broadcast %add3A_395 : f32 to vector<16xf32>
        %add3A_704 = arith.addf %add3A_702, %add3A_703 : vector<16xf32>
        %min3A_705 = arith.minimumf %min3A_543, %add3A_704 : vector<16xf32>
        %sub3A_706 = vector.broadcast %squeeze3A_318 : f32 to vector<16xf32>
        %sub3A_707 = arith.subf %sub3A_706, %get3A_593 : vector<16xf32>
        %mul3A_708 = vector.broadcast %mul3A_397 : f32 to vector<16xf32>
        %mul3A_709 = arith.mulf %mul3A_708, %get3A_581 : vector<16xf32>
        %mul3A_710 = vector.broadcast %mul3A_399 : f32 to vector<16xf32>
        %mul3A_711 = arith.mulf %mul3A_710, %get3A_584 : vector<16xf32>
        %add3A_712 = arith.addf %mul3A_709, %mul3A_711 : vector<16xf32>
        %mul3A_713 = vector.broadcast %mul3A_401 : f32 to vector<16xf32>
        %mul3A_714 = arith.mulf %mul3A_713, %get3A_587 : vector<16xf32>
        %add3A_715 = arith.addf %add3A_712, %mul3A_714 : vector<16xf32>
        %mul3A_716 = arith.mulf %sub3A_707, %sub3A_707 : vector<16xf32>
        %add3A_717 = arith.addf %get3A_590, %mul3A_716 : vector<16xf32>
        %add3A_718 = arith.addf %add3A_715, %add3A_717 : vector<16xf32>
        %add3A_719 = vector.broadcast %add3A_406 : f32 to vector<16xf32>
        %add3A_720 = arith.addf %add3A_718, %add3A_719 : vector<16xf32>
        %min3A_721 = arith.minimumf %min3A_559, %add3A_720 : vector<16xf32>
        %get3A_722 = arith.index_cast %mul3A_576 : i32 to index
        %get3A_723 = tpu.vector_load %arg21[%get3A_722] {strides = array<i32>} : memref<8208xf32, #tpu.memory_space<vmem>>, vector<16xf32>,
        %get3A_724 = vector.shape_cast %get3A_723 : vector<16xf32> to vector<16xf32>
        %min3A_725 = arith.minimumf %add3A_608, %add3A_624 : vector<16xf32>
        %min3A_726 = arith.minimumf %add3A_640, %add3A_656 : vector<16xf32>
        %min3A_727 = arith.minimumf %add3A_672, %add3A_688 : vector<16xf32>
        %min3A_728 = arith.minimumf %add3A_704, %add3A_720 : vector<16xf32>
        %min3A_729 = arith.minimumf %min3A_725, %min3A_726 : vector<16xf32>
        %min3A_730 = arith.minimumf %min3A_727, %min3A_728 : vector<16xf32>
        %min3A_731 = arith.minimumf %min3A_729, %min3A_730 : vector<16xf32>
        %min3A_732 = arith.minimumf %get3A_724, %min3A_731 : vector<16xf32>
        %swap3A_733 = arith.index_cast %mul3A_576 : i32 to index
        %swap3A_734 = tpu.vector_load %arg21[%swap3A_733] {strides = array<i32>} : memref<8208xf32, #tpu.memory_space<vmem>>, vector<16xf32>,
        %swap3A_735 = vector.shape_cast %swap3A_734 : vector<16xf32> to vector<16xf32>
        %swap3A_736 = vector.shape_cast %min3A_732 : vector<16xf32> to vector<16xf32>
        tpu.vector_store %arg21[%swap3A_733], %swap3A_736 {strides = array<i32>} : memref<8208xf32, #tpu.memory_space<vmem>>, vector<16xf32>,
        %mul3A_737 = arith.constant 16 : i32
        %mul3A_738 = arith.muli %add3A_96, %mul3A_737 : i32
        %get3A_739 = arith.index_cast %mul3A_738 : i32 to index
        %get3A_740 = tpu.vector_load %arg12[%get3A_739] {strides = array<i32>} : memref<8208xf32, #tpu.memory_space<vmem>>, vector<16xf32>,
        %get3A_741 = vector.shape_cast %get3A_740 : vector<16xf32> to vector<16xf32>
        %get3A_742 = arith.index_cast %mul3A_738 : i32 to index
        %get3A_743 = tpu.vector_load %arg13[%get3A_742] {strides = array<i32>} : memref<8208xf32, #tpu.memory_space<vmem>>, vector<16xf32>,
        %get3A_744 = vector.shape_cast %get3A_743 : vector<16xf32> to vector<16xf32>
        %get3A_745 = arith.index_cast %mul3A_738 : i32 to index
        %get3A_746 = tpu.vector_load %arg14[%get3A_745] {strides = array<i32>} : memref<8208xf32, #tpu.memory_space<vmem>>, vector<16xf32>,
        %get3A_747 = vector.shape_cast %get3A_746 : vector<16xf32> to vector<16xf32>
        %get3A_748 = arith.index_cast %mul3A_738 : i32 to index
        %get3A_749 = tpu.vector_load %arg20[%get3A_748] {strides = array<i32>} : memref<8208xf32, #tpu.memory_space<vmem>>, vector<16xf32>,
        %get3A_750 = vector.shape_cast %get3A_749 : vector<16xf32> to vector<16xf32>
        %parallel_loop3A = arith.constant 1 : i32
        %parallel_loop3A_751:12 = scf.for %parallel_loop3A_833 = %add3A_96 to %max3A_99 step %parallel_loop3A iter_args(%parallel_loop3A_834 = %min3A_609, %parallel_loop3A_835 = %min3A_625, %parallel_loop3A_836 = %min3A_641, %parallel_loop3A_837 = %min3A_657, %parallel_loop3A_838 = %min3A_673, %parallel_loop3A_839 = %min3A_689, %parallel_loop3A_840 = %min3A_705, %parallel_loop3A_841 = %min3A_721, %parallel_loop3A_842 = %get3A_741, %parallel_loop3A_843 = %get3A_744, %parallel_loop3A_844 = %get3A_747, %parallel_loop3A_845 = %get3A_750) -> (vector<16xf32>, vector<16xf32>, vector<16xf32>, vector<16xf32>, vector<16xf32>, vector<16xf32>, vector<16xf32>, vector<16xf32>, vector<16xf32>, vector<16xf32>, vector<16xf32>, vector<16xf32>)  : i32 {
          %parallel_loop3A_846 = arith.constant 16 : i32
          %parallel_loop3A_847 = arith.muli %parallel_loop3A_833, %parallel_loop3A_846 : i32
          %parallel_loop3A_848 = arith.constant 16 : i32
          %parallel_loop3A_849 = arith.addi %parallel_loop3A_847, %parallel_loop3A_848 : i32
          %parallel_loop3A_850 = arith.index_cast %parallel_loop3A_849 : i32 to index
          %parallel_loop3A_851 = tpu.vector_load %arg12[%parallel_loop3A_850] {strides = array<i32>} : memref<8208xf32, #tpu.memory_space<vmem>>, vector<16xf32>,
          %parallel_loop3A_852 = vector.shape_cast %parallel_loop3A_851 : vector<16xf32> to vector<16xf32>
          %parallel_loop3A_853 = arith.index_cast %parallel_loop3A_849 : i32 to index
          %parallel_loop3A_854 = tpu.vector_load %arg13[%parallel_loop3A_853] {strides = array<i32>} : memref<8208xf32, #tpu.memory_space<vmem>>, vector<16xf32>,
          %parallel_loop3A_855 = vector.shape_cast %parallel_loop3A_854 : vector<16xf32> to vector<16xf32>
          %parallel_loop3A_856 = arith.index_cast %parallel_loop3A_849 : i32 to index
          %parallel_loop3A_857 = tpu.vector_load %arg14[%parallel_loop3A_856] {strides = array<i32>} : memref<8208xf32, #tpu.memory_space<vmem>>, vector<16xf32>,
          %parallel_loop3A_858 = vector.shape_cast %parallel_loop3A_857 : vector<16xf32> to vector<16xf32>
          %parallel_loop3A_859 = arith.index_cast %parallel_loop3A_849 : i32 to index
          %parallel_loop3A_860 = tpu.vector_load %arg20[%parallel_loop3A_859] {strides = array<i32>} : memref<8208xf32, #tpu.memory_space<vmem>>, vector<16xf32>,
          %parallel_loop3A_861 = vector.shape_cast %parallel_loop3A_860 : vector<16xf32> to vector<16xf32>
          %parallel_loop3A_862 = arith.constant 16 : i32
          %parallel_loop3A_863 = arith.muli %parallel_loop3A_833, %parallel_loop3A_862 : i32
          %parallel_loop3A_864 = vector.broadcast %mul3A_320 : f32 to vector<16xf32>
          %parallel_loop3A_865 = arith.mulf %parallel_loop3A_864, %parallel_loop3A_842 : vector<16xf32>
          %parallel_loop3A_866 = vector.broadcast %mul3A_322 : f32 to vector<16xf32>
          %parallel_loop3A_867 = arith.mulf %parallel_loop3A_866, %parallel_loop3A_843 : vector<16xf32>
          %parallel_loop3A_868 = arith.addf %parallel_loop3A_865, %parallel_loop3A_867 : vector<16xf32>
          %parallel_loop3A_869 = vector.broadcast %mul3A_324 : f32 to vector<16xf32>
          %parallel_loop3A_870 = arith.mulf %parallel_loop3A_869, %parallel_loop3A_844 : vector<16xf32>
          %parallel_loop3A_871 = arith.addf %parallel_loop3A_868, %parallel_loop3A_870 : vector<16xf32>
          %parallel_loop3A_872 = vector.broadcast %add3A_329 : f32 to vector<16xf32>
          %parallel_loop3A_873 = arith.addf %parallel_loop3A_845, %parallel_loop3A_872 : vector<16xf32>
          %parallel_loop3A_874 = arith.addf %parallel_loop3A_871, %parallel_loop3A_873 : vector<16xf32>
          %parallel_loop3A_875 = arith.minimumf %parallel_loop3A_834, %parallel_loop3A_874 : vector<16xf32>
          %parallel_loop3A_876 = vector.broadcast %mul3A_331 : f32 to vector<16xf32>
          %parallel_loop3A_877 = arith.mulf %parallel_loop3A_876, %parallel_loop3A_842 : vector<16xf32>
          %parallel_loop3A_878 = vector.broadcast %mul3A_333 : f32 to vector<16xf32>
          %parallel_loop3A_879 = arith.mulf %parallel_loop3A_878, %parallel_loop3A_843 : vector<16xf32>
          %parallel_loop3A_880 = arith.addf %parallel_loop3A_877, %parallel_loop3A_879 : vector<16xf32>
          %parallel_loop3A_881 = vector.broadcast %mul3A_335 : f32 to vector<16xf32>
          %parallel_loop3A_882 = arith.mulf %parallel_loop3A_881, %parallel_loop3A_844 : vector<16xf32>
          %parallel_loop3A_883 = arith.addf %parallel_loop3A_880, %parallel_loop3A_882 : vector<16xf32>
          %parallel_loop3A_884 = vector.broadcast %add3A_340 : f32 to vector<16xf32>
          %parallel_loop3A_885 = arith.addf %parallel_loop3A_845, %parallel_loop3A_884 : vector<16xf32>
          %parallel_loop3A_886 = arith.addf %parallel_loop3A_883, %parallel_loop3A_885 : vector<16xf32>
          %parallel_loop3A_887 = arith.minimumf %parallel_loop3A_835, %parallel_loop3A_886 : vector<16xf32>
          %parallel_loop3A_888 = vector.broadcast %mul3A_342 : f32 to vector<16xf32>
          %parallel_loop3A_889 = arith.mulf %parallel_loop3A_888, %parallel_loop3A_842 : vector<16xf32>
          %parallel_loop3A_890 = vector.broadcast %mul3A_344 : f32 to vector<16xf32>
          %parallel_loop3A_891 = arith.mulf %parallel_loop3A_890, %parallel_loop3A_843 : vector<16xf32>
          %parallel_loop3A_892 = arith.addf %parallel_loop3A_889, %parallel_loop3A_891 : vector<16xf32>
          %parallel_loop3A_893 = vector.broadcast %mul3A_346 : f32 to vector<16xf32>
          %parallel_loop3A_894 = arith.mulf %parallel_loop3A_893, %parallel_loop3A_844 : vector<16xf32>
          %parallel_loop3A_895 = arith.addf %parallel_loop3A_892, %parallel_loop3A_894 : vector<16xf32>
          %parallel_loop3A_896 = vector.broadcast %add3A_351 : f32 to vector<16xf32>
          %parallel_loop3A_897 = arith.addf %parallel_loop3A_845, %parallel_loop3A_896 : vector<16xf32>
          %parallel_loop3A_898 = arith.addf %parallel_loop3A_895, %parallel_loop3A_897 : vector<16xf32>
          %parallel_loop3A_899 = arith.minimumf %parallel_loop3A_836, %parallel_loop3A_898 : vector<16xf32>
          %parallel_loop3A_900 = vector.broadcast %mul3A_353 : f32 to vector<16xf32>
          %parallel_loop3A_901 = arith.mulf %parallel_loop3A_900, %parallel_loop3A_842 : vector<16xf32>
          %parallel_loop3A_902 = vector.broadcast %mul3A_355 : f32 to vector<16xf32>
          %parallel_loop3A_903 = arith.mulf %parallel_loop3A_902, %parallel_loop3A_843 : vector<16xf32>
          %parallel_loop3A_904 = arith.addf %parallel_loop3A_901, %parallel_loop3A_903 : vector<16xf32>
          %parallel_loop3A_905 = vector.broadcast %mul3A_357 : f32 to vector<16xf32>
          %parallel_loop3A_906 = arith.mulf %parallel_loop3A_905, %parallel_loop3A_844 : vector<16xf32>
          %parallel_loop3A_907 = arith.addf %parallel_loop3A_904, %parallel_loop3A_906 : vector<16xf32>
          %parallel_loop3A_908 = vector.broadcast %add3A_362 : f32 to vector<16xf32>
          %parallel_loop3A_909 = arith.addf %parallel_loop3A_845, %parallel_loop3A_908 : vector<16xf32>
          %parallel_loop3A_910 = arith.addf %parallel_loop3A_907, %parallel_loop3A_909 : vector<16xf32>
          %parallel_loop3A_911 = arith.minimumf %parallel_loop3A_837, %parallel_loop3A_910 : vector<16xf32>
          %parallel_loop3A_912 = vector.broadcast %mul3A_364 : f32 to vector<16xf32>
          %parallel_loop3A_913 = arith.mulf %parallel_loop3A_912, %parallel_loop3A_842 : vector<16xf32>
          %parallel_loop3A_914 = vector.broadcast %mul3A_366 : f32 to vector<16xf32>
          %parallel_loop3A_915 = arith.mulf %parallel_loop3A_914, %parallel_loop3A_843 : vector<16xf32>
          %parallel_loop3A_916 = arith.addf %parallel_loop3A_913, %parallel_loop3A_915 : vector<16xf32>
          %parallel_loop3A_917 = vector.broadcast %mul3A_368 : f32 to vector<16xf32>
          %parallel_loop3A_918 = arith.mulf %parallel_loop3A_917, %parallel_loop3A_844 : vector<16xf32>
          %parallel_loop3A_919 = arith.addf %parallel_loop3A_916, %parallel_loop3A_918 : vector<16xf32>
          %parallel_loop3A_920 = vector.broadcast %add3A_373 : f32 to vector<16xf32>
          %parallel_loop3A_921 = arith.addf %parallel_loop3A_845, %parallel_loop3A_920 : vector<16xf32>
          %parallel_loop3A_922 = arith.addf %parallel_loop3A_919, %parallel_loop3A_921 : vector<16xf32>
          %parallel_loop3A_923 = arith.minimumf %parallel_loop3A_838, %parallel_loop3A_922 : vector<16xf32>
          %parallel_loop3A_924 = vector.broadcast %mul3A_375 : f32 to vector<16xf32>
          %parallel_loop3A_925 = arith.mulf %parallel_loop3A_924, %parallel_loop3A_842 : vector<16xf32>
          %parallel_loop3A_926 = vector.broadcast %mul3A_377 : f32 to vector<16xf32>
          %parallel_loop3A_927 = arith.mulf %parallel_loop3A_926, %parallel_loop3A_843 : vector<16xf32>
          %parallel_loop3A_928 = arith.addf %parallel_loop3A_925, %parallel_loop3A_927 : vector<16xf32>
          %parallel_loop3A_929 = vector.broadcast %mul3A_379 : f32 to vector<16xf32>
          %parallel_loop3A_930 = arith.mulf %parallel_loop3A_929, %parallel_loop3A_844 : vector<16xf32>
          %parallel_loop3A_931 = arith.addf %parallel_loop3A_928, %parallel_loop3A_930 : vector<16xf32>
          %parallel_loop3A_932 = vector.broadcast %add3A_384 : f32 to vector<16xf32>
          %parallel_loop3A_933 = arith.addf %parallel_loop3A_845, %parallel_loop3A_932 : vector<16xf32>
          %parallel_loop3A_934 = arith.addf %parallel_loop3A_931, %parallel_loop3A_933 : vector<16xf32>
          %parallel_loop3A_935 = arith.minimumf %parallel_loop3A_839, %parallel_loop3A_934 : vector<16xf32>
          %parallel_loop3A_936 = vector.broadcast %mul3A_386 : f32 to vector<16xf32>
          %parallel_loop3A_937 = arith.mulf %parallel_loop3A_936, %parallel_loop3A_842 : vector<16xf32>
          %parallel_loop3A_938 = vector.broadcast %mul3A_388 : f32 to vector<16xf32>
          %parallel_loop3A_939 = arith.mulf %parallel_loop3A_938, %parallel_loop3A_843 : vector<16xf32>
          %parallel_loop3A_940 = arith.addf %parallel_loop3A_937, %parallel_loop3A_939 : vector<16xf32>
          %parallel_loop3A_941 = vector.broadcast %mul3A_390 : f32 to vector<16xf32>
          %parallel_loop3A_942 = arith.mulf %parallel_loop3A_941, %parallel_loop3A_844 : vector<16xf32>
          %parallel_loop3A_943 = arith.addf %parallel_loop3A_940, %parallel_loop3A_942 : vector<16xf32>
          %parallel_loop3A_944 = vector.broadcast %add3A_395 : f32 to vector<16xf32>
          %parallel_loop3A_945 = arith.addf %parallel_loop3A_845, %parallel_loop3A_944 : vector<16xf32>
          %parallel_loop3A_946 = arith.addf %parallel_loop3A_943, %parallel_loop3A_945 : vector<16xf32>
          %parallel_loop3A_947 = arith.minimumf %parallel_loop3A_840, %parallel_loop3A_946 : vector<16xf32>
          %parallel_loop3A_948 = vector.broadcast %mul3A_397 : f32 to vector<16xf32>
          %parallel_loop3A_949 = arith.mulf %parallel_loop3A_948, %parallel_loop3A_842 : vector<16xf32>
          %parallel_loop3A_950 = vector.broadcast %mul3A_399 : f32 to vector<16xf32>
          %parallel_loop3A_951 = arith.mulf %parallel_loop3A_950, %parallel_loop3A_843 : vector<16xf32>
          %parallel_loop3A_952 = arith.addf %parallel_loop3A_949, %parallel_loop3A_951 : vector<16xf32>
          %parallel_loop3A_953 = vector.broadcast %mul3A_401 : f32 to vector<16xf32>
          %parallel_loop3A_954 = arith.mulf %parallel_loop3A_953, %parallel_loop3A_844 : vector<16xf32>
          %parallel_loop3A_955 = arith.addf %parallel_loop3A_952, %parallel_loop3A_954 : vector<16xf32>
          %parallel_loop3A_956 = vector.broadcast %add3A_406 : f32 to vector<16xf32>
          %parallel_loop3A_957 = arith.addf %parallel_loop3A_845, %parallel_loop3A_956 : vector<16xf32>
          %parallel_loop3A_958 = arith.addf %parallel_loop3A_955, %parallel_loop3A_957 : vector<16xf32>
          %parallel_loop3A_959 = arith.minimumf %parallel_loop3A_841, %parallel_loop3A_958 : vector<16xf32>
          %parallel_loop3A_960 = arith.index_cast %parallel_loop3A_863 : i32 to index
          %parallel_loop3A_961 = tpu.vector_load %arg21[%parallel_loop3A_960] {strides = array<i32>} : memref<8208xf32, #tpu.memory_space<vmem>>, vector<16xf32>,
          %parallel_loop3A_962 = vector.shape_cast %parallel_loop3A_961 : vector<16xf32> to vector<16xf32>
          %parallel_loop3A_963 = arith.minimumf %parallel_loop3A_874, %parallel_loop3A_886 : vector<16xf32>
          %parallel_loop3A_964 = arith.minimumf %parallel_loop3A_898, %parallel_loop3A_910 : vector<16xf32>
          %parallel_loop3A_965 = arith.minimumf %parallel_loop3A_922, %parallel_loop3A_934 : vector<16xf32>
          %parallel_loop3A_966 = arith.minimumf %parallel_loop3A_946, %parallel_loop3A_958 : vector<16xf32>
          %parallel_loop3A_967 = arith.minimumf %parallel_loop3A_963, %parallel_loop3A_964 : vector<16xf32>
          %parallel_loop3A_968 = arith.minimumf %parallel_loop3A_965, %parallel_loop3A_966 : vector<16xf32>
          %parallel_loop3A_969 = arith.minimumf %parallel_loop3A_967, %parallel_loop3A_968 : vector<16xf32>
          %parallel_loop3A_970 = arith.minimumf %parallel_loop3A_962, %parallel_loop3A_969 : vector<16xf32>
          %parallel_loop3A_971 = arith.index_cast %parallel_loop3A_863 : i32 to index
          %parallel_loop3A_972 = tpu.vector_load %arg21[%parallel_loop3A_971] {strides = array<i32>} : memref<8208xf32, #tpu.memory_space<vmem>>, vector<16xf32>,
          %parallel_loop3A_973 = vector.shape_cast %parallel_loop3A_972 : vector<16xf32> to vector<16xf32>
          %parallel_loop3A_974 = vector.shape_cast %parallel_loop3A_970 : vector<16xf32> to vector<16xf32>
          tpu.vector_store %arg21[%parallel_loop3A_971], %parallel_loop3A_974 {strides = array<i32>} : memref<8208xf32, #tpu.memory_space<vmem>>, vector<16xf32>,
          scf.yield %parallel_loop3A_875, %parallel_loop3A_887, %parallel_loop3A_899, %parallel_loop3A_911, %parallel_loop3A_923, %parallel_loop3A_935, %parallel_loop3A_947, %parallel_loop3A_959, %parallel_loop3A_852, %parallel_loop3A_855, %parallel_loop3A_858, %parallel_loop3A_861 : vector<16xf32>, vector<16xf32>, vector<16xf32>, vector<16xf32>, vector<16xf32>, vector<16xf32>, vector<16xf32>, vector<16xf32>, vector<16xf32>, vector<16xf32>, vector<16xf32>, vector<16xf32>
        } {sc.loop_unroll_factor = 4 : i64, sc.parallel_access}
        %add3A_752 = arith.constant 8 : i32
        %add3A_753 = arith.addi %mul3A_54, %add3A_752 : i32
        %add3A_754 = arith.constant 0 : i32
        %add3A_755 = arith.addi %add3A_753, %add3A_754 : i32
        %mul3A_756 = arith.constant 16 : i32
        %mul3A_757 = arith.muli %add3A_755, %mul3A_756 : i32
        %swap3A_758 = arith.index_cast %mul3A_757 : i32 to index
        %swap3A_759 = tpu.vector_load %arg22[%swap3A_758] {strides = array<i32>} : memref<4096xf32, #tpu.memory_space<vmem>>, vector<16xf32>,
        %swap3A_760 = vector.shape_cast %swap3A_759 : vector<16xf32> to vector<16xf32>
        %swap3A_761 = vector.shape_cast %parallel_loop3A_751#0 : vector<16xf32> to vector<16xf32>
        tpu.vector_store %arg22[%swap3A_758], %swap3A_761 {strides = array<i32>} : memref<4096xf32, #tpu.memory_space<vmem>>, vector<16xf32>,
        %add3A_762 = arith.constant 8 : i32
        %add3A_763 = arith.addi %mul3A_54, %add3A_762 : i32
        %add3A_764 = arith.constant 1 : i32
        %add3A_765 = arith.addi %add3A_763, %add3A_764 : i32
        %mul3A_766 = arith.constant 16 : i32
        %mul3A_767 = arith.muli %add3A_765, %mul3A_766 : i32
        %swap3A_768 = arith.index_cast %mul3A_767 : i32 to index
        %swap3A_769 = tpu.vector_load %arg22[%swap3A_768] {strides = array<i32>} : memref<4096xf32, #tpu.memory_space<vmem>>, vector<16xf32>,
        %swap3A_770 = vector.shape_cast %swap3A_769 : vector<16xf32> to vector<16xf32>
        %swap3A_771 = vector.shape_cast %parallel_loop3A_751#1 : vector<16xf32> to vector<16xf32>
        tpu.vector_store %arg22[%swap3A_768], %swap3A_771 {strides = array<i32>} : memref<4096xf32, #tpu.memory_space<vmem>>, vector<16xf32>,
        %add3A_772 = arith.constant 8 : i32
        %add3A_773 = arith.addi %mul3A_54, %add3A_772 : i32
        %add3A_774 = arith.constant 2 : i32
        %add3A_775 = arith.addi %add3A_773, %add3A_774 : i32
        %mul3A_776 = arith.constant 16 : i32
        %mul3A_777 = arith.muli %add3A_775, %mul3A_776 : i32
        %swap3A_778 = arith.index_cast %mul3A_777 : i32 to index
        %swap3A_779 = tpu.vector_load %arg22[%swap3A_778] {strides = array<i32>} : memref<4096xf32, #tpu.memory_space<vmem>>, vector<16xf32>,
        %swap3A_780 = vector.shape_cast %swap3A_779 : vector<16xf32> to vector<16xf32>
        %swap3A_781 = vector.shape_cast %parallel_loop3A_751#2 : vector<16xf32> to vector<16xf32>
        tpu.vector_store %arg22[%swap3A_778], %swap3A_781 {strides = array<i32>} : memref<4096xf32, #tpu.memory_space<vmem>>, vector<16xf32>,
        %add3A_782 = arith.constant 8 : i32
        %add3A_783 = arith.addi %mul3A_54, %add3A_782 : i32
        %add3A_784 = arith.constant 3 : i32
        %add3A_785 = arith.addi %add3A_783, %add3A_784 : i32
        %mul3A_786 = arith.constant 16 : i32
        %mul3A_787 = arith.muli %add3A_785, %mul3A_786 : i32
        %swap3A_788 = arith.index_cast %mul3A_787 : i32 to index
        %swap3A_789 = tpu.vector_load %arg22[%swap3A_788] {strides = array<i32>} : memref<4096xf32, #tpu.memory_space<vmem>>, vector<16xf32>,
        %swap3A_790 = vector.shape_cast %swap3A_789 : vector<16xf32> to vector<16xf32>
        %swap3A_791 = vector.shape_cast %parallel_loop3A_751#3 : vector<16xf32> to vector<16xf32>
        tpu.vector_store %arg22[%swap3A_788], %swap3A_791 {strides = array<i32>} : memref<4096xf32, #tpu.memory_space<vmem>>, vector<16xf32>,
        %add3A_792 = arith.constant 8 : i32
        %add3A_793 = arith.addi %mul3A_54, %add3A_792 : i32
        %add3A_794 = arith.constant 4 : i32
        %add3A_795 = arith.addi %add3A_793, %add3A_794 : i32
        %mul3A_796 = arith.constant 16 : i32
        %mul3A_797 = arith.muli %add3A_795, %mul3A_796 : i32
        %swap3A_798 = arith.index_cast %mul3A_797 : i32 to index
        %swap3A_799 = tpu.vector_load %arg22[%swap3A_798] {strides = array<i32>} : memref<4096xf32, #tpu.memory_space<vmem>>, vector<16xf32>,
        %swap3A_800 = vector.shape_cast %swap3A_799 : vector<16xf32> to vector<16xf32>
        %swap3A_801 = vector.shape_cast %parallel_loop3A_751#4 : vector<16xf32> to vector<16xf32>
        tpu.vector_store %arg22[%swap3A_798], %swap3A_801 {strides = array<i32>} : memref<4096xf32, #tpu.memory_space<vmem>>, vector<16xf32>,
        %add3A_802 = arith.constant 8 : i32
        %add3A_803 = arith.addi %mul3A_54, %add3A_802 : i32
        %add3A_804 = arith.constant 5 : i32
        %add3A_805 = arith.addi %add3A_803, %add3A_804 : i32
        %mul3A_806 = arith.constant 16 : i32
        %mul3A_807 = arith.muli %add3A_805, %mul3A_806 : i32
        %swap3A_808 = arith.index_cast %mul3A_807 : i32 to index
        %swap3A_809 = tpu.vector_load %arg22[%swap3A_808] {strides = array<i32>} : memref<4096xf32, #tpu.memory_space<vmem>>, vector<16xf32>,
        %swap3A_810 = vector.shape_cast %swap3A_809 : vector<16xf32> to vector<16xf32>
        %swap3A_811 = vector.shape_cast %parallel_loop3A_751#5 : vector<16xf32> to vector<16xf32>
        tpu.vector_store %arg22[%swap3A_808], %swap3A_811 {strides = array<i32>} : memref<4096xf32, #tpu.memory_space<vmem>>, vector<16xf32>,
        %add3A_812 = arith.constant 8 : i32
        %add3A_813 = arith.addi %mul3A_54, %add3A_812 : i32
        %add3A_814 = arith.constant 6 : i32
        %add3A_815 = arith.addi %add3A_813, %add3A_814 : i32
        %mul3A_816 = arith.constant 16 : i32
        %mul3A_817 = arith.muli %add3A_815, %mul3A_816 : i32
        %swap3A_818 = arith.index_cast %mul3A_817 : i32 to index
        %swap3A_819 = tpu.vector_load %arg22[%swap3A_818] {strides = array<i32>} : memref<4096xf32, #tpu.memory_space<vmem>>, vector<16xf32>,
        %swap3A_820 = vector.shape_cast %swap3A_819 : vector<16xf32> to vector<16xf32>
        %swap3A_821 = vector.shape_cast %parallel_loop3A_751#6 : vector<16xf32> to vector<16xf32>
        tpu.vector_store %arg22[%swap3A_818], %swap3A_821 {strides = array<i32>} : memref<4096xf32, #tpu.memory_space<vmem>>, vector<16xf32>,
        %add3A_822 = arith.constant 8 : i32
        %add3A_823 = arith.addi %mul3A_54, %add3A_822 : i32
        %add3A_824 = arith.constant 7 : i32
        %add3A_825 = arith.addi %add3A_823, %add3A_824 : i32
        %mul3A_826 = arith.constant 16 : i32
        %mul3A_827 = arith.muli %add3A_825, %mul3A_826 : i32
        %swap3A_828 = arith.index_cast %mul3A_827 : i32 to index
        %swap3A_829 = tpu.vector_load %arg22[%swap3A_828] {strides = array<i32>} : memref<4096xf32, #tpu.memory_space<vmem>>, vector<16xf32>,
        %swap3A_830 = vector.shape_cast %swap3A_829 : vector<16xf32> to vector<16xf32>
        %swap3A_831 = vector.shape_cast %parallel_loop3A_751#7 : vector<16xf32> to vector<16xf32>
        tpu.vector_store %arg22[%swap3A_828], %swap3A_831 {strides = array<i32>} : memref<4096xf32, #tpu.memory_space<vmem>>, vector<16xf32>,
        %cond3A_832 = arith.constant 0 : i32
        scf.yield %cond3A_832 : i32
      } else {
        %broadcast_in_dim3A_412 = arith.constant 3.400000e+38 : f32
        %broadcast_in_dim3A_413 = vector.broadcast %broadcast_in_dim3A_412 : f32 to vector<16xf32>
        %mul3A_414 = arith.constant 16 : i32
        %mul3A_415 = arith.muli %shift_right_logical3A_89, %mul3A_414 : i32
        %mul3A_416 = arith.constant 16 : i32
        %mul3A_417 = arith.muli %shift_right_logical3A_89, %mul3A_416 : i32
        %get3A_418 = arith.index_cast %mul3A_417 : i32 to index
        %get3A_419 = tpu.vector_load %arg12[%get3A_418] {strides = array<i32>} : memref<8208xf32, #tpu.memory_space<vmem>>, vector<16xf32>,
        %get3A_420 = vector.shape_cast %get3A_419 : vector<16xf32> to vector<16xf32>
        %get3A_421 = arith.index_cast %mul3A_417 : i32 to index
        %get3A_422 = tpu.vector_load %arg13[%get3A_421] {strides = array<i32>} : memref<8208xf32, #tpu.memory_space<vmem>>, vector<16xf32>,
        %get3A_423 = vector.shape_cast %get3A_422 : vector<16xf32> to vector<16xf32>
        %get3A_424 = arith.index_cast %mul3A_417 : i32 to index
        %get3A_425 = tpu.vector_load %arg14[%get3A_424] {strides = array<i32>} : memref<8208xf32, #tpu.memory_space<vmem>>, vector<16xf32>,
        %get3A_426 = vector.shape_cast %get3A_425 : vector<16xf32> to vector<16xf32>
        %get3A_427 = arith.index_cast %mul3A_417 : i32 to index
        %get3A_428 = tpu.vector_load %arg20[%get3A_427] {strides = array<i32>} : memref<8208xf32, #tpu.memory_space<vmem>>, vector<16xf32>,
        %get3A_429 = vector.shape_cast %get3A_428 : vector<16xf32> to vector<16xf32>
        %get3A_430 = arith.index_cast %mul3A_417 : i32 to index
        %get3A_431 = tpu.vector_load %arg15[%get3A_430] {strides = array<i32>} : memref<8208xf32, #tpu.memory_space<vmem>>, vector<16xf32>,
        %get3A_432 = vector.shape_cast %get3A_431 : vector<16xf32> to vector<16xf32>
        %sub3A_433 = vector.broadcast %squeeze3A_262 : f32 to vector<16xf32>
        %sub3A_434 = arith.subf %sub3A_433, %get3A_432 : vector<16xf32>
        %mul3A_435 = vector.broadcast %mul3A_320 : f32 to vector<16xf32>
        %mul3A_436 = arith.mulf %mul3A_435, %get3A_420 : vector<16xf32>
        %mul3A_437 = vector.broadcast %mul3A_322 : f32 to vector<16xf32>
        %mul3A_438 = arith.mulf %mul3A_437, %get3A_423 : vector<16xf32>
        %add3A_439 = arith.addf %mul3A_436, %mul3A_438 : vector<16xf32>
        %mul3A_440 = vector.broadcast %mul3A_324 : f32 to vector<16xf32>
        %mul3A_441 = arith.mulf %mul3A_440, %get3A_426 : vector<16xf32>
        %add3A_442 = arith.addf %add3A_439, %mul3A_441 : vector<16xf32>
        %mul3A_443 = arith.mulf %sub3A_434, %sub3A_434 : vector<16xf32>
        %add3A_444 = arith.addf %get3A_429, %mul3A_443 : vector<16xf32>
        %add3A_445 = arith.addf %add3A_442, %add3A_444 : vector<16xf32>
        %add3A_446 = vector.broadcast %add3A_329 : f32 to vector<16xf32>
        %add3A_447 = arith.addf %add3A_445, %add3A_446 : vector<16xf32>
        %min3A = arith.minimumf %broadcast_in_dim3A_413, %add3A_447 : vector<16xf32>
        %sub3A_448 = vector.broadcast %squeeze3A_270 : f32 to vector<16xf32>
        %sub3A_449 = arith.subf %sub3A_448, %get3A_432 : vector<16xf32>
        %mul3A_450 = vector.broadcast %mul3A_331 : f32 to vector<16xf32>
        %mul3A_451 = arith.mulf %mul3A_450, %get3A_420 : vector<16xf32>
        %mul3A_452 = vector.broadcast %mul3A_333 : f32 to vector<16xf32>
        %mul3A_453 = arith.mulf %mul3A_452, %get3A_423 : vector<16xf32>
        %add3A_454 = arith.addf %mul3A_451, %mul3A_453 : vector<16xf32>
        %mul3A_455 = vector.broadcast %mul3A_335 : f32 to vector<16xf32>
        %mul3A_456 = arith.mulf %mul3A_455, %get3A_426 : vector<16xf32>
        %add3A_457 = arith.addf %add3A_454, %mul3A_456 : vector<16xf32>
        %mul3A_458 = arith.mulf %sub3A_449, %sub3A_449 : vector<16xf32>
        %add3A_459 = arith.addf %get3A_429, %mul3A_458 : vector<16xf32>
        %add3A_460 = arith.addf %add3A_457, %add3A_459 : vector<16xf32>
        %add3A_461 = vector.broadcast %add3A_340 : f32 to vector<16xf32>
        %add3A_462 = arith.addf %add3A_460, %add3A_461 : vector<16xf32>
        %min3A_463 = arith.minimumf %broadcast_in_dim3A_413, %add3A_462 : vector<16xf32>
        %sub3A_464 = vector.broadcast %squeeze3A_278 : f32 to vector<16xf32>
        %sub3A_465 = arith.subf %sub3A_464, %get3A_432 : vector<16xf32>
        %mul3A_466 = vector.broadcast %mul3A_342 : f32 to vector<16xf32>
        %mul3A_467 = arith.mulf %mul3A_466, %get3A_420 : vector<16xf32>
        %mul3A_468 = vector.broadcast %mul3A_344 : f32 to vector<16xf32>
        %mul3A_469 = arith.mulf %mul3A_468, %get3A_423 : vector<16xf32>
        %add3A_470 = arith.addf %mul3A_467, %mul3A_469 : vector<16xf32>
        %mul3A_471 = vector.broadcast %mul3A_346 : f32 to vector<16xf32>
        %mul3A_472 = arith.mulf %mul3A_471, %get3A_426 : vector<16xf32>
        %add3A_473 = arith.addf %add3A_470, %mul3A_472 : vector<16xf32>
        %mul3A_474 = arith.mulf %sub3A_465, %sub3A_465 : vector<16xf32>
        %add3A_475 = arith.addf %get3A_429, %mul3A_474 : vector<16xf32>
        %add3A_476 = arith.addf %add3A_473, %add3A_475 : vector<16xf32>
        %add3A_477 = vector.broadcast %add3A_351 : f32 to vector<16xf32>
        %add3A_478 = arith.addf %add3A_476, %add3A_477 : vector<16xf32>
        %min3A_479 = arith.minimumf %broadcast_in_dim3A_413, %add3A_478 : vector<16xf32>
        %sub3A_480 = vector.broadcast %squeeze3A_286 : f32 to vector<16xf32>
        %sub3A_481 = arith.subf %sub3A_480, %get3A_432 : vector<16xf32>
        %mul3A_482 = vector.broadcast %mul3A_353 : f32 to vector<16xf32>
        %mul3A_483 = arith.mulf %mul3A_482, %get3A_420 : vector<16xf32>
        %mul3A_484 = vector.broadcast %mul3A_355 : f32 to vector<16xf32>
        %mul3A_485 = arith.mulf %mul3A_484, %get3A_423 : vector<16xf32>
        %add3A_486 = arith.addf %mul3A_483, %mul3A_485 : vector<16xf32>
        %mul3A_487 = vector.broadcast %mul3A_357 : f32 to vector<16xf32>
        %mul3A_488 = arith.mulf %mul3A_487, %get3A_426 : vector<16xf32>
        %add3A_489 = arith.addf %add3A_486, %mul3A_488 : vector<16xf32>
        %mul3A_490 = arith.mulf %sub3A_481, %sub3A_481 : vector<16xf32>
        %add3A_491 = arith.addf %get3A_429, %mul3A_490 : vector<16xf32>
        %add3A_492 = arith.addf %add3A_489, %add3A_491 : vector<16xf32>
        %add3A_493 = vector.broadcast %add3A_362 : f32 to vector<16xf32>
        %add3A_494 = arith.addf %add3A_492, %add3A_493 : vector<16xf32>
        %min3A_495 = arith.minimumf %broadcast_in_dim3A_413, %add3A_494 : vector<16xf32>
        %sub3A_496 = vector.broadcast %squeeze3A_294 : f32 to vector<16xf32>
        %sub3A_497 = arith.subf %sub3A_496, %get3A_432 : vector<16xf32>
        %mul3A_498 = vector.broadcast %mul3A_364 : f32 to vector<16xf32>
        %mul3A_499 = arith.mulf %mul3A_498, %get3A_420 : vector<16xf32>
        %mul3A_500 = vector.broadcast %mul3A_366 : f32 to vector<16xf32>
        %mul3A_501 = arith.mulf %mul3A_500, %get3A_423 : vector<16xf32>
        %add3A_502 = arith.addf %mul3A_499, %mul3A_501 : vector<16xf32>
        %mul3A_503 = vector.broadcast %mul3A_368 : f32 to vector<16xf32>
        %mul3A_504 = arith.mulf %mul3A_503, %get3A_426 : vector<16xf32>
        %add3A_505 = arith.addf %add3A_502, %mul3A_504 : vector<16xf32>
        %mul3A_506 = arith.mulf %sub3A_497, %sub3A_497 : vector<16xf32>
        %add3A_507 = arith.addf %get3A_429, %mul3A_506 : vector<16xf32>
        %add3A_508 = arith.addf %add3A_505, %add3A_507 : vector<16xf32>
        %add3A_509 = vector.broadcast %add3A_373 : f32 to vector<16xf32>
        %add3A_510 = arith.addf %add3A_508, %add3A_509 : vector<16xf32>
        %min3A_511 = arith.minimumf %broadcast_in_dim3A_413, %add3A_510 : vector<16xf32>
        %sub3A_512 = vector.broadcast %squeeze3A_302 : f32 to vector<16xf32>
        %sub3A_513 = arith.subf %sub3A_512, %get3A_432 : vector<16xf32>
        %mul3A_514 = vector.broadcast %mul3A_375 : f32 to vector<16xf32>
        %mul3A_515 = arith.mulf %mul3A_514, %get3A_420 : vector<16xf32>
        %mul3A_516 = vector.broadcast %mul3A_377 : f32 to vector<16xf32>
        %mul3A_517 = arith.mulf %mul3A_516, %get3A_423 : vector<16xf32>
        %add3A_518 = arith.addf %mul3A_515, %mul3A_517 : vector<16xf32>
        %mul3A_519 = vector.broadcast %mul3A_379 : f32 to vector<16xf32>
        %mul3A_520 = arith.mulf %mul3A_519, %get3A_426 : vector<16xf32>
        %add3A_521 = arith.addf %add3A_518, %mul3A_520 : vector<16xf32>
        %mul3A_522 = arith.mulf %sub3A_513, %sub3A_513 : vector<16xf32>
        %add3A_523 = arith.addf %get3A_429, %mul3A_522 : vector<16xf32>
        %add3A_524 = arith.addf %add3A_521, %add3A_523 : vector<16xf32>
        %add3A_525 = vector.broadcast %add3A_384 : f32 to vector<16xf32>
        %add3A_526 = arith.addf %add3A_524, %add3A_525 : vector<16xf32>
        %min3A_527 = arith.minimumf %broadcast_in_dim3A_413, %add3A_526 : vector<16xf32>
        %sub3A_528 = vector.broadcast %squeeze3A_310 : f32 to vector<16xf32>
        %sub3A_529 = arith.subf %sub3A_528, %get3A_432 : vector<16xf32>
        %mul3A_530 = vector.broadcast %mul3A_386 : f32 to vector<16xf32>
        %mul3A_531 = arith.mulf %mul3A_530, %get3A_420 : vector<16xf32>
        %mul3A_532 = vector.broadcast %mul3A_388 : f32 to vector<16xf32>
        %mul3A_533 = arith.mulf %mul3A_532, %get3A_423 : vector<16xf32>
        %add3A_534 = arith.addf %mul3A_531, %mul3A_533 : vector<16xf32>
        %mul3A_535 = vector.broadcast %mul3A_390 : f32 to vector<16xf32>
        %mul3A_536 = arith.mulf %mul3A_535, %get3A_426 : vector<16xf32>
        %add3A_537 = arith.addf %add3A_534, %mul3A_536 : vector<16xf32>
        %mul3A_538 = arith.mulf %sub3A_529, %sub3A_529 : vector<16xf32>
        %add3A_539 = arith.addf %get3A_429, %mul3A_538 : vector<16xf32>
        %add3A_540 = arith.addf %add3A_537, %add3A_539 : vector<16xf32>
        %add3A_541 = vector.broadcast %add3A_395 : f32 to vector<16xf32>
        %add3A_542 = arith.addf %add3A_540, %add3A_541 : vector<16xf32>
        %min3A_543 = arith.minimumf %broadcast_in_dim3A_413, %add3A_542 : vector<16xf32>
        %sub3A_544 = vector.broadcast %squeeze3A_318 : f32 to vector<16xf32>
        %sub3A_545 = arith.subf %sub3A_544, %get3A_432 : vector<16xf32>
        %mul3A_546 = vector.broadcast %mul3A_397 : f32 to vector<16xf32>
        %mul3A_547 = arith.mulf %mul3A_546, %get3A_420 : vector<16xf32>
        %mul3A_548 = vector.broadcast %mul3A_399 : f32 to vector<16xf32>
        %mul3A_549 = arith.mulf %mul3A_548, %get3A_423 : vector<16xf32>
        %add3A_550 = arith.addf %mul3A_547, %mul3A_549 : vector<16xf32>
        %mul3A_551 = vector.broadcast %mul3A_401 : f32 to vector<16xf32>
        %mul3A_552 = arith.mulf %mul3A_551, %get3A_426 : vector<16xf32>
        %add3A_553 = arith.addf %add3A_550, %mul3A_552 : vector<16xf32>
        %mul3A_554 = arith.mulf %sub3A_545, %sub3A_545 : vector<16xf32>
        %add3A_555 = arith.addf %get3A_429, %mul3A_554 : vector<16xf32>
        %add3A_556 = arith.addf %add3A_553, %add3A_555 : vector<16xf32>
        %add3A_557 = vector.broadcast %add3A_406 : f32 to vector<16xf32>
        %add3A_558 = arith.addf %add3A_556, %add3A_557 : vector<16xf32>
        %min3A_559 = arith.minimumf %broadcast_in_dim3A_413, %add3A_558 : vector<16xf32>
        %get3A_560 = arith.index_cast %mul3A_415 : i32 to index
        %get3A_561 = tpu.vector_load %arg21[%get3A_560] {strides = array<i32>} : memref<8208xf32, #tpu.memory_space<vmem>>, vector<16xf32>,
        %get3A_562 = vector.shape_cast %get3A_561 : vector<16xf32> to vector<16xf32>
        %min3A_563 = arith.minimumf %add3A_447, %add3A_462 : vector<16xf32>
        %min3A_564 = arith.minimumf %add3A_478, %add3A_494 : vector<16xf32>
        %min3A_565 = arith.minimumf %add3A_510, %add3A_526 : vector<16xf32>
        %min3A_566 = arith.minimumf %add3A_542, %add3A_558 : vector<16xf32>
        %min3A_567 = arith.minimumf %min3A_563, %min3A_564 : vector<16xf32>
        %min3A_568 = arith.minimumf %min3A_565, %min3A_566 : vector<16xf32>
        %min3A_569 = arith.minimumf %min3A_567, %min3A_568 : vector<16xf32>
        %min3A_570 = arith.minimumf %get3A_562, %min3A_569 : vector<16xf32>
        %swap3A_571 = arith.index_cast %mul3A_415 : i32 to index
        %swap3A_572 = tpu.vector_load %arg21[%swap3A_571] {strides = array<i32>} : memref<8208xf32, #tpu.memory_space<vmem>>, vector<16xf32>,
        %swap3A_573 = vector.shape_cast %swap3A_572 : vector<16xf32> to vector<16xf32>
        %swap3A_574 = vector.shape_cast %min3A_570 : vector<16xf32> to vector<16xf32>
        tpu.vector_store %arg21[%swap3A_571], %swap3A_574 {strides = array<i32>} : memref<8208xf32, #tpu.memory_space<vmem>>, vector<16xf32>,
        %mul3A_575 = arith.constant 16 : i32
        %mul3A_576 = arith.muli %max3A, %mul3A_575 : i32
        %mul3A_577 = arith.constant 16 : i32
        %mul3A_578 = arith.muli %max3A, %mul3A_577 : i32
        %get3A_579 = arith.index_cast %mul3A_578 : i32 to index
        %get3A_580 = tpu.vector_load %arg12[%get3A_579] {strides = array<i32>} : memref<8208xf32, #tpu.memory_space<vmem>>, vector<16xf32>,
        %get3A_581 = vector.shape_cast %get3A_580 : vector<16xf32> to vector<16xf32>
        %get3A_582 = arith.index_cast %mul3A_578 : i32 to index
        %get3A_583 = tpu.vector_load %arg13[%get3A_582] {strides = array<i32>} : memref<8208xf32, #tpu.memory_space<vmem>>, vector<16xf32>,
        %get3A_584 = vector.shape_cast %get3A_583 : vector<16xf32> to vector<16xf32>
        %get3A_585 = arith.index_cast %mul3A_578 : i32 to index
        %get3A_586 = tpu.vector_load %arg14[%get3A_585] {strides = array<i32>} : memref<8208xf32, #tpu.memory_space<vmem>>, vector<16xf32>,
        %get3A_587 = vector.shape_cast %get3A_586 : vector<16xf32> to vector<16xf32>
        %get3A_588 = arith.index_cast %mul3A_578 : i32 to index
        %get3A_589 = tpu.vector_load %arg20[%get3A_588] {strides = array<i32>} : memref<8208xf32, #tpu.memory_space<vmem>>, vector<16xf32>,
        %get3A_590 = vector.shape_cast %get3A_589 : vector<16xf32> to vector<16xf32>
        %get3A_591 = arith.index_cast %mul3A_578 : i32 to index
        %get3A_592 = tpu.vector_load %arg15[%get3A_591] {strides = array<i32>} : memref<8208xf32, #tpu.memory_space<vmem>>, vector<16xf32>,
        %get3A_593 = vector.shape_cast %get3A_592 : vector<16xf32> to vector<16xf32>
        %sub3A_594 = vector.broadcast %squeeze3A_262 : f32 to vector<16xf32>
        %sub3A_595 = arith.subf %sub3A_594, %get3A_593 : vector<16xf32>
        %mul3A_596 = vector.broadcast %mul3A_320 : f32 to vector<16xf32>
        %mul3A_597 = arith.mulf %mul3A_596, %get3A_581 : vector<16xf32>
        %mul3A_598 = vector.broadcast %mul3A_322 : f32 to vector<16xf32>
        %mul3A_599 = arith.mulf %mul3A_598, %get3A_584 : vector<16xf32>
        %add3A_600 = arith.addf %mul3A_597, %mul3A_599 : vector<16xf32>
        %mul3A_601 = vector.broadcast %mul3A_324 : f32 to vector<16xf32>
        %mul3A_602 = arith.mulf %mul3A_601, %get3A_587 : vector<16xf32>
        %add3A_603 = arith.addf %add3A_600, %mul3A_602 : vector<16xf32>
        %mul3A_604 = arith.mulf %sub3A_595, %sub3A_595 : vector<16xf32>
        %add3A_605 = arith.addf %get3A_590, %mul3A_604 : vector<16xf32>
        %add3A_606 = arith.addf %add3A_603, %add3A_605 : vector<16xf32>
        %add3A_607 = vector.broadcast %add3A_329 : f32 to vector<16xf32>
        %add3A_608 = arith.addf %add3A_606, %add3A_607 : vector<16xf32>
        %min3A_609 = arith.minimumf %min3A, %add3A_608 : vector<16xf32>
        %sub3A_610 = vector.broadcast %squeeze3A_270 : f32 to vector<16xf32>
        %sub3A_611 = arith.subf %sub3A_610, %get3A_593 : vector<16xf32>
        %mul3A_612 = vector.broadcast %mul3A_331 : f32 to vector<16xf32>
        %mul3A_613 = arith.mulf %mul3A_612, %get3A_581 : vector<16xf32>
        %mul3A_614 = vector.broadcast %mul3A_333 : f32 to vector<16xf32>
        %mul3A_615 = arith.mulf %mul3A_614, %get3A_584 : vector<16xf32>
        %add3A_616 = arith.addf %mul3A_613, %mul3A_615 : vector<16xf32>
        %mul3A_617 = vector.broadcast %mul3A_335 : f32 to vector<16xf32>
        %mul3A_618 = arith.mulf %mul3A_617, %get3A_587 : vector<16xf32>
        %add3A_619 = arith.addf %add3A_616, %mul3A_618 : vector<16xf32>
        %mul3A_620 = arith.mulf %sub3A_611, %sub3A_611 : vector<16xf32>
        %add3A_621 = arith.addf %get3A_590, %mul3A_620 : vector<16xf32>
        %add3A_622 = arith.addf %add3A_619, %add3A_621 : vector<16xf32>
        %add3A_623 = vector.broadcast %add3A_340 : f32 to vector<16xf32>
        %add3A_624 = arith.addf %add3A_622, %add3A_623 : vector<16xf32>
        %min3A_625 = arith.minimumf %min3A_463, %add3A_624 : vector<16xf32>
        %sub3A_626 = vector.broadcast %squeeze3A_278 : f32 to vector<16xf32>
        %sub3A_627 = arith.subf %sub3A_626, %get3A_593 : vector<16xf32>
        %mul3A_628 = vector.broadcast %mul3A_342 : f32 to vector<16xf32>
        %mul3A_629 = arith.mulf %mul3A_628, %get3A_581 : vector<16xf32>
        %mul3A_630 = vector.broadcast %mul3A_344 : f32 to vector<16xf32>
        %mul3A_631 = arith.mulf %mul3A_630, %get3A_584 : vector<16xf32>
        %add3A_632 = arith.addf %mul3A_629, %mul3A_631 : vector<16xf32>
        %mul3A_633 = vector.broadcast %mul3A_346 : f32 to vector<16xf32>
        %mul3A_634 = arith.mulf %mul3A_633, %get3A_587 : vector<16xf32>
        %add3A_635 = arith.addf %add3A_632, %mul3A_634 : vector<16xf32>
        %mul3A_636 = arith.mulf %sub3A_627, %sub3A_627 : vector<16xf32>
        %add3A_637 = arith.addf %get3A_590, %mul3A_636 : vector<16xf32>
        %add3A_638 = arith.addf %add3A_635, %add3A_637 : vector<16xf32>
        %add3A_639 = vector.broadcast %add3A_351 : f32 to vector<16xf32>
        %add3A_640 = arith.addf %add3A_638, %add3A_639 : vector<16xf32>
        %min3A_641 = arith.minimumf %min3A_479, %add3A_640 : vector<16xf32>
        %sub3A_642 = vector.broadcast %squeeze3A_286 : f32 to vector<16xf32>
        %sub3A_643 = arith.subf %sub3A_642, %get3A_593 : vector<16xf32>
        %mul3A_644 = vector.broadcast %mul3A_353 : f32 to vector<16xf32>
        %mul3A_645 = arith.mulf %mul3A_644, %get3A_581 : vector<16xf32>
        %mul3A_646 = vector.broadcast %mul3A_355 : f32 to vector<16xf32>
        %mul3A_647 = arith.mulf %mul3A_646, %get3A_584 : vector<16xf32>
        %add3A_648 = arith.addf %mul3A_645, %mul3A_647 : vector<16xf32>
        %mul3A_649 = vector.broadcast %mul3A_357 : f32 to vector<16xf32>
        %mul3A_650 = arith.mulf %mul3A_649, %get3A_587 : vector<16xf32>
        %add3A_651 = arith.addf %add3A_648, %mul3A_650 : vector<16xf32>
        %mul3A_652 = arith.mulf %sub3A_643, %sub3A_643 : vector<16xf32>
        %add3A_653 = arith.addf %get3A_590, %mul3A_652 : vector<16xf32>
        %add3A_654 = arith.addf %add3A_651, %add3A_653 : vector<16xf32>
        %add3A_655 = vector.broadcast %add3A_362 : f32 to vector<16xf32>
        %add3A_656 = arith.addf %add3A_654, %add3A_655 : vector<16xf32>
        %min3A_657 = arith.minimumf %min3A_495, %add3A_656 : vector<16xf32>
        %sub3A_658 = vector.broadcast %squeeze3A_294 : f32 to vector<16xf32>
        %sub3A_659 = arith.subf %sub3A_658, %get3A_593 : vector<16xf32>
        %mul3A_660 = vector.broadcast %mul3A_364 : f32 to vector<16xf32>
        %mul3A_661 = arith.mulf %mul3A_660, %get3A_581 : vector<16xf32>
        %mul3A_662 = vector.broadcast %mul3A_366 : f32 to vector<16xf32>
        %mul3A_663 = arith.mulf %mul3A_662, %get3A_584 : vector<16xf32>
        %add3A_664 = arith.addf %mul3A_661, %mul3A_663 : vector<16xf32>
        %mul3A_665 = vector.broadcast %mul3A_368 : f32 to vector<16xf32>
        %mul3A_666 = arith.mulf %mul3A_665, %get3A_587 : vector<16xf32>
        %add3A_667 = arith.addf %add3A_664, %mul3A_666 : vector<16xf32>
        %mul3A_668 = arith.mulf %sub3A_659, %sub3A_659 : vector<16xf32>
        %add3A_669 = arith.addf %get3A_590, %mul3A_668 : vector<16xf32>
        %add3A_670 = arith.addf %add3A_667, %add3A_669 : vector<16xf32>
        %add3A_671 = vector.broadcast %add3A_373 : f32 to vector<16xf32>
        %add3A_672 = arith.addf %add3A_670, %add3A_671 : vector<16xf32>
        %min3A_673 = arith.minimumf %min3A_511, %add3A_672 : vector<16xf32>
        %sub3A_674 = vector.broadcast %squeeze3A_302 : f32 to vector<16xf32>
        %sub3A_675 = arith.subf %sub3A_674, %get3A_593 : vector<16xf32>
        %mul3A_676 = vector.broadcast %mul3A_375 : f32 to vector<16xf32>
        %mul3A_677 = arith.mulf %mul3A_676, %get3A_581 : vector<16xf32>
        %mul3A_678 = vector.broadcast %mul3A_377 : f32 to vector<16xf32>
        %mul3A_679 = arith.mulf %mul3A_678, %get3A_584 : vector<16xf32>
        %add3A_680 = arith.addf %mul3A_677, %mul3A_679 : vector<16xf32>
        %mul3A_681 = vector.broadcast %mul3A_379 : f32 to vector<16xf32>
        %mul3A_682 = arith.mulf %mul3A_681, %get3A_587 : vector<16xf32>
        %add3A_683 = arith.addf %add3A_680, %mul3A_682 : vector<16xf32>
        %mul3A_684 = arith.mulf %sub3A_675, %sub3A_675 : vector<16xf32>
        %add3A_685 = arith.addf %get3A_590, %mul3A_684 : vector<16xf32>
        %add3A_686 = arith.addf %add3A_683, %add3A_685 : vector<16xf32>
        %add3A_687 = vector.broadcast %add3A_384 : f32 to vector<16xf32>
        %add3A_688 = arith.addf %add3A_686, %add3A_687 : vector<16xf32>
        %min3A_689 = arith.minimumf %min3A_527, %add3A_688 : vector<16xf32>
        %sub3A_690 = vector.broadcast %squeeze3A_310 : f32 to vector<16xf32>
        %sub3A_691 = arith.subf %sub3A_690, %get3A_593 : vector<16xf32>
        %mul3A_692 = vector.broadcast %mul3A_386 : f32 to vector<16xf32>
        %mul3A_693 = arith.mulf %mul3A_692, %get3A_581 : vector<16xf32>
        %mul3A_694 = vector.broadcast %mul3A_388 : f32 to vector<16xf32>
        %mul3A_695 = arith.mulf %mul3A_694, %get3A_584 : vector<16xf32>
        %add3A_696 = arith.addf %mul3A_693, %mul3A_695 : vector<16xf32>
        %mul3A_697 = vector.broadcast %mul3A_390 : f32 to vector<16xf32>
        %mul3A_698 = arith.mulf %mul3A_697, %get3A_587 : vector<16xf32>
        %add3A_699 = arith.addf %add3A_696, %mul3A_698 : vector<16xf32>
        %mul3A_700 = arith.mulf %sub3A_691, %sub3A_691 : vector<16xf32>
        %add3A_701 = arith.addf %get3A_590, %mul3A_700 : vector<16xf32>
        %add3A_702 = arith.addf %add3A_699, %add3A_701 : vector<16xf32>
        %add3A_703 = vector.broadcast %add3A_395 : f32 to vector<16xf32>
        %add3A_704 = arith.addf %add3A_702, %add3A_703 : vector<16xf32>
        %min3A_705 = arith.minimumf %min3A_543, %add3A_704 : vector<16xf32>
        %sub3A_706 = vector.broadcast %squeeze3A_318 : f32 to vector<16xf32>
        %sub3A_707 = arith.subf %sub3A_706, %get3A_593 : vector<16xf32>
        %mul3A_708 = vector.broadcast %mul3A_397 : f32 to vector<16xf32>
        %mul3A_709 = arith.mulf %mul3A_708, %get3A_581 : vector<16xf32>
        %mul3A_710 = vector.broadcast %mul3A_399 : f32 to vector<16xf32>
        %mul3A_711 = arith.mulf %mul3A_710, %get3A_584 : vector<16xf32>
        %add3A_712 = arith.addf %mul3A_709, %mul3A_711 : vector<16xf32>
        %mul3A_713 = vector.broadcast %mul3A_401 : f32 to vector<16xf32>
        %mul3A_714 = arith.mulf %mul3A_713, %get3A_587 : vector<16xf32>
        %add3A_715 = arith.addf %add3A_712, %mul3A_714 : vector<16xf32>
        %mul3A_716 = arith.mulf %sub3A_707, %sub3A_707 : vector<16xf32>
        %add3A_717 = arith.addf %get3A_590, %mul3A_716 : vector<16xf32>
        %add3A_718 = arith.addf %add3A_715, %add3A_717 : vector<16xf32>
        %add3A_719 = vector.broadcast %add3A_406 : f32 to vector<16xf32>
        %add3A_720 = arith.addf %add3A_718, %add3A_719 : vector<16xf32>
        %min3A_721 = arith.minimumf %min3A_559, %add3A_720 : vector<16xf32>
        %get3A_722 = arith.index_cast %mul3A_576 : i32 to index
        %get3A_723 = tpu.vector_load %arg21[%get3A_722] {strides = array<i32>} : memref<8208xf32, #tpu.memory_space<vmem>>, vector<16xf32>,
        %get3A_724 = vector.shape_cast %get3A_723 : vector<16xf32> to vector<16xf32>
        %min3A_725 = arith.minimumf %add3A_608, %add3A_624 : vector<16xf32>
        %min3A_726 = arith.minimumf %add3A_640, %add3A_656 : vector<16xf32>
        %min3A_727 = arith.minimumf %add3A_672, %add3A_688 : vector<16xf32>
        %min3A_728 = arith.minimumf %add3A_704, %add3A_720 : vector<16xf32>
        %min3A_729 = arith.minimumf %min3A_725, %min3A_726 : vector<16xf32>
        %min3A_730 = arith.minimumf %min3A_727, %min3A_728 : vector<16xf32>
        %min3A_731 = arith.minimumf %min3A_729, %min3A_730 : vector<16xf32>
        %min3A_732 = arith.minimumf %get3A_724, %min3A_731 : vector<16xf32>
        %swap3A_733 = arith.index_cast %mul3A_576 : i32 to index
        %swap3A_734 = tpu.vector_load %arg21[%swap3A_733] {strides = array<i32>} : memref<8208xf32, #tpu.memory_space<vmem>>, vector<16xf32>,
        %swap3A_735 = vector.shape_cast %swap3A_734 : vector<16xf32> to vector<16xf32>
        %swap3A_736 = vector.shape_cast %min3A_732 : vector<16xf32> to vector<16xf32>
        tpu.vector_store %arg21[%swap3A_733], %swap3A_736 {strides = array<i32>} : memref<8208xf32, #tpu.memory_space<vmem>>, vector<16xf32>,
        %mul3A_737 = arith.constant 16 : i32
        %mul3A_738 = arith.muli %add3A_96, %mul3A_737 : i32
        %get3A_739 = arith.index_cast %mul3A_738 : i32 to index
        %get3A_740 = tpu.vector_load %arg12[%get3A_739] {strides = array<i32>} : memref<8208xf32, #tpu.memory_space<vmem>>, vector<16xf32>,
        %get3A_741 = vector.shape_cast %get3A_740 : vector<16xf32> to vector<16xf32>
        %get3A_742 = arith.index_cast %mul3A_738 : i32 to index
        %get3A_743 = tpu.vector_load %arg13[%get3A_742] {strides = array<i32>} : memref<8208xf32, #tpu.memory_space<vmem>>, vector<16xf32>,
        %get3A_744 = vector.shape_cast %get3A_743 : vector<16xf32> to vector<16xf32>
        %get3A_745 = arith.index_cast %mul3A_738 : i32 to index
        %get3A_746 = tpu.vector_load %arg14[%get3A_745] {strides = array<i32>} : memref<8208xf32, #tpu.memory_space<vmem>>, vector<16xf32>,
        %get3A_747 = vector.shape_cast %get3A_746 : vector<16xf32> to vector<16xf32>
        %get3A_748 = arith.index_cast %mul3A_738 : i32 to index
        %get3A_749 = tpu.vector_load %arg20[%get3A_748] {strides = array<i32>} : memref<8208xf32, #tpu.memory_space<vmem>>, vector<16xf32>,
        %get3A_750 = vector.shape_cast %get3A_749 : vector<16xf32> to vector<16xf32>
        %get3A_751 = arith.index_cast %mul3A_738 : i32 to index
        %get3A_752 = tpu.vector_load %arg15[%get3A_751] {strides = array<i32>} : memref<8208xf32, #tpu.memory_space<vmem>>, vector<16xf32>,
        %get3A_753 = vector.shape_cast %get3A_752 : vector<16xf32> to vector<16xf32>
        %parallel_loop3A = arith.constant 1 : i32
        %parallel_loop3A_754:13 = scf.for %parallel_loop3A_836 = %add3A_96 to %max3A_99 step %parallel_loop3A iter_args(%parallel_loop3A_837 = %min3A_609, %parallel_loop3A_838 = %min3A_625, %parallel_loop3A_839 = %min3A_641, %parallel_loop3A_840 = %min3A_657, %parallel_loop3A_841 = %min3A_673, %parallel_loop3A_842 = %min3A_689, %parallel_loop3A_843 = %min3A_705, %parallel_loop3A_844 = %min3A_721, %parallel_loop3A_845 = %get3A_741, %parallel_loop3A_846 = %get3A_744, %parallel_loop3A_847 = %get3A_747, %parallel_loop3A_848 = %get3A_750, %parallel_loop3A_849 = %get3A_753) -> (vector<16xf32>, vector<16xf32>, vector<16xf32>, vector<16xf32>, vector<16xf32>, vector<16xf32>, vector<16xf32>, vector<16xf32>, vector<16xf32>, vector<16xf32>, vector<16xf32>, vector<16xf32>, vector<16xf32>)  : i32 {
          %parallel_loop3A_850 = arith.constant 16 : i32
          %parallel_loop3A_851 = arith.muli %parallel_loop3A_836, %parallel_loop3A_850 : i32
          %parallel_loop3A_852 = arith.constant 16 : i32
          %parallel_loop3A_853 = arith.addi %parallel_loop3A_851, %parallel_loop3A_852 : i32
          %parallel_loop3A_854 = arith.index_cast %parallel_loop3A_853 : i32 to index
          %parallel_loop3A_855 = tpu.vector_load %arg12[%parallel_loop3A_854] {strides = array<i32>} : memref<8208xf32, #tpu.memory_space<vmem>>, vector<16xf32>,
          %parallel_loop3A_856 = vector.shape_cast %parallel_loop3A_855 : vector<16xf32> to vector<16xf32>
          %parallel_loop3A_857 = arith.index_cast %parallel_loop3A_853 : i32 to index
          %parallel_loop3A_858 = tpu.vector_load %arg13[%parallel_loop3A_857] {strides = array<i32>} : memref<8208xf32, #tpu.memory_space<vmem>>, vector<16xf32>,
          %parallel_loop3A_859 = vector.shape_cast %parallel_loop3A_858 : vector<16xf32> to vector<16xf32>
          %parallel_loop3A_860 = arith.index_cast %parallel_loop3A_853 : i32 to index
          %parallel_loop3A_861 = tpu.vector_load %arg14[%parallel_loop3A_860] {strides = array<i32>} : memref<8208xf32, #tpu.memory_space<vmem>>, vector<16xf32>,
          %parallel_loop3A_862 = vector.shape_cast %parallel_loop3A_861 : vector<16xf32> to vector<16xf32>
          %parallel_loop3A_863 = arith.index_cast %parallel_loop3A_853 : i32 to index
          %parallel_loop3A_864 = tpu.vector_load %arg20[%parallel_loop3A_863] {strides = array<i32>} : memref<8208xf32, #tpu.memory_space<vmem>>, vector<16xf32>,
          %parallel_loop3A_865 = vector.shape_cast %parallel_loop3A_864 : vector<16xf32> to vector<16xf32>
          %parallel_loop3A_866 = arith.index_cast %parallel_loop3A_853 : i32 to index
          %parallel_loop3A_867 = tpu.vector_load %arg15[%parallel_loop3A_866] {strides = array<i32>} : memref<8208xf32, #tpu.memory_space<vmem>>, vector<16xf32>,
          %parallel_loop3A_868 = vector.shape_cast %parallel_loop3A_867 : vector<16xf32> to vector<16xf32>
          %parallel_loop3A_869 = arith.constant 16 : i32
          %parallel_loop3A_870 = arith.muli %parallel_loop3A_836, %parallel_loop3A_869 : i32
          %parallel_loop3A_871 = vector.broadcast %squeeze3A_262 : f32 to vector<16xf32>
          %parallel_loop3A_872 = arith.subf %parallel_loop3A_871, %parallel_loop3A_849 : vector<16xf32>
          %parallel_loop3A_873 = vector.broadcast %mul3A_320 : f32 to vector<16xf32>
          %parallel_loop3A_874 = arith.mulf %parallel_loop3A_873, %parallel_loop3A_845 : vector<16xf32>
          %parallel_loop3A_875 = vector.broadcast %mul3A_322 : f32 to vector<16xf32>
          %parallel_loop3A_876 = arith.mulf %parallel_loop3A_875, %parallel_loop3A_846 : vector<16xf32>
          %parallel_loop3A_877 = arith.addf %parallel_loop3A_874, %parallel_loop3A_876 : vector<16xf32>
          %parallel_loop3A_878 = vector.broadcast %mul3A_324 : f32 to vector<16xf32>
          %parallel_loop3A_879 = arith.mulf %parallel_loop3A_878, %parallel_loop3A_847 : vector<16xf32>
          %parallel_loop3A_880 = arith.addf %parallel_loop3A_877, %parallel_loop3A_879 : vector<16xf32>
          %parallel_loop3A_881 = arith.mulf %parallel_loop3A_872, %parallel_loop3A_872 : vector<16xf32>
          %parallel_loop3A_882 = arith.addf %parallel_loop3A_848, %parallel_loop3A_881 : vector<16xf32>
          %parallel_loop3A_883 = arith.addf %parallel_loop3A_880, %parallel_loop3A_882 : vector<16xf32>
          %parallel_loop3A_884 = vector.broadcast %add3A_329 : f32 to vector<16xf32>
          %parallel_loop3A_885 = arith.addf %parallel_loop3A_883, %parallel_loop3A_884 : vector<16xf32>
          %parallel_loop3A_886 = arith.minimumf %parallel_loop3A_837, %parallel_loop3A_885 : vector<16xf32>
          %parallel_loop3A_887 = vector.broadcast %squeeze3A_270 : f32 to vector<16xf32>
          %parallel_loop3A_888 = arith.subf %parallel_loop3A_887, %parallel_loop3A_849 : vector<16xf32>
          %parallel_loop3A_889 = vector.broadcast %mul3A_331 : f32 to vector<16xf32>
          %parallel_loop3A_890 = arith.mulf %parallel_loop3A_889, %parallel_loop3A_845 : vector<16xf32>
          %parallel_loop3A_891 = vector.broadcast %mul3A_333 : f32 to vector<16xf32>
          %parallel_loop3A_892 = arith.mulf %parallel_loop3A_891, %parallel_loop3A_846 : vector<16xf32>
          %parallel_loop3A_893 = arith.addf %parallel_loop3A_890, %parallel_loop3A_892 : vector<16xf32>
          %parallel_loop3A_894 = vector.broadcast %mul3A_335 : f32 to vector<16xf32>
          %parallel_loop3A_895 = arith.mulf %parallel_loop3A_894, %parallel_loop3A_847 : vector<16xf32>
          %parallel_loop3A_896 = arith.addf %parallel_loop3A_893, %parallel_loop3A_895 : vector<16xf32>
          %parallel_loop3A_897 = arith.mulf %parallel_loop3A_888, %parallel_loop3A_888 : vector<16xf32>
          %parallel_loop3A_898 = arith.addf %parallel_loop3A_848, %parallel_loop3A_897 : vector<16xf32>
          %parallel_loop3A_899 = arith.addf %parallel_loop3A_896, %parallel_loop3A_898 : vector<16xf32>
          %parallel_loop3A_900 = vector.broadcast %add3A_340 : f32 to vector<16xf32>
          %parallel_loop3A_901 = arith.addf %parallel_loop3A_899, %parallel_loop3A_900 : vector<16xf32>
          %parallel_loop3A_902 = arith.minimumf %parallel_loop3A_838, %parallel_loop3A_901 : vector<16xf32>
          %parallel_loop3A_903 = vector.broadcast %squeeze3A_278 : f32 to vector<16xf32>
          %parallel_loop3A_904 = arith.subf %parallel_loop3A_903, %parallel_loop3A_849 : vector<16xf32>
          %parallel_loop3A_905 = vector.broadcast %mul3A_342 : f32 to vector<16xf32>
          %parallel_loop3A_906 = arith.mulf %parallel_loop3A_905, %parallel_loop3A_845 : vector<16xf32>
          %parallel_loop3A_907 = vector.broadcast %mul3A_344 : f32 to vector<16xf32>
          %parallel_loop3A_908 = arith.mulf %parallel_loop3A_907, %parallel_loop3A_846 : vector<16xf32>
          %parallel_loop3A_909 = arith.addf %parallel_loop3A_906, %parallel_loop3A_908 : vector<16xf32>
          %parallel_loop3A_910 = vector.broadcast %mul3A_346 : f32 to vector<16xf32>
          %parallel_loop3A_911 = arith.mulf %parallel_loop3A_910, %parallel_loop3A_847 : vector<16xf32>
          %parallel_loop3A_912 = arith.addf %parallel_loop3A_909, %parallel_loop3A_911 : vector<16xf32>
          %parallel_loop3A_913 = arith.mulf %parallel_loop3A_904, %parallel_loop3A_904 : vector<16xf32>
          %parallel_loop3A_914 = arith.addf %parallel_loop3A_848, %parallel_loop3A_913 : vector<16xf32>
          %parallel_loop3A_915 = arith.addf %parallel_loop3A_912, %parallel_loop3A_914 : vector<16xf32>
          %parallel_loop3A_916 = vector.broadcast %add3A_351 : f32 to vector<16xf32>
          %parallel_loop3A_917 = arith.addf %parallel_loop3A_915, %parallel_loop3A_916 : vector<16xf32>
          %parallel_loop3A_918 = arith.minimumf %parallel_loop3A_839, %parallel_loop3A_917 : vector<16xf32>
          %parallel_loop3A_919 = vector.broadcast %squeeze3A_286 : f32 to vector<16xf32>
          %parallel_loop3A_920 = arith.subf %parallel_loop3A_919, %parallel_loop3A_849 : vector<16xf32>
          %parallel_loop3A_921 = vector.broadcast %mul3A_353 : f32 to vector<16xf32>
          %parallel_loop3A_922 = arith.mulf %parallel_loop3A_921, %parallel_loop3A_845 : vector<16xf32>
          %parallel_loop3A_923 = vector.broadcast %mul3A_355 : f32 to vector<16xf32>
          %parallel_loop3A_924 = arith.mulf %parallel_loop3A_923, %parallel_loop3A_846 : vector<16xf32>
          %parallel_loop3A_925 = arith.addf %parallel_loop3A_922, %parallel_loop3A_924 : vector<16xf32>
          %parallel_loop3A_926 = vector.broadcast %mul3A_357 : f32 to vector<16xf32>
          %parallel_loop3A_927 = arith.mulf %parallel_loop3A_926, %parallel_loop3A_847 : vector<16xf32>
          %parallel_loop3A_928 = arith.addf %parallel_loop3A_925, %parallel_loop3A_927 : vector<16xf32>
          %parallel_loop3A_929 = arith.mulf %parallel_loop3A_920, %parallel_loop3A_920 : vector<16xf32>
          %parallel_loop3A_930 = arith.addf %parallel_loop3A_848, %parallel_loop3A_929 : vector<16xf32>
          %parallel_loop3A_931 = arith.addf %parallel_loop3A_928, %parallel_loop3A_930 : vector<16xf32>
          %parallel_loop3A_932 = vector.broadcast %add3A_362 : f32 to vector<16xf32>
          %parallel_loop3A_933 = arith.addf %parallel_loop3A_931, %parallel_loop3A_932 : vector<16xf32>
          %parallel_loop3A_934 = arith.minimumf %parallel_loop3A_840, %parallel_loop3A_933 : vector<16xf32>
          %parallel_loop3A_935 = vector.broadcast %squeeze3A_294 : f32 to vector<16xf32>
          %parallel_loop3A_936 = arith.subf %parallel_loop3A_935, %parallel_loop3A_849 : vector<16xf32>
          %parallel_loop3A_937 = vector.broadcast %mul3A_364 : f32 to vector<16xf32>
          %parallel_loop3A_938 = arith.mulf %parallel_loop3A_937, %parallel_loop3A_845 : vector<16xf32>
          %parallel_loop3A_939 = vector.broadcast %mul3A_366 : f32 to vector<16xf32>
          %parallel_loop3A_940 = arith.mulf %parallel_loop3A_939, %parallel_loop3A_846 : vector<16xf32>
          %parallel_loop3A_941 = arith.addf %parallel_loop3A_938, %parallel_loop3A_940 : vector<16xf32>
          %parallel_loop3A_942 = vector.broadcast %mul3A_368 : f32 to vector<16xf32>
          %parallel_loop3A_943 = arith.mulf %parallel_loop3A_942, %parallel_loop3A_847 : vector<16xf32>
          %parallel_loop3A_944 = arith.addf %parallel_loop3A_941, %parallel_loop3A_943 : vector<16xf32>
          %parallel_loop3A_945 = arith.mulf %parallel_loop3A_936, %parallel_loop3A_936 : vector<16xf32>
          %parallel_loop3A_946 = arith.addf %parallel_loop3A_848, %parallel_loop3A_945 : vector<16xf32>
          %parallel_loop3A_947 = arith.addf %parallel_loop3A_944, %parallel_loop3A_946 : vector<16xf32>
          %parallel_loop3A_948 = vector.broadcast %add3A_373 : f32 to vector<16xf32>
          %parallel_loop3A_949 = arith.addf %parallel_loop3A_947, %parallel_loop3A_948 : vector<16xf32>
          %parallel_loop3A_950 = arith.minimumf %parallel_loop3A_841, %parallel_loop3A_949 : vector<16xf32>
          %parallel_loop3A_951 = vector.broadcast %squeeze3A_302 : f32 to vector<16xf32>
          %parallel_loop3A_952 = arith.subf %parallel_loop3A_951, %parallel_loop3A_849 : vector<16xf32>
          %parallel_loop3A_953 = vector.broadcast %mul3A_375 : f32 to vector<16xf32>
          %parallel_loop3A_954 = arith.mulf %parallel_loop3A_953, %parallel_loop3A_845 : vector<16xf32>
          %parallel_loop3A_955 = vector.broadcast %mul3A_377 : f32 to vector<16xf32>
          %parallel_loop3A_956 = arith.mulf %parallel_loop3A_955, %parallel_loop3A_846 : vector<16xf32>
          %parallel_loop3A_957 = arith.addf %parallel_loop3A_954, %parallel_loop3A_956 : vector<16xf32>
          %parallel_loop3A_958 = vector.broadcast %mul3A_379 : f32 to vector<16xf32>
          %parallel_loop3A_959 = arith.mulf %parallel_loop3A_958, %parallel_loop3A_847 : vector<16xf32>
          %parallel_loop3A_960 = arith.addf %parallel_loop3A_957, %parallel_loop3A_959 : vector<16xf32>
          %parallel_loop3A_961 = arith.mulf %parallel_loop3A_952, %parallel_loop3A_952 : vector<16xf32>
          %parallel_loop3A_962 = arith.addf %parallel_loop3A_848, %parallel_loop3A_961 : vector<16xf32>
          %parallel_loop3A_963 = arith.addf %parallel_loop3A_960, %parallel_loop3A_962 : vector<16xf32>
          %parallel_loop3A_964 = vector.broadcast %add3A_384 : f32 to vector<16xf32>
          %parallel_loop3A_965 = arith.addf %parallel_loop3A_963, %parallel_loop3A_964 : vector<16xf32>
          %parallel_loop3A_966 = arith.minimumf %parallel_loop3A_842, %parallel_loop3A_965 : vector<16xf32>
          %parallel_loop3A_967 = vector.broadcast %squeeze3A_310 : f32 to vector<16xf32>
          %parallel_loop3A_968 = arith.subf %parallel_loop3A_967, %parallel_loop3A_849 : vector<16xf32>
          %parallel_loop3A_969 = vector.broadcast %mul3A_386 : f32 to vector<16xf32>
          %parallel_loop3A_970 = arith.mulf %parallel_loop3A_969, %parallel_loop3A_845 : vector<16xf32>
          %parallel_loop3A_971 = vector.broadcast %mul3A_388 : f32 to vector<16xf32>
          %parallel_loop3A_972 = arith.mulf %parallel_loop3A_971, %parallel_loop3A_846 : vector<16xf32>
          %parallel_loop3A_973 = arith.addf %parallel_loop3A_970, %parallel_loop3A_972 : vector<16xf32>
          %parallel_loop3A_974 = vector.broadcast %mul3A_390 : f32 to vector<16xf32>
          %parallel_loop3A_975 = arith.mulf %parallel_loop3A_974, %parallel_loop3A_847 : vector<16xf32>
          %parallel_loop3A_976 = arith.addf %parallel_loop3A_973, %parallel_loop3A_975 : vector<16xf32>
          %parallel_loop3A_977 = arith.mulf %parallel_loop3A_968, %parallel_loop3A_968 : vector<16xf32>
          %parallel_loop3A_978 = arith.addf %parallel_loop3A_848, %parallel_loop3A_977 : vector<16xf32>
          %parallel_loop3A_979 = arith.addf %parallel_loop3A_976, %parallel_loop3A_978 : vector<16xf32>
          %parallel_loop3A_980 = vector.broadcast %add3A_395 : f32 to vector<16xf32>
          %parallel_loop3A_981 = arith.addf %parallel_loop3A_979, %parallel_loop3A_980 : vector<16xf32>
          %parallel_loop3A_982 = arith.minimumf %parallel_loop3A_843, %parallel_loop3A_981 : vector<16xf32>
          %parallel_loop3A_983 = vector.broadcast %squeeze3A_318 : f32 to vector<16xf32>
          %parallel_loop3A_984 = arith.subf %parallel_loop3A_983, %parallel_loop3A_849 : vector<16xf32>
          %parallel_loop3A_985 = vector.broadcast %mul3A_397 : f32 to vector<16xf32>
          %parallel_loop3A_986 = arith.mulf %parallel_loop3A_985, %parallel_loop3A_845 : vector<16xf32>
          %parallel_loop3A_987 = vector.broadcast %mul3A_399 : f32 to vector<16xf32>
          %parallel_loop3A_988 = arith.mulf %parallel_loop3A_987, %parallel_loop3A_846 : vector<16xf32>
          %parallel_loop3A_989 = arith.addf %parallel_loop3A_986, %parallel_loop3A_988 : vector<16xf32>
          %parallel_loop3A_990 = vector.broadcast %mul3A_401 : f32 to vector<16xf32>
          %parallel_loop3A_991 = arith.mulf %parallel_loop3A_990, %parallel_loop3A_847 : vector<16xf32>
          %parallel_loop3A_992 = arith.addf %parallel_loop3A_989, %parallel_loop3A_991 : vector<16xf32>
          %parallel_loop3A_993 = arith.mulf %parallel_loop3A_984, %parallel_loop3A_984 : vector<16xf32>
          %parallel_loop3A_994 = arith.addf %parallel_loop3A_848, %parallel_loop3A_993 : vector<16xf32>
          %parallel_loop3A_995 = arith.addf %parallel_loop3A_992, %parallel_loop3A_994 : vector<16xf32>
          %parallel_loop3A_996 = vector.broadcast %add3A_406 : f32 to vector<16xf32>
          %parallel_loop3A_997 = arith.addf %parallel_loop3A_995, %parallel_loop3A_996 : vector<16xf32>
          %parallel_loop3A_998 = arith.minimumf %parallel_loop3A_844, %parallel_loop3A_997 : vector<16xf32>
          %parallel_loop3A_999 = arith.index_cast %parallel_loop3A_870 : i32 to index
          %parallel_loop3A_1000 = tpu.vector_load %arg21[%parallel_loop3A_999] {strides = array<i32>} : memref<8208xf32, #tpu.memory_space<vmem>>, vector<16xf32>,
          %parallel_loop3A_1001 = vector.shape_cast %parallel_loop3A_1000 : vector<16xf32> to vector<16xf32>
          %parallel_loop3A_1002 = arith.minimumf %parallel_loop3A_885, %parallel_loop3A_901 : vector<16xf32>
          %parallel_loop3A_1003 = arith.minimumf %parallel_loop3A_917, %parallel_loop3A_933 : vector<16xf32>
          %parallel_loop3A_1004 = arith.minimumf %parallel_loop3A_949, %parallel_loop3A_965 : vector<16xf32>
          %parallel_loop3A_1005 = arith.minimumf %parallel_loop3A_981, %parallel_loop3A_997 : vector<16xf32>
          %parallel_loop3A_1006 = arith.minimumf %parallel_loop3A_1002, %parallel_loop3A_1003 : vector<16xf32>
          %parallel_loop3A_1007 = arith.minimumf %parallel_loop3A_1004, %parallel_loop3A_1005 : vector<16xf32>
          %parallel_loop3A_1008 = arith.minimumf %parallel_loop3A_1006, %parallel_loop3A_1007 : vector<16xf32>
          %parallel_loop3A_1009 = arith.minimumf %parallel_loop3A_1001, %parallel_loop3A_1008 : vector<16xf32>
          %parallel_loop3A_1010 = arith.index_cast %parallel_loop3A_870 : i32 to index
          %parallel_loop3A_1011 = tpu.vector_load %arg21[%parallel_loop3A_1010] {strides = array<i32>} : memref<8208xf32, #tpu.memory_space<vmem>>, vector<16xf32>,
          %parallel_loop3A_1012 = vector.shape_cast %parallel_loop3A_1011 : vector<16xf32> to vector<16xf32>
          %parallel_loop3A_1013 = vector.shape_cast %parallel_loop3A_1009 : vector<16xf32> to vector<16xf32>
          tpu.vector_store %arg21[%parallel_loop3A_1010], %parallel_loop3A_1013 {strides = array<i32>} : memref<8208xf32, #tpu.memory_space<vmem>>, vector<16xf32>,
          scf.yield %parallel_loop3A_886, %parallel_loop3A_902, %parallel_loop3A_918, %parallel_loop3A_934, %parallel_loop3A_950, %parallel_loop3A_966, %parallel_loop3A_982, %parallel_loop3A_998, %parallel_loop3A_856, %parallel_loop3A_859, %parallel_loop3A_862, %parallel_loop3A_865, %parallel_loop3A_868 : vector<16xf32>, vector<16xf32>, vector<16xf32>, vector<16xf32>, vector<16xf32>, vector<16xf32>, vector<16xf32>, vector<16xf32>, vector<16xf32>, vector<16xf32>, vector<16xf32>, vector<16xf32>, vector<16xf32>
        } {sc.loop_unroll_factor = 4 : i64, sc.parallel_access}
        %add3A_755 = arith.constant 8 : i32
        %add3A_756 = arith.addi %mul3A_54, %add3A_755 : i32
        %add3A_757 = arith.constant 0 : i32
        %add3A_758 = arith.addi %add3A_756, %add3A_757 : i32
        %mul3A_759 = arith.constant 16 : i32
        %mul3A_760 = arith.muli %add3A_758, %mul3A_759 : i32
        %swap3A_761 = arith.index_cast %mul3A_760 : i32 to index
        %swap3A_762 = tpu.vector_load %arg22[%swap3A_761] {strides = array<i32>} : memref<4096xf32, #tpu.memory_space<vmem>>, vector<16xf32>,
        %swap3A_763 = vector.shape_cast %swap3A_762 : vector<16xf32> to vector<16xf32>
        %swap3A_764 = vector.shape_cast %parallel_loop3A_754#0 : vector<16xf32> to vector<16xf32>
        tpu.vector_store %arg22[%swap3A_761], %swap3A_764 {strides = array<i32>} : memref<4096xf32, #tpu.memory_space<vmem>>, vector<16xf32>,
        %add3A_765 = arith.constant 8 : i32
        %add3A_766 = arith.addi %mul3A_54, %add3A_765 : i32
        %add3A_767 = arith.constant 1 : i32
        %add3A_768 = arith.addi %add3A_766, %add3A_767 : i32
        %mul3A_769 = arith.constant 16 : i32
        %mul3A_770 = arith.muli %add3A_768, %mul3A_769 : i32
        %swap3A_771 = arith.index_cast %mul3A_770 : i32 to index
        %swap3A_772 = tpu.vector_load %arg22[%swap3A_771] {strides = array<i32>} : memref<4096xf32, #tpu.memory_space<vmem>>, vector<16xf32>,
        %swap3A_773 = vector.shape_cast %swap3A_772 : vector<16xf32> to vector<16xf32>
        %swap3A_774 = vector.shape_cast %parallel_loop3A_754#1 : vector<16xf32> to vector<16xf32>
        tpu.vector_store %arg22[%swap3A_771], %swap3A_774 {strides = array<i32>} : memref<4096xf32, #tpu.memory_space<vmem>>, vector<16xf32>,
        %add3A_775 = arith.constant 8 : i32
        %add3A_776 = arith.addi %mul3A_54, %add3A_775 : i32
        %add3A_777 = arith.constant 2 : i32
        %add3A_778 = arith.addi %add3A_776, %add3A_777 : i32
        %mul3A_779 = arith.constant 16 : i32
        %mul3A_780 = arith.muli %add3A_778, %mul3A_779 : i32
        %swap3A_781 = arith.index_cast %mul3A_780 : i32 to index
        %swap3A_782 = tpu.vector_load %arg22[%swap3A_781] {strides = array<i32>} : memref<4096xf32, #tpu.memory_space<vmem>>, vector<16xf32>,
        %swap3A_783 = vector.shape_cast %swap3A_782 : vector<16xf32> to vector<16xf32>
        %swap3A_784 = vector.shape_cast %parallel_loop3A_754#2 : vector<16xf32> to vector<16xf32>
        tpu.vector_store %arg22[%swap3A_781], %swap3A_784 {strides = array<i32>} : memref<4096xf32, #tpu.memory_space<vmem>>, vector<16xf32>,
        %add3A_785 = arith.constant 8 : i32
        %add3A_786 = arith.addi %mul3A_54, %add3A_785 : i32
        %add3A_787 = arith.constant 3 : i32
        %add3A_788 = arith.addi %add3A_786, %add3A_787 : i32
        %mul3A_789 = arith.constant 16 : i32
        %mul3A_790 = arith.muli %add3A_788, %mul3A_789 : i32
        %swap3A_791 = arith.index_cast %mul3A_790 : i32 to index
        %swap3A_792 = tpu.vector_load %arg22[%swap3A_791] {strides = array<i32>} : memref<4096xf32, #tpu.memory_space<vmem>>, vector<16xf32>,
        %swap3A_793 = vector.shape_cast %swap3A_792 : vector<16xf32> to vector<16xf32>
        %swap3A_794 = vector.shape_cast %parallel_loop3A_754#3 : vector<16xf32> to vector<16xf32>
        tpu.vector_store %arg22[%swap3A_791], %swap3A_794 {strides = array<i32>} : memref<4096xf32, #tpu.memory_space<vmem>>, vector<16xf32>,
        %add3A_795 = arith.constant 8 : i32
        %add3A_796 = arith.addi %mul3A_54, %add3A_795 : i32
        %add3A_797 = arith.constant 4 : i32
        %add3A_798 = arith.addi %add3A_796, %add3A_797 : i32
        %mul3A_799 = arith.constant 16 : i32
        %mul3A_800 = arith.muli %add3A_798, %mul3A_799 : i32
        %swap3A_801 = arith.index_cast %mul3A_800 : i32 to index
        %swap3A_802 = tpu.vector_load %arg22[%swap3A_801] {strides = array<i32>} : memref<4096xf32, #tpu.memory_space<vmem>>, vector<16xf32>,
        %swap3A_803 = vector.shape_cast %swap3A_802 : vector<16xf32> to vector<16xf32>
        %swap3A_804 = vector.shape_cast %parallel_loop3A_754#4 : vector<16xf32> to vector<16xf32>
        tpu.vector_store %arg22[%swap3A_801], %swap3A_804 {strides = array<i32>} : memref<4096xf32, #tpu.memory_space<vmem>>, vector<16xf32>,
        %add3A_805 = arith.constant 8 : i32
        %add3A_806 = arith.addi %mul3A_54, %add3A_805 : i32
        %add3A_807 = arith.constant 5 : i32
        %add3A_808 = arith.addi %add3A_806, %add3A_807 : i32
        %mul3A_809 = arith.constant 16 : i32
        %mul3A_810 = arith.muli %add3A_808, %mul3A_809 : i32
        %swap3A_811 = arith.index_cast %mul3A_810 : i32 to index
        %swap3A_812 = tpu.vector_load %arg22[%swap3A_811] {strides = array<i32>} : memref<4096xf32, #tpu.memory_space<vmem>>, vector<16xf32>,
        %swap3A_813 = vector.shape_cast %swap3A_812 : vector<16xf32> to vector<16xf32>
        %swap3A_814 = vector.shape_cast %parallel_loop3A_754#5 : vector<16xf32> to vector<16xf32>
        tpu.vector_store %arg22[%swap3A_811], %swap3A_814 {strides = array<i32>} : memref<4096xf32, #tpu.memory_space<vmem>>, vector<16xf32>,
        %add3A_815 = arith.constant 8 : i32
        %add3A_816 = arith.addi %mul3A_54, %add3A_815 : i32
        %add3A_817 = arith.constant 6 : i32
        %add3A_818 = arith.addi %add3A_816, %add3A_817 : i32
        %mul3A_819 = arith.constant 16 : i32
        %mul3A_820 = arith.muli %add3A_818, %mul3A_819 : i32
        %swap3A_821 = arith.index_cast %mul3A_820 : i32 to index
        %swap3A_822 = tpu.vector_load %arg22[%swap3A_821] {strides = array<i32>} : memref<4096xf32, #tpu.memory_space<vmem>>, vector<16xf32>,
        %swap3A_823 = vector.shape_cast %swap3A_822 : vector<16xf32> to vector<16xf32>
        %swap3A_824 = vector.shape_cast %parallel_loop3A_754#6 : vector<16xf32> to vector<16xf32>
        tpu.vector_store %arg22[%swap3A_821], %swap3A_824 {strides = array<i32>} : memref<4096xf32, #tpu.memory_space<vmem>>, vector<16xf32>,
        %add3A_825 = arith.constant 8 : i32
        %add3A_826 = arith.addi %mul3A_54, %add3A_825 : i32
        %add3A_827 = arith.constant 7 : i32
        %add3A_828 = arith.addi %add3A_826, %add3A_827 : i32
        %mul3A_829 = arith.constant 16 : i32
        %mul3A_830 = arith.muli %add3A_828, %mul3A_829 : i32
        %swap3A_831 = arith.index_cast %mul3A_830 : i32 to index
        %swap3A_832 = tpu.vector_load %arg22[%swap3A_831] {strides = array<i32>} : memref<4096xf32, #tpu.memory_space<vmem>>, vector<16xf32>,
        %swap3A_833 = vector.shape_cast %swap3A_832 : vector<16xf32> to vector<16xf32>
        %swap3A_834 = vector.shape_cast %parallel_loop3A_754#7 : vector<16xf32> to vector<16xf32>
        tpu.vector_store %arg22[%swap3A_831], %swap3A_834 {strides = array<i32>} : memref<4096xf32, #tpu.memory_space<vmem>>, vector<16xf32>,
        %cond3A_835 = arith.constant 0 : i32
        scf.yield %cond3A_835 : i32
      }
    }
    %scan3A_47 = arith.constant 16 : i32
    %mul3A_48 = arith.constant 16 : i32
    %mul3A_49 = arith.muli %mul3A_2, %mul3A_48 : i32
    "tpu.region"() ({
      %run_scoped3A = tpu.sem_alloc : memref<!tpu.dma_semaphore, #tpu.memory_space<semaphore_mem>>
      %dma_start3A = tpu.memref_slice %arg10[%mul3A_49] : memref<131072xf32, #tpu.memory_space<hbm>> -> memref<4096xf32, #tpu.memory_space<hbm>>
      %dma_start3A_52 = tpu.memref_slice %arg10[%mul3A_49] : memref<131072xf32, #tpu.memory_space<hbm>> -> memref<4096xf32, #tpu.memory_space<hbm>>
      tpu.enqueue_dma source(%arg22 : memref<4096xf32, #tpu.memory_space<vmem>>) target(%dma_start3A_52 : memref<4096xf32, #tpu.memory_space<hbm>>) target_semaphore(%run_scoped3A : memref<!tpu.dma_semaphore, #tpu.memory_space<semaphore_mem>>)
      %dma_wait3A = tpu.memref_slice %arg10[%mul3A_49] : memref<131072xf32, #tpu.memory_space<hbm>> -> memref<4096xf32, #tpu.memory_space<hbm>>
      %dma_wait3A_53 = tpu.memref_slice %arg10[%mul3A_49] : memref<131072xf32, #tpu.memory_space<hbm>> -> memref<4096xf32, #tpu.memory_space<hbm>>
      tpu.wait_dma2 semaphore(%run_scoped3A : memref<!tpu.dma_semaphore, #tpu.memory_space<semaphore_mem>>) src(%arg22 : memref<4096xf32, #tpu.memory_space<vmem>>) dst(%dma_wait3A_53 : memref<4096xf32, #tpu.memory_space<hbm>>)
      tpu.yield
    }) : () -> ()
    %mul3A_50 = arith.constant 8192 : i32
    %mul3A_51 = arith.muli %add3A, %mul3A_50 : i32
    "tpu.region"() ({
      %run_scoped3A = tpu.sem_alloc : memref<!tpu.dma_semaphore, #tpu.memory_space<semaphore_mem>>
      %dma_start3A = arith.constant 0 : i32
      %dma_start3A_52 = tpu.memref_slice %arg21[%dma_start3A] : memref<8208xf32, #tpu.memory_space<vmem>> -> memref<8192xf32, #tpu.memory_space<vmem>>
      %dma_start3A_53 = tpu.memref_slice %arg11[%mul3A_51] : memref<262144xf32, #tpu.memory_space<hbm>> -> memref<8192xf32, #tpu.memory_space<hbm>>
      %dma_start3A_54 = tpu.memref_slice %arg11[%mul3A_51] : memref<262144xf32, #tpu.memory_space<hbm>> -> memref<8192xf32, #tpu.memory_space<hbm>>
      %dma_start3A_55 = arith.constant 0 : i32
      %dma_start3A_56 = tpu.memref_slice %arg21[%dma_start3A_55] : memref<8208xf32, #tpu.memory_space<vmem>> -> memref<8192xf32, #tpu.memory_space<vmem>>
      tpu.enqueue_dma source(%dma_start3A_56 : memref<8192xf32, #tpu.memory_space<vmem>>) target(%dma_start3A_54 : memref<8192xf32, #tpu.memory_space<hbm>>) target_semaphore(%run_scoped3A : memref<!tpu.dma_semaphore, #tpu.memory_space<semaphore_mem>>)
      %dma_wait3A = arith.constant 0 : i32
      %dma_wait3A_57 = tpu.memref_slice %arg21[%dma_wait3A] : memref<8208xf32, #tpu.memory_space<vmem>> -> memref<8192xf32, #tpu.memory_space<vmem>>
      %dma_wait3A_58 = tpu.memref_slice %arg11[%mul3A_51] : memref<262144xf32, #tpu.memory_space<hbm>> -> memref<8192xf32, #tpu.memory_space<hbm>>
      %dma_wait3A_59 = tpu.memref_slice %arg11[%mul3A_51] : memref<262144xf32, #tpu.memory_space<hbm>> -> memref<8192xf32, #tpu.memory_space<hbm>>
      %dma_wait3A_60 = arith.constant 0 : i32
      %dma_wait3A_61 = tpu.memref_slice %arg21[%dma_wait3A_60] : memref<8208xf32, #tpu.memory_space<vmem>> -> memref<8192xf32, #tpu.memory_space<vmem>>
      tpu.wait_dma2 semaphore(%run_scoped3A : memref<!tpu.dma_semaphore, #tpu.memory_space<semaphore_mem>>) src(%dma_wait3A_61 : memref<8192xf32, #tpu.memory_space<vmem>>) dst(%dma_wait3A_59 : memref<8192xf32, #tpu.memory_space<hbm>>)
      tpu.yield
    }) : () -> ()
    return
  }
}

module attributes {stable_mosaic.version = 14 : i64} {
  func.func @_tc_reduce_body(%arg0: memref<8192x16xf32, #tpu.memory_space<vmem>>, %arg1: memref<32x8192xf32, #tpu.memory_space<vmem>>, %arg2: memref<1x1xf32, #tpu.memory_space<smem>>) attributes {dimension_semantics = [], scalar_prefetch = 0 : i64, scratch_operands = 0 : i64, tpu.core_type = #tpu.core_type<tc>} {
    %get3A = arith.constant 0 : index
    %get3A_0 = arith.constant 0 : index
    %get3A_1 = vector.load %arg0[%get3A, %get3A_0] : memref<8192x16xf32, #tpu.memory_space<vmem>>, vector<8192x16xf32>
    %reduce_min3A = arith.constant dense<0x7F800000> : vector<8192xf32>
    %reduce_min3A_2 = vector.multi_reduction <minimumf>, %get3A_1, %reduce_min3A [1] : vector<8192x16xf32> to vector<8192xf32>
    %max3A = arith.constant 0.000000e+00 : f32
    %max3A_3 = vector.broadcast %max3A : f32 to vector<8192xf32>
    %max3A_4 = arith.maximumf %reduce_min3A_2, %max3A_3 : vector<8192xf32>
    %sqrt3A = math.sqrt %max3A_4 : vector<8192xf32>
    %reduce_sum3A = vector.shape_cast %sqrt3A : vector<8192xf32> to vector<1x8192xf32>
    %reduce_sum3A_5 = arith.constant dense<0.000000e+00> : vector<1xf32>
    %reduce_sum3A_6 = vector.multi_reduction <add>, %reduce_sum3A, %reduce_sum3A_5 [1] : vector<1x8192xf32> to vector<1xf32>
    %reduce_sum3A_7 = vector.shape_cast %reduce_sum3A_6 : vector<1xf32> to vector<1x1xf32>
    %reduce_sum3A_8 = vector.extract %reduce_sum3A_7[0, 0] : f32 from vector<1x1xf32>
    %get3A_9 = arith.constant 0 : index
    %get3A_10 = arith.constant 0 : index
    %get3A_11 = vector.load %arg1[%get3A_9, %get3A_10] : memref<32x8192xf32, #tpu.memory_space<vmem>>, vector<32x8192xf32>
    %reduce_min3A_12 = arith.constant dense<0x7F800000> : vector<8192xf32>
    %reduce_min3A_13 = vector.multi_reduction <minimumf>, %get3A_11, %reduce_min3A_12 [0] : vector<32x8192xf32> to vector<8192xf32>
    %max3A_14 = arith.constant 0.000000e+00 : f32
    %max3A_15 = vector.broadcast %max3A_14 : f32 to vector<8192xf32>
    %max3A_16 = arith.maximumf %reduce_min3A_13, %max3A_15 : vector<8192xf32>
    %sqrt3A_17 = math.sqrt %max3A_16 : vector<8192xf32>
    %reduce_sum3A_18 = vector.shape_cast %sqrt3A_17 : vector<8192xf32> to vector<1x8192xf32>
    %reduce_sum3A_19 = arith.constant dense<0.000000e+00> : vector<1xf32>
    %reduce_sum3A_20 = vector.multi_reduction <add>, %reduce_sum3A_18, %reduce_sum3A_19 [1] : vector<1x8192xf32> to vector<1xf32>
    %reduce_sum3A_21 = vector.shape_cast %reduce_sum3A_20 : vector<1xf32> to vector<1x1xf32>
    %reduce_sum3A_22 = vector.extract %reduce_sum3A_21[0, 0] : f32 from vector<1x1xf32>
    %add3A = arith.addf %reduce_sum3A_8, %reduce_sum3A_22 : f32
    %mul3A = arith.constant 6.10351563E-5 : f32
    %mul3A_23 = arith.mulf %add3A, %mul3A : f32
    %swap3A = arith.constant 0 : index
    %swap3A_24 = arith.constant 0 : index
    %swap3A_25 = memref.load %arg2[%swap3A, %swap3A_24] : memref<1x1xf32, #tpu.memory_space<smem>>
    memref.store %mul3A_23, %arg2[%swap3A, %swap3A_24] : memref<1x1xf32, #tpu.memory_space<smem>>
    return
  }
}

</mosaic_0001>

<sc_bundles>
// kernel: kernel.4.cloned.1.call-start
scs
__scs_entry_jumppad:
0x0: {  	(pc) =	sbr.rel $0x88, $3  }
0x1: {  	(tag) =	ssettag $0x0;
	lr =	simm.s32 $0x1  }
0x2: {  	[smem:$0x3F9D] =	sst lr;
	_ =	strace $0xD0000000  }
0x3: {  	_ = 	snop  }
0x4: {  	_ = 	snop  }
0x5: {  	_ = 	snop  }
0x6: {  	_ = 	snop  }
0x7: {  	_ = 	snop  }
__scs_overlays_trampoline_lowered:
0x8: {  	[smem:$0x3FAC] =	sst s0  }
0x9: {  	[smem:$0x3FAD] =	sst s1  }
0xa: {  	[smem:$0x3FAE] =	sst s2  }
0xb: {  	[smem:$0x3FAF] =	sst s3  }
0xc: {  	[smem:$0x3FB0] =	sst s4  }
0xd: {  	[smem:$0x3FB1] =	sst s5  }
0xe: {  	[smem:$0x3FB2] =	sst s6  }
0xf: {  	[smem:$0x3FB3] =	sst s7  }
0x10: {  	[smem:$0x3FB4] =	sst s8  }
0x11: {  	[smem:$0x3FB5] =	sst s9;
	s0 =	simm.s32 @!p0 $0x0  }
0x12: {  	s1 =	sld [smem:$0x3F9B];
	s0 =	simm.s32 @p0 $0x1  }
0x13: {  	[smem:$0x3FB6] =	sst s0;
	s0 =	simm.s32 @!p1 $0x0  }
0x14: {  	s2 =	sld [smem:$0x3F9A];
	s0 =	simm.s32 @p1 $0x1  }
0x15: {  	[smem:$0x3FB7] =	sst s0;
	s0 =	simm.s32 @!p2 $0x0  }
0x16: {  	s3 =	sld [smem:$0x3FDB];
	s0 =	simm.s32 @p2 $0x1  }
0x17: {  	s4 =	simm.s32 $0x1BF5;
	[smem:$0x3FB9] =	sst s0  }
0x18: {  	s0 =	sld [smem:$0x3F9C];
	_ =	swait.ge [sflag:s4], $0x0  }
0x19: {  	s7 =	sld [smem:$0x3F9D]  }
0x1a: {  	s8 =	sadd.s32 $0xFFFFE003, lr  }
0x1b: {  	s9 =	sadd.s32 $0xFFFFFEF7, lr;
	s5 =	simm.s32 $0xFFFFFFFF;
	p2 =	slt.u32 s8, $0xFFFFF086  }
0x1c: {  	p1 =	slt.u32 s9, $0xF7A;
	s5 =	simm.s32 @!p2 $0x0  }
0x1d: {  	s5 =	simm.s32 @p1 $0x1;
	p0 =	seq.s32 s7, s2  }
0x1e: {  	s7 =	smul.u32 @!p0 $0xF7A, s2;
	p2 =	seq.s32 @!p0 s5, $0x0  }
0x1f: {  	s9 =	smul.u32 $0xF7A, s1;
	s8 =	simm.s32 @!p0 $0x1BF5;
	p2 =	por !p2, p0  }
0x20: {  	[sflag:s8] =	ssyncset.s32 @!p0 $0xFFFFF086;
	s6 =	sadd.s32 @!p0 s3, s7;
	s7 =	simm.s32 @!p0 $0x108  }
0x21: {  	s3 =	sadd.s32 s3, s9;
	s6 =	sadd.s32 @!p0 $0x88, s6;
	s7 =	simm.s32 @p2 $0x1082  }
0x22: {  	[simem:s7], [sflag:s8] =	dma.local @!p0 [hbm:s6], $0xF7A  }
0x23: {  	s9 =	sor.u32 $0xD0000000, s2;
	s6 =	simm.s32 $0x108;
	_ =	swait.ge @!p0 [sflag:s8], $0x0  }
0x24: {  	s3 =	sadd.s32 $0x88, s3;
	s6 =	simm.s32 @!p1 $0x1082;
	[sflag:s4] =	ssyncset.s32 $0xFFFFF086  }
0x25: {  	[simem:s6], [sflag:s4] =	dma.local [hbm:s3], $0xF7A  }
0x26: {  	[smem:$0x3F9D] =	sst s1;
	(tag) =	ssettag s2;
	_ =	strace s9  }
0x27: {  	s1 =	sld [smem:$0x3FAD]  }
0x28: {  	s2 =	sld [smem:$0x3FAE]  }
0x29: {  	s4 =	sld [smem:$0x3FB0]  }
0x2a: {  	p0 =	seq.s32 s5, $0x0;
	s5 =	sld [smem:$0x3FB1]  }
0x2b: {  	s6 =	sld [smem:$0x3FB2]  }
0x2c: {  	s7 =	sld [smem:$0x3FB3]  }
0x2d: {  	s3 =	simm.s32 $0x108;
	s8 =	sld [smem:$0x3FB4]  }
0x2e: {  	s3 =	simm.s32 @!p0 $0x1082;
	s9 =	sld [smem:$0x3FB5]  }
0x2f: {  	lr =	sadd.s32 s0, s3;
	s0 =	sld [smem:$0x3FAC]  }
0x30: {  	s3 =	sld [smem:$0x3FAF]  }
0x31: {  	[smem:$0x3FB8] =	sst s10  }
0x32: {  	s10 =	sld [smem:$0x3FB6];
	_ =	sdelay $0x3  }
0x33: {  	p0 =	seq.s32 s10, $0x1;
	s10 =	sld [smem:$0x3FB8];
	_ =	sdelay $0x3  }
0x34: {  	[smem:$0x3FB8] =	sst s10  }
0x35: {  	s10 =	sld [smem:$0x3FB7];
	_ =	sdelay $0x3  }
0x36: {  	p1 =	seq.s32 s10, $0x1;
	s10 =	sld [smem:$0x3FB8];
	_ =	sdelay $0x3  }
0x37: {  	[smem:$0x3FB8] =	sst s10  }
0x38: {  	s10 =	sld [smem:$0x3FB9]  }
0x39: {  	_ = 	snop;
	(pc) =	sbr.ind lr, $3  }
0x3a: {  	_ = 	snop  }
0x3b: {  	_ = 	snop  }
0x3c: {  	p2 =	seq.s32 s10, $0x1;
	s10 =	sld [smem:$0x3FB8]  }
0x3d: {  	_ =	shalt  }
0x3e: {  	_ =	shalt  }
0x3f: {  	_ =	shalt  }
0x40: {  	_ =	shalt  }
0x41: {  	_ =	shalt  }
0x42: {  	_ =	shalt  }
0x43: {  	_ =	shalt  }
0x44: {  	_ =	shalt  }
0x45: {  	_ =	shalt  }
0x46: {  	_ =	shalt  }
0x47: {  	_ =	shalt  }
0x48: {  	_ =	shalt  }
0x49: {  	_ =	shalt  }
0x4a: {  	_ =	shalt  }
0x4b: {  	_ =	shalt  }
0x4c: {  	_ =	shalt  }
0x4d: {  	_ =	shalt  }
0x4e: {  	_ =	shalt  }
0x4f: {  	_ =	shalt  }
0x50: {  	_ =	shalt  }
0x51: {  	_ =	shalt  }
0x52: {  	_ =	shalt  }
0x53: {  	_ =	shalt  }
0x54: {  	_ =	shalt  }
0x55: {  	_ =	shalt  }
0x56: {  	_ =	shalt  }
0x57: {  	_ =	shalt  }
0x58: {  	_ =	shalt  }
0x59: {  	_ =	shalt  }
0x5a: {  	_ =	shalt  }
0x5b: {  	_ =	shalt  }
0x5c: {  	_ =	shalt  }
0x5d: {  	_ =	shalt  }
0x5e: {  	_ =	shalt  }
0x5f: {  	_ =	shalt  }
0x60: {  	_ =	shalt  }
0x61: {  	_ =	shalt  }
0x62: {  	_ =	shalt  }
0x63: {  	_ =	shalt  }
0x64: {  	_ =	shalt  }
0x65: {  	_ =	shalt  }
0x66: {  	_ =	shalt  }
0x67: {  	_ =	shalt  }
0x68: {  	_ =	shalt  }
0x69: {  	_ =	shalt  }
0x6a: {  	_ =	shalt  }
0x6b: {  	_ =	shalt  }
0x6c: {  	_ =	shalt  }
0x6d: {  	_ =	shalt  }
0x6e: {  	_ =	shalt  }
0x6f: {  	_ =	shalt  }
0x70: {  	_ =	shalt  }
0x71: {  	_ =	shalt  }
0x72: {  	_ =	shalt  }
0x73: {  	_ =	shalt  }
0x74: {  	_ =	shalt  }
0x75: {  	_ =	shalt  }
0x76: {  	_ =	shalt  }
0x77: {  	_ =	shalt  }
0x78: {  	_ =	shalt  }
0x79: {  	_ =	shalt  }
0x7a: {  	_ =	shalt  }
0x7b: {  	_ =	shalt  }
0x7c: {  	_ =	shalt  }
0x7d: {  	_ =	shalt  }
0x7e: {  	_ =	shalt  }
0x7f: {  	_ =	shalt  }
0x80: {  	_ =	shalt  }
0x81: {  	_ =	shalt  }
0x82: {  	_ =	shalt  }
0x83: {  	_ =	shalt  }
0x84: {  	_ =	shalt  }
0x85: {  	_ =	shalt  }
0x86: {  	_ =	shalt  }
0x87: {  	_ =	shalt  }
.Lfunc_end0:
.L_simem_size_0:
called_computation_lowered:
.L_overlay_start_0:
0x88: {  	s2 =	sld [smem:$0x3FD9]  }
0x89: {  	s3 =	sld [smem:$0x3FFE];
	_ =	sdelay $0x1  }
0x8a: {  	s1 =	srdreg.scid  }
0x8b: {  	s0 =	sand.u32 $0x1, s1  }
0x8c: {  	s16 =	sshll.u32 s0, $0xA;
	s2 =	sadd.s32 s3, s2  }
0x8d: {  	s2 =	sadd.s32 s2, s16  }
0x8e: {  	[smem:$0x3FC4] =	sst s2  }
0x8f: {  	_ = 	snop  }
0x90: {  	(tm) =	ssettm $0x1  }
0x91: {  	s17 =	sld [smem:$0x3FFB];
	_ =	sdelay $0x3  }
0x92: {  	_ =	strace s17  }
0x93: {  	s2 =	sld [smem:$0x3FFC];
	_ =	sdelay $0x3  }
0x94: {  	_ =	strace s2  }
0x95: {  	s2 =	sld [smem:$0x3FFD];
	_ =	sdelay $0x3  }
0x96: {  	_ =	strace s2  }
0x97: {  	_ =	strace $0x8FFFFFFF  }
0x98: {  	s18 =	sld [smem:$0x3FDB];
	_ =	sdelay $0x1  }
0x99: {  	s19 =	simm.s32 $_scs_section_size  }
0x9a: {  	s4 =	simm.s32 $_size__tile_overlayer_lowered;
	s5 =	simm.s32 $_tile_overlayer_lowered  }
0x9b: {  	s22 =	simm.s32 $0x1BFF;
	s21 =	sshll.u32 s5, $0x1;
	s2 =	sadd.s32 s19, s18  }
0x9c: {  	s6 =	simm.s32 $0x0;
	s20 =	sshll.u32 s4, $0x1;
	s4 =	sadd.s32 s21, s2  }
0x9d: {  	[timem:s6], [sflag:s22] =	dma.local [hbm:s4], s20  }
0x9e: {  	_ =	swait.ge [sflag:s22], s20  }
0x9f: {  	s3 =	ssub.s32 $0x0, s20;
	[sflag:s22] =	ssyncset.done $0x0  }
0xa0: {  	[sflag:s22] =	ssyncadd.s32 s3;
	_ =	sdelay $0x1  }
0xa1: {  	s23 =	simm.s32 $0x1B8B  }
0xa2: {  	_ =	swait.ge [sflag:s23], $0x1  }
0xa3: {  	[sflag:s23] =	ssyncset.done $0x0  }
0xa4: {  	s25 =	simm.s32 $0x1B8E;
	s24 =	sld [smem:$0x3FFE];
	[sflag:s23] =	ssyncadd.s32 $0xFFFFFFFF  }
0xa5: {  	s26 =	simm.s32 $execute0_lowered;
	[smem:$0x3FD2] =	sst s25  }
0xa6: {  	s4 =	sshll.u32 s26, $0x1;
	_ =	strace $0x80000046;
	[dreg:$0x1] =	wrdreg $0xFFFFFFFF  }
0xa7: {  	s28 =	simm.s32 $_size_execute0_lowered;
	s2 =	sadd.s32 s2, s4;
	[dreg:$0x0] =	wrdreg $0x0  }
0xa8: {  	s4 =	sshll.u32 s28, $0x1;
	[dreg:$0x2] =	wrdreg s2  }
0xa9: {  	[dreg:$0x3] =	wrdreg s4  }
0xaa: {  	[dreg:$0x4] =	wrdreg $0xC0  }
0xab: {  	_ =	task [dreg:s6], $0x5FFFF  }
0xac: {  	[dreg:$0x1] =	wrdreg $0xFFFFFFFF  }
0xad: {  	[dreg:$0x0] =	wrdreg $0x60  }
0xae: {  	[dreg:$0x2] =	wrdreg s24  }
0xaf: {  	[dreg:$0x3] =	wrdreg $0x9  }
0xb0: {  	_ =	task.clear_ibuf [dreg:s6], $0x4FFFF;
	_ =	strace $0x90000046  }
0xb1: {  	s29 =	simm.s32 $0x9;
	_ =	strace $0x80000048  }
0xb2: {  	_ =	swait.ge [sflag:s29], $0x1  }
0xb3: {  	[sflag:s29] =	ssyncadd.s32 $0xFFFFFFFF  }
0xb4: {  	_ =	strace $0x90000048  }
0xb5: {  	_ =	sfence  }
0xb6: {  	s30 =	sld [smem:$0x0];
	_ =	sdelay $0x2  }
0xb7: {  	s31 =	sshll.u32 s1, $0xD;
	s1 =	sshrl.u32 s1, $0x2  }
0xb8: {  	s3 =	sand.u32 $0x4000, s31;
	s1 =	sadd.s32 s1, s30  }
0xb9: {  	s0 =	sor.u32 s3, s0;
	s1 =	sshll.u32 s1, $0x11  }
0xba: {  	s0 =	sor.u32 s1, s0  }
0xbb: {  	s0 =	sadd.s32 $0x8F2B, s0  }
0xbc: {  	[sflag:s0] =	ssyncadd.remote.s32 $0x1  }
0xbd: {  	_ =	sfence.sel $0xFFFF  }
0xbe: {  	[dreg:$0x0] =	wrdreg $0xFFFFFFFF;
	(pc) =	sbr.abs _section_cstart, $3  }
0xbf: {  	[dreg:$0x1] =	wrdreg $0xFFFFFFFF  }
0xc0: {  	_ =	task.clear_ibuf [dreg:s6], $0x2FFFF;
	_ =	strace $0x9FFFFFFF  }
0xc1: {  	(tm) =	ssettm $0x7FFFFFFF  }
tec
execute0_lowered:
.L_overlay_start_1:
0x0: {  	(tag) =	ssettag $0x1  }
0x1: {  	s0 =	rddreg [dreg:$0x0];
	s6 =	simm.s32 $0x0  }
0x2: {  	[smem:$0x7FF] =	sst s6;
	s1 =	sadd.s32 $0x1600, s0  }
0x3: {  	s22 =	sadd.s32 $0x1200, s0;
	_ =	strace $0x80000047;
	[dreg:$0x2] =	wrdreg s1  }
0x4: {  	s23 =	sadd.s32 $0xE00, s0;
	[dreg:$0x3] =	wrdreg s22  }
0x5: {  	s24 =	sadd.s32 $0x2A00, s0;
	[dreg:$0x4] =	wrdreg s23  }
0x6: {  	s28 =	srdreg.scid;
	s25 =	sadd.s32 $0x2200, s0;
	[dreg:$0x5] =	wrdreg s24  }
0x7: {  	s2 =	stileid.u32;
	s26 =	sadd.s32 $0x1E00, s0;
	[dreg:$0x6] =	wrdreg s25  }
0x8: {  	s3 =	sadd.s32 $0x1A00, s0;
	s2 =	sshll.u32 s2, $0x1;
	[dreg:$0x7] =	wrdreg s26  }
0x9: {  	s29 =	sadd.s32 $0x2600, s0;
	[dreg:$0x8] =	wrdreg s3;
	s1 =	sand.u32 $0x1, s28  }
0xa: {  	[dreg:$0x9] =	wrdreg s29;
	s2 =	sor.u32 s1, s2  }
0xb: {  	s1 =	ssub.s32 $0x2, s1;
	s30 =	sshll.u32 s2, $0x9;
	s4 =	sshll.u32 s2, $0xA  }
.Ltmp0:
0xc: {  	s5 =	sshrl.u32 s1, $0x1;
	s3 =	sadd.s32 s30, s0;
	(pc) =	sbr.rel .LBB2_1-.Ltmp0, $4  }
0xd: {  	s2 =	sshll.u32 s2, $0x8;
	s0 =	sadd.s32 s4, s0;
	s3 =	sadd.s32 $0xAE00, s3  }
0xe: {  	s1 =	ssub.s32 s1, s5;
	s0 =	sadd.s32 $0x2E00, s0;
	[dreg:$0xa] =	wrdreg s3  }
0xf: {  	v0 =	vmov s2;
	s31 =	smax.u32 s1, $0x1;
	[dreg:$0xb] =	wrdreg s0  }
0x10: {  	v6 =	vimm.f32 $3.399999950e+38;
	s2 =	simm.s32 $0x0;
	s1 =	simm.s32 $0x1;
	[tilespmem:$0x1FFF0] =	vst v0;
	[dreg:$0xc] =	wrdreg s31  }
.LBB2_43:
0x11: {  	s6 =	simm.s32 $0x0;
	s0 =	rddreg [dreg:$0xa];
	s1 =	simm.s32 $0x14380  }
0x12: {  	[hbm4b:s0+s6] =	stream.linear.scatter [tilespmem:s1], [sflag:$0x1], $0x1000, $0x38;
	[tilespmem:$0x15380] =	vst v63  }
0x13: {  	s1 =	simm.s32 $0x1  }
0x14: {  	_ =	swait.ge [sflag:s1], $0x1000  }
0x15: {  	[sflag:s1] =	ssyncset.done $0x0  }
0x16: {  	s2 =	simm.s32 $0x12300;
	s29 =	rddreg [dreg:$0xb];
	[sflag:s1] =	ssyncadd.s32 $0xFFFFF000  }
0x17: {  	[hbm4b:s29+s6] =	stream.linear.scatter [tilespmem:s2], [sflag:$0x1], $0x2000, $0x38;
	[tilespmem:$0x15380] =	vst v63  }
0x18: {  	_ =	swait.ge [sflag:s1], $0x2000  }
0x19: {  	s30 =	rddreg [dreg:$0xd]  }
0x1a: {  	s31 =	rddreg [dreg:$0xc];
	s2 =	sadd.s32 $0x1, s30  }
0x1b: {  	p0 =	sne.s32 s2, s31  }
.Ltmp1:
0x1c: {  	_ = 	snop;
	(pc) =	sbr.rel @!p0 .LBB2_44-.Ltmp1, $3  }
0x1d: {  	_ =	sdelay $0x1  }
0x1e: {  	[sflag:s1] =	ssyncset.done $0x0  }
0x1f: {  	v6 =	vimm.f32 $3.399999950e+38;
	[sflag:s1] =	ssyncadd.s32 $0xFFFFE000  }
.LBB2_1:
0x20: {  	[dreg:$0xd] =	wrdreg s2  }
0x21: {  	s0 =	rddreg [dreg:$0x2]  }
0x22: {  	[tilespmem:s6], [sflag:$0x1] =	stream.linear.gather [hbm4b:s0+s6], $0x2000, $0x38;
	[tilespmem:$0x15380] =	vst v63  }
0x23: {  	_ =	swait.ge [sflag:s1], $0x2000  }
0x24: {  	[sflag:s1] =	ssyncset.done $0x0  }
0x25: {  	s18 =	simm.s32 $0x2080;
	s17 =	rddreg [dreg:$0x3];
	[sflag:s1] =	ssyncadd.s32 $0xFFFFE000  }
0x26: {  	[tilespmem:s18], [sflag:$0x1] =	stream.linear.gather [hbm4b:s17+s6], $0x2000, $0x38;
	[tilespmem:$0x15380] =	vst v63  }
0x27: {  	_ =	swait.ge [sflag:s1], $0x2000  }
0x28: {  	[sflag:s1] =	ssyncset.done $0x0  }
0x29: {  	s20 =	simm.s32 $0x4100;
	s19 =	rddreg [dreg:$0x4];
	[sflag:s1] =	ssyncadd.s32 $0xFFFFE000  }
0x2a: {  	[tilespmem:s20], [sflag:$0x1] =	stream.linear.gather [hbm4b:s19+s6], $0x2000, $0x38;
	[tilespmem:$0x15380] =	vst v63  }
0x2b: {  	_ =	swait.ge [sflag:s1], $0x2000  }
0x2c: {  	[sflag:s1] =	ssyncset.done $0x0  }
0x2d: {  	s22 =	simm.s32 $0x6180;
	s21 =	rddreg [dreg:$0x5];
	[sflag:s1] =	ssyncadd.s32 $0xFFFFE000  }
0x2e: {  	[tilespmem:s22], [sflag:$0x1] =	stream.linear.gather [hbm4b:s21+s6], $0x2000, $0x38;
	[tilespmem:$0x15380] =	vst v63  }
0x2f: {  	_ =	swait.ge [sflag:s1], $0x2000  }
0x30: {  	[sflag:s1] =	ssyncset.done $0x0  }
0x31: {  	s24 =	simm.s32 $0x8200;
	s23 =	rddreg [dreg:$0x6];
	[sflag:s1] =	ssyncadd.s32 $0xFFFFE000  }
0x32: {  	[tilespmem:s24], [sflag:$0x1] =	stream.linear.gather [hbm4b:s23+s6], $0x2000, $0x38;
	[tilespmem:$0x15380] =	vst v63  }
0x33: {  	_ =	swait.ge [sflag:s1], $0x2000  }
0x34: {  	[sflag:s1] =	ssyncset.done $0x0  }
0x35: {  	s26 =	simm.s32 $0xA200;
	s25 =	rddreg [dreg:$0x7];
	[sflag:s1] =	ssyncadd.s32 $0xFFFFE000  }
0x36: {  	[tilespmem:s26], [sflag:$0x1] =	stream.linear.gather [hbm4b:s25+s6], $0x2000, $0x38;
	[tilespmem:$0x15380] =	vst v63  }
0x37: {  	_ =	swait.ge [sflag:s1], $0x2000  }
0x38: {  	[sflag:s1] =	ssyncset.done $0x0  }
0x39: {  	s29 =	simm.s32 $0xC200;
	s28 =	rddreg [dreg:$0x8];
	[sflag:s1] =	ssyncadd.s32 $0xFFFFE000  }
0x3a: {  	[tilespmem:s29], [sflag:$0x1] =	stream.linear.gather [hbm4b:s28+s6], $0x2000, $0x38;
	[tilespmem:$0x15380] =	vst v63  }
0x3b: {  	_ =	swait.ge [sflag:s1], $0x2000  }
0x3c: {  	[sflag:s1] =	ssyncset.done $0x0  }
0x3d: {  	s31 =	simm.s32 $0xE200;
	s30 =	rddreg [dreg:$0x9];
	[sflag:s1] =	ssyncadd.s32 $0xFFFFE000  }
0x3e: {  	[tilespmem:s31], [sflag:$0x1] =	stream.linear.gather [hbm4b:s30+s6], $0x2000, $0x38;
	[tilespmem:$0x15380] =	vst v63  }
0x3f: {  	_ =	swait.ge [sflag:s1], $0x2000  }
0x40: {  	[sflag:s1] =	ssyncset.done $0x0  }
0x41: {  	v0 =	vimm.f32 $4.000000000e+04;
	[sflag:s1] =	ssyncadd.s32 $0xFFFFE000  }
0x42: {  	s3 =	simm.s32 $0x2000;
	s2 =	simm.s32 $0x2000;
	[tilespmem:$0x8180] =	vst v0  }
0x43: {  	s0 =	simm.s32 $0x2000;
	s25 =	simm.s32 $0x0;
	s1 =	simm.s32 $0xD;
	[tilespmem:$0x10200] =	vst v0  }
.LBB2_2:
0x44: {  	s4 =	smov.u32 s2  }
0x45: {  	p0 =	sne.s32 s1, $0x1;
	s2 =	sshrl.u32 s3, $0x1F  }
0x46: {  	s2 =	sadd.s32 s2, s3  }
0x47: {  	s2 =	sshra.s32 s2, $0x1  }
0x48: {  	v0 =	vld [tilespmem:s2+$0x6180];
	_ =	sdelay $0x4  }
0x49: {  	(v2sf) =	vpush v0, $0x0;
	_ =	sdelay $0xe  }
.Ltmp2:
0x4a: {  	s3 =	spop (v2sf);
	(pc) =	sbr.rel @p0 .LBB2_2-.Ltmp2, $4  }
0x4b: {  	p1 =	slt.f32 s3, $5.000000000e+03  }
0x4c: {  	s3 =	sadd.s32 $0x1, s2  }
0x4d: {  	s25 =	smov.u32 @p1 s3;
	s2 =	smov.u32 @p1 s4  }
0x4e: {  	s1 =	sadd.s32 $0xFFFFFFFF, s1;
	s3 =	sadd.s32 s25, s2  }
0x4f: {  	s1 =	sshrl.u32 s3, $0x1F  }
0x50: {  	s1 =	sadd.s32 s1, s3  }
0x51: {  	s1 =	sshra.s32 s1, $0x1  }
0x52: {  	v0 =	vld [tilespmem:s1+$0x6180];
	_ =	sdelay $0x4  }
0x53: {  	(v2sf) =	vpush v0, $0x0;
	_ =	sdelay $0xe  }
0x54: {  	s2 =	spop (v2sf)  }
0x55: {  	p0 =	slt.f32 s2, $5.000000000e+03  }
0x56: {  	s26 =	simm.s32 $0x0;
	s28 =	simm.s32 $0x0;
	s1 =	sadd.s32 $0x1, s1  }
0x57: {  	s2 =	simm.s32 $0x2000;
	s25 =	smov.u32 @p0 s1;
	s1 =	simm.s32 $0xD  }
.LBB2_4:
0x58: {  	s3 =	smov.u32 s0  }
0x59: {  	p0 =	sne.s32 s1, $0x1;
	s0 =	sshrl.u32 s2, $0x1F  }
0x5a: {  	s0 =	sadd.s32 s0, s2  }
0x5b: {  	s0 =	sshra.s32 s0, $0x1  }
0x5c: {  	v0 =	vld [tilespmem:s0+$0x6180];
	_ =	sdelay $0x4  }
0x5d: {  	(v2sf) =	vpush v0, $0x0;
	_ =	sdelay $0xe  }
.Ltmp3:
0x5e: {  	s2 =	spop (v2sf);
	(pc) =	sbr.rel @p0 .LBB2_4-.Ltmp3, $4  }
0x5f: {  	p1 =	slt.f32 s2, $1.500000000e+04  }
0x60: {  	s2 =	sadd.s32 $0x1, s0  }
0x61: {  	s28 =	smov.u32 @p1 s2;
	s0 =	smov.u32 @p1 s3  }
0x62: {  	s1 =	sadd.s32 $0xFFFFFFFF, s1;
	s2 =	sadd.s32 s28, s0  }
0x63: {  	s0 =	sshrl.u32 s2, $0x1F  }
0x64: {  	s0 =	sadd.s32 s0, s2  }
0x65: {  	s0 =	sshra.s32 s0, $0x1  }
0x66: {  	v0 =	vld [tilespmem:s0+$0x6180];
	_ =	sdelay $0x4  }
0x67: {  	(v2sf) =	vpush v0, $0x0;
	_ =	sdelay $0xe  }
0x68: {  	s1 =	spop (v2sf)  }
0x69: {  	p0 =	slt.f32 s1, $1.500000000e+04  }
0x6a: {  	s2 =	simm.s32 $0x2000;
	s0 =	sadd.s32 $0x1, s0  }
0x6b: {  	s1 =	simm.s32 $0x2000;
	s28 =	smov.u32 @p0 s0;
	s0 =	simm.s32 $0xD  }
.LBB2_6:
0x6c: {  	s3 =	smov.u32 s1  }
0x6d: {  	p0 =	sne.s32 s0, $0x1;
	s1 =	sshrl.u32 s2, $0x1F  }
0x6e: {  	s1 =	sadd.s32 s1, s2  }
0x6f: {  	s1 =	sshra.s32 s1, $0x1  }
0x70: {  	v0 =	vld [tilespmem:s1+$0x6180];
	_ =	sdelay $0x4  }
0x71: {  	(v2sf) =	vpush v0, $0x0;
	_ =	sdelay $0xe  }
.Ltmp4:
0x72: {  	s2 =	spop (v2sf);
	(pc) =	sbr.rel @p0 .LBB2_6-.Ltmp4, $4  }
0x73: {  	p1 =	slt.f32 s2, $2.500000000e+04  }
0x74: {  	s2 =	sadd.s32 $0x1, s1  }
0x75: {  	s26 =	smov.u32 @p1 s2;
	s1 =	smov.u32 @p1 s3  }
0x76: {  	s0 =	sadd.s32 $0xFFFFFFFF, s0;
	s2 =	sadd.s32 s26, s1  }
0x77: {  	s0 =	sshrl.u32 s2, $0x1F  }
0x78: {  	s0 =	sadd.s32 s0, s2  }
0x79: {  	s2 =	sshra.s32 s0, $0x1  }
0x7a: {  	v0 =	vld [tilespmem:s2+$0x6180];
	_ =	sdelay $0x4  }
0x7b: {  	(v2sf) =	vpush v0, $0x0;
	_ =	sdelay $0x6  }
0x7c: {  	s0 =	simm.s32 $0x0  }
0x7d: {  	v1 =	vld [tilespmem:s0+$0x2080]  }
0x7e: {  	v0 =	vld [tilespmem:s0+$0x0];
	_ =	sdelay $0x1  }
0x7f: {  	v2 =	vld [tilespmem:s0+$0x4100];
	_ =	sdelay $0x1  }
0x80: {  	s1 =	simm.s32 $0x10;
	[tilespmem:s0+$0x12300] =	vst v6  }
0x81: {  	v4 =	vmul.f32 v1, v1;
	v1 =	vld [tilespmem:s1+$0x2080];
	v3 =	vmul.f32 v0, v0  }
0x82: {  	v0 =	vld [tilespmem:s1+$0x0];
	s3 =	spop (v2sf)  }
0x83: {  	v3 =	vadd.f32 v4, v3;
	v4 =	vmul.f32 v2, v2;
	p0 =	slt.f32 s3, $2.500000000e+04  }
0x84: {  	s2 =	sadd.s32 $0x1, s2;
	v2 =	vld [tilespmem:s1+$0x4100]  }
0x85: {  	s4 =	simm.s32 $0x0;
	[tilespmem:s1+$0x12300] =	vst v6;
	v3 =	vadd.f32 v4, v3;
	s26 =	smov.u32 @p0 s2;
	s2 =	simm.s32 $0x80  }
.LBB2_8:
0x86: {  	s3 =	sshra.s32 s2, $0x2;
	p0 =	sne.s32 s2, $0x7FC0  }
.Ltmp5:
0x87: {  	s2 =	sadd.s32 $0x40, s2;
	v4 =	vmul.f32 v0, v0;
	v0 =	vld [tilespmem:s3+$0x0];
	v5 =	vmul.f32 v1, v1;
	[tilespmem:s0+$0x10280] =	vst v3;
	(pc) =	sbr.rel @p0 .LBB2_8-.Ltmp5, $4  }
0x88: {  	s0 =	smov.u32 s1;
	s1 =	smov.u32 s3;
	v1 =	vld [tilespmem:s3+$0x2080];
	[tilespmem:s3+$0x12300] =	vst v6  }
0x89: {  	v3 =	vadd.f32 v5, v4;
	v4 =	vmul.f32 v2, v2  }
0x8a: {  	v2 =	vld [tilespmem:s1+$0x4100]  }
0x8b: {  	v3 =	vadd.f32 v4, v3  }
0x8c: {  	_ = 	snop  }
0x8d: {  	v0 =	vmul.f32 v0, v0;
	v1 =	vmul.f32 v1, v1;
	_ =	sdelay $0x1  }
.Ltmp6:
0x8e: {  	v0 =	vadd.f32 v1, v0;
	v63 =	vmul.f32 v2, v2;
	(pc) =	sbr.rel .LBB2_10-.Ltmp6, $4  }
0x8f: {  	_ = 	snop  }
0x90: {  	v0 =	vadd.f32 v63, v0  }
0x91: {  	[tilespmem:s0+$0x10280] =	vst v3  }
0x92: {  	[tilespmem:s1+$0x10280] =	vst v0  }
.LBB2_28:
0x93: {  	s4 =	rddreg [dreg:$0xe]  }
.LBB2_42:
0x94: {  	s0 =	rddreg [dreg:$0x12]  }
0x95: {  	[tilespmem:s0+$0x14400] =	vst v25  }
0x96: {  	s4 =	sadd.s32 $0x1, s4;
	[tilespmem:s0+$0x14410] =	vst v26  }
0x97: {  	[tilespmem:s0+$0x14420] =	vst v27;
	p0 =	sne.s32 s4, $0x10  }
.Ltmp7:
0x98: {  	[tilespmem:s0+$0x14430] =	vst v28;
	(pc) =	sbr.rel @!p0 .LBB2_43-.Ltmp7, $4  }
0x99: {  	[tilespmem:s0+$0x14440] =	vst v29  }
0x9a: {  	[tilespmem:s0+$0x14450] =	vst v33  }
0x9b: {  	[tilespmem:s0+$0x14460] =	vst v32  }
0x9c: {  	[tilespmem:s0+$0x14470] =	vst v30  }
.LBB2_10:
0x9d: {  	v0 =	vld [tilespmem:$0x1FFF0];
	_ =	sdelay $0x6  }
0x9e: {  	s0 =	sshll.u32 s4, $0x4  }
0x9f: {  	v45 =	vld.idx.msk [tilespmem:v0+s0+$0xE200 ss:$0x1], $0xffff;
	_ =	sdelay $0x2  }
0xa0: {  	v50 =	vld.idx.msk [tilespmem:v0+s0+$0x8200 ss:$0x1], $0xffff;
	_ =	sdelay $0x1  }
0xa1: {  	v49 =	vld.idx.msk [tilespmem:v0+s0+$0xA200 ss:$0x1], $0xffff;
	(v2sf) =	vpush v45, $0x0  }
0xa2: {  	v47 =	vld.idx.msk [tilespmem:v0+s0+$0xC200 ss:$0x1], $0xffff;
	(v2sf) =	vpush v45, $0xF;
	_ =	sdelay $0x1  }
0xa3: {  	(v2sf) =	vpush v50, $0x0;
	_ =	sdelay $0x1  }
0xa4: {  	(v2sf) =	vpush v49, $0x0  }
0xa5: {  	(v2sf) =	vpush v47, $0x0;
	_ =	sdelay $0x1  }
0xa6: {  	(v2sf) =	vpush v50, $0x1;
	_ =	sdelay $0x1  }
0xa7: {  	(v2sf) =	vpush v49, $0x1;
	_ =	sdelay $0x2  }
0xa8: {  	(v2sf) =	vpush v47, $0x1;
	_ =	sdelay $0x1  }
0xa9: {  	[dreg:$0xe] =	wrdreg s4;
	(v2sf) =	vpush v50, $0x2;
	s3 =	spop (v2sf)  }
0xaa: {  	(v2sf) =	vpush v49, $0x2;
	[dreg:$0x13] =	wrdreg s3;
	s19 =	spop (v2sf)  }
0xab: {  	p0 =	sgt.f32 s3, $2.500000000e+04;
	p1 =	sgt.f32 s3, $1.500000000e+04  }
0xac: {  	p2 =	sgt.f32 s3, $5.000000000e+03;
	s20 =	spop (v2sf)  }
0xad: {  	(v2sf) =	vpush v47, $0x2;
	[dreg:$0x14] =	wrdreg s19;
	s12 =	smul.f32 $-2.000000000e+00, s20  }
0xae: {  	s1 =	spop (v2sf);
	s0 =	smul.f32 s20, s20  }
0xaf: {  	s2 =	spop (v2sf);
	s11 =	smul.f32 $-2.000000000e+00, s1  }
0xb0: {  	s1 =	smul.f32 s1, s1;
	[dreg:$0x18] =	wrdreg s12  }
0xb1: {  	(v2sf) =	vpush v50, $0x3;
	s14 =	smul.f32 $-2.000000000e+00, s2;
	s21 =	spop (v2sf)  }
0xb2: {  	s2 =	smul.f32 s2, s2;
	[dreg:$0x15] =	wrdreg s11  }
0xb3: {  	(v2sf) =	vpush v49, $0x3;
	s22 =	spop (v2sf);
	s16 =	smul.f32 $-2.000000000e+00, s21  }
0xb4: {  	s3 =	smul.f32 s21, s21;
	s0 =	sadd.f32 s1, s0  }
0xb5: {  	(v2sf) =	vpush v47, $0x3;
	[dreg:$0x1b] =	wrdreg s14;
	s17 =	smul.f32 $-2.000000000e+00, s22  }
0xb6: {  	s15 =	smov.u32 s25;
	s5 =	spop (v2sf);
	s4 =	smul.f32 s22, s22  }
0xb7: {  	s15 =	simm.s32 @!p2 $0x0;
	(v2sf) =	vpush v50, $0x4;
	[dreg:$0x17] =	wrdreg s16;
	s18 =	smul.f32 $-2.000000000e+00, s5  }
0xb8: {  	s15 =	smov.u32 @p1 s28;
	s6 =	spop (v2sf);
	s5 =	smul.f32 s5, s5  }
0xb9: {  	s15 =	smov.u32 @p0 s26;
	(v2sf) =	vpush v49, $0x4;
	[dreg:$0x16] =	wrdreg s17;
	s7 =	spop (v2sf)  }
0xba: {  	s13 =	sand.u32 $0xFFFFFFF0, s15;
	s20 =	smul.f32 $-2.000000000e+00, s6;
	s3 =	sadd.f32 s4, s3  }
0xbb: {  	v7 =	vld [tilespmem:s13+$0x0];
	(v2sf) =	vpush v47, $0x4;
	s6 =	smul.f32 s6, s6;
	[dreg:$0x1a] =	wrdreg s18  }
0xbc: {  	s8 =	spop (v2sf);
	s24 =	smul.f32 $-2.000000000e+00, s7  }
0xbd: {  	v8 =	vld [tilespmem:s13+$0x2080];
	(v2sf) =	vpush v50, $0x5;
	s7 =	smul.f32 s7, s7;
	[smem:$0x7FA] =	sst s20  }
0xbe: {  	v0 =	vld [tilespmem:s13+$0x6180];
	s19 =	smul.f32 $-2.000000000e+00, s8;
	s21 =	sadd.f32 s5, s3  }
0xbf: {  	(v2sf) =	vpush v49, $0x5;
	s8 =	smul.f32 s8, s8;
	[smem:$0x7FB] =	sst s24  }
0xc0: {  	v10 =	vld [tilespmem:s13+$0x4100];
	v2 =	vmul.f32 s12, v7;
	s12 =	sadd.f32 s2, s0;
	s9 =	spop (v2sf)  }
0xc1: {  	v53 =	vbroadcast v45, $0x0;
	v52 =	vbroadcast v45, $0x1;
	(v2sf) =	vpush v47, $0x5;
	s7 =	sadd.f32 s7, s6;
	s30 =	smul.f32 $-2.000000000e+00, s9  }
0xc2: {  	v51 =	vbroadcast v45, $0x2;
	v62 =	vbroadcast v45, $0x3;
	s10 =	spop (v2sf);
	s9 =	smul.f32 s9, s9  }
0xc3: {  	v1 =	vsub.f32 v53, v0;
	v4 =	vmul.f32 s11, v8;
	[smem:$0x7FC] =	sst s19;
	(v2sf) =	vpush v50, $0x6;
	s29 =	smul.f32 $-2.000000000e+00, s10  }
0xc4: {  	v11 =	vsub.f32 v52, v0;
	v12 =	vmul.f32 s16, v7;
	v13 =	vmul.f32 s17, v8;
	s23 =	spop (v2sf);
	s11 =	smul.f32 s10, s10  }
0xc5: {  	(v2sf) =	vpush v49, $0x6;
	[smem:$0x7FD] =	sst s12;
	v2 =	vadd.f32 v4, v2;
	v4 =	vmul.f32 s14, v10;
	s31 =	smul.f32 $-2.000000000e+00, s23  }
0xc6: {  	v9 =	vld [tilespmem:s13+$0x10280];
	v12 =	vadd.f32 v13, v12;
	v13 =	vmul.f32 s18, v10;
	(v2sf) =	vpush v47, $0x6;
	s1 =	smul.f32 s23, s23;
	s2 =	spop (v2sf)  }
0xc7: {  	v14 =	vmul.f32 s24, v8;
	s17 =	sadd.f32 s8, s7;
	v2 =	vadd.f32 v4, v2;
	(v2sf) =	vpush v50, $0x7;
	s23 =	smul.f32 $-2.000000000e+00, s2  }
0xc8: {  	v4 =	vadd.f32 v13, v12;
	v13 =	vmul.f32 s20, v7;
	(v2sf) =	vpush v49, $0x7;
	s0 =	smul.f32 s2, s2;
	s4 =	spop (v2sf)  }
0xc9: {  	v1 =	vmul.f32 v1, v1;
	v11 =	vmul.f32 v11, v11;
	v12 =	vsub.f32 v51, v0;
	[dreg:$0x19] =	wrdreg s29;
	s22 =	smul.f32 $-2.000000000e+00, s4  }
0xca: {  	v13 =	vadd.f32 v14, v13;
	v14 =	vmul.f32 s19, v10;
	(v2sf) =	vpush v47, $0x7;
	s4 =	smul.f32 s4, s4;
	s5 =	spop (v2sf)  }
0xcb: {  	v15 =	vsub.f32 v62, v0;
	v1 =	vadd.f32 v1, v9;
	v12 =	vmul.f32 v12, v12;
	s18 =	sadd.f32 s11, s9;
	s20 =	smul.f32 $-2.000000000e+00, s5  }
0xcc: {  	v11 =	vadd.f32 v11, v9;
	v13 =	vadd.f32 v14, v13;
	s16 =	smul.f32 s5, s5;
	s10 =	spop (v2sf)  }
0xcd: {  	v12 =	vadd.f32 v12, v9;
	v16 =	vmul.f32 s30, v7;
	v17 =	vmul.f32 s29, v8;
	[dreg:$0x1c] =	wrdreg s31;
	s19 =	smul.f32 $-2.000000000e+00, s10  }
0xce: {  	v15 =	vmul.f32 v15, v15;
	v1 =	vadd.f32 v1, v2;
	v2 =	vadd.f32 v11, v4;
	s10 =	smul.f32 s10, s10;
	s14 =	spop (v2sf)  }
0xcf: {  	v4 =	vadd.f32 v12, v13;
	v16 =	vadd.f32 v17, v16;
	v17 =	vmul.f32 s31, v10;
	s4 =	sadd.f32 s4, s0;
	s24 =	smul.f32 $-2.000000000e+00, s14  }
0xd0: {  	v34 =	vbroadcast v45, $0x4;
	v15 =	vadd.f32 v15, v9;
	v18 =	vadd.f32 s21, v2;
	s7 =	smul.f32 s14, s14;
	s29 =	spop (v2sf)  }
0xd1: {  	v36 =	vbroadcast v45, $0x5;
	v19 =	vadd.f32 s17, v4;
	v14 =	vadd.f32 v17, v16;
	s14 =	sadd.f32 s1, s18;
	s18 =	smul.f32 $-2.000000000e+00, s29  }
0xd2: {  	v2 =	vmul.f32 s23, v7;
	v4 =	vmul.f32 s22, v8;
	v17 =	vadd.f32 s12, v1;
	s9 =	smul.f32 s29, s29;
	s31 =	spop (v2sf)  }
0xd3: {  	v54 =	vbroadcast v45, $0x6;
	v1 =	vsub.f32 v34, v0;
	s12 =	sadd.f32 s16, s4;
	v11 =	vadd.f32 v15, v14;
	s29 =	smul.f32 $-2.000000000e+00, s31  }
0xd4: {  	v12 =	vmul.f32 s19, v7;
	v2 =	vadd.f32 v4, v2;
	s8 =	smul.f32 s31, s31;
	s2 =	spop (v2sf);
	v13 =	vmul.f32 s24, v8  }
0xd5: {  	v4 =	vmul.f32 s20, v10;
	v1 =	vmul.f32 v1, v1;
	s11 =	smul.f32 $-2.000000000e+00, s2;
	v20 =	vadd.f32 s14, v11;
	s3 =	spop (v2sf)  }
0xd6: {  	s6 =	smul.f32 s2, s2;
	v11 =	vsub.f32 v36, v0;
	v12 =	vadd.f32 v13, v12;
	v13 =	vmul.f32 s18, v10;
	s5 =	spop (v2sf)  }
0xd7: {  	v35 =	vbroadcast v45, $0x7;
	v2 =	vadd.f32 v4, v2;
	v1 =	vadd.f32 v1, v9;
	s31 =	smul.f32 $-2.000000000e+00, s5;
	s0 =	spop (v2sf)  }
0xd8: {  	s2 =	sadd.f32 s7, s10;
	v14 =	vmul.f32 s11, v8;
	v11 =	vmul.f32 v11, v11;
	v4 =	vadd.f32 v13, v12;
	s10 =	smul.f32 $-2.000000000e+00, s0  }
0xd9: {  	v12 =	vsub.f32 v54, v0;
	v13 =	vmul.f32 s29, v7;
	v0 =	vsub.f32 v35, v0;
	s7 =	smul.f32 $-2.000000000e+00, s3;
	s1 =	spop (v2sf)  }
0xda: {  	s4 =	sadd.f32 s9, s2;
	v11 =	vadd.f32 v11, v9;
	v7 =	vmul.f32 s31, v7;
	s16 =	smul.f32 $-2.000000000e+00, s1;
	v8 =	vmul.f32 s10, v8  }
0xdb: {  	s8 =	sadd.f32 s6, s8;
	v13 =	vadd.f32 v14, v13;
	v12 =	vmul.f32 v12, v12;
	v0 =	vmul.f32 v0, v0;
	s5 =	smul.f32 s5, s5  }
0xdc: {  	s6 =	rddreg [dreg:$0x14];
	s0 =	smul.f32 s0, s0;
	v14 =	vmul.f32 s7, v10;
	v7 =	vadd.f32 v8, v7;
	v8 =	vmul.f32 s16, v10  }
0xdd: {  	p0 =	sgt.f32 s6, $5.000000000e+03;
	s3 =	smul.f32 s3, s3;
	v12 =	vadd.f32 v12, v9;
	v0 =	vadd.f32 v0, v9  }
0xde: {  	s1 =	smul.f32 s1, s1;
	s0 =	sadd.f32 s0, s5;
	v10 =	vadd.f32 v14, v13;
	v7 =	vadd.f32 v8, v7  }
0xdf: {  	p1 =	sgt.f32 s6, $1.500000000e+04;
	v1 =	vadd.f32 v1, v2;
	s2 =	sadd.f32 s3, s8;
	v2 =	vadd.f32 v11, v4;
	s3 =	smov.u32 s25  }
0xe0: {  	s3 =	smov.u32 @p0 s28;
	s8 =	sadd.f32 s1, s0;
	v4 =	vadd.f32 v12, v10;
	v0 =	vadd.f32 v0, v7  }
0xe1: {  	v22 =	vadd.f32 s12, v1;
	s3 =	smov.u32 @p1 s26;
	v27 =	vadd.f32 s4, v2  }
0xe2: {  	s9 =	sadd.s32 $0xF, s3;
	v29 =	vadd.f32 s2, v4;
	v30 =	vadd.f32 s8, v0;
	v0 =	vld [tilespmem:s13+$0x12300]  }
0xe3: {  	v1 =	vmin.f32 v17, v18;
	p0 =	sgt.f32 s6, $2.500000000e+04;
	s0 =	sshrl.u32 s9, $0x4  }
0xe4: {  	v2 =	vmin.f32 v19, v20;
	s0 =	sadd.s32 $0xFFFFFFFF, s0;
	v4 =	vmin.f32 v22, v27;
	v7 =	vmin.f32 v29, v30  }
0xe5: {  	s3 =	sshrl.u32 s15, $0x4;
	v1 =	vmin.f32 v1, v2;
	s0 =	simm.s32 @p0 $0x1FF;
	v2 =	vmin.f32 v4, v7  }
0xe6: {  	s1 =	smov.u32 s3;
	p0 =	sgt.s32 s0, s3;
	v1 =	vmin.f32 v1, v2  }
0xe7: {  	s1 =	smov.u32 @p0 s0;
	v0 =	vmin.f32 v0, v1  }
0xe8: {  	s5 =	sshll.u32 s1, $0x4;
	[tilespmem:s13+$0x12300] =	vst v0  }
0xe9: {  	v0 =	vld [tilespmem:s5+$0x0]  }
0xea: {  	v1 =	vld [tilespmem:s5+$0x2080]  }
0xeb: {  	v4 =	vld [tilespmem:s5+$0x6180]  }
0xec: {  	v2 =	vld [tilespmem:s5+$0x4100]  }
0xed: {  	s9 =	rddreg [dreg:$0x15]  }
0xee: {  	v20 =	vmin.f32 v20, $3.399999950e+38;
	s15 =	smov.u32 s13;
	s13 =	rddreg [dreg:$0x18]  }
0xef: {  	v14 =	vmov s9;
	v7 =	vmov s13;
	v15 =	vmul.f32 s13, v0  }
0xf0: {  	v16 =	vmul.f32 s9, v1;
	v28 =	vsub.f32 v53, v4;
	v37 =	vmul.f32 s23, v0  }
0xf1: {  	v32 =	vsub.f32 v52, v4;
	v38 =	vmul.f32 s22, v1;
	v39 =	vmul.f32 s20, v2  }
0xf2: {  	s13 =	rddreg [dreg:$0x1b];
	v33 =	vsub.f32 v51, v4;
	v42 =	vmul.f32 s19, v0;
	v43 =	vmul.f32 s24, v1  }
0xf3: {  	s9 =	rddreg [dreg:$0x17];
	v40 =	vsub.f32 v34, v4;
	v57 =	vmul.f32 s29, v0;
	v58 =	vmul.f32 s11, v1  }
0xf4: {  	v59 =	vmul.f32 s18, v2;
	v8 =	vmov s13;
	v21 =	vmul.f32 s13, v2;
	s13 =	rddreg [dreg:$0x16]  }
0xf5: {  	v60 =	vsub.f32 v36, v4;
	v9 =	vmov s9;
	v23 =	vmul.f32 s9, v0;
	s9 =	rddreg [dreg:$0x1a]  }
0xf6: {  	v41 =	vld [tilespmem:s5+$0x10280];
	v3 =	vmov s13;
	v24 =	vmul.f32 s13, v1;
	v11 =	vmov s9  }
0xf7: {  	v25 =	vmul.f32 s9, v2;
	v16 =	vadd.f32 v16, v15;
	v28 =	vmul.f32 v28, v28  }
0xf8: {  	v32 =	vmul.f32 v32, v32;
	v44 =	vadd.f32 v38, v37;
	v40 =	vmul.f32 v40, v40  }
0xf9: {  	v37 =	vmov s11;
	v42 =	vadd.f32 v43, v42;
	v43 =	vsub.f32 v54, v4  }
0xfa: {  	s13 =	sld [smem:$0x7FA];
	v38 =	vmov s18;
	v57 =	vadd.f32 v58, v57;
	v23 =	vadd.f32 v24, v23  }
0xfb: {  	s9 =	sld [smem:$0x7FB];
	v60 =	vmul.f32 v60, v60;
	v21 =	vadd.f32 v21, v16;
	v28 =	vadd.f32 v28, v41  }
0xfc: {  	v16 =	vmov s30;
	v32 =	vadd.f32 v32, v41;
	v44 =	vadd.f32 v39, v44  }
0xfd: {  	v40 =	vadd.f32 v40, v41;
	v10 =	vmov s13;
	v26 =	vmul.f32 s13, v0  }
0xfe: {  	v6 =	vmov s9;
	v31 =	vmul.f32 s9, v1;
	s13 =	sld [smem:$0x7FC];
	v23 =	vadd.f32 v25, v23  }
0xff: {  	s9 =	rddreg [dreg:$0x19];
	v25 =	vmul.f32 s30, v0;
	v13 =	vadd.f32 v28, v21;
	v21 =	vsub.f32 v62, v4  }
0x100: {  	v28 =	vmul.f32 s9, v1;
	v4 =	vsub.f32 v35, v4;
	v0 =	vmul.f32 s31, v0  }
0x101: {  	v1 =	vmul.f32 s10, v1;
	v15 =	vmov s13;
	v24 =	vmul.f32 s13, v2  }
0x102: {  	v32 =	vadd.f32 v32, v23;
	v23 =	vadd.f32 v31, v26;
	v26 =	vmul.f32 v33, v33  }
0x103: {  	v31 =	vadd.f32 v28, v25;
	v21 =	vmul.f32 v21, v21;
	v25 =	vmov s9  }
0x104: {  	s13 =	rddreg [dreg:$0x1c];
	v33 =	vmov s22;
	v28 =	vmov s29;
	v0 =	vadd.f32 v1, v0  }
0x105: {  	v1 =	vmul.f32 s16, v2;
	v61 =	vmul.f32 s13, v2;
	v23 =	vadd.f32 v24, v23  }
0x106: {  	v12 =	vmov s13;
	v24 =	vadd.f32 v26, v41;
	v48 =	vadd.f32 s21, v32  }
0x107: {  	s13 =	sld [smem:$0x7FD];
	v32 =	vmul.f32 s7, v2;
	v0 =	vadd.f32 v1, v0;
	v26 =	vadd.f32 v61, v31  }
0x108: {  	v2 =	vmul.f32 v4, v4;
	v31 =	vadd.f32 v21, v41;
	v61 =	vadd.f32 v40, v44  }
0x109: {  	v21 =	vmov s17;
	v40 =	vadd.f32 v59, v42;
	v42 =	vadd.f32 v60, v41  }
0x10a: {  	v44 =	vmov s4;
	v60 =	vmin.f32 v22, $3.399999950e+38;
	v5 =	vmov s13  }
0x10b: {  	v46 =	vadd.f32 s13, v13;
	v63 =	vadd.f32 v24, v23;
	v23 =	vmov s21  }
0x10c: {  	v13 =	vmov s23;
	v24 =	vmov s19;
	v57 =	vadd.f32 v32, v57  }
0x10d: {  	v32 =	vmul.f32 v43, v43;
	v43 =	vmov s31;
	v1 =	vadd.f32 v2, v41  }
0x10e: {  	[tilespmem:$0x1FFC0] =	vst v5;
	v31 =	vadd.f32 v31, v26;
	v5 =	vmov s14;
	v4 =	vadd.f32 v42, v40  }
0x10f: {  	v26 =	vmov s12;
	v2 =	vadd.f32 s12, v61;
	v40 =	vmov s2  }
0x110: {  	v61 =	vmin.f32 v30, $3.399999950e+38;
	v55 =	vadd.f32 s17, v63;
	[tilespmem:$0x1FFD0] =	vst v5;
	v5 =	vmov s20  }
0x111: {  	v63 =	vmov s7;
	v39 =	vadd.f32 v32, v41;
	v32 =	vmov s10  }
0x112: {  	v0 =	vadd.f32 v1, v0;
	v1 =	vmin.f32 v17, $3.399999950e+38;
	v17 =	vmin.f32 v18, $3.399999950e+38  }
0x113: {  	v18 =	vmin.f32 v19, $3.399999950e+38;
	v56 =	vadd.f32 s14, v31;
	v57 =	vadd.f32 v39, v57  }
0x114: {  	v31 =	vmov s24;
	v4 =	vadd.f32 s4, v4;
	v19 =	vmin.f32 v1, v46  }
0x115: {  	s29 =	rddreg [dreg:$0x13];
	v17 =	vmin.f32 v17, v48;
	v1 =	vld [tilespmem:s5+$0x12300];
	v0 =	vadd.f32 s8, v0;
	v57 =	vadd.f32 s2, v57  }
0x116: {  	p0 =	sne.f32 s29, s6;
	v46 =	vmin.f32 v46, v48;
	v18 =	vmin.f32 v18, v55;
	v42 =	vmin.f32 v55, v56  }
.Ltmp8:
0x117: {  	v58 =	vmin.f32 v2, v4;
	v22 =	vmin.f32 v20, v56;
	v59 =	vmin.f32 v57, v0;
	(pc) =	sbr.rel @p0 .LBB2_17-.Ltmp8, $4  }
0x118: {  	v20 =	vmin.f32 v60, v2;
	v46 =	vmin.f32 v46, v42;
	v48 =	vmin.f32 v58, v59  }
0x119: {  	[dreg:$0xf] =	wrdreg s3;
	s31 =	sadd.s32 $0x1, s3;
	v58 =	vmov s16;
	v2 =	vmin.f32 v46, v48;
	v48 =	vmov s8  }
0x11a: {  	[dreg:$0x11] =	wrdreg s5;
	p1 =	sgt.s32 s0, s31;
	s30 =	smov.u32 s31;
	[tilespmem:$0x1FFE0] =	vst v5;
	v1 =	vmin.f32 v1, v2;
	v2 =	vmin.f32 v27, $3.399999950e+38;
	v27 =	vmin.f32 v29, $3.399999950e+38  }
0x11b: {  	[dreg:$0x10] =	wrdreg s31;
	s30 =	smov.u32 @p1 s0;
	p1 =	sle.s32 s0, s31;
	v30 =	vmin.f32 v2, v4;
	v29 =	vmin.f32 v27, v57;
	v27 =	vmin.f32 v61, v0;
	[tilespmem:s5+$0x12300] =	vst v1  }
.Ltmp9:
0x11c: {  	(pc) =	sbr.rel @p1 .LBB2_12-.Ltmp9, $1  }
0x11d: {  	_ =	sdelay $0x3  }
0x11e: {  	s3 =	rddreg [dreg:$0x10]  }
0x11f: {  	v4 =	vmov v25;
	v25 =	vld [tilespmem:$0x1FFC0];
	s0 =	sshll.u32 s3, $0x4  }
0x120: {  	v0 =	vld [tilespmem:s0+$0x4100]  }
0x121: {  	v1 =	vld [tilespmem:s0+$0x10280]  }
0x122: {  	v2 =	vld [tilespmem:s0+$0x0];
	_ =	sdelay $0x1  }
0x123: {  	[tilespmem:$0x1FEF0] =	vst v50  }
0x124: {  	[tilespmem:$0x1FF00] =	vst v49;
	v49 =	vmul.f32 v0, v8;
	v54 =	vmul.f32 v0, v11  }
0x125: {  	[tilespmem:$0x1FF10] =	vst v47;
	v47 =	vld [tilespmem:s0+$0x2080];
	v5 =	vadd.f32 v1, v25;
	v50 =	vmul.f32 v0, v15;
	v51 =	vmul.f32 v0, v12  }
0x126: {  	[tilespmem:$0x1FF20] =	vst v45;
	v52 =	vmul.f32 v2, v7;
	v53 =	vmul.f32 v2, v9  }
0x127: {  	v41 =	vld [tilespmem:$0x1FFE0];
	v55 =	vmul.f32 v2, v10;
	v57 =	vmul.f32 v2, v16;
	[tilespmem:$0x1FF80] =	vst v5;
	v5 =	vadd.f32 v1, v23  }
0x128: {  	v36 =	vmovc v8;
	v42 =	vmov v24;
	[tilespmem:$0x1FF60] =	vst v63;
	v59 =	vmul.f32 v2, v13;
	v60 =	vmul.f32 v2, v24  }
0x129: {  	v8 =	vmovc v21;
	v45 =	vmul.f32 v2, v43;
	v24 =	vld [tilespmem:$0x1FF60];
	[tilespmem:$0x1FF90] =	vst v5;
	v5 =	vadd.f32 v1, v21;
	v21 =	vmov v28  }
0x12a: {  	v46 =	vmul.f32 v47, v14;
	v62 =	vmul.f32 v2, v21  }
0x12b: {  	[tilespmem:$0x1FF30] =	vst v12;
	v12 =	vmovc v10;
	v10 =	vmov v3;
	v2 =	vmul.f32 v47, v3;
	v3 =	vmul.f32 v47, v33  }
0x12c: {  	v63 =	vmul.f32 v47, v37;
	v35 =	vmul.f32 v0, v41;
	v28 =	vmovc v58;
	v58 =	vadd.f32 v1, v40  }
0x12d: {  	[tilespmem:$0x1FF50] =	vst v40;
	v40 =	vmul.f32 v0, v38;
	v2 =	vadd.f32 v2, v53;
	v3 =	vadd.f32 v3, v59  }
0x12e: {  	v53 =	vadd.f32 v63, v62;
	v59 =	vmul.f32 v0, v24;
	v0 =	vmul.f32 v0, v28;
	v62 =	vmovc v28;
	v28 =	vld [tilespmem:$0x1FF80]  }
0x12f: {  	v52 =	vadd.f32 v46, v52;
	_ =	sdelay $0x1  }
0x130: {  	v52 =	vadd.f32 v49, v52;
	_ =	sdelay $0x1  }
0x131: {  	v63 =	vadd.f32 v28, v52;
	v28 =	vld [tilespmem:$0x1FF90]  }
0x132: {  	[tilespmem:$0x1FF40] =	vst v23;
	v23 =	vld [tilespmem:$0x1FFD0]  }
0x133: {  	[tilespmem:$0x1FFA0] =	vst v5;
	v5 =	vadd.f32 v1, v26  }
0x134: {  	v2 =	vadd.f32 v54, v2  }
0x135: {  	[tilespmem:$0x1FFB0] =	vst v5;
	v5 =	vmul.f32 v47, v6  }
0x136: {  	v56 =	vadd.f32 v1, v44;
	v2 =	vadd.f32 v28, v2;
	v28 =	vld [tilespmem:$0x1FFA0]  }
0x137: {  	v39 =	vmovc v13;
	v34 =	vmov v4;
	v61 =	vadd.f32 v1, v23;
	v5 =	vadd.f32 v5, v55  }
0x138: {  	v13 =	vmovc v6;
	v1 =	vadd.f32 v1, v48;
	v6 =	vmul.f32 v47, v4;
	v4 =	vmul.f32 v47, v31  }
0x139: {  	v47 =	vmul.f32 v47, v32;
	v3 =	vadd.f32 v35, v3;
	v5 =	vadd.f32 v50, v5  }
0x13a: {  	v6 =	vadd.f32 v6, v57;
	v4 =	vadd.f32 v4, v60  }
0x13b: {  	s31 =	rddreg [dreg:$0xf];
	v45 =	vadd.f32 v47, v45;
	v5 =	vadd.f32 v28, v5;
	v28 =	vld [tilespmem:$0x1FFB0]  }
0x13c: {  	s3 =	sadd.s32 $0x1, s3;
	s0 =	sshll.u32 s31, $0x6;
	v60 =	vadd.f32 v59, v53;
	v6 =	vadd.f32 v51, v6  }
0x13d: {  	p2 =	slt.u32 s3, s30;
	s2 =	sshra.s32 s0, $0x2;
	v4 =	vadd.f32 v40, v4;
	v0 =	vadd.f32 v0, v45  }
.Ltmp10:
0x13e: {  	s1 =	sadd.s32 $0x4120, s2;
	v50 =	vadd.f32 v58, v60;
	v6 =	vadd.f32 v61, v6;
	(pc) =	sbr.rel @!p2 .LBB2_16-.Ltmp10, $4  }
0x13f: {  	s0 =	sadd.s32 $0x102A0, s2;
	v53 =	vld [tilespmem:s1+$0x0];
	v47 =	vadd.f32 v56, v4;
	v45 =	vadd.f32 v1, v0  }
0x140: {  	s16 =	sadd.s32 $0x12310, s2;
	v51 =	vld [tilespmem:s0+$0x0];
	v19 =	vmin.f32 v19, v63;
	v22 =	vmin.f32 v22, v6;
	v49 =	vadd.f32 v28, v3  }
0x141: {  	s4 =	sadd.s32 $0x20, s2;
	v52 =	vld [tilespmem:s16+$0x0];
	v0 =	vmin.f32 v50, v45;
	v17 =	vmin.f32 v17, v2;
	v2 =	vmin.f32 v63, v2  }
0x142: {  	[tilespmem:$0x1FF70] =	vst v48;
	s2 =	sadd.s32 $0x20A0, s2;
	v1 =	vld [tilespmem:s4+$0x0];
	v18 =	vmin.f32 v18, v5;
	v4 =	vmin.f32 v5, v6;
	v54 =	vmin.f32 v49, v47  }
0x143: {  	_ =	sdelay $0x1  }
0x144: {  	v3 =	vld [tilespmem:s2+$0x0];
	_ =	sdelay $0x1  }
0x145: {  	v5 =	vmul.f32 v53, v36;
	v6 =	vmul.f32 v1, v7  }
0x146: {  	v2 =	vmin.f32 v2, v4;
	v55 =	vmul.f32 v1, v9;
	v56 =	vmul.f32 v1, v12  }
0x147: {  	v40 =	vmovc v33;
	v0 =	vmin.f32 v54, v0;
	v57 =	vmul.f32 v1, v16;
	v4 =	vmul.f32 v1, v39  }
0x148: {  	v35 =	vmovc v43;
	v20 =	vmin.f32 v20, v49;
	v58 =	vmul.f32 v3, v14;
	v59 =	vmul.f32 v3, v10  }
0x149: {  	v43 =	vmovc v31;
	v0 =	vmin.f32 v2, v0;
	v60 =	vmul.f32 v3, v13;
	v61 =	vmul.f32 v3, v34  }
0x14a: {  	v48 =	vmovc v38;
	v0 =	vmin.f32 v52, v0;
	v38 =	vmul.f32 v3, v33;
	v33 =	vmul.f32 v3, v43  }
0x14b: {  	v31 =	vmovc v34;
	v34 =	vmul.f32 v1, v21;
	v6 =	vadd.f32 v58, v6;
	v55 =	vadd.f32 v59, v55  }
0x14c: {  	[tilespmem:s16+$0x0] =	vst v0;
	v0 =	vld [tilespmem:$0x1FF50];
	v58 =	vmul.f32 v1, v42;
	v56 =	vadd.f32 v60, v56;
	v57 =	vadd.f32 v61, v57  }
0x14d: {  	v4 =	vadd.f32 v38, v4;
	v38 =	vmul.f32 v3, v37;
	v1 =	vmul.f32 v1, v35  }
0x14e: {  	v46 =	vmovc v37;
	v3 =	vmul.f32 v3, v32;
	v37 =	vmul.f32 v53, v48;
	v60 =	vadd.f32 v51, v26  }
0x14f: {  	v61 =	vadd.f32 v51, v44;
	v58 =	vadd.f32 v33, v58;
	v33 =	vmul.f32 v53, v11  }
0x150: {  	v59 =	vadd.f32 v38, v34;
	v34 =	vmul.f32 v53, v15;
	v1 =	vadd.f32 v3, v1  }
0x151: {  	v38 =	vld [tilespmem:$0x1FF30];
	v5 =	vadd.f32 v5, v6;
	v6 =	vmul.f32 v53, v41;
	v0 =	vadd.f32 v51, v0  }
0x152: {  	v55 =	vadd.f32 v33, v55;
	v56 =	vadd.f32 v34, v56;
	v34 =	vmul.f32 v53, v62  }
0x153: {  	v33 =	vmul.f32 v53, v24;
	v4 =	vadd.f32 v6, v4;
	v6 =	vadd.f32 v37, v58;
	v24 =	vld [tilespmem:$0x1FF70]  }
0x154: {  	v30 =	vmin.f32 v30, v47;
	[tilespmem:$0x1FEA0] =	vst v36;
	v37 =	vadd.f32 v51, v25;
	v1 =	vadd.f32 v34, v1;
	v34 =	vld [tilespmem:$0x1FF40]  }
0x155: {  	v29 =	vmin.f32 v29, v50;
	[tilespmem:$0x1FEB0] =	vst v15;
	v58 =	vadd.f32 v51, v23;
	v54 =	vadd.f32 v33, v59  }
0x156: {  	[tilespmem:$0x1FEC0] =	vst v12;
	v5 =	vadd.f32 v37, v5;
	v49 =	vadd.f32 v60, v4;
	v3 =	vmul.f32 v53, v38  }
0x157: {  	v27 =	vmin.f32 v27, v45;
	s3 =	sadd.s32 $0x1, s3;
	[tilespmem:$0x1FED0] =	vst v10;
	v47 =	vadd.f32 v61, v6;
	v50 =	vadd.f32 v0, v54  }
0x158: {  	v28 =	vmovc v44;
	[tilespmem:$0x1FEE0] =	vst v14;
	p2 =	slt.u32 s3, s30;
	v36 =	vmov v31;
	v3 =	vadd.f32 v3, v57;
	v57 =	vadd.f32 v51, v8  }
.Ltmp11:
0x159: {  	v31 =	vmovc v13;
	s16 =	sadd.s32 $0x10, s16;
	v44 =	vmovc v21;
	v21 =	vmov v62;
	v63 =	vadd.f32 v51, v24;
	v2 =	vadd.f32 v51, v34;
	(pc) =	sbr.rel @!p2 .LBB2_16-.Ltmp11, $4  }
0x15a: {  	s0 =	sadd.s32 $0x10, s0;
	v52 =	vld [tilespmem:s16+$0x0];
	v25 =	vmovc v11;
	v19 =	vmin.f32 v19, v5;
	v59 =	vadd.f32 v57, v56;
	v3 =	vadd.f32 v58, v3  }
0x15b: {  	s1 =	sadd.s32 $0x10, s1;
	v53 =	vld [tilespmem:s0+$0x0];
	v54 =	vmin.f32 v49, v47;
	v37 =	vmovc v8;
	v45 =	vadd.f32 v63, v1;
	v2 =	vadd.f32 v2, v55  }
0x15c: {  	s4 =	sadd.s32 $0x10, s4;
	v33 =	vmovc v16;
	v51 =	vld [tilespmem:s1+$0x0];
	v18 =	vmin.f32 v18, v59;
	v22 =	vmin.f32 v22, v3;
	v4 =	vmin.f32 v59, v3  }
0x15d: {  	v24 =	vmovc v9;
	v1 =	vld [tilespmem:s4+$0x0];
	v0 =	vmin.f32 v50, v45;
	v17 =	vmin.f32 v17, v2;
	v2 =	vmin.f32 v5, v2  }
.LBB2_15:
0x15e: {  	v3 =	vld [tilespmem:$0x1FFC0]  }
0x15f: {  	v2 =	vmin.f32 v2, v4;
	v4 =	vld [tilespmem:$0x1FEA0]  }
0x160: {  	v0 =	vmin.f32 v54, v0;
	v8 =	vld [tilespmem:$0x1FED0]  }
0x161: {  	s2 =	sadd.s32 $0x10, s2;
	v12 =	vld [tilespmem:$0x1FF50];
	v20 =	vmin.f32 v20, v49;
	v0 =	vmin.f32 v2, v0  }
0x162: {  	v54 =	vld [tilespmem:s2+$0x0];
	v5 =	vmul.f32 v51, v25;
	v6 =	vmul.f32 v51, v38;
	v0 =	vmin.f32 v52, v0  }
0x163: {  	v15 =	vld [tilespmem:$0x1FF70];
	v52 =	vmul.f32 v1, v7;
	v55 =	vmul.f32 v1, v24;
	v56 =	vadd.f32 v53, v34  }
0x164: {  	v16 =	vmovc v7;
	v57 =	vadd.f32 v53, v37;
	v58 =	vmul.f32 v1, v33;
	v59 =	vadd.f32 v53, v23;
	v7 =	vld [tilespmem:$0x1FEE0]  }
0x165: {  	v60 =	vmul.f32 v1, v39;
	v61 =	vmul.f32 v1, v42;
	v62 =	vadd.f32 v53, v26  }
0x166: {  	v63 =	vmul.f32 v1, v44;
	v9 =	vadd.f32 v53, v28;
	v4 =	vmul.f32 v51, v4  }
0x167: {  	v3 =	vadd.f32 v53, v3;
	[tilespmem:s16+$0x0] =	vst v0;
	v0 =	vld [tilespmem:$0x1FEC0];
	v8 =	vmul.f32 v54, v8;
	v10 =	vmul.f32 v54, v31  }
0x168: {  	v12 =	vadd.f32 v53, v12;
	v11 =	vmul.f32 v54, v36;
	v13 =	vmul.f32 v54, v40  }
0x169: {  	v15 =	vadd.f32 v53, v15;
	v14 =	vmul.f32 v54, v43;
	v7 =	vmul.f32 v54, v7  }
0x16a: {  	v2 =	vld [tilespmem:$0x1FEB0];
	v8 =	vadd.f32 v8, v55;
	v13 =	vadd.f32 v13, v60;
	v60 =	vmul.f32 v51, v41  }
0x16b: {  	v14 =	vadd.f32 v14, v61;
	v61 =	vmul.f32 v51, v48;
	v7 =	vadd.f32 v7, v52  }
0x16c: {  	v0 =	vmul.f32 v1, v0;
	v1 =	vmul.f32 v1, v35;
	v5 =	vadd.f32 v5, v8  }
0x16d: {  	v8 =	vadd.f32 v60, v13;
	v52 =	vmul.f32 v54, v46;
	v4 =	vadd.f32 v4, v7;
	v7 =	vld [tilespmem:$0x1FF60]  }
0x16e: {  	v0 =	vadd.f32 v10, v0;
	v10 =	vadd.f32 v11, v58;
	v58 =	vmul.f32 v54, v32  }
0x16f: {  	v2 =	vmul.f32 v51, v2;
	v49 =	vadd.f32 v62, v8;
	v52 =	vadd.f32 v52, v63  }
0x170: {  	v63 =	vadd.f32 v61, v14;
	v1 =	vadd.f32 v58, v1  }
0x171: {  	v30 =	vmin.f32 v30, v47;
	v0 =	vadd.f32 v2, v0;
	v2 =	vadd.f32 v6, v10  }
0x172: {  	s3 =	sadd.s32 $0x1, s3;
	v6 =	vmul.f32 v51, v21;
	v3 =	vadd.f32 v3, v4;
	v7 =	vmul.f32 v51, v7  }
0x173: {  	v29 =	vmin.f32 v29, v50;
	p2 =	slt.u32 s3, s30;
	v4 =	vadd.f32 v56, v5;
	v47 =	vadd.f32 v9, v63  }
.Ltmp12:
0x174: {  	s0 =	sadd.s32 $0x10, s0;
	v27 =	vmin.f32 v27, v45;
	v1 =	vadd.f32 v6, v1;
	v7 =	vadd.f32 v7, v52;
	(pc) =	sbr.rel @p2 .LBB2_15-.Ltmp12, $4  }
0x175: {  	s1 =	sadd.s32 $0x10, s1;
	v53 =	vld [tilespmem:s0+$0x0];
	v0 =	vadd.f32 v57, v0;
	v5 =	vadd.f32 v59, v2;
	v19 =	vmin.f32 v19, v3  }
0x176: {  	s4 =	sadd.s32 $0x10, s4;
	v17 =	vmin.f32 v17, v4;
	v51 =	vld [tilespmem:s1+$0x0];
	v45 =	vadd.f32 v15, v1;
	v50 =	vadd.f32 v12, v7  }
0x177: {  	s16 =	sadd.s32 $0x10, s16;
	v2 =	vmin.f32 v3, v4;
	v54 =	vmin.f32 v49, v47;
	v1 =	vld [tilespmem:s4+$0x0];
	v18 =	vmin.f32 v18, v0  }
0x178: {  	v22 =	vmin.f32 v22, v5;
	v4 =	vmin.f32 v0, v5;
	v52 =	vld [tilespmem:s16+$0x0];
	v7 =	vmovc v16;
	v0 =	vmin.f32 v50, v45  }
.LBB2_16:
0x179: {  	_ = 	snop  }
.Ltmp13:
0x17a: {  	_ = 	snop;
	(pc) =	sbr.rel .LBB2_26-.Ltmp13, $4  }
0x17b: {  	v1 =	vmin.f32 v2, v4;
	v0 =	vmin.f32 v54, v0;
	v27 =	vmin.f32 v27, v45;
	v45 =	vld [tilespmem:$0x1FF20]  }
0x17c: {  	v30 =	vmin.f32 v30, v47;
	v47 =	vld [tilespmem:$0x1FF10];
	v0 =	vmin.f32 v1, v0  }
0x17d: {  	v20 =	vmin.f32 v20, v49;
	v49 =	vld [tilespmem:$0x1FF00];
	v0 =	vmin.f32 v52, v0  }
0x17e: {  	v29 =	vmin.f32 v29, v50;
	s4 =	rddreg [dreg:$0xe];
	v50 =	vld [tilespmem:$0x1FEF0];
	[tilespmem:s16+$0x0] =	vst v0  }
.LBB2_17:
.Ltmp14:
0x17f: {  	(pc) =	sbr.rel @p1 .LBB2_18-.Ltmp14, $1  }
0x180: {  	_ =	sdelay $0x3  }
0x181: {  	s2 =	rddreg [dreg:$0x10]  }
0x182: {  	s0 =	sshll.u32 s2, $0x4  }
0x183: {  	v0 =	vld [tilespmem:s0+$0x4100];
	_ =	sdelay $0x1  }
0x184: {  	v1 =	vld [tilespmem:s0+$0x0];
	_ =	sdelay $0x2  }
0x185: {  	[tilespmem:$0x1FF40] =	vst v23;
	v2 =	vmul.f32 v0, v8  }
0x186: {  	[tilespmem:$0x1FF70] =	vst v48;
	v4 =	vld [tilespmem:s0+$0x2080];
	v48 =	vmul.f32 v0, v11;
	v5 =	vmul.f32 v0, v15  }
0x187: {  	[tilespmem:$0x1FE10] =	vst v7;
	v23 =	vmul.f32 v0, v12;
	v7 =	vmul.f32 v1, v7  }
0x188: {  	[tilespmem:$0x1FEA0] =	vst v8;
	v8 =	vmul.f32 v1, v9;
	v39 =	vmul.f32 v1, v10  }
0x189: {  	[tilespmem:$0x1FF50] =	vst v40;
	v40 =	vmul.f32 v1, v16;
	v41 =	vmul.f32 v1, v13  }
0x18a: {  	[tilespmem:$0x1FF30] =	vst v12;
	v12 =	vmul.f32 v1, v24;
	v46 =	vmul.f32 v1, v28  }
0x18b: {  	v1 =	vmul.f32 v1, v43;
	v60 =	vmul.f32 v4, v14  }
0x18c: {  	[tilespmem:$0x1FEB0] =	vst v15;
	v15 =	vmul.f32 v4, v3;
	v55 =	vmul.f32 v4, v6  }
0x18d: {  	[tilespmem:$0x1FE20] =	vst v9;
	v56 =	vmul.f32 v4, v25;
	v61 =	vmul.f32 v4, v33  }
0x18e: {  	[tilespmem:$0x1FEC0] =	vst v10;
	v57 =	vmul.f32 v4, v31;
	v7 =	vadd.f32 v60, v7;
	v8 =	vadd.f32 v15, v8  }
0x18f: {  	[tilespmem:$0x1FE80] =	vst v33;
	v33 =	vld [tilespmem:s0+$0x6180];
	v9 =	vadd.f32 v55, v39;
	v15 =	vmul.f32 v4, v37;
	v10 =	vadd.f32 v56, v40  }
0x190: {  	v42 =	vmovc v11;
	v11 =	vadd.f32 v61, v41;
	v4 =	vmul.f32 v4, v32;
	v41 =	vld [tilespmem:$0x1FFE0];
	v12 =	vadd.f32 v57, v12  }
0x191: {  	[tilespmem:$0x1FE40] =	vst v13;
	v13 =	vadd.f32 v15, v46;
	v2 =	vadd.f32 v2, v7  }
0x192: {  	[tilespmem:$0x1FED0] =	vst v3;
	v1 =	vadd.f32 v4, v1;
	v3 =	vadd.f32 v48, v8  }
0x193: {  	[tilespmem:$0x1FE70] =	vst v6;
	v7 =	vmul.f32 v0, v38;
	v4 =	vadd.f32 v5, v9;
	v6 =	vadd.f32 v23, v10  }
0x194: {  	v5 =	vmul.f32 v0, v63;
	v46 =	vsub.f32 v51, v33;
	v48 =	vsub.f32 v62, v33  }
0x195: {  	s1 =	rddreg [dreg:$0xf];
	v59 =	vsub.f32 v34, v33;
	v39 =	vmul.f32 v0, v41;
	v0 =	vmul.f32 v0, v58  }
0x196: {  	s1 =	sshll.u32 s1, $0x6;
	v60 =	vsub.f32 v36, v33;
	v61 =	vsub.f32 v54, v33  }
0x197: {  	s24 =	sshra.s32 s1, $0x2;
	v56 =	vadd.f32 v5, v13;
	v57 =	vadd.f32 v0, v1;
	v0 =	vld [tilespmem:s0+$0x10280]  }
0x198: {  	v55 =	vmov s24;
	v5 =	vsub.f32 v53, v33;
	v1 =	vsub.f32 v52, v33  }
0x199: {  	[tilespmem:$0x1FEE0] =	vst v14;
	v14 =	vsub.f32 v35, v33;
	v9 =	vmul.f32 v46, v46;
	v10 =	vmul.f32 v48, v48  }
0x19a: {  	v7 =	vadd.f32 v7, v12;
	v5 =	vmul.f32 v5, v5;
	v1 =	vmul.f32 v1, v1  }
0x19b: {  	v12 =	vmul.f32 v60, v60;
	v13 =	vmul.f32 v61, v61;
	v40 =	vadd.f32 v39, v11  }
0x19c: {  	[tilespmem:$0x1FE00] =	vst v26;
	s1 =	sadd.s32 $0x1, s2;
	v11 =	vmul.f32 v59, v59;
	v5 =	vadd.f32 v5, v0;
	v1 =	vadd.f32 v1, v0  }
0x19d: {  	[tilespmem:$0x1FE30] =	vst v16;
	p3 =	slt.u32 s1, s30;
	v14 =	vmul.f32 v14, v14;
	v9 =	vadd.f32 v9, v0;
	v10 =	vadd.f32 v10, v0  }
.Ltmp15:
0x19e: {  	[tilespmem:$0x1FE50] =	vst v24;
	v11 =	vadd.f32 v11, v0;
	v12 =	vadd.f32 v12, v0;
	(pc) =	sbr.rel @!p3 .LBB2_20-.Ltmp15, $4  }
0x19f: {  	[tilespmem:$0x1FE60] =	vst v28;
	v59 =	vadd.f32 v13, v0;
	v60 =	vadd.f32 v14, v0  }
0x1a0: {  	s16 =	simm.s32 $0x12310;
	s29 =	simm.s32 $0x4120;
	v24 =	vmovc v43;
	v43 =	vmovc v32;
	v32 =	vmov v62;
	v61 =	vadd.f32 v5, v2;
	v62 =	vadd.f32 v1, v3  }
0x1a1: {  	s31 =	simm.s32 $0x20;
	s17 =	simm.s32 $0x20A0;
	v26 =	vmovc v63;
	s18 =	simm.s32 $0x102A0;
	v23 =	vmov v58;
	v58 =	vld.idx.msk [tilespmem:v55+s29+$0x0 ss:$0x1], $0xffff;
	v63 =	vadd.f32 v9, v4;
	v0 =	vadd.f32 v10, v6  }
0x1a2: {  	[tilespmem:$0x1FE90] =	vst v31;
	s19 =	simm.s32 $0x61A0;
	p2 =	por $0x0, $0x0;
	s4 =	rddreg [dreg:$0xe];
	v4 =	vld.idx.msk [tilespmem:v55+s31+$0x0 ss:$0x1], $0xffff;
	v2 =	vadd.f32 v11, v40;
	v1 =	vadd.f32 v12, v7  }
0x1a3: {  	_ = 	snop  }
0x1a4: {  	[tilespmem:$0x1FF20] =	vst v45;
	v45 =	vadd.f32 v1, v44;
	v1 =	vld [tilespmem:$0x1FE10];
	_ =	sdelay $0x4  }
0x1a5: {  	v14 =	vmul.f32 v4, v1;
	v1 =	vld [tilespmem:$0x1FE20];
	_ =	sdelay $0x3  }
0x1a6: {  	v33 =	vld [tilespmem:$0x1FFC0]  }
0x1a7: {  	v15 =	vmul.f32 v4, v1;
	v1 =	vld [tilespmem:$0x1FEC0];
	_ =	sdelay $0x4  }
0x1a8: {  	v6 =	vadd.f32 v61, v33;
	v61 =	vmul.f32 v4, v1;
	v1 =	vld [tilespmem:$0x1FE30]  }
0x1a9: {  	v28 =	vmov v54;
	v54 =	vld [tilespmem:$0x1FF40]  }
0x1aa: {  	v46 =	vmov v37;
	v37 =	vld [tilespmem:$0x1FFD0];
	_ =	sdelay $0x1  }
0x1ab: {  	v11 =	vld.idx.msk [tilespmem:v55+s17+$0x0 ss:$0x1], $0xffff  }
0x1ac: {  	v3 =	vadd.f32 v59, v56;
	v59 =	vmul.f32 v4, v1;
	v1 =	vld [tilespmem:$0x1FEE0]  }
0x1ad: {  	v9 =	vadd.f32 v63, v21  }
0x1ae: {  	v7 =	vadd.f32 v62, v54;
	v0 =	vadd.f32 v0, v37  }
0x1af: {  	[tilespmem:$0x1FEF0] =	vst v50  }
0x1b0: {  	v16 =	vmov v36;
	[tilespmem:$0x1FF00] =	vst v49;
	v36 =	vld [tilespmem:$0x1FF50];
	v49 =	vmin.f32 v6, v7;
	v50 =	vmin.f32 v9, v0  }
0x1b1: {  	v56 =	vmin.f32 v49, v50;
	v50 =	vmul.f32 v11, v1;
	v1 =	vld [tilespmem:$0x1FE40]  }
0x1b2: {  	v39 =	vmov v25;
	v25 =	vmov v34;
	v34 =	vld [tilespmem:$0x1FE00]  }
0x1b3: {  	v48 =	vmov v38;
	v38 =	vld [tilespmem:$0x1FF70];
	_ =	sdelay $0x2  }
0x1b4: {  	v5 =	vadd.f32 v60, v57;
	v60 =	vmul.f32 v4, v1;
	v1 =	vld [tilespmem:$0x1FED0]  }
0x1b5: {  	v2 =	vadd.f32 v2, v34  }
0x1b6: {  	v3 =	vadd.f32 v3, v36;
	v5 =	vadd.f32 v5, v38  }
0x1b7: {  	v40 =	vmov v35;
	[tilespmem:$0x1FF10] =	vst v47;
	v35 =	vmov v24;
	v10 =	vmul.f32 v58, v42  }
0x1b8: {  	v24 =	vmovc v42;
	v42 =	vmovc v21;
	v21 =	vmov v44;
	v44 =	vmin.f32 v2, v45;
	v47 =	vmin.f32 v3, v5  }
0x1b9: {  	v49 =	vmin.f32 v44, v47;
	v44 =	vmul.f32 v11, v1;
	v1 =	vld [tilespmem:$0x1FE70];
	_ =	sdelay $0x4  }
0x1ba: {  	v47 =	vmul.f32 v11, v1;
	v1 =	vld [tilespmem:$0x1FE50]  }
0x1bb: {  	v8 =	vld [tilespmem:$0x1FEA0];
	_ =	sdelay $0x3  }
0x1bc: {  	v57 =	vmul.f32 v4, v1;
	v1 =	vld [tilespmem:$0x1FE80]  }
0x1bd: {  	v31 =	vld [tilespmem:$0x1FEB0];
	v8 =	vmul.f32 v58, v8;
	v14 =	vadd.f32 v50, v14  }
0x1be: {  	v13 =	vld.idx.msk [tilespmem:v55+s16+$0x0 ss:$0x1], $0xffff  }
0x1bf: {  	v63 =	vadd.f32 v8, v14;
	v14 =	vld.idx.msk [tilespmem:v55+s19+$0x0 ss:$0x1], $0xffff  }
0x1c0: {  	v18 =	vmin.f32 v18, v9;
	v15 =	vadd.f32 v44, v15;
	v44 =	vld [tilespmem:$0x1FE60]  }
0x1c1: {  	v56 =	vmin.f32 v56, v49;
	v49 =	vmul.f32 v11, v39;
	v50 =	vmul.f32 v11, v1;
	v1 =	vld [tilespmem:$0x1FE90]  }
0x1c2: {  	v30 =	vmin.f32 v30, v45;
	v12 =	vmul.f32 v58, v31;
	v19 =	vmin.f32 v19, v6  }
0x1c3: {  	v17 =	vmin.f32 v17, v7;
	v22 =	vmin.f32 v22, v0;
	v59 =	vadd.f32 v49, v59  }
0x1c4: {  	v13 =	vmin.f32 v13, v56;
	v6 =	vsub.f32 v53, v14;
	v7 =	vsub.f32 v51, v14  }
0x1c5: {  	v49 =	vmul.f32 v4, v44;
	v56 =	vadd.f32 v50, v60;
	v50 =	vmul.f32 v11, v46  }
0x1c6: {  	v10 =	vadd.f32 v10, v15;
	v4 =	vmul.f32 v4, v35;
	v62 =	vmul.f32 v11, v1  }
0x1c7: {  	v60 =	vadd.f32 v50, v49;
	v49 =	vmul.f32 v58, v41;
	v11 =	vmul.f32 v11, v43;
	v1 =	vld [tilespmem:$0x1FF30]  }
0x1c8: {  	v61 =	vadd.f32 v47, v61;
	v50 =	vmul.f32 v58, v26;
	v57 =	vadd.f32 v62, v57  }
0x1c9: {  	v15 =	vmul.f32 v58, v48;
	v4 =	vadd.f32 v11, v4;
	v11 =	vadd.f32 v49, v56;
	v62 =	vld.idx.msk [tilespmem:v55+s18+$0x0 ss:$0x1], $0xffff  }
0x1ca: {  	v6 =	vmul.f32 v6, v6;
	v56 =	vadd.f32 v50, v60;
	v50 =	vsub.f32 v32, v14  }
0x1cb: {  	v7 =	vmul.f32 v7, v7;
	v49 =	vadd.f32 v15, v57;
	v15 =	vsub.f32 v25, v14  }
0x1cc: {  	v12 =	vadd.f32 v12, v61;
	v61 =	vsub.f32 v28, v14;
	v47 =	vmul.f32 v58, v1  }
0x1cd: {  	v60 =	vsub.f32 v16, v14;
	v9 =	vmul.f32 v50, v50;
	v15 =	vmul.f32 v15, v15  }
0x1ce: {  	v8 =	vadd.f32 v47, v59;
	v47 =	vmul.f32 v58, v23;
	v6 =	vadd.f32 v6, v62  }
0x1cf: {  	v58 =	vmul.f32 v60, v60;
	v7 =	vadd.f32 v7, v62;
	v9 =	vadd.f32 v9, v62  }
0x1d0: {  	s1 =	sadd.s32 $0x1, s1;
	v59 =	vmul.f32 v61, v61;
	v57 =	vadd.f32 v47, v4;
	v4 =	vsub.f32 v52, v14  }
0x1d1: {  	p3 =	slt.u32 s1, s30;
	v20 =	vmin.f32 v20, v2;
	v15 =	vadd.f32 v15, v62;
	v14 =	vsub.f32 v40, v14  }
.Ltmp16:
0x1d2: {  	v1 =	vadd.f32 v58, v62;
	v59 =	vadd.f32 v59, v62;
	v4 =	vmul.f32 v4, v4;
	(pc) =	sbr.rel @!p3 .LBB2_22-.Ltmp16, $4  }
0x1d3: {  	[tilespmem:v55+s16+$0x0 ss:$0x1] =	vst.idx.msk $0xffff, v13;
	v61 =	vadd.f32 v6, v63;
	v63 =	vadd.f32 v7, v12  }
0x1d4: {  	s0 =	simm.s32 $0x4130;
	v0 =	vadd.f32 v9, v8;
	v14 =	vmul.f32 v14, v14;
	v4 =	vadd.f32 v4, v62  }
0x1d5: {  	s3 =	simm.s32 $0x30;
	v29 =	vmin.f32 v29, v3;
	v58 =	vld.idx.msk [tilespmem:v55+s0+$0x0 ss:$0x1], $0xffff;
	v2 =	vadd.f32 v15, v11;
	v1 =	vadd.f32 v1, v49  }
0x1d6: {  	p2 =	por $0x1, $0x1;
	s2 =	simm.s32 $0x12310;
	v27 =	vmin.f32 v27, v5;
	v60 =	vadd.f32 v14, v62;
	v62 =	vadd.f32 v4, v10;
	v4 =	vld.idx.msk [tilespmem:v55+s3+$0x0 ss:$0x1], $0xffff  }
.LBB2_23:
0x1d7: {  	v3 =	vld [tilespmem:$0x1FEA0]  }
0x1d8: {  	v12 =	vld [tilespmem:$0x1FF30]  }
0x1d9: {  	v14 =	vld [tilespmem:$0x1FE10]  }
0x1da: {  	v15 =	vld [tilespmem:$0x1FE20];
	v5 =	vadd.f32 v59, v56;
	v6 =	vadd.f32 v60, v57  }
0x1db: {  	v45 =	vld [tilespmem:$0x1FEC0];
	v8 =	vadd.f32 v61, v33;
	v9 =	vadd.f32 v62, v54  }
0x1dc: {  	v49 =	vld [tilespmem:$0x1FE30];
	v11 =	vadd.f32 v63, v42;
	v0 =	vadd.f32 v0, v37  }
0x1dd: {  	s2 =	sadd.s32 $0x10, s2;
	v47 =	vld [tilespmem:$0x1FEE0];
	v2 =	vadd.f32 v2, v34;
	v1 =	vadd.f32 v1, v21  }
0x1de: {  	s17 =	sadd.s32 $0x10, s17;
	v13 =	vld.idx.msk [tilespmem:v55+s2+$0x0 ss:$0x1], $0xffff;
	v5 =	vadd.f32 v5, v36;
	v6 =	vadd.f32 v6, v38  }
0x1df: {  	v57 =	vld.idx.msk [tilespmem:v55+s17+$0x0 ss:$0x1], $0xffff;
	v59 =	vmin.f32 v8, v9;
	v60 =	vmin.f32 v11, v0;
	v61 =	vmin.f32 v2, v1  }
0x1e0: {  	v62 =	vld [tilespmem:$0x1FE50];
	v19 =	vmin.f32 v19, v8;
	v18 =	vmin.f32 v18, v11;
	v7 =	vmul.f32 v58, v24  }
0x1e1: {  	v10 =	vmul.f32 v58, v31;
	v50 =	vmin.f32 v5, v6;
	v63 =	vmul.f32 v4, v49;
	v49 =	vld [tilespmem:$0x1FED0]  }
0x1e2: {  	v59 =	vmin.f32 v59, v60;
	v60 =	vmul.f32 v4, v44;
	v50 =	vmin.f32 v61, v50;
	v61 =	vld [tilespmem:$0x1FE40]  }
0x1e3: {  	v3 =	vmul.f32 v58, v3;
	v12 =	vmul.f32 v58, v12;
	v59 =	vmin.f32 v59, v50;
	v50 =	vld [tilespmem:$0x1FE70]  }
0x1e4: {  	v22 =	vmin.f32 v22, v0;
	v14 =	vmul.f32 v4, v14;
	v15 =	vmul.f32 v4, v15  }
0x1e5: {  	s19 =	sadd.s32 $0x10, s19;
	v56 =	vmul.f32 v4, v45;
	v13 =	vmin.f32 v13, v59;
	v59 =	vmul.f32 v57, v47  }
0x1e6: {  	v20 =	vmin.f32 v20, v2;
	v62 =	vmul.f32 v4, v62;
	v47 =	vmul.f32 v57, v49;
	v49 =	vld.idx.msk [tilespmem:v55+s19+$0x0 ss:$0x1], $0xffff  }
0x1e7: {  	s18 =	sadd.s32 $0x10, s18;
	v8 =	vadd.f32 v59, v14;
	v59 =	vld [tilespmem:$0x1FE80];
	v61 =	vmul.f32 v4, v61;
	v4 =	vmul.f32 v4, v35  }
0x1e8: {  	v45 =	vld.idx.msk [tilespmem:v55+s18+$0x0 ss:$0x1], $0xffff;
	[tilespmem:v55+s2+$0x0 ss:$0x1] =	vst.idx.msk $0xffff, v13;
	v13 =	vmul.f32 v57, v50;
	v50 =	vmul.f32 v57, v39  }
0x1e9: {  	v15 =	vadd.f32 v47, v15;
	v47 =	vmul.f32 v57, v46;
	v3 =	vadd.f32 v3, v8  }
0x1ea: {  	v13 =	vadd.f32 v13, v56;
	v50 =	vadd.f32 v50, v63;
	v63 =	vmul.f32 v57, v43  }
0x1eb: {  	v47 =	vadd.f32 v47, v60;
	v7 =	vadd.f32 v7, v15;
	v15 =	vmul.f32 v58, v23  }
0x1ec: {  	v14 =	vmul.f32 v57, v59;
	v59 =	vld [tilespmem:$0x1FE90];
	v60 =	vsub.f32 v51, v49;
	v0 =	vsub.f32 v32, v49  }
0x1ed: {  	v4 =	vadd.f32 v63, v4;
	v10 =	vadd.f32 v10, v13;
	v63 =	vmul.f32 v58, v26  }
0x1ee: {  	v12 =	vadd.f32 v12, v50;
	v14 =	vadd.f32 v14, v61;
	v61 =	vmul.f32 v58, v41  }
0x1ef: {  	v50 =	vsub.f32 v53, v49;
	v11 =	vmul.f32 v60, v60;
	v56 =	vadd.f32 v63, v47  }
0x1f0: {  	v0 =	vmul.f32 v0, v0;
	v63 =	vsub.f32 v40, v49;
	v14 =	vadd.f32 v61, v14  }
0x1f1: {  	v61 =	vsub.f32 v25, v49;
	v11 =	vadd.f32 v11, v45;
	v59 =	vmul.f32 v57, v59  }
0x1f2: {  	v2 =	vmul.f32 v50, v50;
	v0 =	vadd.f32 v0, v45;
	v57 =	vadd.f32 v15, v4  }
0x1f3: {  	v4 =	vsub.f32 v52, v49;
	v59 =	vadd.f32 v59, v62;
	v62 =	vmul.f32 v58, v48  }
0x1f4: {  	v17 =	vmin.f32 v17, v9;
	v15 =	vsub.f32 v28, v49;
	v2 =	vadd.f32 v2, v45  }
0x1f5: {  	s1 =	sadd.s32 $0x1, s1;
	v47 =	vmul.f32 v63, v63;
	v8 =	vadd.f32 v62, v59;
	v62 =	vsub.f32 v16, v49  }
0x1f6: {  	p3 =	slt.u32 s1, s30;
	v13 =	vmul.f32 v61, v61;
	v63 =	vadd.f32 v11, v10;
	v0 =	vadd.f32 v0, v12  }
.Ltmp17:
0x1f7: {  	v4 =	vmul.f32 v4, v4;
	v60 =	vadd.f32 v47, v45;
	v9 =	vmul.f32 v62, v62;
	(pc) =	sbr.rel @p3 .LBB2_23-.Ltmp17, $4  }
0x1f8: {  	v15 =	vmul.f32 v15, v15;
	v61 =	vadd.f32 v2, v3;
	v13 =	vadd.f32 v13, v45  }
0x1f9: {  	s0 =	sadd.s32 $0x10, s0;
	v30 =	vmin.f32 v30, v1;
	v4 =	vadd.f32 v4, v45;
	v9 =	vadd.f32 v9, v45  }
0x1fa: {  	s3 =	sadd.s32 $0x10, s3;
	v29 =	vmin.f32 v29, v5;
	v58 =	vld.idx.msk [tilespmem:v55+s0+$0x0 ss:$0x1], $0xffff;
	v59 =	vadd.f32 v15, v45;
	v2 =	vadd.f32 v13, v14  }
0x1fb: {  	v27 =	vmin.f32 v27, v6;
	v62 =	vadd.f32 v4, v7;
	v4 =	vld.idx.msk [tilespmem:v55+s3+$0x0 ss:$0x1], $0xffff;
	v1 =	vadd.f32 v9, v8  }
0x1fc: {  	v45 =	vld [tilespmem:$0x1FF20]  }
0x1fd: {  	v47 =	vld [tilespmem:$0x1FF10]  }
0x1fe: {  	v49 =	vld [tilespmem:$0x1FF00]  }
0x1ff: {  	v50 =	vld [tilespmem:$0x1FEF0];
	v44 =	vmov v21;
	v21 =	vmov v42  }
.LBB2_25:
0x200: {  	v6 =	vld [tilespmem:$0x1FF40]  }
0x201: {  	v8 =	vld [tilespmem:$0x1FE00]  }
0x202: {  	v3 =	vadd.f32 v59, v56;
	v4 =	vadd.f32 v60, v57  }
0x203: {  	v5 =	vadd.f32 v61, v33;
	v7 =	vadd.f32 v63, v21  }
0x204: {  	v0 =	vadd.f32 v0, v37;
	s0 =	sadd.s32 @p2 $0x10, s2;
	v1 =	vadd.f32 v1, v44  }
0x205: {  	s16 =	smov.u32 @p2 s0;
	v3 =	vadd.f32 v3, v36;
	v4 =	vadd.f32 v4, v38  }
0x206: {  	v6 =	vadd.f32 v62, v6;
	v2 =	vadd.f32 v2, v8;
	v62 =	vld.idx.msk [tilespmem:v55+s16+$0x0 ss:$0x1], $0xffff  }
0x207: {  	v10 =	vmin.f32 v7, v0;
	v19 =	vmin.f32 v19, v5  }
.Ltmp18:
0x208: {  	v12 =	vmin.f32 v3, v4;
	v9 =	vmin.f32 v5, v6;
	v11 =	vmin.f32 v2, v1;
	(pc) =	sbr.rel .LBB2_26-.Ltmp18, $4  }
0x209: {  	v18 =	vmin.f32 v18, v7;
	v9 =	vmin.f32 v9, v10;
	v63 =	vmin.f32 v11, v12  }
0x20a: {  	v22 =	vmin.f32 v22, v0;
	v30 =	vmin.f32 v30, v1;
	v9 =	vmin.f32 v9, v63  }
0x20b: {  	v29 =	vmin.f32 v29, v3;
	v27 =	vmin.f32 v27, v4;
	v8 =	vmin.f32 v62, v9  }
0x20c: {  	v17 =	vmin.f32 v17, v6;
	v20 =	vmin.f32 v20, v2;
	[tilespmem:v55+s16+$0x0 ss:$0x1] =	vst.idx.msk $0xffff, v8  }
.LBB2_12:
.Ltmp19:
0x20d: {  	(pc) =	sbr.rel .LBB2_26-.Ltmp19, $2  }
0x20e: {  	_ =	sdelay $0x2  }
0x20f: {  	s4 =	rddreg [dreg:$0xe]  }
.LBB2_18:
0x210: {  	s4 =	rddreg [dreg:$0xe]  }
.LBB2_26:
0x211: {  	_ =	sdelay $0x3  }
0x212: {  	(v2sf) =	vpush v50, $0x8;
	_ =	sdelay $0x1  }
0x213: {  	(v2sf) =	vpush v49, $0x8  }
0x214: {  	(v2sf) =	vpush v47, $0x8;
	_ =	sdelay $0x1  }
0x215: {  	(v2sf) =	vpush v50, $0x9;
	_ =	sdelay $0x1  }
0x216: {  	(v2sf) =	vpush v49, $0x9;
	_ =	sdelay $0x2  }
0x217: {  	(v2sf) =	vpush v47, $0x9;
	_ =	sdelay $0x1  }
0x218: {  	(v2sf) =	vpush v50, $0xA;
	_ =	sdelay $0x1  }
0x219: {  	s3 =	sshll.u32 s4, $0x8;
	(v2sf) =	vpush v49, $0xA  }
0x21a: {  	s7 =	sand.u32 $0x3FFFFF00, s3;
	s0 =	spop (v2sf)  }
0x21b: {  	[dreg:$0x12] =	wrdreg s7;
	(v2sf) =	vpush v47, $0xA;
	s10 =	smul.f32 $-2.000000000e+00, s0  }
0x21c: {  	[tilespmem:s7+$0x14380] =	vst v19;
	s1 =	spop (v2sf);
	s0 =	smul.f32 s0, s0  }
0x21d: {  	[tilespmem:s7+$0x14390] =	vst v17;
	s2 =	spop (v2sf);
	s11 =	smul.f32 $-2.000000000e+00, s1  }
0x21e: {  	[tilespmem:s7+$0x143A0] =	vst v18;
	(v2sf) =	vpush v50, $0xB;
	s1 =	smul.f32 s1, s1;
	[smem:$0x7F1] =	sst s10  }
0x21f: {  	[tilespmem:s7+$0x143B0] =	vst v22;
	s17 =	smul.f32 $-2.000000000e+00, s2;
	s14 =	spop (v2sf)  }
0x220: {  	[tilespmem:s7+$0x143C0] =	vst v20;
	(v2sf) =	vpush v49, $0xB;
	s2 =	smul.f32 s2, s2;
	[dreg:$0x1e] =	wrdreg s11  }
0x221: {  	[tilespmem:s7+$0x143D0] =	vst v30;
	s16 =	spop (v2sf);
	s18 =	smul.f32 $-2.000000000e+00, s14  }
0x222: {  	[tilespmem:s7+$0x143E0] =	vst v29;
	(v2sf) =	vpush v47, $0xB;
	s3 =	smul.f32 s14, s14;
	s0 =	sadd.f32 s1, s0  }
0x223: {  	[tilespmem:s7+$0x143F0] =	vst v27;
	[smem:$0x7F2] =	sst s17;
	s19 =	smul.f32 $-2.000000000e+00, s16  }
0x224: {  	v8 =	vld [tilespmem:s15+$0x2080];
	(v2sf) =	vpush v50, $0xC;
	s5 =	spop (v2sf);
	s4 =	smul.f32 s16, s16  }
0x225: {  	[dreg:$0x1f] =	wrdreg s18;
	s21 =	smul.f32 $-2.000000000e+00, s5  }
0x226: {  	(v2sf) =	vpush v49, $0xC;
	s6 =	spop (v2sf);
	s22 =	smul.f32 s5, s5  }
0x227: {  	[dreg:$0x1d] =	wrdreg s19;
	s31 =	smul.f32 $-2.000000000e+00, s6  }
0x228: {  	v0 =	vld [tilespmem:s15+$0x6180];
	(v2sf) =	vpush v47, $0xC;
	s20 =	spop (v2sf);
	s6 =	smul.f32 s6, s6  }
0x229: {  	v7 =	vld [tilespmem:s15+$0x0];
	v3 =	vmul.f32 s11, v8;
	s11 =	sadd.f32 s4, s3;
	s5 =	smul.f32 $-2.000000000e+00, s20  }
0x22a: {  	(v2sf) =	vpush v50, $0xD;
	s8 =	spop (v2sf);
	s13 =	smul.f32 s20, s20  }
0x22b: {  	s9 =	smov.u32 s15;
	v48 =	vbroadcast v45, $0x8;
	v6 =	vld [tilespmem:s15+$0x4100];
	[smem:$0x7F3] =	sst s21;
	s24 =	smul.f32 $-2.000000000e+00, s8  }
0x22c: {  	v4 =	vld [tilespmem:s9+$0x10280];
	(v2sf) =	vpush v49, $0xD;
	[smem:$0x7F4] =	sst s31;
	s14 =	smul.f32 s8, s8  }
0x22d: {  	v1 =	vsub.f32 v48, v0;
	s8 =	sadd.f32 s2, s0;
	s12 =	spop (v2sf)  }
0x22e: {  	v2 =	vmul.f32 s10, v7;
	v10 =	vmul.f32 s19, v8;
	(v2sf) =	vpush v47, $0xD;
	s19 =	sadd.f32 s22, s11;
	s20 =	smul.f32 $-2.000000000e+00, s12  }
0x22f: {  	v1 =	vmul.f32 v1, v1;
	s23 =	spop (v2sf);
	s10 =	smul.f32 s12, s12  }
0x230: {  	v2 =	vadd.f32 v3, v2;
	v3 =	vmul.f32 s17, v6;
	(v2sf) =	vpush v50, $0xE;
	[smem:$0x7F5] =	sst s5;
	s16 =	smul.f32 $-2.000000000e+00, s23  }
0x231: {  	v1 =	vadd.f32 v1, v4;
	v9 =	vmul.f32 s18, v7;
	s15 =	spop (v2sf);
	s23 =	smul.f32 s23, s23  }
0x232: {  	v15 =	vbroadcast v45, $0xC;
	v2 =	vadd.f32 v3, v2;
	(v2sf) =	vpush v49, $0xE;
	s13 =	sadd.f32 s13, s6;
	s29 =	smul.f32 $-2.000000000e+00, s15  }
0x233: {  	v9 =	vadd.f32 v10, v9;
	v10 =	vmul.f32 s21, v6;
	(v2sf) =	vpush v47, $0xE;
	s2 =	spop (v2sf);
	s3 =	smul.f32 s15, s15  }
0x234: {  	v11 =	vmul.f32 s5, v8;
	v1 =	vadd.f32 v1, v2;
	[smem:$0x7F6] =	sst s24;
	(v2sf) =	vpush v50, $0xF;
	s21 =	smul.f32 $-2.000000000e+00, s2  }
0x235: {  	v3 =	vadd.f32 v10, v9;
	(v2sf) =	vpush v49, $0xF;
	v49 =	vbroadcast v45, $0x9;
	s12 =	spop (v2sf);
	s11 =	smul.f32 s2, s2  }
0x236: {  	s17 =	sadd.f32 s14, s13;
	v25 =	vadd.f32 s8, v1;
	v1 =	vsub.f32 v15, v0;
	v50 =	vbroadcast v45, $0xA;
	s22 =	smul.f32 $-2.000000000e+00, s12  }
0x237: {  	v10 =	vmul.f32 s31, v7;
	(v2sf) =	vpush v47, $0xF;
	v5 =	vsub.f32 v49, v0;
	s2 =	smul.f32 s12, s12;
	s15 =	spop (v2sf)  }
0x238: {  	v47 =	vbroadcast v45, $0xB;
	v9 =	vsub.f32 v50, v0;
	v13 =	vmul.f32 s20, v7;
	[smem:$0x7F7] =	sst s16;
	s18 =	smul.f32 $-2.000000000e+00, s15  }
0x239: {  	v10 =	vadd.f32 v11, v10;
	v14 =	vmul.f32 s16, v8;
	v5 =	vmul.f32 v5, v5;
	s7 =	smul.f32 s15, s15;
	s16 =	spop (v2sf)  }
0x23a: {  	v11 =	vmul.f32 s24, v6;
	[smem:$0x7F8] =	sst s29;
	v12 =	vsub.f32 v47, v0;
	v9 =	vmul.f32 v9, v9;
	s14 =	smul.f32 $-2.000000000e+00, s16  }
0x23b: {  	v13 =	vadd.f32 v14, v13;
	v14 =	vmul.f32 s29, v6;
	s15 =	smul.f32 s16, s16;
	s29 =	spop (v2sf);
	v5 =	vadd.f32 v5, v4  }
0x23c: {  	[smem:$0x7F9] =	sst s8;
	v10 =	vadd.f32 v11, v10;
	v12 =	vmul.f32 v12, v12;
	v9 =	vadd.f32 v9, v4;
	s13 =	smul.f32 $-2.000000000e+00, s29  }
0x23d: {  	v11 =	vadd.f32 v14, v13;
	s6 =	smul.f32 s29, s29;
	s31 =	spop (v2sf);
	v2 =	vadd.f32 v5, v3  }
0x23e: {  	v1 =	vmul.f32 v1, v1;
	s24 =	sadd.f32 s23, s10;
	v12 =	vadd.f32 v12, v4;
	s12 =	smul.f32 $-2.000000000e+00, s31;
	v3 =	vadd.f32 v9, v10  }
0x23f: {  	s16 =	smul.f32 s31, s31;
	s0 =	spop (v2sf);
	v9 =	vmul.f32 s14, v7;
	v10 =	vmul.f32 s13, v8;
	v26 =	vadd.f32 s19, v2  }
0x240: {  	s24 =	sadd.f32 s3, s24;
	s31 =	smul.f32 $-2.000000000e+00, s0;
	v27 =	vadd.f32 s17, v3;
	v2 =	vmul.f32 s21, v7;
	v3 =	vmul.f32 s22, v8  }
0x241: {  	v13 =	vbroadcast v45, $0xD;
	s5 =	smul.f32 s0, s0;
	s1 =	spop (v2sf);
	v5 =	vadd.f32 v12, v11;
	v11 =	vbroadcast v45, $0xE  }
0x242: {  	s3 =	spop (v2sf);
	s8 =	smul.f32 $-2.000000000e+00, s1;
	v9 =	vadd.f32 v10, v9;
	v2 =	vadd.f32 v3, v2;
	v3 =	vmul.f32 s18, v6  }
0x243: {  	s23 =	smul.f32 s1, s1;
	v10 =	vmul.f32 s12, v6;
	v28 =	vadd.f32 s24, v5;
	v5 =	vsub.f32 v13, v0;
	s0 =	spop (v2sf)  }
0x244: {  	v17 =	vbroadcast v45, $0xF;
	v1 =	vadd.f32 v1, v4;
	v2 =	vadd.f32 v3, v2;
	s4 =	spop (v2sf);
	s29 =	smul.f32 $-2.000000000e+00, s0  }
0x245: {  	s2 =	sadd.f32 s2, s11;
	v5 =	vmul.f32 v5, v5;
	v3 =	vadd.f32 v10, v9;
	v9 =	vsub.f32 v11, v0;
	s10 =	smul.f32 $-2.000000000e+00, s4  }
0x246: {  	s11 =	smul.f32 $-2.000000000e+00, s3;
	v45 =	vmovc v11;
	v10 =	vmul.f32 s31, v7;
	v11 =	vmul.f32 s8, v8;
	v0 =	vsub.f32 v17, v0;
	s1 =	spop (v2sf)  }
0x247: {  	s6 =	sadd.f32 s6, s15;
	v5 =	vadd.f32 v5, v4;
	v7 =	vmul.f32 s29, v7;
	s15 =	smul.f32 $-2.000000000e+00, s1;
	v8 =	vmul.f32 s10, v8  }
0x248: {  	s7 =	sadd.f32 s7, s2;
	s0 =	smul.f32 s0, s0;
	v10 =	vadd.f32 v11, v10;
	v9 =	vmul.f32 v9, v9;
	v0 =	vmul.f32 v0, v0  }
0x249: {  	s16 =	sadd.f32 s16, s6;
	v11 =	vmul.f32 s11, v6;
	s4 =	smul.f32 s4, s4;
	v6 =	vmul.f32 s15, v6;
	v7 =	vadd.f32 v8, v7  }
0x24a: {  	s3 =	smul.f32 s3, s3;
	s6 =	sadd.f32 s23, s5;
	v9 =	vadd.f32 v9, v4;
	v0 =	vadd.f32 v0, v4  }
0x24b: {  	s1 =	smul.f32 s1, s1;
	s2 =	sadd.f32 s4, s0;
	v8 =	vadd.f32 v11, v10;
	v6 =	vadd.f32 v6, v7  }
0x24c: {  	v1 =	vadd.f32 v1, v2;
	v2 =	vadd.f32 v5, v3;
	s0 =	sadd.f32 s3, s6  }
0x24d: {  	s1 =	sadd.f32 s1, s2;
	v3 =	vadd.f32 v9, v8;
	v0 =	vadd.f32 v0, v6  }
0x24e: {  	v32 =	vadd.f32 s7, v1;
	v33 =	vadd.f32 s16, v2  }
0x24f: {  	v29 =	vadd.f32 s0, v3;
	v30 =	vadd.f32 s1, v0;
	v0 =	vld [tilespmem:s9+$0x12300]  }
0x250: {  	v1 =	vmin.f32 v25, v26  }
0x251: {  	v2 =	vmin.f32 v27, v28;
	v3 =	vmin.f32 v32, v33;
	v4 =	vmin.f32 v29, v30  }
0x252: {  	v1 =	vmin.f32 v1, v2;
	v2 =	vmin.f32 v3, v4  }
0x253: {  	v1 =	vmin.f32 v1, v2  }
0x254: {  	v0 =	vmin.f32 v0, v1  }
0x255: {  	s2 =	rddreg [dreg:$0x11];
	[tilespmem:s9+$0x12300] =	vst v0  }
0x256: {  	v61 =	vmov s20;
	v0 =	vld [tilespmem:s2+$0x0]  }
0x257: {  	v16 =	vmov s21;
	v23 =	vmov s24;
	v24 =	vmov s18;
	s23 =	sld [smem:$0x7F1];
	v1 =	vld [tilespmem:s2+$0x2080]  }
0x258: {  	v46 =	vmov s14;
	v14 =	vmov s13;
	s5 =	sld [smem:$0x7F2];
	v25 =	vmin.f32 v25, $3.399999950e+38;
	v2 =	vld [tilespmem:s2+$0x4100]  }
0x259: {  	s4 =	rddreg [dreg:$0x1e];
	v26 =	vmin.f32 v26, $3.399999950e+38;
	v27 =	vmin.f32 v27, $3.399999950e+38;
	v28 =	vmin.f32 v28, $3.399999950e+38;
	v36 =	vld [tilespmem:s2+$0x6180]  }
0x25a: {  	s6 =	rddreg [dreg:$0x1f];
	v7 =	vmov s23;
	v32 =	vmin.f32 v32, $3.399999950e+38;
	v3 =	vmov s4  }
0x25b: {  	v33 =	vmin.f32 v33, $3.399999950e+38;
	v30 =	vmin.f32 v30, $3.399999950e+38;
	v4 =	vmov s6;
	[tilespmem:$0x1FD80] =	vst v3  }
0x25c: {  	v3 =	vmov s5;
	[tilespmem:$0x1FDA0] =	vst v4;
	s9 =	rddreg [dreg:$0x1d];
	v11 =	vmul.f32 s23, v0;
	v12 =	vmul.f32 s4, v1  }
0x25d: {  	[tilespmem:$0x1FD90] =	vst v3;
	v5 =	vmov s9;
	v3 =	vmul.f32 s5, v2;
	v4 =	vmul.f32 s6, v0  }
0x25e: {  	[tilespmem:$0x1FDB0] =	vst v5;
	v5 =	vmul.f32 s9, v1;
	v18 =	vsub.f32 v48, v36;
	v31 =	vmul.f32 s21, v0  }
0x25f: {  	v20 =	vsub.f32 v49, v36;
	v34 =	vmul.f32 s22, v1;
	v35 =	vmul.f32 s18, v2  }
0x260: {  	v21 =	vsub.f32 v50, v36;
	v39 =	vmul.f32 s14, v0;
	v40 =	vmul.f32 s13, v1  }
0x261: {  	v38 =	vsub.f32 v15, v36;
	v42 =	vmul.f32 s12, v2;
	v55 =	vmul.f32 s31, v0  }
0x262: {  	v56 =	vmul.f32 s8, v1;
	v57 =	vsub.f32 v13, v36;
	v58 =	vmul.f32 s11, v2  }
0x263: {  	s23 =	sld [smem:$0x7F3];
	v63 =	vsub.f32 v45, v36;
	v12 =	vadd.f32 v12, v11;
	v18 =	vmul.f32 v18, v18  }
0x264: {  	v37 =	vld [tilespmem:s2+$0x10280];
	s4 =	sld [smem:$0x7F4];
	v4 =	vadd.f32 v5, v4;
	v20 =	vmul.f32 v20, v20;
	v41 =	vadd.f32 v34, v31  }
0x265: {  	s5 =	sld [smem:$0x7F5];
	v38 =	vmul.f32 v38, v38;
	v34 =	vmov s31;
	v11 =	vmov s8  }
0x266: {  	s6 =	sld [smem:$0x7F6];
	v39 =	vadd.f32 v40, v39;
	v62 =	vmul.f32 v57, v57;
	v55 =	vadd.f32 v56, v55  }
0x267: {  	v40 =	vmov s29;
	v6 =	vmov s23;
	v10 =	vmov s4  }
0x268: {  	v8 =	vmul.f32 s4, v0;
	v43 =	vmov s5;
	v19 =	vmul.f32 s5, v1  }
0x269: {  	s9 =	sld [smem:$0x7F7];
	v9 =	vmov s6;
	v3 =	vadd.f32 v3, v12;
	v18 =	vadd.f32 v18, v37  }
0x26a: {  	v5 =	vmul.f32 s6, v2;
	v20 =	vadd.f32 v20, v37;
	v41 =	vadd.f32 v35, v41  }
0x26b: {  	[tilespmem:$0x1FDC0] =	vst v6;
	v6 =	vmul.f32 s23, v2;
	v38 =	vadd.f32 v38, v37;
	v39 =	vadd.f32 v42, v39  }
0x26c: {  	v44 =	vmov s9;
	v42 =	vadd.f32 v62, v37;
	v55 =	vadd.f32 v58, v55  }
0x26d: {  	v62 =	vmov s7;
	v4 =	vadd.f32 v6, v4;
	v6 =	vmul.f32 s20, v0  }
0x26e: {  	v22 =	vadd.f32 v18, v3;
	v3 =	vsub.f32 v47, v36;
	v18 =	vmul.f32 s9, v1  }
0x26f: {  	v38 =	vadd.f32 v38, v41;
	v36 =	vsub.f32 v17, v36;
	v0 =	vmul.f32 s29, v0  }
0x270: {  	s23 =	sld [smem:$0x7F9];
	v1 =	vmul.f32 s10, v1;
	v41 =	vmul.f32 v63, v63;
	v59 =	vadd.f32 v42, v39  }
0x271: {  	v63 =	vmov s15;
	v42 =	vmov s0;
	v20 =	vadd.f32 v20, v4  }
0x272: {  	s20 =	sld [smem:$0x7F8];
	v4 =	vadd.f32 v19, v8;
	v8 =	vmul.f32 v21, v21;
	v19 =	vadd.f32 v18, v6  }
0x273: {  	v3 =	vmul.f32 v3, v3;
	v51 =	vadd.f32 s23, v22;
	v22 =	vmov s17  }
0x274: {  	v0 =	vadd.f32 v1, v0;
	v1 =	vmul.f32 s15, v2;
	v35 =	vadd.f32 v41, v37  }
0x275: {  	v41 =	vmov s10;
	v21 =	vmul.f32 s20, v2;
	v4 =	vadd.f32 v5, v4  }
0x276: {  	v18 =	vmov s20;
	v5 =	vadd.f32 v8, v37;
	v52 =	vadd.f32 s19, v20  }
0x277: {  	v2 =	vmul.f32 v36, v36;
	v0 =	vadd.f32 v1, v0;
	v35 =	vadd.f32 v35, v55  }
0x278: {  	v36 =	vmov s1;
	v6 =	vadd.f32 v21, v19;
	v19 =	vadd.f32 v3, v37  }
0x279: {  	v20 =	vmov s16;
	v1 =	vadd.f32 v2, v37;
	v2 =	vadd.f32 s7, v38  }
0x27a: {  	v25 =	vmin.f32 v25, v51;
	v21 =	vadd.f32 v5, v4;
	v55 =	vadd.f32 s0, v35  }
0x27b: {  	v3 =	vmov s23;
	v19 =	vadd.f32 v19, v6;
	v0 =	vadd.f32 v1, v0  }
0x27c: {  	v38 =	vmin.f32 v29, $3.399999950e+38;
	v1 =	vadd.f32 s16, v59;
	v53 =	vadd.f32 s17, v21  }
0x27d: {  	v37 =	vld [tilespmem:s2+$0x12300];
	[tilespmem:$0x1FDD0] =	vst v3;
	v3 =	vmov s19;
	v54 =	vadd.f32 s24, v19;
	v0 =	vadd.f32 s1, v0  }
0x27e: {  	v4 =	vmov s12;
	v29 =	vmin.f32 v51, v52;
	v26 =	vmin.f32 v26, v52  }
.Ltmp20:
0x27f: {  	v59 =	vmin.f32 v2, v1;
	v39 =	vmin.f32 v53, v54;
	v60 =	vmin.f32 v55, v0;
	(pc) =	sbr.rel @p0 .LBB2_33-.Ltmp20, $4  }
0x280: {  	v6 =	vmov s22;
	v29 =	vmin.f32 v29, v39;
	v60 =	vmin.f32 v59, v60  }
0x281: {  	[tilespmem:$0x1FDE0] =	vst v4;
	v4 =	vmov s11;
	v33 =	vmin.f32 v33, v1;
	v51 =	vmin.f32 v29, v60  }
0x282: {  	[tilespmem:$0x1FDF0] =	vst v4;
	v27 =	vmin.f32 v27, v53;
	v29 =	vmin.f32 v32, v2;
	v2 =	vmin.f32 v37, v51  }
0x283: {  	v28 =	vmin.f32 v28, v54;
	v30 =	vmin.f32 v30, v0;
	v32 =	vmin.f32 v38, v55;
	[tilespmem:s2+$0x12300] =	vst v2  }
.Ltmp21:
0x284: {  	(pc) =	sbr.rel @p1 .LBB2_28-.Ltmp21, $1  }
0x285: {  	_ =	sdelay $0x3  }
0x286: {  	s4 =	rddreg [dreg:$0x10]  }
0x287: {  	s0 =	sshll.u32 s4, $0x4  }
0x288: {  	v1 =	vld [tilespmem:s0+$0x10280]  }
0x289: {  	v8 =	vld [tilespmem:$0x1FD90]  }
0x28a: {  	v4 =	vld [tilespmem:$0x1FDD0]  }
0x28b: {  	v0 =	vld [tilespmem:s0+$0x4100]  }
0x28c: {  	v2 =	vld [tilespmem:s0+$0x0]  }
0x28d: {  	v5 =	vadd.f32 v1, v62  }
0x28e: {  	[tilespmem:$0x1FD30] =	vst v9;
	v45 =	vld [tilespmem:s0+$0x2080]  }
0x28f: {  	[tilespmem:$0x1FD70] =	vst v5;
	v5 =	vld [tilespmem:$0x1FD80]  }
0x290: {  	[tilespmem:$0x1FD40] =	vst v10;
	v53 =	vmul.f32 v0, v8;
	v47 =	vmul.f32 v0, v9  }
0x291: {  	[tilespmem:$0x1FD50] =	vst v61;
	v38 =	vadd.f32 v1, v4;
	v48 =	vmul.f32 v0, v18;
	v49 =	vmul.f32 v2, v7  }
0x292: {  	v35 =	vmovc v46;
	v9 =	vld [tilespmem:$0x1FDA0];
	v39 =	vadd.f32 v1, v3;
	v52 =	vmul.f32 v2, v10;
	v54 =	vmul.f32 v2, v61  }
0x293: {  	v37 =	vmovc v62;
	v4 =	vadd.f32 v1, v22;
	v56 =	vmul.f32 v2, v16;
	v57 =	vmul.f32 v2, v46;
	v10 =	vld [tilespmem:$0x1FDB0]  }
0x294: {  	v19 =	vmovc v43;
	v58 =	vadd.f32 v1, v23;
	v59 =	vmul.f32 v2, v34;
	v60 =	vmul.f32 v45, v5  }
0x295: {  	v21 =	vmovc v63;
	v46 =	vmul.f32 v2, v40;
	v62 =	vadd.f32 v1, v20;
	v63 =	vmul.f32 v45, v43  }
0x296: {  	v31 =	vmovc v11;
	v55 =	vadd.f32 v1, v42;
	v49 =	vadd.f32 v60, v49;
	v60 =	vmul.f32 v45, v11;
	v11 =	vld [tilespmem:$0x1FDF0]  }
0x297: {  	v12 =	vld [tilespmem:$0x1FDC0];
	v17 =	vmovc v44;
	v43 =	vmul.f32 v45, v6;
	v52 =	vadd.f32 v63, v52;
	v50 =	vmul.f32 v2, v9  }
0x298: {  	v1 =	vadd.f32 v1, v36;
	[tilespmem:$0x1FD60] =	vst v4;
	v61 =	vmul.f32 v45, v10;
	v2 =	vmul.f32 v45, v44  }
0x299: {  	v15 =	vld [tilespmem:$0x1FDE0];
	v43 =	vadd.f32 v43, v56;
	v4 =	vmovc v16;
	v47 =	vadd.f32 v47, v52;
	v44 =	vmul.f32 v45, v14  }
0x29a: {  	v16 =	vmovc v34;
	v50 =	vadd.f32 v61, v50;
	v2 =	vadd.f32 v2, v54;
	v54 =	vmul.f32 v0, v24  }
0x29b: {  	v34 =	vmovc v20;
	v20 =	vld [tilespmem:$0x1FD60];
	v44 =	vadd.f32 v44, v57;
	v61 =	vadd.f32 v60, v59;
	v59 =	vmul.f32 v0, v11  }
0x29c: {  	v51 =	vmul.f32 v0, v12;
	v2 =	vadd.f32 v48, v2;
	v63 =	vadd.f32 v53, v49  }
0x29d: {  	v45 =	vmul.f32 v45, v41;
	v43 =	vadd.f32 v54, v43;
	v60 =	vadd.f32 v59, v61  }
0x29e: {  	s31 =	rddreg [dreg:$0xf];
	v56 =	vmul.f32 v0, v15;
	v61 =	vadd.f32 v38, v63;
	v63 =	vadd.f32 v58, v2;
	v2 =	vld [tilespmem:$0x1FD70]  }
0x29f: {  	s4 =	sadd.s32 $0x1, s4;
	s0 =	sshll.u32 s31, $0x6;
	v45 =	vadd.f32 v45, v46;
	v53 =	vadd.f32 v51, v50;
	v0 =	vmul.f32 v0, v21  }
0x2a0: {  	p0 =	slt.u32 s4, s30;
	s2 =	sshra.s32 s0, $0x2;
	v44 =	vadd.f32 v56, v44;
	v52 =	vadd.f32 v20, v47  }
.Ltmp22:
0x2a1: {  	s1 =	sadd.s32 $0x102A0, s2;
	v51 =	vadd.f32 v39, v53;
	v0 =	vadd.f32 v0, v45;
	(pc) =	sbr.rel @!p0 .LBB2_32-.Ltmp22, $4  }
0x2a2: {  	s0 =	sadd.s32 $0x12310, s2;
	v47 =	vld [tilespmem:s1+$0x0];
	v44 =	vadd.f32 v62, v44;
	v27 =	vmin.f32 v27, v52;
	v46 =	vadd.f32 v55, v60  }
0x2a3: {  	s3 =	sadd.s32 $0x4120, s2;
	v48 =	vld [tilespmem:s0+$0x0];
	v26 =	vmin.f32 v26, v51;
	v45 =	vadd.f32 v2, v43;
	v43 =	vadd.f32 v1, v0  }
0x2a4: {  	s5 =	sadd.s32 $0x20, s2;
	v49 =	vld [tilespmem:s3+$0x0];
	v25 =	vmin.f32 v25, v61;
	v28 =	vmin.f32 v28, v63;
	v2 =	vmin.f32 v61, v51  }
0x2a5: {  	s2 =	sadd.s32 $0x20A0, s2;
	v1 =	vld [tilespmem:s5+$0x0];
	v51 =	vmin.f32 v52, v63;
	v50 =	vmin.f32 v45, v44;
	v0 =	vmin.f32 v46, v43  }
0x2a6: {  	v20 =	vld [tilespmem:$0x1FD40]  }
0x2a7: {  	v52 =	vld [tilespmem:s2+$0x0];
	v2 =	vmin.f32 v2, v51  }
0x2a8: {  	v0 =	vmin.f32 v50, v0;
	v29 =	vmin.f32 v29, v45;
	v33 =	vmin.f32 v33, v44  }
0x2a9: {  	v32 =	vmin.f32 v32, v46;
	v30 =	vmin.f32 v30, v43;
	v53 =	vmul.f32 v49, v8  }
0x2aa: {  	v0 =	vmin.f32 v2, v0;
	v54 =	vmul.f32 v1, v7;
	v55 =	vmul.f32 v1, v9  }
0x2ab: {  	v2 =	vadd.f32 v47, v3;
	v51 =	vmul.f32 v1, v4;
	v56 =	vmul.f32 v1, v20  }
0x2ac: {  	v0 =	vmin.f32 v48, v0;
	v20 =	vld [tilespmem:$0x1FD50];
	v58 =	vmul.f32 v52, v5;
	v59 =	vmul.f32 v52, v10  }
0x2ad: {  	[tilespmem:s0+$0x0] =	vst v0;
	v0 =	vadd.f32 v47, v42;
	v60 =	vmul.f32 v52, v19;
	v38 =	vmul.f32 v52, v6  }
0x2ae: {  	v39 =	vmul.f32 v52, v14;
	v54 =	vadd.f32 v58, v54;
	v58 =	vmul.f32 v1, v35  }
0x2af: {  	v13 =	vld [tilespmem:$0x1FDD0];
	v61 =	vmul.f32 v52, v17;
	v55 =	vadd.f32 v59, v55;
	v51 =	vadd.f32 v38, v51  }
0x2b0: {  	v38 =	vmul.f32 v52, v31;
	v58 =	vadd.f32 v39, v58;
	v39 =	vmul.f32 v49, v12  }
0x2b1: {  	v56 =	vadd.f32 v60, v56;
	v52 =	vmul.f32 v52, v41;
	v57 =	vmul.f32 v1, v20  }
0x2b2: {  	v60 =	vadd.f32 v47, v37;
	v55 =	vadd.f32 v39, v55;
	v39 =	vmul.f32 v49, v15  }
0x2b3: {  	v53 =	vadd.f32 v53, v54;
	v57 =	vadd.f32 v61, v57;
	v61 =	vmul.f32 v1, v16  }
0x2b4: {  	v20 =	vld [tilespmem:$0x1FD30];
	v1 =	vmul.f32 v1, v40;
	v54 =	vadd.f32 v39, v58;
	v39 =	vadd.f32 v47, v13  }
0x2b5: {  	v62 =	vmul.f32 v49, v11;
	v2 =	vadd.f32 v2, v55;
	v59 =	vadd.f32 v38, v61  }
0x2b6: {  	v1 =	vadd.f32 v52, v1;
	v52 =	vmul.f32 v49, v18;
	v38 =	vmul.f32 v49, v24  }
0x2b7: {  	v63 =	vmul.f32 v49, v21;
	v58 =	vadd.f32 v47, v23;
	v53 =	vadd.f32 v39, v53  }
0x2b8: {  	v13 =	vmovc v17;
	v17 =	vmov v11;
	v52 =	vadd.f32 v52, v57;
	v51 =	vadd.f32 v38, v51  }
0x2b9: {  	v11 =	vmovc v36;
	v61 =	vmul.f32 v49, v20;
	v38 =	vadd.f32 v62, v59;
	v1 =	vadd.f32 v63, v1  }
0x2ba: {  	v26 =	vmin.f32 v26, v2;
	v20 =	vmovc v40;
	v57 =	vadd.f32 v47, v22;
	v62 =	vadd.f32 v47, v36  }
0x2bb: {  	s4 =	sadd.s32 $0x1, s4;
	v63 =	vmovc v37;
	v37 =	vmovc v15;
	v36 =	vmov v14;
	v14 =	vmov v35;
	v35 =	vmov v24  }
0x2bc: {  	p0 =	slt.u32 s4, s30;
	v15 =	vmovc v6;
	v56 =	vadd.f32 v61, v56;
	v61 =	vadd.f32 v47, v34;
	v25 =	vmin.f32 v25, v53  }
.Ltmp23:
0x2bd: {  	s0 =	sadd.s32 $0x10, s0;
	v6 =	vmovc v34;
	v2 =	vmin.f32 v53, v2;
	v52 =	vadd.f32 v58, v52;
	v45 =	vadd.f32 v60, v51;
	(pc) =	sbr.rel @!p0 .LBB2_32-.Ltmp23, $4  }
0x2be: {  	s1 =	sadd.s32 $0x10, s1;
	v48 =	vld [tilespmem:s0+$0x0];
	v24 =	vmovc v13;
	v39 =	vmovc v31;
	v34 =	vmov v4;
	v46 =	vadd.f32 v0, v38;
	v43 =	vadd.f32 v62, v1  }
0x2bf: {  	s3 =	sadd.s32 $0x10, s3;
	v49 =	vld [tilespmem:s1+$0x0];
	v31 =	vmovc v18;
	v18 =	vmovc v42;
	v42 =	vmov v11;
	v59 =	vadd.f32 v57, v56;
	v44 =	vadd.f32 v61, v54  }
0x2c0: {  	s5 =	sadd.s32 $0x10, s5;
	v47 =	vld [tilespmem:s3+$0x0];
	v13 =	vmovc v6;
	v40 =	vmovc v63;
	v28 =	vmin.f32 v28, v52;
	v0 =	vmin.f32 v46, v43;
	v38 =	vmov v16  }
0x2c1: {  	v1 =	vld [tilespmem:s5+$0x0];
	v16 =	vmovc v23;
	v27 =	vmin.f32 v27, v59;
	v51 =	vmin.f32 v59, v52;
	v50 =	vmin.f32 v45, v44  }
.LBB2_31:
0x2c2: {  	_ =	sdelay $0x1  }
0x2c3: {  	v4 =	vld [tilespmem:$0x1FDD0];
	v2 =	vmin.f32 v2, v51;
	v0 =	vmin.f32 v50, v0  }
0x2c4: {  	s2 =	sadd.s32 $0x10, s2;
	v0 =	vmin.f32 v2, v0;
	v2 =	vld [tilespmem:$0x1FD30];
	v50 =	vmul.f32 v47, v8  }
0x2c5: {  	v29 =	vmin.f32 v29, v45;
	v54 =	vld [tilespmem:s2+$0x0];
	v51 =	vmul.f32 v47, v12;
	v53 =	vmul.f32 v47, v31  }
0x2c6: {  	v0 =	vmin.f32 v48, v0;
	v48 =	vmul.f32 v1, v7;
	v56 =	vadd.f32 v49, v3  }
0x2c7: {  	v55 =	vmul.f32 v1, v9;
	v57 =	vadd.f32 v49, v22;
	v59 =	vadd.f32 v49, v16  }
0x2c8: {  	v60 =	vmul.f32 v1, v34;
	v61 =	vmul.f32 v1, v14;
	v62 =	vadd.f32 v49, v40;
	[tilespmem:s0+$0x0] =	vst v0;
	v0 =	vld [tilespmem:$0x1FD40]  }
0x2c9: {  	v23 =	vmovc v22;
	v63 =	vmul.f32 v1, v38;
	v8 =	vadd.f32 v49, v18;
	v52 =	vadd.f32 v49, v4;
	v4 =	vld [tilespmem:$0x1FD50]  }
0x2ca: {  	v22 =	vmovc v3;
	v11 =	vadd.f32 v49, v42;
	v2 =	vmul.f32 v47, v2;
	v3 =	vmul.f32 v54, v5  }
0x2cb: {  	v5 =	vadd.f32 v49, v13;
	v6 =	vmul.f32 v54, v19;
	v9 =	vmul.f32 v54, v15  }
0x2cc: {  	v12 =	vmovc v7;
	v7 =	vmul.f32 v54, v24;
	v3 =	vadd.f32 v3, v48;
	v48 =	vmul.f32 v54, v39  }
0x2cd: {  	v9 =	vadd.f32 v9, v60;
	v60 =	vmul.f32 v47, v35;
	v0 =	vmul.f32 v1, v0  }
0x2ce: {  	v58 =	vmul.f32 v1, v4;
	v4 =	vmul.f32 v54, v10;
	v48 =	vadd.f32 v48, v63  }
0x2cf: {  	v10 =	vmul.f32 v54, v36;
	v3 =	vadd.f32 v50, v3;
	v9 =	vadd.f32 v60, v9  }
0x2d0: {  	v1 =	vmul.f32 v1, v20;
	v4 =	vadd.f32 v4, v55;
	v0 =	vadd.f32 v6, v0  }
0x2d1: {  	v6 =	vadd.f32 v7, v58;
	v7 =	vmul.f32 v54, v41;
	v10 =	vadd.f32 v10, v61  }
0x2d2: {  	s1 =	sadd.s32 $0x10, s1;
	v61 =	vmul.f32 v47, v37;
	v3 =	vadd.f32 v52, v3;
	v45 =	vadd.f32 v62, v9  }
0x2d3: {  	v49 =	vld [tilespmem:s1+$0x0];
	v1 =	vadd.f32 v7, v1;
	v4 =	vadd.f32 v51, v4;
	v7 =	vmul.f32 v47, v17  }
0x2d4: {  	v33 =	vmin.f32 v33, v44;
	s3 =	sadd.s32 $0x10, s3;
	v9 =	vld [tilespmem:$0x1FDA0];
	v0 =	vadd.f32 v2, v0;
	v10 =	vadd.f32 v61, v10  }
0x2d5: {  	s4 =	sadd.s32 $0x1, s4;
	v2 =	vadd.f32 v53, v6;
	v6 =	vmul.f32 v47, v21;
	v47 =	vld [tilespmem:s3+$0x0];
	v7 =	vadd.f32 v7, v48  }
0x2d6: {  	v32 =	vmin.f32 v32, v46;
	p0 =	slt.u32 s4, s30;
	v4 =	vadd.f32 v56, v4;
	v44 =	vadd.f32 v5, v10;
	v10 =	vld [tilespmem:$0x1FDB0]  }
.Ltmp24:
0x2d7: {  	v30 =	vmin.f32 v30, v43;
	s0 =	sadd.s32 $0x10, s0;
	v1 =	vadd.f32 v6, v1;
	v0 =	vadd.f32 v57, v0;
	v5 =	vld [tilespmem:$0x1FD80];
	(pc) =	sbr.rel @p0 .LBB2_31-.Ltmp24, $4  }
0x2d8: {  	v25 =	vmin.f32 v25, v3;
	v6 =	vadd.f32 v59, v2;
	v48 =	vld [tilespmem:s0+$0x0];
	v26 =	vmin.f32 v26, v4  }
0x2d9: {  	s5 =	sadd.s32 $0x10, s5;
	v46 =	vadd.f32 v8, v7;
	v8 =	vld [tilespmem:$0x1FD90];
	v43 =	vadd.f32 v11, v1;
	v27 =	vmin.f32 v27, v0  }
0x2da: {  	v1 =	vld [tilespmem:s5+$0x0];
	v28 =	vmin.f32 v28, v6;
	v2 =	vmin.f32 v3, v4;
	v3 =	vmovc v22;
	v22 =	vmov v23  }
0x2db: {  	v51 =	vmin.f32 v0, v6;
	v50 =	vmin.f32 v45, v44;
	v7 =	vmovc v12;
	v12 =	vld [tilespmem:$0x1FDC0];
	v0 =	vmin.f32 v46, v43  }
.LBB2_32:
.Ltmp25:
0x2dc: {  	(pc) =	sbr.rel .LBB2_42-.Ltmp25, $4  }
0x2dd: {  	v1 =	vmin.f32 v2, v51;
	v0 =	vmin.f32 v50, v0  }
0x2de: {  	v0 =	vmin.f32 v1, v0  }
0x2df: {  	v29 =	vmin.f32 v29, v45;
	v0 =	vmin.f32 v48, v0  }
0x2e0: {  	v33 =	vmin.f32 v33, v44;
	v32 =	vmin.f32 v32, v46;
	v30 =	vmin.f32 v30, v43;
	s4 =	rddreg [dreg:$0xe];
	[tilespmem:s0+$0x0] =	vst v0  }
.LBB2_33:
.Ltmp26:
0x2e1: {  	(pc) =	sbr.rel @p1 .LBB2_34-.Ltmp26, $1  }
0x2e2: {  	_ =	sdelay $0x3  }
0x2e3: {  	s2 =	rddreg [dreg:$0x10]  }
0x2e4: {  	v2 =	vld [tilespmem:$0x1FD90];
	s0 =	sshll.u32 s2, $0x4  }
0x2e5: {  	v0 =	vld [tilespmem:s0+$0x4100]  }
0x2e6: {  	v8 =	vld [tilespmem:$0x1FDA0]  }
0x2e7: {  	v1 =	vld [tilespmem:s0+$0x0];
	_ =	sdelay $0x1  }
0x2e8: {  	v19 =	vmov v13;
	v13 =	vld [tilespmem:$0x1FD80]  }
0x2e9: {  	v4 =	vld [tilespmem:s0+$0x2080];
	v2 =	vmul.f32 v0, v2  }
0x2ea: {  	v5 =	vmul.f32 v0, v9;
	v21 =	vmul.f32 v0, v18  }
0x2eb: {  	[tilespmem:$0x1FD30] =	vst v9;
	v35 =	vmul.f32 v1, v7;
	v8 =	vmul.f32 v1, v8  }
0x2ec: {  	[tilespmem:$0x1FD40] =	vst v10;
	v9 =	vmul.f32 v1, v10;
	v10 =	vmul.f32 v1, v61  }
0x2ed: {  	[tilespmem:$0x1FCA0] =	vst v36;
	v39 =	vld [tilespmem:$0x1FDF0];
	v36 =	vmul.f32 v1, v16;
	v51 =	vmul.f32 v1, v46  }
0x2ee: {  	v52 =	vmul.f32 v1, v34;
	v53 =	vmul.f32 v4, v13;
	v13 =	vld [tilespmem:$0x1FDB0]  }
0x2ef: {  	[tilespmem:$0x1FCC0] =	vst v3;
	v55 =	vmul.f32 v4, v43;
	v56 =	vmul.f32 v4, v44  }
0x2f0: {  	v3 =	vld [tilespmem:$0x1FDC0];
	[tilespmem:$0x1FCD0] =	vst v7;
	v60 =	vmul.f32 v4, v6;
	v57 =	vmul.f32 v4, v14;
	v7 =	vadd.f32 v53, v35  }
0x2f1: {  	[tilespmem:$0x1FD50] =	vst v61;
	v61 =	vmul.f32 v4, v11;
	v9 =	vadd.f32 v55, v9;
	v10 =	vadd.f32 v56, v10;
	v55 =	vld [tilespmem:s0+$0x6180]  }
0x2f2: {  	v1 =	vmul.f32 v1, v40;
	v35 =	vadd.f32 v60, v36;
	v51 =	vadd.f32 v57, v51;
	v36 =	vld [tilespmem:$0x1FDE0]  }
0x2f3: {  	[tilespmem:$0x1FD00] =	vst v34;
	v52 =	vadd.f32 v61, v52;
	v57 =	vmul.f32 v0, v39;
	v54 =	vmul.f32 v4, v13  }
0x2f4: {  	v34 =	vmovc v6;
	v2 =	vadd.f32 v2, v7;
	v6 =	vadd.f32 v21, v10;
	v4 =	vmul.f32 v4, v41  }
0x2f5: {  	v3 =	vmul.f32 v0, v3;
	v52 =	vadd.f32 v57, v52;
	v8 =	vadd.f32 v54, v8  }
0x2f6: {  	[tilespmem:$0x1FCF0] =	vst v46;
	v46 =	vmul.f32 v0, v24;
	v1 =	vadd.f32 v4, v1;
	v4 =	vadd.f32 v5, v9  }
0x2f7: {  	v56 =	vmul.f32 v0, v36;
	v58 =	vsub.f32 v48, v55;
	v59 =	vsub.f32 v50, v55  }
0x2f8: {  	v0 =	vmul.f32 v0, v63;
	v60 =	vsub.f32 v47, v55;
	v61 =	vsub.f32 v15, v55  }
0x2f9: {  	s1 =	rddreg [dreg:$0xf];
	v37 =	vsub.f32 v45, v55;
	v3 =	vadd.f32 v3, v8  }
0x2fa: {  	s1 =	sshll.u32 s1, $0x6;
	v8 =	vadd.f32 v46, v35;
	v53 =	vadd.f32 v0, v1;
	v0 =	vld [tilespmem:s0+$0x10280]  }
0x2fb: {  	s29 =	sshra.s32 s1, $0x2;
	v7 =	vadd.f32 v56, v51;
	v1 =	vsub.f32 v49, v55  }
0x2fc: {  	v51 =	vmov s29;
	v5 =	vmul.f32 v58, v58;
	v9 =	vmul.f32 v59, v59  }
0x2fd: {  	v35 =	vsub.f32 v19, v55;
	v10 =	vmul.f32 v60, v60;
	v1 =	vmul.f32 v1, v1  }
0x2fe: {  	v38 =	vmovc v11;
	v11 =	vmul.f32 v61, v61;
	v55 =	vsub.f32 v17, v55;
	v56 =	vmul.f32 v37, v37  }
0x2ff: {  	s2 =	sadd.s32 $0x1, s2;
	v54 =	vmul.f32 v35, v35;
	v5 =	vadd.f32 v5, v0;
	v1 =	vadd.f32 v1, v0  }
0x300: {  	[tilespmem:$0x1FD10] =	vst v40;
	p1 =	slt.u32 s2, s30;
	v40 =	vmul.f32 v55, v55;
	v9 =	vadd.f32 v9, v0;
	v10 =	vadd.f32 v10, v0  }
.Ltmp27:
0x301: {  	v11 =	vadd.f32 v11, v0;
	v46 =	vadd.f32 v54, v0;
	(pc) =	sbr.rel @!p1 .LBB2_36-.Ltmp27, $4  }
0x302: {  	v55 =	vadd.f32 v56, v0;
	v56 =	vadd.f32 v40, v0  }
0x303: {  	[tilespmem:$0x1FCB0] =	vst v23;
	s31 =	simm.s32 $0x4120;
	v57 =	vadd.f32 v5, v2;
	v58 =	vadd.f32 v1, v3  }
0x304: {  	[tilespmem:$0x1FCE0] =	vst v16;
	s3 =	simm.s32 $0x20;
	s5 =	simm.s32 $0x20A0;
	s15 =	simm.s32 $0x102A0;
	v54 =	vld.idx.msk [tilespmem:v51+s31+$0x0 ss:$0x1], $0xffff;
	v0 =	vadd.f32 v9, v4;
	v59 =	vadd.f32 v10, v6  }
0x305: {  	[tilespmem:$0x1FD20] =	vst v18;
	s17 =	simm.s32 $0x61A0;
	p0 =	por $0x0, $0x0;
	s0 =	simm.s32 $0x12310;
	v60 =	vld.idx.msk [tilespmem:v51+s3+$0x0 ss:$0x1], $0xffff;
	v1 =	vadd.f32 v11, v8;
	v2 =	vadd.f32 v46, v7  }
0x306: {  	_ = 	snop  }
0x307: {  	v37 =	vadd.f32 v2, v20;
	v2 =	vld [tilespmem:$0x1FD30];
	_ =	sdelay $0x4  }
0x308: {  	v11 =	vmul.f32 v54, v2;
	v2 =	vld [tilespmem:$0x1FCD0];
	_ =	sdelay $0x4  }
0x309: {  	v4 =	vadd.f32 v56, v53;
	v53 =	vmul.f32 v60, v2;
	v2 =	vld [tilespmem:$0x1FDA0];
	_ =	sdelay $0x4  }
0x30a: {  	v3 =	vadd.f32 v55, v52;
	v55 =	vmul.f32 v60, v2;
	v2 =	vld [tilespmem:$0x1FD40];
	_ =	sdelay $0x1  }
0x30b: {  	v31 =	vld [tilespmem:$0x1FCA0];
	_ =	sdelay $0x1  }
0x30c: {  	v12 =	vmov v42;
	v42 =	vmov v48;
	v48 =	vld [tilespmem:$0x1FCC0]  }
0x30d: {  	v61 =	vmul.f32 v60, v2;
	v2 =	vld [tilespmem:$0x1FD50]  }
0x30e: {  	v21 =	vld [tilespmem:$0x1FDD0];
	v1 =	vadd.f32 v1, v62  }
0x30f: {  	v16 =	vmovc v24;
	v24 =	vmov v47;
	v47 =	vld [tilespmem:$0x1FCB0];
	v3 =	vadd.f32 v3, v12;
	v4 =	vadd.f32 v4, v31;
	_ =	sdelay $0x1  }
0x310: {  	v10 =	vld.idx.msk [tilespmem:v51+s5+$0x0 ss:$0x1], $0xffff;
	v6 =	vadd.f32 v58, v48;
	v58 =	vmin.f32 v1, v37;
	v46 =	vmin.f32 v3, v4  }
0x311: {  	v46 =	vmin.f32 v58, v46;
	v58 =	vmul.f32 v60, v2;
	v2 =	vld [tilespmem:$0x1FD80]  }
0x312: {  	v0 =	vadd.f32 v0, v22  }
0x313: {  	v5 =	vadd.f32 v57, v21;
	v8 =	vadd.f32 v59, v47;
	_ =	sdelay $0x1  }
0x314: {  	v56 =	vmin.f32 v5, v6;
	v57 =	vmin.f32 v0, v8  }
0x315: {  	v56 =	vmin.f32 v56, v57;
	v57 =	vmul.f32 v10, v2;
	v2 =	vld [tilespmem:$0x1FCE0];
	_ =	sdelay $0x4  }
0x316: {  	v59 =	vmul.f32 v60, v2;
	v2 =	vld [tilespmem:$0x1FCF0];
	_ =	sdelay $0x4  }
0x317: {  	v53 =	vadd.f32 v57, v53;
	v57 =	vmul.f32 v60, v2;
	v2 =	vld [tilespmem:$0x1FD00]  }
0x318: {  	v7 =	vld [tilespmem:$0x1FD90]  }
0x319: {  	v52 =	vld.idx.msk [tilespmem:v51+s0+$0x0 ss:$0x1], $0xffff  }
0x31a: {  	v35 =	vmovc v43;
	v9 =	vld [tilespmem:$0x1FDC0];
	v56 =	vmin.f32 v56, v46;
	v46 =	vmul.f32 v10, v43;
	v43 =	vmul.f32 v10, v44  }
0x31b: {  	v40 =	vmov v14;
	v14 =	vmov v49;
	v49 =	vmov v63;
	v63 =	vld.idx.msk [tilespmem:v51+s17+$0x0 ss:$0x1], $0xffff  }
0x31c: {  	v58 =	vadd.f32 v43, v58;
	v43 =	vmul.f32 v60, v2;
	v2 =	vld [tilespmem:$0x1FD10]  }
0x31d: {  	v18 =	vmov v13;
	v27 =	vmin.f32 v27, v0  }
0x31e: {  	v7 =	vmul.f32 v54, v7;
	v52 =	vmin.f32 v52, v56;
	v56 =	vmul.f32 v10, v18  }
0x31f: {  	v13 =	vmovc v17;
	v9 =	vmul.f32 v54, v9;
	v61 =	vadd.f32 v46, v61;
	v46 =	vmul.f32 v10, v40  }
0x320: {  	v17 =	vmovc v44;
	v25 =	vmin.f32 v25, v5;
	v44 =	vmul.f32 v10, v34;
	v55 =	vadd.f32 v56, v55  }
0x321: {  	v0 =	vsub.f32 v24, v63;
	v57 =	vadd.f32 v46, v57;
	v46 =	vmul.f32 v60, v2;
	v2 =	vld [tilespmem:$0x1FD20]  }
0x322: {  	v9 =	vadd.f32 v9, v55;
	v56 =	vadd.f32 v44, v59;
	v44 =	vmul.f32 v10, v38  }
0x323: {  	v11 =	vadd.f32 v11, v61;
	v7 =	vadd.f32 v7, v53;
	v10 =	vmul.f32 v10, v41  }
0x324: {  	v26 =	vmin.f32 v26, v6;
	v59 =	vadd.f32 v44, v43;
	v60 =	vsub.f32 v14, v63  }
0x325: {  	v23 =	vmovc v19;
	v43 =	vmul.f32 v54, v16;
	v44 =	vmul.f32 v54, v36;
	v10 =	vadd.f32 v10, v46  }
0x326: {  	v19 =	vmovc v62;
	v6 =	vmul.f32 v60, v60;
	v60 =	vsub.f32 v45, v63;
	v62 =	vmul.f32 v54, v2  }
0x327: {  	v46 =	vmul.f32 v54, v39;
	v2 =	vadd.f32 v44, v57;
	v44 =	vsub.f32 v15, v63  }
0x328: {  	v0 =	vmul.f32 v0, v0;
	v61 =	vadd.f32 v62, v58;
	v62 =	vadd.f32 v43, v56;
	v56 =	vld.idx.msk [tilespmem:v51+s15+$0x0 ss:$0x1], $0xffff  }
0x329: {  	[tilespmem:v51+s0+$0x0 ss:$0x1] =	vst.idx.msk $0xffff, v52;
	v52 =	vadd.f32 v46, v59;
	v59 =	vsub.f32 v42, v63  }
0x32a: {  	v57 =	vmul.f32 v60, v60;
	v58 =	vmul.f32 v54, v49;
	v43 =	vsub.f32 v50, v63  }
0x32b: {  	v46 =	vsub.f32 v23, v63;
	v54 =	vmul.f32 v44, v44;
	v5 =	vmul.f32 v59, v59  }
0x32c: {  	v63 =	vsub.f32 v13, v63;
	v53 =	vadd.f32 v58, v10;
	v10 =	vmul.f32 v43, v43  }
0x32d: {  	s2 =	sadd.s32 $0x1, s2;
	v55 =	vmul.f32 v46, v46;
	v5 =	vadd.f32 v5, v56;
	v6 =	vadd.f32 v6, v56  }
0x32e: {  	p1 =	slt.u32 s2, s30;
	v10 =	vadd.f32 v10, v56;
	v43 =	vadd.f32 v0, v56;
	v0 =	vmul.f32 v63, v63  }
.Ltmp28:
0x32f: {  	v29 =	vmin.f32 v29, v1;
	v44 =	vadd.f32 v54, v56;
	v46 =	vadd.f32 v55, v56;
	(pc) =	sbr.rel @!p1 .LBB2_38-.Ltmp28, $4  }
0x330: {  	v33 =	vmin.f32 v33, v37;
	v55 =	vadd.f32 v57, v56;
	v56 =	vadd.f32 v0, v56  }
0x331: {  	s4 =	simm.s32 $0x30;
	v32 =	vmin.f32 v32, v3;
	v37 =	vmovc v45;
	v57 =	vadd.f32 v5, v7;
	v58 =	vadd.f32 v6, v9  }
0x332: {  	s1 =	simm.s32 $0x4130;
	v28 =	vmin.f32 v28, v8;
	v60 =	vld.idx.msk [tilespmem:v51+s4+$0x0 ss:$0x1], $0xffff;
	v0 =	vadd.f32 v10, v11;
	v59 =	vadd.f32 v43, v61  }
0x333: {  	p0 =	por $0x1, $0x1;
	s3 =	simm.s32 $0x12310;
	v30 =	vmin.f32 v30, v4;
	v54 =	vld.idx.msk [tilespmem:v51+s1+$0x0 ss:$0x1], $0xffff;
	v1 =	vadd.f32 v44, v62;
	v2 =	vadd.f32 v46, v2  }
.LBB2_39:
0x334: {  	v3 =	vld [tilespmem:$0x1FD90]  }
0x335: {  	v6 =	vld [tilespmem:$0x1FDC0]  }
0x336: {  	v9 =	vld [tilespmem:$0x1FD30]  }
0x337: {  	v43 =	vld [tilespmem:$0x1FCD0]  }
0x338: {  	v63 =	vld [tilespmem:$0x1FD40];
	v4 =	vadd.f32 v55, v52  }
0x339: {  	v45 =	vld [tilespmem:$0x1FD50];
	v5 =	vadd.f32 v56, v53;
	v7 =	vadd.f32 v57, v21  }
0x33a: {  	v62 =	vld [tilespmem:$0x1FDA0];
	v8 =	vadd.f32 v58, v48;
	v0 =	vadd.f32 v0, v22  }
0x33b: {  	s3 =	sadd.s32 $0x10, s3;
	v44 =	vld [tilespmem:$0x1FD80];
	v10 =	vadd.f32 v59, v47;
	v1 =	vadd.f32 v1, v19  }
0x33c: {  	s5 =	sadd.s32 $0x10, s5;
	v2 =	vadd.f32 v2, v20;
	v52 =	vld.idx.msk [tilespmem:v51+s3+$0x0 ss:$0x1], $0xffff;
	v4 =	vadd.f32 v4, v12  }
0x33d: {  	v57 =	vld.idx.msk [tilespmem:v51+s5+$0x0 ss:$0x1], $0xffff;
	v5 =	vadd.f32 v5, v31;
	v58 =	vmin.f32 v7, v8;
	v59 =	vmin.f32 v0, v10  }
0x33e: {  	s15 =	sadd.s32 $0x10, s15;
	v61 =	vmin.f32 v1, v2;
	v56 =	vmul.f32 v60, v63;
	v63 =	vmul.f32 v60, v45;
	v45 =	vld [tilespmem:$0x1FD00]  }
0x33f: {  	v53 =	vmul.f32 v60, v43;
	v55 =	vmul.f32 v60, v62;
	v62 =	vmin.f32 v4, v5;
	v43 =	vld.idx.msk [tilespmem:v51+s15+$0x0 ss:$0x1], $0xffff  }
0x340: {  	v25 =	vmin.f32 v25, v7;
	v58 =	vmin.f32 v58, v59;
	v46 =	vmin.f32 v61, v62;
	v61 =	vld [tilespmem:$0x1FCE0]  }
0x341: {  	v3 =	vmul.f32 v54, v3;
	v6 =	vmul.f32 v54, v6;
	v62 =	vld [tilespmem:$0x1FCF0];
	v58 =	vmin.f32 v58, v46  }
0x342: {  	s17 =	sadd.s32 $0x10, s17;
	v9 =	vmul.f32 v54, v9;
	v46 =	vld [tilespmem:$0x1FD10];
	v52 =	vmin.f32 v52, v58;
	v58 =	vmul.f32 v57, v44  }
0x343: {  	v44 =	vmul.f32 v57, v18;
	v59 =	vmul.f32 v60, v45;
	v45 =	vld.idx.msk [tilespmem:v51+s17+$0x0 ss:$0x1], $0xffff;
	[tilespmem:v51+s3+$0x0 ss:$0x1] =	vst.idx.msk $0xffff, v52  }
0x344: {  	v52 =	vmul.f32 v57, v35;
	v7 =	vadd.f32 v58, v53;
	v53 =	vmul.f32 v57, v34  }
0x345: {  	v58 =	vmul.f32 v57, v40;
	v44 =	vadd.f32 v44, v55;
	v55 =	vmul.f32 v57, v38  }
0x346: {  	v26 =	vmin.f32 v26, v8;
	v61 =	vmul.f32 v60, v61;
	v62 =	vmul.f32 v60, v62  }
0x347: {  	v60 =	vmul.f32 v60, v46;
	v52 =	vadd.f32 v52, v56;
	v55 =	vadd.f32 v55, v59  }
0x348: {  	v11 =	vld [tilespmem:$0x1FD20];
	v46 =	vmul.f32 v57, v17;
	v3 =	vadd.f32 v3, v7;
	v6 =	vadd.f32 v6, v44  }
0x349: {  	v56 =	vmul.f32 v57, v41;
	v53 =	vadd.f32 v53, v61;
	v58 =	vadd.f32 v58, v62  }
0x34a: {  	v61 =	vmul.f32 v54, v36;
	v62 =	vmul.f32 v54, v39;
	v46 =	vadd.f32 v46, v63  }
0x34b: {  	v27 =	vmin.f32 v27, v0;
	v56 =	vadd.f32 v56, v60;
	v9 =	vadd.f32 v9, v52  }
0x34c: {  	v28 =	vmin.f32 v28, v10;
	v7 =	vadd.f32 v61, v58;
	v52 =	vadd.f32 v62, v55  }
0x34d: {  	v11 =	vmul.f32 v54, v11;
	v57 =	vsub.f32 v42, v45;
	v0 =	vsub.f32 v14, v45  }
0x34e: {  	v63 =	vmul.f32 v54, v16;
	v58 =	vsub.f32 v50, v45;
	v59 =	vsub.f32 v24, v45  }
0x34f: {  	v29 =	vmin.f32 v29, v1;
	v60 =	vsub.f32 v15, v45;
	v61 =	vsub.f32 v23, v45  }
0x350: {  	v11 =	vadd.f32 v11, v46;
	v46 =	vadd.f32 v63, v53;
	v63 =	vmul.f32 v54, v49  }
0x351: {  	v62 =	vsub.f32 v37, v45;
	v1 =	vmul.f32 v57, v57;
	v0 =	vmul.f32 v0, v0  }
0x352: {  	v45 =	vsub.f32 v13, v45;
	v44 =	vmul.f32 v58, v58;
	v10 =	vmul.f32 v59, v59  }
0x353: {  	v8 =	vmul.f32 v61, v61;
	v55 =	vmul.f32 v62, v62;
	v53 =	vadd.f32 v63, v56  }
0x354: {  	s2 =	sadd.s32 $0x1, s2;
	v45 =	vmul.f32 v45, v45;
	v1 =	vadd.f32 v1, v43;
	v0 =	vadd.f32 v0, v43  }
0x355: {  	p1 =	slt.u32 s2, s30;
	v63 =	vmul.f32 v60, v60;
	v44 =	vadd.f32 v44, v43;
	v10 =	vadd.f32 v10, v43  }
.Ltmp29:
0x356: {  	v8 =	vadd.f32 v8, v43;
	v55 =	vadd.f32 v55, v43;
	(pc) =	sbr.rel @p1 .LBB2_39-.Ltmp29, $4  }
0x357: {  	v56 =	vadd.f32 v45, v43;
	v61 =	vadd.f32 v63, v43  }
0x358: {  	s1 =	sadd.s32 $0x10, s1;
	v33 =	vmin.f32 v33, v2;
	v57 =	vadd.f32 v1, v3;
	v58 =	vadd.f32 v0, v6  }
0x359: {  	s4 =	sadd.s32 $0x10, s4;
	v32 =	vmin.f32 v32, v4;
	v54 =	vld.idx.msk [tilespmem:v51+s1+$0x0 ss:$0x1], $0xffff;
	v0 =	vadd.f32 v44, v9;
	v59 =	vadd.f32 v10, v11  }
0x35a: {  	v30 =	vmin.f32 v30, v5;
	v60 =	vld.idx.msk [tilespmem:v51+s4+$0x0 ss:$0x1], $0xffff;
	v2 =	vadd.f32 v8, v7;
	v1 =	vadd.f32 v61, v46  }
0x35b: {  	v62 =	vmov v19;
	v42 =	vmov v12  }
.LBB2_41:
0x35c: {  	v6 =	vld [tilespmem:$0x1FCC0]  }
0x35d: {  	v7 =	vld [tilespmem:$0x1FCB0]  }
0x35e: {  	v9 =	vld [tilespmem:$0x1FCA0]  }
0x35f: {  	v3 =	vadd.f32 v55, v52;
	v4 =	vadd.f32 v56, v53  }
0x360: {  	v5 =	vadd.f32 v57, v21;
	v0 =	vadd.f32 v0, v22  }
0x361: {  	s1 =	sadd.s32 @p0 $0x10, s3;
	v1 =	vadd.f32 v1, v62;
	v2 =	vadd.f32 v2, v20  }
0x362: {  	s0 =	smov.u32 @p0 s1;
	v3 =	vadd.f32 v3, v42;
	v6 =	vadd.f32 v58, v6  }
0x363: {  	v8 =	vld.idx.msk [tilespmem:v51+s0+$0x0 ss:$0x1], $0xffff;
	v7 =	vadd.f32 v59, v7;
	v4 =	vadd.f32 v4, v9  }
0x364: {  	v11 =	vmin.f32 v1, v2;
	v25 =	vmin.f32 v25, v5  }
.Ltmp30:
0x365: {  	v62 =	vmin.f32 v5, v6;
	v10 =	vmin.f32 v0, v7;
	v12 =	vmin.f32 v3, v4;
	(pc) =	sbr.rel .LBB2_42-.Ltmp30, $4  }
0x366: {  	v27 =	vmin.f32 v27, v0;
	v9 =	vmin.f32 v62, v10;
	v63 =	vmin.f32 v11, v12  }
0x367: {  	v29 =	vmin.f32 v29, v1;
	v33 =	vmin.f32 v33, v2;
	v9 =	vmin.f32 v9, v63  }
0x368: {  	v32 =	vmin.f32 v32, v3;
	v26 =	vmin.f32 v26, v6;
	v8 =	vmin.f32 v8, v9  }
0x369: {  	s4 =	rddreg [dreg:$0xe];
	v28 =	vmin.f32 v28, v7;
	v30 =	vmin.f32 v30, v4;
	[tilespmem:v51+s0+$0x0 ss:$0x1] =	vst.idx.msk $0xffff, v8  }
.LBB2_34:
.Ltmp31:
0x36a: {  	(pc) =	sbr.rel .LBB2_42-.Ltmp31, $2  }
0x36b: {  	_ =	sdelay $0x2  }
0x36c: {  	s4 =	rddreg [dreg:$0xe]  }
.LBB2_20:
.Ltmp32:
0x36d: {  	(pc) =	sbr.rel .LBB2_25-.Ltmp32, $4  }
0x36e: {  	v33 =	vld [tilespmem:$0x1FFC0]  }
0x36f: {  	v37 =	vld [tilespmem:$0x1FFD0]  }
0x370: {  	v38 =	vld [tilespmem:$0x1FF70]  }
0x371: {  	s2 =	simm.s32 $0x12310;
	v36 =	vld [tilespmem:$0x1FF50]  }
.LBB2_36:
.Ltmp33:
0x372: {  	(pc) =	sbr.rel .LBB2_41-.Ltmp33, $2  }
0x373: {  	_ =	sdelay $0x2  }
0x374: {  	s3 =	simm.s32 $0x12310;
	v21 =	vld [tilespmem:$0x1FDD0]  }
.LBB2_22:
.Ltmp34:
0x375: {  	(pc) =	sbr.rel .LBB2_25-.Ltmp34, $4  }
0x376: {  	v45 =	vld [tilespmem:$0x1FF20]  }
0x377: {  	v47 =	vld [tilespmem:$0x1FF10]  }
0x378: {  	v49 =	vld [tilespmem:$0x1FF00]  }
0x379: {  	s2 =	simm.s32 $0x12310;
	v50 =	vld [tilespmem:$0x1FEF0];
	v44 =	vmov v21;
	v21 =	vmov v42  }
.LBB2_38:
.Ltmp35:
0x37a: {  	(pc) =	sbr.rel .LBB2_41-.Ltmp35, $2  }
0x37b: {  	_ =	sdelay $0x2  }
0x37c: {  	s3 =	simm.s32 $0x12310;
	v62 =	vmov v19;
	v42 =	vmov v12  }
.LBB2_44:
0x37d: {  	_ =	sfence.sel $0x180000  }
0x37e: {  	[bflag:$0x0] =	sbarrier.arrive $0xFFFF  }
0x37f: {  	_ =	strace $0x90000047  }
0x380: {  	s0 =	stileid.u32;
	[bflag:$0x2] =	sbarrier.arrive $0xFFFF  }
0x381: {  	p0 =	sne.s32 s0, $0x0;
	s0 =	rddreg [dreg:$0x1]  }
0x382: {  	s0 =	sadd.s32 @!p0 $0x100000, s0  }
0x383: {  	[sflag:s0] =	ssyncadd.tile.s32 @!p0 $0x1;
	_ =	shalt  }
.Lfunc_end2:
_tile_overlayer_lowered:
.L_overlay_start_2:
0x384: {  	(tag) =	ssettag $0x2  }
0x385: {  	s0 =	rddreg [dreg:$0x0];
	s2 =	stileid.u32  }
0x386: {  	s1 =	rddreg [dreg:$0x1];
	p0 =	sne.s32 s2, $0x0  }
0x387: {  	s3 =	rddreg [dreg:$0x2];
	[bflag:$0x3] =	sbarrier.arrive $0xFFFF;
	s2 =	simm.s32 @!p0 $0x1C01  }
0x388: {  	[timem:s3], [sflag:s2] =	dma.local @!p0 [hbm:s0], s1  }
0x389: {  	s0 =	simm.s32 @!p0 $0x1  }
0x38a: {  	_ =	swait.ge @!p0 [sflag:s0], s1  }
0x38b: {  	s1 =	ssub.s32 @!p0 $0x0, s1;
	[sflag:s0] =	ssyncset.done @!p0 $0x0  }
0x38c: {  	[sflag:s0] =	ssyncadd.s32 @!p0 s1  }
0x38d: {  	[bflag:$0x3] =	sbarrier.arrive $0xFFFF  }
0x38e: {  	_ =	shalt  }

</sc_bundles>
